<compile_context>
chip_gen: v7x
topology: tpu7x:2x2x1
jax: 0.10.2.dev20260603
libtpu: 0.0.44.dev20260713+nightly
codegen_flags: <defaults>
</compile_context>

<pallas_src>
import functools

import jax
import jax.numpy as jnp
from jax import lax
from jax.experimental import pallas as pl
from jax.experimental.pallas import tpu as pltpu
from jax.experimental.pallas import tpu_sc as plsc

N = 10000
E = 320000
DI = 128
DH = 64
DO = 128

NC = 2
NS = 16
NW = NC * NS
EPW = E // NW
C = 80
NCH = EPW // C
R0 = 624
RL = N - R0 * (NS - 1)

BN = 1000
GRID = N // BN

_mesh = plsc.VectorSubcoreMesh(
    core_axis_name="c", subcore_axis_name="s", num_cores=NC, num_subcores=NS
)
f32 = jnp.float32


def _wids():
    cid = lax.axis_index("c")
    sid = lax.axis_index("s")
    return cid, sid, sid * NC + cid


def _copy_rows(src, dst, sid):

    @pl.when(sid < NS - 1)
    def _():
        pltpu.sync_copy(src.at[pl.ds(sid * R0, R0)], dst.at[pl.ds(sid * R0, R0)])

    @pl.when(sid == NS - 1)
    def _():
        pltpu.sync_copy(
            src.at[pl.ds((NS - 1) * R0, RL)], dst.at[pl.ds((NS - 1) * R0, RL)]
        )


@functools.partial(
    pl.kernel,
    out_type=jax.ShapeDtypeStruct((NC, N), f32),
    mesh=_mesh,
    compiler_params=pltpu.CompilerParams(use_tc_tiling_on_sc=False, needs_layout_passes=False),
    scratch_types=[
        pltpu.VMEM((NCH, C), jnp.int32),
        pltpu.VMEM((C,), f32),
        pltpu.VMEM_SHARED((N,), f32),
    ],
)
def _deg_sc(dstr, zeros1, out, didx, onesv, acc):
    cid, sid, wid = _wids()
    pltpu.sync_copy(dstr.at[wid], didx)
    for k in range(C // 16):
        onesv[pl.ds(k * 16, 16)] = jnp.ones((16,), f32)

    @pl.when(sid == 0)
    def _():
        pltpu.sync_copy(zeros1, acc)

    plsc.subcore_barrier()

    def body(j, carry):
        pltpu.sync_copy(onesv, acc.at[didx.at[j]], add=True)
        return carry

    lax.fori_loop(0, NCH, body, 0)
    plsc.subcore_barrier()

    @pl.when(sid == 0)
    def _():
        pltpu.sync_copy(acc, out.at[cid])


def _make_gs_sc(W):
    @functools.partial(
        pl.kernel,
        out_type=jax.ShapeDtypeStruct((NC, N, W), f32),
        mesh=_mesh,
    compiler_params=pltpu.CompilerParams(use_tc_tiling_on_sc=False, needs_layout_passes=False),
        scratch_types=[
            pltpu.VMEM((NCH, C), jnp.int32),
            pltpu.VMEM((NCH, C), jnp.int32),
            pltpu.VMEM((C, W), f32),
            pltpu.VMEM((C, W), f32),
            pltpu.SemaphoreType.DMA,
            pltpu.SemaphoreType.DMA,
            pltpu.VMEM_SHARED((N, W), f32),
        ],
    )
    def gs(y, srcr, dstr, zz, out, sidx, didx, buf0, buf1, sem0, sem1, acc):
        cid, sid, wid = _wids()
        pltpu.sync_copy(srcr.at[wid], sidx)
        pltpu.sync_copy(dstr.at[wid], didx)
        _copy_rows(zz, acc, sid)
        plsc.subcore_barrier()

        bufs = (buf0, buf1)
        sems = (sem0, sem1)
        pltpu.async_copy(y.at[sidx.at[0]], buf0, sem0)

        def body(g, carry):
            for b in range(2):
                j = g * 2 + b
                cur, csem = bufs[b], sems[b]
                nxt, nsem = bufs[1 - b], sems[1 - b]
                pltpu.async_copy(y.at[sidx.at[j + 1]], nxt, nsem)
                pltpu.make_async_copy(y.at[sidx.at[j]], cur, csem).wait()
                pltpu.sync_copy(cur, acc.at[didx.at[j]], add=True)
            return carry

        lax.fori_loop(0, (NCH - 1) // 2, body, 0)
        pltpu.make_async_copy(y.at[sidx.at[NCH - 1]], buf0, sem0).wait()
        pltpu.sync_copy(buf0, acc.at[didx.at[NCH - 1]], add=True)

        plsc.subcore_barrier()
        _copy_rows(acc, out.at[cid], sid)

    return gs


_gs64_sc = _make_gs_sc(DH)
_gs128_sc = _make_gs_sc(DO)


@functools.partial(
    pl.kernel,
    out_type=jax.ShapeDtypeStruct((NW, NCH, C), f32),
    mesh=_mesh,
    compiler_params=pltpu.CompilerParams(use_tc_tiling_on_sc=False, needs_layout_passes=False),
    scratch_types=[
        pltpu.VMEM((NCH, C), jnp.int32),
        pltpu.VMEM((NCH, C), jnp.int32),
        pltpu.VMEM((C, DH), f32),
        pltpu.VMEM((C, DH), f32),
        pltpu.VMEM((NCH, C), f32),
        pltpu.SemaphoreType.DMA,
        pltpu.SemaphoreType.DMA,
    ],
)
def _alpha_sc(q, k, srcr, dstr, aout, sidx, didx, qb, kb, abuf, semq, semk):
    cid, sid, wid = _wids()
    pltpu.sync_copy(srcr.at[wid], sidx)
    pltpu.sync_copy(dstr.at[wid], didx)

    def chunk(j, carry):
        dq = pltpu.async_copy(q.at[didx.at[j]], qb, semq)
        dk = pltpu.async_copy(k.at[sidx.at[j]], kb, semk)
        dq.wait()
        dk.wait()
        for v in range(C // 16):
            rowv = lax.iota(jnp.int32, 16) + (v * 16)

            def colb(cb, acc):
                for cc in range(4):
                    col = cb * 4 + cc
                    colv = jnp.zeros((16,), jnp.int32) + col
                    qv = plsc.load_gather(qb, [rowv, colv])
                    kv = plsc.load_gather(kb, [rowv, colv])
                    acc = acc + qv * kv
                return acc

            accv = lax.fori_loop(0, DH // 4, colb, jnp.zeros((16,), f32))
            abuf[j, pl.ds(v * 16, 16)] = accv * 0.125
        return carry

    lax.fori_loop(0, NCH, chunk, 0)
    pltpu.sync_copy(abuf, aout.at[wid])


@functools.partial(
    pl.kernel,
    out_type=[
        jax.ShapeDtypeStruct((NC, N, DH), f32),
        jax.ShapeDtypeStruct((NC, N), f32),
    ],
    mesh=_mesh,
    compiler_params=pltpu.CompilerParams(use_tc_tiling_on_sc=False, needs_layout_passes=False),
    scratch_types=[
        pltpu.VMEM((NCH, C), jnp.int32),
        pltpu.VMEM((NCH, C), jnp.int32),
        pltpu.VMEM((NCH, C), f32),
        pltpu.VMEM((NCH, C), f32),
        pltpu.VMEM((C, DH), f32),
        pltpu.VMEM((16,), f32),
        pltpu.SemaphoreType.DMA,
        pltpu.VMEM_SHARED((N, DH), f32),
        pltpu.VMEM_SHARED((N,), f32),
    ],
)
def _attn_sc(v_t, alpha, m16, srcr, dstr, z64, z1, num, den,
             sidx, didx, abuf, ebuf, vbuf, mref, sem, accn, accd):
    cid, sid, wid = _wids()
    pltpu.sync_copy(srcr.at[wid], sidx)
    pltpu.sync_copy(dstr.at[wid], didx)
    pltpu.sync_copy(alpha.at[wid], abuf)
    pltpu.sync_copy(m16, mref)
    _copy_rows(z64, accn, sid)

    @pl.when(sid == 0)
    def _():
        pltpu.sync_copy(z1, accd)

    plsc.subcore_barrier()
    mv = mref[...]

    def exbody(j, carry):
        for kk in range(C // 16):
            a = abuf[j, pl.ds(kk * 16, 16)]
            ebuf[j, pl.ds(kk * 16, 16)] = jnp.exp(a - mv)
        return carry

    lax.fori_loop(0, NCH, exbody, 0)

    def chunk(j, carry):
        pltpu.async_copy(v_t.at[sidx.at[j]], vbuf, sem).wait()

        def scale_grp(g, c2):
            ex16 = ebuf[j, pl.ds(g * 16, 16)]
            base = g * 16
            for l in range(16):
                s = ex16[l]
                for k4 in range(DH // 16):
                    vbuf[base + l, pl.ds(k4 * 16, 16)] = (
                        vbuf[base + l, pl.ds(k4 * 16, 16)] * s
                    )
            return c2

        lax.fori_loop(0, C // 16, scale_grp, 0)
        pltpu.sync_copy(vbuf, accn.at[didx.at[j]], add=True)
        pltpu.sync_copy(ebuf.at[j], accd.at[didx.at[j]], add=True)
        return carry

    lax.fori_loop(0, NCH, chunk, 0)
    plsc.subcore_barrier()
    _copy_rows(accn, num.at[cid], sid)

    @pl.when(sid == 0)
    def _():
        pltpu.sync_copy(accd, den.at[cid])


def _t1_body(degp, x, w1, dinv_o, y1_o):
    deg = degp[0] + degp[1] + 1.0
    di = lax.rsqrt(deg)
    xw = jnp.dot(x[...], w1[...], preferred_element_type=f32)
    dinv_o[...] = di
    y1_o[...] = xw * di


def _t1(degp, x, w1):
    return pl.pallas_call(
        _t1_body,
        grid=(GRID,),
        in_specs=[
            pl.BlockSpec((NC, BN, 1), lambda i: (0, i, 0)),
            pl.BlockSpec((BN, DI), lambda i: (i, 0)),
            pl.BlockSpec((DI, DH), lambda i: (0, 0)),
        ],
        out_specs=[
            pl.BlockSpec((BN, 1), lambda i: (i, 0)),
            pl.BlockSpec((BN, DH), lambda i: (i, 0)),
        ],
        out_shape=[
            jax.ShapeDtypeStruct((N, 1), f32),
            jax.ShapeDtypeStruct((N, DH), f32),
        ],
    )(degp, x, w1)


def _t2_body(p, y1, dinv, b1, wq, bq, wk, bk, wv, bv, ws, bs,
             q_o, k_o, v_o, skip_o):
    di = dinv[...]
    h = jnp.maximum(di * (p[0] + p[1] + y1[...]) + b1[...], 0.0)
    q_o[...] = jnp.dot(h, wq[...], preferred_element_type=f32) + bq[...]
    k_o[...] = jnp.dot(h, wk[...], preferred_element_type=f32) + bk[...]
    v_o[...] = jnp.dot(h, wv[...], preferred_element_type=f32) + bv[...]
    skip_o[...] = jnp.dot(h, ws[...], preferred_element_type=f32) + bs[...]


def _t2(p, y1, dinv, b1, wq, bq, wk, bk, wv, bv, ws, bs):
    wspec = pl.BlockSpec((DH, DH), lambda i: (0, 0))
    bspec = pl.BlockSpec((1, DH), lambda i: (0, 0))
    nspec = pl.BlockSpec((BN, DH), lambda i: (i, 0))
    return pl.pallas_call(
        _t2_body,
        grid=(GRID,),
        in_specs=[
            pl.BlockSpec((NC, BN, DH), lambda i: (0, i, 0)),
            nspec,
            pl.BlockSpec((BN, 1), lambda i: (i, 0)),
            bspec, wspec, bspec, wspec, bspec, wspec, bspec, wspec, bspec,
        ],
        out_specs=[nspec, nspec, nspec, nspec],
        out_shape=[jax.ShapeDtypeStruct((N, DH), f32)] * 4,
    )(p, y1, dinv, b1, wq, bq, wk, bk, wv, bv, ws, bs)


def _t3_body(a, m_o):
    m_o[...] = jnp.max(a[...]).reshape(1, 1)


def _t3(alpha2d):
    return pl.pallas_call(
        _t3_body,
        out_shape=jax.ShapeDtypeStruct((1, 1), f32),
    )(alpha2d)


def _t4_body(num, den, skip, dinv, w2, y2_o):
    d = den[0] + den[1]
    h2 = (num[0] + num[1]) / (d + 1e-16) + skip[...]
    xw2 = jnp.dot(h2, w2[...], preferred_element_type=f32)
    y2_o[...] = xw2 * dinv[...]


def _t4(num, den, skip, dinv, w2):
    return pl.pallas_call(
        _t4_body,
        grid=(GRID,),
        in_specs=[
            pl.BlockSpec((NC, BN, DH), lambda i: (0, i, 0)),
            pl.BlockSpec((NC, BN, 1), lambda i: (0, i, 0)),
            pl.BlockSpec((BN, DH), lambda i: (i, 0)),
            pl.BlockSpec((BN, 1), lambda i: (i, 0)),
            pl.BlockSpec((DH, DO), lambda i: (0, 0)),
        ],
        out_specs=pl.BlockSpec((BN, DO), lambda i: (i, 0)),
        out_shape=jax.ShapeDtypeStruct((N, DO), f32),
    )(num, den, skip, dinv, w2)


def _t5_body(p, y2, dinv, b2, out_o):
    out_o[...] = dinv[...] * (p[0] + p[1] + y2[...]) + b2[...]


def _t5(p, y2, dinv, b2):
    return pl.pallas_call(
        _t5_body,
        grid=(GRID,),
        in_specs=[
            pl.BlockSpec((NC, BN, DO), lambda i: (0, i, 0)),
            pl.BlockSpec((BN, DO), lambda i: (i, 0)),
            pl.BlockSpec((BN, 1), lambda i: (i, 0)),
            pl.BlockSpec((1, DO), lambda i: (0, 0)),
        ],
        out_specs=pl.BlockSpec((BN, DO), lambda i: (i, 0)),
        out_shape=jax.ShapeDtypeStruct((N, DO), f32),
    )(p, y2, dinv, b2)


def kernel(x, edge_index, W1, b1, Wq, bq, Wk, bk, Wv, bv, Ws, bs, W2, b2):
    src = edge_index[0].reshape(NW, NCH, C)
    dst = edge_index[1].reshape(NW, NCH, C)
    zeros1 = jnp.zeros((N,), f32)
    zeros64 = jnp.zeros((N, DH), f32)
    zeros128 = jnp.zeros((N, DO), f32)

    degp = _deg_sc(dst, zeros1)
    dinv, y1 = _t1(degp.reshape(NC, N, 1), x, W1)
    p1 = _gs64_sc(y1, src, dst, zeros64)
    q, k, v, skip = _t2(
        p1, y1, dinv, b1.reshape(1, DH),
        Wq, bq.reshape(1, DH), Wk, bk.reshape(1, DH),
        Wv, bv.reshape(1, DH), Ws, bs.reshape(1, DH),
    )
    alpha = _alpha_sc(q, k, src, dst)
    m = _t3(alpha.reshape(E // 128, 128))
    m16 = jnp.broadcast_to(m[0, 0], (16,))
    num, den = _attn_sc(v, alpha, m16, src, dst, zeros64, zeros1)
    y2 = _t4(num, den.reshape(NC, N, 1), skip, dinv, W2)
    p3 = _gs128_sc(y2, src, dst, zeros128)
    return _t5(p3, y2, dinv, b2.reshape(1, DO))

# --- scband reference (transcript-rebuilt; emitter-appended) ---
"""Pipeline reference for scband-graph-transformer-2817498546751 (READ-ONLY COPY).

The authoritative reference and input builder live on the scoring server;
editing this copy changes nothing except your own understanding.
"""

import jax, jax.numpy as jnp
import numpy as np

N = 10000
E = 320000
D_IN = 128
D_OUT = 128
H = 64


def gcn_conv(x, src, dst, W, b):
    # PyG GCNConv: add self-loops, symmetric normalization, linear, scatter-add, bias
    xw = x @ W
    loop = jnp.arange(N, dtype=src.dtype)
    s = jnp.concatenate([src, loop])
    d = jnp.concatenate([dst, loop])
    ew = jnp.ones(s.shape[0], dtype=x.dtype)
    deg = jax.ops.segment_sum(ew, d, num_segments=N)
    dinv = jnp.where(deg > 0, jax.lax.rsqrt(deg), 0.0)
    norm = dinv[s] * dinv[d]
    out = jax.ops.segment_sum(xw[s] * norm[:, None], d, num_segments=N)
    return out + b


def transformer_conv(x, src, dst, Wq, bq, Wk, bk, Wv, bv, Ws, bs):
    # PyG TransformerConv, heads=1, concat=True, root_weight=True, no self-loops
    q = x @ Wq + bq
    k = x @ Wk + bk
    v = x @ Wv + bv
    dh = q.shape[-1]
    alpha = jnp.sum(q[dst] * k[src], axis=-1) / jnp.sqrt(jnp.float32(dh))
    amax = jax.ops.segment_max(alpha, dst, num_segments=N)
    amax = jnp.where(jnp.isfinite(amax), amax, 0.0)
    ex = jnp.exp(alpha - amax[dst])
    denom = jax.ops.segment_sum(ex, dst, num_segments=N)
    attn = ex / (denom[dst] + 1e-16)
    agg = jax.ops.segment_sum(v[src] * attn[:, None], dst, num_segments=N)
    return agg + (x @ Ws + bs)


def setup_inputs(seed: int = 0):
    key = jax.random.key(seed)
    ks = jax.random.split(key, 16)
    s = 0.05
    inp = {}
    inp["x"] = jax.random.normal(ks[0], (N, D_IN), dtype=jnp.float32)
    inp["edge_index"] = jax.random.randint(ks[1], (2, E), 0, N, dtype=jnp.int32)
    inp["W1"] = jax.random.normal(ks[2], (D_IN, H), dtype=jnp.float32) * s
    inp["b1"] = jnp.zeros((H,), dtype=jnp.float32)
    inp["Wq"] = jax.random.normal(ks[3], (H, H), dtype=jnp.float32) * s
    inp["bq"] = jnp.zeros((H,), dtype=jnp.float32)
    inp["Wk"] = jax.random.normal(ks[4], (H, H), dtype=jnp.float32) * s
    inp["bk"] = jnp.zeros((H,), dtype=jnp.float32)
    inp["Wv"] = jax.random.normal(ks[5], (H, H), dtype=jnp.float32) * s
    inp["bv"] = jnp.zeros((H,), dtype=jnp.float32)
    inp["Ws"] = jax.random.normal(ks[6], (H, H), dtype=jnp.float32) * s
    inp["bs"] = jnp.zeros((H,), dtype=jnp.float32)
    inp["W2"] = jax.random.normal(ks[7], (H, D_OUT), dtype=jnp.float32) * s
    inp["b2"] = jnp.zeros((D_OUT,), dtype=jnp.float32)
    return inp


def reference(x, edge_index, W1, b1, Wq, bq, Wk, bk, Wv, bv, Ws, bs, W2, b2):
    src = edge_index[0]
    dst = edge_index[1]
    h = gcn_conv(x, src, dst, W1, b1)
    h = jax.nn.relu(h)
    h = transformer_conv(h, src, dst, Wq, bq, Wk, bk, Wv, bv, Ws, bs)
    out = gcn_conv(h, src, dst, W2, b2)
    return out

if __name__ == "__main__":
    import jax
    _d = setup_inputs()
    print(jax.jit(kernel)(*tuple(_d.values())))

</pallas_src>

<mosaic_0001>
#map = affine_map<(d0, d1) -> (0, 0, 0)>
#map1 = affine_map<(d0, d1) -> (0)>
#map2 = affine_map<(d0, d1) -> (0, 0)>
module attributes {stable_mosaic.version = 14 : i64} {
  func.func @_deg_sc(%arg0: i32, %arg1: i32, %arg2: memref<32x125x80xi32, #tpu.memory_space<hbm>>, %arg3: memref<10000xf32, #tpu.memory_space<hbm>>, %arg4: memref<2x10000xf32, #tpu.memory_space<hbm>>, %arg5: memref<125x80xi32, #tpu.memory_space<vmem>>, %arg6: memref<80xf32, #tpu.memory_space<vmem>>, %arg7: memref<10000xf32, #tpu.memory_space<vmem_shared>>) attributes {dimension_semantics = [#tpu.dimension_semantics<core_parallel>, #tpu.dimension_semantics<subcore_parallel>], iteration_bounds = array<i64: 2, 16>, scalar_prefetch = 0 : i64, scratch_operands = 3 : i64, tpu.core_type = #tpu.core_type<sc_vector_subcore>, window_params = [{transform_indices = #map}, {transform_indices = #map1}, {transform_indices = #map2}]} {
    %mul3A = arith.constant 2 : i32
    %mul3A_0 = arith.muli %arg1, %mul3A : i32
    %add3A = arith.addi %mul3A_0, %arg0 : i32
    "tpu.region"() ({
      %run_scoped3A = tpu.sem_alloc : memref<!tpu.dma_semaphore, #tpu.memory_space<semaphore_mem>>
      %dma_start3A = arith.constant 0 : i32
      %dma_start3A_32 = arith.constant 0 : i32
      %dma_start3A_33 = tpu.memref_slice %arg2[%add3A, %dma_start3A, %dma_start3A_32] : memref<32x125x80xi32, #tpu.memory_space<hbm>> -> memref<1x125x80xi32, #tpu.memory_space<hbm>>
      %dma_start3A_34 = tpu.memref_squeeze %dma_start3A_33 : memref<1x125x80xi32, #tpu.memory_space<hbm>> -> memref<125x80xi32, #tpu.memory_space<hbm>>
      %dma_start3A_35 = arith.constant 0 : i32
      %dma_start3A_36 = arith.constant 0 : i32
      %dma_start3A_37 = tpu.memref_slice %arg2[%add3A, %dma_start3A_35, %dma_start3A_36] : memref<32x125x80xi32, #tpu.memory_space<hbm>> -> memref<1x125x80xi32, #tpu.memory_space<hbm>>
      %dma_start3A_38 = tpu.memref_squeeze %dma_start3A_37 : memref<1x125x80xi32, #tpu.memory_space<hbm>> -> memref<125x80xi32, #tpu.memory_space<hbm>>
      tpu.enqueue_dma source(%dma_start3A_38 : memref<125x80xi32, #tpu.memory_space<hbm>>) target(%arg5 : memref<125x80xi32, #tpu.memory_space<vmem>>) target_semaphore(%run_scoped3A : memref<!tpu.dma_semaphore, #tpu.memory_space<semaphore_mem>>)
      %dma_wait3A = arith.constant 0 : i32
      %dma_wait3A_39 = arith.constant 0 : i32
      %dma_wait3A_40 = tpu.memref_slice %arg2[%add3A, %dma_wait3A, %dma_wait3A_39] : memref<32x125x80xi32, #tpu.memory_space<hbm>> -> memref<1x125x80xi32, #tpu.memory_space<hbm>>
      %dma_wait3A_41 = tpu.memref_squeeze %dma_wait3A_40 : memref<1x125x80xi32, #tpu.memory_space<hbm>> -> memref<125x80xi32, #tpu.memory_space<hbm>>
      %dma_wait3A_42 = arith.constant 0 : i32
      %dma_wait3A_43 = arith.constant 0 : i32
      %dma_wait3A_44 = tpu.memref_slice %arg2[%add3A, %dma_wait3A_42, %dma_wait3A_43] : memref<32x125x80xi32, #tpu.memory_space<hbm>> -> memref<1x125x80xi32, #tpu.memory_space<hbm>>
      %dma_wait3A_45 = tpu.memref_squeeze %dma_wait3A_44 : memref<1x125x80xi32, #tpu.memory_space<hbm>> -> memref<125x80xi32, #tpu.memory_space<hbm>>
      tpu.wait_dma2 semaphore(%run_scoped3A : memref<!tpu.dma_semaphore, #tpu.memory_space<semaphore_mem>>) src(%dma_wait3A_45 : memref<125x80xi32, #tpu.memory_space<hbm>>) dst(%arg5 : memref<125x80xi32, #tpu.memory_space<vmem>>)
      tpu.yield
    }) : () -> ()
    %broadcast_in_dim3A = arith.constant 1.000000e+00 : f32
    %broadcast_in_dim3A_1 = vector.broadcast %broadcast_in_dim3A : f32 to vector<16xf32>
    %swap3A = arith.constant 0 : index
    %swap3A_2 = tpu.vector_load %arg6[%swap3A] {strides = array<i32>} : memref<80xf32, #tpu.memory_space<vmem>>, vector<16xf32>,
    tpu.vector_store %arg6[%swap3A], %broadcast_in_dim3A_1 {strides = array<i32>} : memref<80xf32, #tpu.memory_space<vmem>>, vector<16xf32>,
    %broadcast_in_dim3A_3 = arith.constant 1.000000e+00 : f32
    %broadcast_in_dim3A_4 = vector.broadcast %broadcast_in_dim3A_3 : f32 to vector<16xf32>
    %swap3A_5 = arith.constant 16 : index
    %swap3A_6 = tpu.vector_load %arg6[%swap3A_5] {strides = array<i32>} : memref<80xf32, #tpu.memory_space<vmem>>, vector<16xf32>,
    tpu.vector_store %arg6[%swap3A_5], %broadcast_in_dim3A_4 {strides = array<i32>} : memref<80xf32, #tpu.memory_space<vmem>>, vector<16xf32>,
    %broadcast_in_dim3A_7 = arith.constant 1.000000e+00 : f32
    %broadcast_in_dim3A_8 = vector.broadcast %broadcast_in_dim3A_7 : f32 to vector<16xf32>
    %swap3A_9 = arith.constant 32 : index
    %swap3A_10 = tpu.vector_load %arg6[%swap3A_9] {strides = array<i32>} : memref<80xf32, #tpu.memory_space<vmem>>, vector<16xf32>,
    tpu.vector_store %arg6[%swap3A_9], %broadcast_in_dim3A_8 {strides = array<i32>} : memref<80xf32, #tpu.memory_space<vmem>>, vector<16xf32>,
    %broadcast_in_dim3A_11 = arith.constant 1.000000e+00 : f32
    %broadcast_in_dim3A_12 = vector.broadcast %broadcast_in_dim3A_11 : f32 to vector<16xf32>
    %swap3A_13 = arith.constant 48 : index
    %swap3A_14 = tpu.vector_load %arg6[%swap3A_13] {strides = array<i32>} : memref<80xf32, #tpu.memory_space<vmem>>, vector<16xf32>,
    tpu.vector_store %arg6[%swap3A_13], %broadcast_in_dim3A_12 {strides = array<i32>} : memref<80xf32, #tpu.memory_space<vmem>>, vector<16xf32>,
    %broadcast_in_dim3A_15 = arith.constant 1.000000e+00 : f32
    %broadcast_in_dim3A_16 = vector.broadcast %broadcast_in_dim3A_15 : f32 to vector<16xf32>
    %swap3A_17 = arith.constant 64 : index
    %swap3A_18 = tpu.vector_load %arg6[%swap3A_17] {strides = array<i32>} : memref<80xf32, #tpu.memory_space<vmem>>, vector<16xf32>,
    tpu.vector_store %arg6[%swap3A_17], %broadcast_in_dim3A_16 {strides = array<i32>} : memref<80xf32, #tpu.memory_space<vmem>>, vector<16xf32>,
    %eq3A = arith.constant 0 : i32
    %eq3A_19 = arith.cmpi eq, %arg1, %eq3A : i32
    %convert_element_type3A = arith.extui %eq3A_19 : i1 to i32
    %cond3A = arith.constant 0 : i32
    %cond3A_20 = arith.cmpi ne, %convert_element_type3A, %cond3A : i32
    scf.if %cond3A_20 {
      "tpu.region"() ({
        %run_scoped3A = tpu.sem_alloc : memref<!tpu.dma_semaphore, #tpu.memory_space<semaphore_mem>>
        tpu.enqueue_dma source(%arg3 : memref<10000xf32, #tpu.memory_space<hbm>>) target(%arg7 : memref<10000xf32, #tpu.memory_space<vmem_shared>>) target_semaphore(%run_scoped3A : memref<!tpu.dma_semaphore, #tpu.memory_space<semaphore_mem>>)
        tpu.wait_dma2 semaphore(%run_scoped3A : memref<!tpu.dma_semaphore, #tpu.memory_space<semaphore_mem>>) src(%arg3 : memref<10000xf32, #tpu.memory_space<hbm>>) dst(%arg7 : memref<10000xf32, #tpu.memory_space<vmem_shared>>)
        tpu.yield
      }) : () -> ()
    } else {
    }
    %barrier3A = arith.constant 0 : index
    tpu.barrier barrier_id(%barrier3A)
    %scan3A = arith.constant 0 : i32
    %scan3A_21 = arith.constant 0 : i32
    %scan3A_22 = arith.constant 125 : i32
    %scan3A_23 = arith.addi %scan3A_21, %scan3A_22 : i32
    %scan3A_24 = arith.constant 1 : i32
    scf.for %scan3A_32 = %scan3A_21 to %scan3A_23 step %scan3A_24  : i32 {
      "tpu.region"() ({
        %run_scoped3A = tpu.sem_alloc : memref<!tpu.dma_semaphore, #tpu.memory_space<semaphore_mem>>
        %dma_start3A = arith.constant 0 : i32
        %dma_start3A_33 = tpu.memref_slice %arg5[%scan3A_32, %dma_start3A] : memref<125x80xi32, #tpu.memory_space<vmem>> -> memref<1x80xi32, #tpu.memory_space<vmem>>
        %dma_start3A_34 = tpu.memref_squeeze %dma_start3A_33 : memref<1x80xi32, #tpu.memory_space<vmem>> -> memref<80xi32, #tpu.memory_space<vmem>>
        %dma_start3A_35 = arith.constant 0 : i32
        %dma_start3A_36 = tpu.memref_slice %arg7[%dma_start3A_35] : memref<10000xf32, #tpu.memory_space<vmem_shared>> -> memref<10000xf32, #tpu.memory_space<vmem_shared>>
        tpu.enqueue_indirect_dma source(%arg6 : memref<80xf32, #tpu.memory_space<vmem>>) target(%dma_start3A_36 : memref<10000xf32, #tpu.memory_space<vmem_shared>>) offsets(%dma_start3A_34 : memref<80xi32, #tpu.memory_space<vmem>>) semaphore(%run_scoped3A : memref<!tpu.dma_semaphore, #tpu.memory_space<semaphore_mem>>) {add = true}
        %dma_wait3A = arith.constant 0 : i32
        %dma_wait3A_37 = tpu.memref_slice %arg5[%scan3A_32, %dma_wait3A] : memref<125x80xi32, #tpu.memory_space<vmem>> -> memref<1x80xi32, #tpu.memory_space<vmem>>
        %dma_wait3A_38 = tpu.memref_squeeze %dma_wait3A_37 : memref<1x80xi32, #tpu.memory_space<vmem>> -> memref<80xi32, #tpu.memory_space<vmem>>
        %dma_wait3A_39 = arith.constant 0 : i32
        %dma_wait3A_40 = tpu.memref_slice %arg7[%dma_wait3A_39] : memref<10000xf32, #tpu.memory_space<vmem_shared>> -> memref<10000xf32, #tpu.memory_space<vmem_shared>>
        tpu.wait_indirect_dma semaphore(%run_scoped3A : memref<!tpu.dma_semaphore, #tpu.memory_space<semaphore_mem>>) src(%arg6 : memref<80xf32, #tpu.memory_space<vmem>>) dst(%dma_wait3A_40 : memref<10000xf32, #tpu.memory_space<vmem_shared>>)
        tpu.yield
      }) : () -> ()
    }
    %scan3A_25 = arith.constant 125 : i32
    %barrier3A_26 = arith.constant 0 : index
    tpu.barrier barrier_id(%barrier3A_26)
    %eq3A_27 = arith.constant 0 : i32
    %eq3A_28 = arith.cmpi eq, %arg1, %eq3A_27 : i32
    %convert_element_type3A_29 = arith.extui %eq3A_28 : i1 to i32
    %cond3A_30 = arith.constant 0 : i32
    %cond3A_31 = arith.cmpi ne, %convert_element_type3A_29, %cond3A_30 : i32
    scf.if %cond3A_31 {
      "tpu.region"() ({
        %run_scoped3A = tpu.sem_alloc : memref<!tpu.dma_semaphore, #tpu.memory_space<semaphore_mem>>
        %dma_start3A = arith.constant 0 : i32
        %dma_start3A_32 = tpu.memref_slice %arg4[%arg0, %dma_start3A] : memref<2x10000xf32, #tpu.memory_space<hbm>> -> memref<1x10000xf32, #tpu.memory_space<hbm>>
        %dma_start3A_33 = tpu.memref_squeeze %dma_start3A_32 : memref<1x10000xf32, #tpu.memory_space<hbm>> -> memref<10000xf32, #tpu.memory_space<hbm>>
        tpu.enqueue_dma source(%arg7 : memref<10000xf32, #tpu.memory_space<vmem_shared>>) target(%dma_start3A_33 : memref<10000xf32, #tpu.memory_space<hbm>>) target_semaphore(%run_scoped3A : memref<!tpu.dma_semaphore, #tpu.memory_space<semaphore_mem>>)
        %dma_wait3A = arith.constant 0 : i32
        %dma_wait3A_34 = tpu.memref_slice %arg4[%arg0, %dma_wait3A] : memref<2x10000xf32, #tpu.memory_space<hbm>> -> memref<1x10000xf32, #tpu.memory_space<hbm>>
        %dma_wait3A_35 = tpu.memref_squeeze %dma_wait3A_34 : memref<1x10000xf32, #tpu.memory_space<hbm>> -> memref<10000xf32, #tpu.memory_space<hbm>>
        tpu.wait_dma2 semaphore(%run_scoped3A : memref<!tpu.dma_semaphore, #tpu.memory_space<semaphore_mem>>) src(%arg7 : memref<10000xf32, #tpu.memory_space<vmem_shared>>) dst(%dma_wait3A_35 : memref<10000xf32, #tpu.memory_space<hbm>>)
        tpu.yield
      }) : () -> ()
    } else {
    }
    return
  }
}

#map = affine_map<(d0, d1) -> (0, 0)>
#map1 = affine_map<(d0, d1) -> (0, 0, 0)>
#map2 = affine_map<(d0, d1) -> (0)>
module attributes {stable_mosaic.version = 14 : i64} {
  func.func @_attn_sc(%arg0: i32, %arg1: i32, %arg2: memref<10000x64xf32, #tpu.memory_space<hbm>>, %arg3: memref<32x125x80xf32, #tpu.memory_space<hbm>>, %arg4: memref<16xf32, #tpu.memory_space<hbm>>, %arg5: memref<32x125x80xi32, #tpu.memory_space<hbm>>, %arg6: memref<32x125x80xi32, #tpu.memory_space<hbm>>, %arg7: memref<10000x64xf32, #tpu.memory_space<hbm>>, %arg8: memref<10000xf32, #tpu.memory_space<hbm>>, %arg9: memref<2x10000x64xf32, #tpu.memory_space<hbm>>, %arg10: memref<2x10000xf32, #tpu.memory_space<hbm>>, %arg11: memref<125x80xi32, #tpu.memory_space<vmem>>, %arg12: memref<125x80xi32, #tpu.memory_space<vmem>>, %arg13: memref<125x80xf32, #tpu.memory_space<vmem>>, %arg14: memref<125x80xf32, #tpu.memory_space<vmem>>, %arg15: memref<80x64xf32, #tpu.memory_space<vmem>>, %arg16: memref<16xf32, #tpu.memory_space<vmem>>, %arg17: memref<!tpu.dma_semaphore, #tpu.memory_space<semaphore_mem>>, %arg18: memref<10000x64xf32, #tpu.memory_space<vmem_shared>>, %arg19: memref<10000xf32, #tpu.memory_space<vmem_shared>>) attributes {dimension_semantics = [#tpu.dimension_semantics<core_parallel>, #tpu.dimension_semantics<subcore_parallel>], iteration_bounds = array<i64: 2, 16>, scalar_prefetch = 0 : i64, scratch_operands = 9 : i64, tpu.core_type = #tpu.core_type<sc_vector_subcore>, window_params = [{transform_indices = #map}, {transform_indices = #map1}, {transform_indices = #map2}, {transform_indices = #map1}, {transform_indices = #map1}, {transform_indices = #map}, {transform_indices = #map2}, {transform_indices = #map1}, {transform_indices = #map}]} {
    %mul3A = arith.constant 2 : i32
    %mul3A_0 = arith.muli %arg1, %mul3A : i32
    %add3A = arith.addi %mul3A_0, %arg0 : i32
    "tpu.region"() ({
      %run_scoped3A = tpu.sem_alloc : memref<!tpu.dma_semaphore, #tpu.memory_space<semaphore_mem>>
      %dma_start3A = arith.constant 0 : i32
      %dma_start3A_40 = arith.constant 0 : i32
      %dma_start3A_41 = tpu.memref_slice %arg5[%add3A, %dma_start3A, %dma_start3A_40] : memref<32x125x80xi32, #tpu.memory_space<hbm>> -> memref<1x125x80xi32, #tpu.memory_space<hbm>>
      %dma_start3A_42 = tpu.memref_squeeze %dma_start3A_41 : memref<1x125x80xi32, #tpu.memory_space<hbm>> -> memref<125x80xi32, #tpu.memory_space<hbm>>
      %dma_start3A_43 = arith.constant 0 : i32
      %dma_start3A_44 = arith.constant 0 : i32
      %dma_start3A_45 = tpu.memref_slice %arg5[%add3A, %dma_start3A_43, %dma_start3A_44] : memref<32x125x80xi32, #tpu.memory_space<hbm>> -> memref<1x125x80xi32, #tpu.memory_space<hbm>>
      %dma_start3A_46 = tpu.memref_squeeze %dma_start3A_45 : memref<1x125x80xi32, #tpu.memory_space<hbm>> -> memref<125x80xi32, #tpu.memory_space<hbm>>
      tpu.enqueue_dma source(%dma_start3A_46 : memref<125x80xi32, #tpu.memory_space<hbm>>) target(%arg11 : memref<125x80xi32, #tpu.memory_space<vmem>>) target_semaphore(%run_scoped3A : memref<!tpu.dma_semaphore, #tpu.memory_space<semaphore_mem>>)
      %dma_wait3A = arith.constant 0 : i32
      %dma_wait3A_47 = arith.constant 0 : i32
      %dma_wait3A_48 = tpu.memref_slice %arg5[%add3A, %dma_wait3A, %dma_wait3A_47] : memref<32x125x80xi32, #tpu.memory_space<hbm>> -> memref<1x125x80xi32, #tpu.memory_space<hbm>>
      %dma_wait3A_49 = tpu.memref_squeeze %dma_wait3A_48 : memref<1x125x80xi32, #tpu.memory_space<hbm>> -> memref<125x80xi32, #tpu.memory_space<hbm>>
      %dma_wait3A_50 = arith.constant 0 : i32
      %dma_wait3A_51 = arith.constant 0 : i32
      %dma_wait3A_52 = tpu.memref_slice %arg5[%add3A, %dma_wait3A_50, %dma_wait3A_51] : memref<32x125x80xi32, #tpu.memory_space<hbm>> -> memref<1x125x80xi32, #tpu.memory_space<hbm>>
      %dma_wait3A_53 = tpu.memref_squeeze %dma_wait3A_52 : memref<1x125x80xi32, #tpu.memory_space<hbm>> -> memref<125x80xi32, #tpu.memory_space<hbm>>
      tpu.wait_dma2 semaphore(%run_scoped3A : memref<!tpu.dma_semaphore, #tpu.memory_space<semaphore_mem>>) src(%dma_wait3A_53 : memref<125x80xi32, #tpu.memory_space<hbm>>) dst(%arg11 : memref<125x80xi32, #tpu.memory_space<vmem>>)
      tpu.yield
    }) : () -> ()
    "tpu.region"() ({
      %run_scoped3A = tpu.sem_alloc : memref<!tpu.dma_semaphore, #tpu.memory_space<semaphore_mem>>
      %dma_start3A = arith.constant 0 : i32
      %dma_start3A_40 = arith.constant 0 : i32
      %dma_start3A_41 = tpu.memref_slice %arg6[%add3A, %dma_start3A, %dma_start3A_40] : memref<32x125x80xi32, #tpu.memory_space<hbm>> -> memref<1x125x80xi32, #tpu.memory_space<hbm>>
      %dma_start3A_42 = tpu.memref_squeeze %dma_start3A_41 : memref<1x125x80xi32, #tpu.memory_space<hbm>> -> memref<125x80xi32, #tpu.memory_space<hbm>>
      %dma_start3A_43 = arith.constant 0 : i32
      %dma_start3A_44 = arith.constant 0 : i32
      %dma_start3A_45 = tpu.memref_slice %arg6[%add3A, %dma_start3A_43, %dma_start3A_44] : memref<32x125x80xi32, #tpu.memory_space<hbm>> -> memref<1x125x80xi32, #tpu.memory_space<hbm>>
      %dma_start3A_46 = tpu.memref_squeeze %dma_start3A_45 : memref<1x125x80xi32, #tpu.memory_space<hbm>> -> memref<125x80xi32, #tpu.memory_space<hbm>>
      tpu.enqueue_dma source(%dma_start3A_46 : memref<125x80xi32, #tpu.memory_space<hbm>>) target(%arg12 : memref<125x80xi32, #tpu.memory_space<vmem>>) target_semaphore(%run_scoped3A : memref<!tpu.dma_semaphore, #tpu.memory_space<semaphore_mem>>)
      %dma_wait3A = arith.constant 0 : i32
      %dma_wait3A_47 = arith.constant 0 : i32
      %dma_wait3A_48 = tpu.memref_slice %arg6[%add3A, %dma_wait3A, %dma_wait3A_47] : memref<32x125x80xi32, #tpu.memory_space<hbm>> -> memref<1x125x80xi32, #tpu.memory_space<hbm>>
      %dma_wait3A_49 = tpu.memref_squeeze %dma_wait3A_48 : memref<1x125x80xi32, #tpu.memory_space<hbm>> -> memref<125x80xi32, #tpu.memory_space<hbm>>
      %dma_wait3A_50 = arith.constant 0 : i32
      %dma_wait3A_51 = arith.constant 0 : i32
      %dma_wait3A_52 = tpu.memref_slice %arg6[%add3A, %dma_wait3A_50, %dma_wait3A_51] : memref<32x125x80xi32, #tpu.memory_space<hbm>> -> memref<1x125x80xi32, #tpu.memory_space<hbm>>
      %dma_wait3A_53 = tpu.memref_squeeze %dma_wait3A_52 : memref<1x125x80xi32, #tpu.memory_space<hbm>> -> memref<125x80xi32, #tpu.memory_space<hbm>>
      tpu.wait_dma2 semaphore(%run_scoped3A : memref<!tpu.dma_semaphore, #tpu.memory_space<semaphore_mem>>) src(%dma_wait3A_53 : memref<125x80xi32, #tpu.memory_space<hbm>>) dst(%arg12 : memref<125x80xi32, #tpu.memory_space<vmem>>)
      tpu.yield
    }) : () -> ()
    "tpu.region"() ({
      %run_scoped3A = tpu.sem_alloc : memref<!tpu.dma_semaphore, #tpu.memory_space<semaphore_mem>>
      %dma_start3A = arith.constant 0 : i32
      %dma_start3A_40 = arith.constant 0 : i32
      %dma_start3A_41 = tpu.memref_slice %arg3[%add3A, %dma_start3A, %dma_start3A_40] : memref<32x125x80xf32, #tpu.memory_space<hbm>> -> memref<1x125x80xf32, #tpu.memory_space<hbm>>
      %dma_start3A_42 = tpu.memref_squeeze %dma_start3A_41 : memref<1x125x80xf32, #tpu.memory_space<hbm>> -> memref<125x80xf32, #tpu.memory_space<hbm>>
      %dma_start3A_43 = arith.constant 0 : i32
      %dma_start3A_44 = arith.constant 0 : i32
      %dma_start3A_45 = tpu.memref_slice %arg3[%add3A, %dma_start3A_43, %dma_start3A_44] : memref<32x125x80xf32, #tpu.memory_space<hbm>> -> memref<1x125x80xf32, #tpu.memory_space<hbm>>
      %dma_start3A_46 = tpu.memref_squeeze %dma_start3A_45 : memref<1x125x80xf32, #tpu.memory_space<hbm>> -> memref<125x80xf32, #tpu.memory_space<hbm>>
      tpu.enqueue_dma source(%dma_start3A_46 : memref<125x80xf32, #tpu.memory_space<hbm>>) target(%arg13 : memref<125x80xf32, #tpu.memory_space<vmem>>) target_semaphore(%run_scoped3A : memref<!tpu.dma_semaphore, #tpu.memory_space<semaphore_mem>>)
      %dma_wait3A = arith.constant 0 : i32
      %dma_wait3A_47 = arith.constant 0 : i32
      %dma_wait3A_48 = tpu.memref_slice %arg3[%add3A, %dma_wait3A, %dma_wait3A_47] : memref<32x125x80xf32, #tpu.memory_space<hbm>> -> memref<1x125x80xf32, #tpu.memory_space<hbm>>
      %dma_wait3A_49 = tpu.memref_squeeze %dma_wait3A_48 : memref<1x125x80xf32, #tpu.memory_space<hbm>> -> memref<125x80xf32, #tpu.memory_space<hbm>>
      %dma_wait3A_50 = arith.constant 0 : i32
      %dma_wait3A_51 = arith.constant 0 : i32
      %dma_wait3A_52 = tpu.memref_slice %arg3[%add3A, %dma_wait3A_50, %dma_wait3A_51] : memref<32x125x80xf32, #tpu.memory_space<hbm>> -> memref<1x125x80xf32, #tpu.memory_space<hbm>>
      %dma_wait3A_53 = tpu.memref_squeeze %dma_wait3A_52 : memref<1x125x80xf32, #tpu.memory_space<hbm>> -> memref<125x80xf32, #tpu.memory_space<hbm>>
      tpu.wait_dma2 semaphore(%run_scoped3A : memref<!tpu.dma_semaphore, #tpu.memory_space<semaphore_mem>>) src(%dma_wait3A_53 : memref<125x80xf32, #tpu.memory_space<hbm>>) dst(%arg13 : memref<125x80xf32, #tpu.memory_space<vmem>>)
      tpu.yield
    }) : () -> ()
    "tpu.region"() ({
      %run_scoped3A = tpu.sem_alloc : memref<!tpu.dma_semaphore, #tpu.memory_space<semaphore_mem>>
      tpu.enqueue_dma source(%arg4 : memref<16xf32, #tpu.memory_space<hbm>>) target(%arg16 : memref<16xf32, #tpu.memory_space<vmem>>) target_semaphore(%run_scoped3A : memref<!tpu.dma_semaphore, #tpu.memory_space<semaphore_mem>>)
      tpu.wait_dma2 semaphore(%run_scoped3A : memref<!tpu.dma_semaphore, #tpu.memory_space<semaphore_mem>>) src(%arg4 : memref<16xf32, #tpu.memory_space<hbm>>) dst(%arg16 : memref<16xf32, #tpu.memory_space<vmem>>)
      tpu.yield
    }) : () -> ()
    %lt3A = arith.constant 15 : i32
    %lt3A_1 = arith.cmpi slt, %arg1, %lt3A : i32
    %convert_element_type3A = arith.extui %lt3A_1 : i1 to i32
    %cond3A = arith.constant 0 : i32
    %cond3A_2 = arith.cmpi ne, %convert_element_type3A, %cond3A : i32
    scf.if %cond3A_2 {
      %mul3A_40 = arith.constant 624 : i32
      %mul3A_41 = arith.muli %arg1, %mul3A_40 : i32
      %mul3A_42 = arith.constant 624 : i32
      %mul3A_43 = arith.muli %arg1, %mul3A_42 : i32
      "tpu.region"() ({
        %run_scoped3A = tpu.sem_alloc : memref<!tpu.dma_semaphore, #tpu.memory_space<semaphore_mem>>
        %dma_start3A = arith.constant 0 : i32
        %dma_start3A_44 = tpu.memref_slice %arg18[%mul3A_43, %dma_start3A] : memref<10000x64xf32, #tpu.memory_space<vmem_shared>> -> memref<624x64xf32, #tpu.memory_space<vmem_shared>>
        %dma_start3A_45 = arith.constant 0 : i32
        %dma_start3A_46 = tpu.memref_slice %arg7[%mul3A_41, %dma_start3A_45] : memref<10000x64xf32, #tpu.memory_space<hbm>> -> memref<624x64xf32, #tpu.memory_space<hbm>>
        tpu.enqueue_dma source(%dma_start3A_46 : memref<624x64xf32, #tpu.memory_space<hbm>>) target(%dma_start3A_44 : memref<624x64xf32, #tpu.memory_space<vmem_shared>>) target_semaphore(%run_scoped3A : memref<!tpu.dma_semaphore, #tpu.memory_space<semaphore_mem>>)
        %dma_wait3A = arith.constant 0 : i32
        %dma_wait3A_47 = tpu.memref_slice %arg18[%mul3A_43, %dma_wait3A] : memref<10000x64xf32, #tpu.memory_space<vmem_shared>> -> memref<624x64xf32, #tpu.memory_space<vmem_shared>>
        %dma_wait3A_48 = arith.constant 0 : i32
        %dma_wait3A_49 = tpu.memref_slice %arg7[%mul3A_41, %dma_wait3A_48] : memref<10000x64xf32, #tpu.memory_space<hbm>> -> memref<624x64xf32, #tpu.memory_space<hbm>>
        tpu.wait_dma2 semaphore(%run_scoped3A : memref<!tpu.dma_semaphore, #tpu.memory_space<semaphore_mem>>) src(%dma_wait3A_49 : memref<624x64xf32, #tpu.memory_space<hbm>>) dst(%dma_wait3A_47 : memref<624x64xf32, #tpu.memory_space<vmem_shared>>)
        tpu.yield
      }) : () -> ()
    } else {
    }
    %eq3A = arith.constant 15 : i32
    %eq3A_3 = arith.cmpi eq, %arg1, %eq3A : i32
    %convert_element_type3A_4 = arith.extui %eq3A_3 : i1 to i32
    %cond3A_5 = arith.constant 0 : i32
    %cond3A_6 = arith.cmpi ne, %convert_element_type3A_4, %cond3A_5 : i32
    scf.if %cond3A_6 {
      "tpu.region"() ({
        %run_scoped3A = tpu.sem_alloc : memref<!tpu.dma_semaphore, #tpu.memory_space<semaphore_mem>>
        %dma_start3A = arith.constant 9360 : i32
        %dma_start3A_40 = arith.constant 0 : i32
        %dma_start3A_41 = tpu.memref_slice %arg18[%dma_start3A, %dma_start3A_40] : memref<10000x64xf32, #tpu.memory_space<vmem_shared>> -> memref<640x64xf32, #tpu.memory_space<vmem_shared>>
        %dma_start3A_42 = arith.constant 9360 : i32
        %dma_start3A_43 = arith.constant 0 : i32
        %dma_start3A_44 = tpu.memref_slice %arg7[%dma_start3A_42, %dma_start3A_43] : memref<10000x64xf32, #tpu.memory_space<hbm>> -> memref<640x64xf32, #tpu.memory_space<hbm>>
        tpu.enqueue_dma source(%dma_start3A_44 : memref<640x64xf32, #tpu.memory_space<hbm>>) target(%dma_start3A_41 : memref<640x64xf32, #tpu.memory_space<vmem_shared>>) target_semaphore(%run_scoped3A : memref<!tpu.dma_semaphore, #tpu.memory_space<semaphore_mem>>)
        %dma_wait3A = arith.constant 9360 : i32
        %dma_wait3A_45 = arith.constant 0 : i32
        %dma_wait3A_46 = tpu.memref_slice %arg18[%dma_wait3A, %dma_wait3A_45] : memref<10000x64xf32, #tpu.memory_space<vmem_shared>> -> memref<640x64xf32, #tpu.memory_space<vmem_shared>>
        %dma_wait3A_47 = arith.constant 9360 : i32
        %dma_wait3A_48 = arith.constant 0 : i32
        %dma_wait3A_49 = tpu.memref_slice %arg7[%dma_wait3A_47, %dma_wait3A_48] : memref<10000x64xf32, #tpu.memory_space<hbm>> -> memref<640x64xf32, #tpu.memory_space<hbm>>
        tpu.wait_dma2 semaphore(%run_scoped3A : memref<!tpu.dma_semaphore, #tpu.memory_space<semaphore_mem>>) src(%dma_wait3A_49 : memref<640x64xf32, #tpu.memory_space<hbm>>) dst(%dma_wait3A_46 : memref<640x64xf32, #tpu.memory_space<vmem_shared>>)
        tpu.yield
      }) : () -> ()
    } else {
    }
    %eq3A_7 = arith.constant 0 : i32
    %eq3A_8 = arith.cmpi eq, %arg1, %eq3A_7 : i32
    %convert_element_type3A_9 = arith.extui %eq3A_8 : i1 to i32
    %cond3A_10 = arith.constant 0 : i32
    %cond3A_11 = arith.cmpi ne, %convert_element_type3A_9, %cond3A_10 : i32
    scf.if %cond3A_11 {
      "tpu.region"() ({
        %run_scoped3A = tpu.sem_alloc : memref<!tpu.dma_semaphore, #tpu.memory_space<semaphore_mem>>
        tpu.enqueue_dma source(%arg8 : memref<10000xf32, #tpu.memory_space<hbm>>) target(%arg19 : memref<10000xf32, #tpu.memory_space<vmem_shared>>) target_semaphore(%run_scoped3A : memref<!tpu.dma_semaphore, #tpu.memory_space<semaphore_mem>>)
        tpu.wait_dma2 semaphore(%run_scoped3A : memref<!tpu.dma_semaphore, #tpu.memory_space<semaphore_mem>>) src(%arg8 : memref<10000xf32, #tpu.memory_space<hbm>>) dst(%arg19 : memref<10000xf32, #tpu.memory_space<vmem_shared>>)
        tpu.yield
      }) : () -> ()
    } else {
    }
    %barrier3A = arith.constant 0 : index
    tpu.barrier barrier_id(%barrier3A)
    %get3A = arith.constant 0 : index
    %get3A_12 = tpu.vector_load %arg16[%get3A] {strides = array<i32>} : memref<16xf32, #tpu.memory_space<vmem>>, vector<16xf32>,
    %scan3A = arith.constant 0 : i32
    %scan3A_13 = arith.constant 0 : i32
    %scan3A_14 = arith.constant 125 : i32
    %scan3A_15 = arith.addi %scan3A_13, %scan3A_14 : i32
    %scan3A_16 = arith.constant 1 : i32
    scf.for %scan3A_40 = %scan3A_13 to %scan3A_15 step %scan3A_16  : i32 {
      %get3A_41 = arith.index_cast %scan3A_40 : i32 to index
      %get3A_42 = arith.constant 0 : index
      %get3A_43 = tpu.vector_load %arg13[%get3A_41, %get3A_42] {strides = array<i32>} : memref<125x80xf32, #tpu.memory_space<vmem>>, vector<16xf32>,
      %sub3A = arith.subf %get3A_43, %get3A_12 : vector<16xf32>
      %exp3A = math.exp %sub3A : vector<16xf32>
      %swap3A = arith.index_cast %scan3A_40 : i32 to index
      %swap3A_44 = arith.constant 0 : index
      %swap3A_45 = tpu.vector_load %arg14[%swap3A, %swap3A_44] {strides = array<i32>} : memref<125x80xf32, #tpu.memory_space<vmem>>, vector<16xf32>,
      tpu.vector_store %arg14[%swap3A, %swap3A_44], %exp3A {strides = array<i32>} : memref<125x80xf32, #tpu.memory_space<vmem>>, vector<16xf32>,
      %get3A_46 = arith.index_cast %scan3A_40 : i32 to index
      %get3A_47 = arith.constant 16 : index
      %get3A_48 = tpu.vector_load %arg13[%get3A_46, %get3A_47] {strides = array<i32>} : memref<125x80xf32, #tpu.memory_space<vmem>>, vector<16xf32>,
      %sub3A_49 = arith.subf %get3A_48, %get3A_12 : vector<16xf32>
      %exp3A_50 = math.exp %sub3A_49 : vector<16xf32>
      %swap3A_51 = arith.index_cast %scan3A_40 : i32 to index
      %swap3A_52 = arith.constant 16 : index
      %swap3A_53 = tpu.vector_load %arg14[%swap3A_51, %swap3A_52] {strides = array<i32>} : memref<125x80xf32, #tpu.memory_space<vmem>>, vector<16xf32>,
      tpu.vector_store %arg14[%swap3A_51, %swap3A_52], %exp3A_50 {strides = array<i32>} : memref<125x80xf32, #tpu.memory_space<vmem>>, vector<16xf32>,
      %get3A_54 = arith.index_cast %scan3A_40 : i32 to index
      %get3A_55 = arith.constant 32 : index
      %get3A_56 = tpu.vector_load %arg13[%get3A_54, %get3A_55] {strides = array<i32>} : memref<125x80xf32, #tpu.memory_space<vmem>>, vector<16xf32>,
      %sub3A_57 = arith.subf %get3A_56, %get3A_12 : vector<16xf32>
      %exp3A_58 = math.exp %sub3A_57 : vector<16xf32>
      %swap3A_59 = arith.index_cast %scan3A_40 : i32 to index
      %swap3A_60 = arith.constant 32 : index
      %swap3A_61 = tpu.vector_load %arg14[%swap3A_59, %swap3A_60] {strides = array<i32>} : memref<125x80xf32, #tpu.memory_space<vmem>>, vector<16xf32>,
      tpu.vector_store %arg14[%swap3A_59, %swap3A_60], %exp3A_58 {strides = array<i32>} : memref<125x80xf32, #tpu.memory_space<vmem>>, vector<16xf32>,
      %get3A_62 = arith.index_cast %scan3A_40 : i32 to index
      %get3A_63 = arith.constant 48 : index
      %get3A_64 = tpu.vector_load %arg13[%get3A_62, %get3A_63] {strides = array<i32>} : memref<125x80xf32, #tpu.memory_space<vmem>>, vector<16xf32>,
      %sub3A_65 = arith.subf %get3A_64, %get3A_12 : vector<16xf32>
      %exp3A_66 = math.exp %sub3A_65 : vector<16xf32>
      %swap3A_67 = arith.index_cast %scan3A_40 : i32 to index
      %swap3A_68 = arith.constant 48 : index
      %swap3A_69 = tpu.vector_load %arg14[%swap3A_67, %swap3A_68] {strides = array<i32>} : memref<125x80xf32, #tpu.memory_space<vmem>>, vector<16xf32>,
      tpu.vector_store %arg14[%swap3A_67, %swap3A_68], %exp3A_66 {strides = array<i32>} : memref<125x80xf32, #tpu.memory_space<vmem>>, vector<16xf32>,
      %get3A_70 = arith.index_cast %scan3A_40 : i32 to index
      %get3A_71 = arith.constant 64 : index
      %get3A_72 = tpu.vector_load %arg13[%get3A_70, %get3A_71] {strides = array<i32>} : memref<125x80xf32, #tpu.memory_space<vmem>>, vector<16xf32>,
      %sub3A_73 = arith.subf %get3A_72, %get3A_12 : vector<16xf32>
      %exp3A_74 = math.exp %sub3A_73 : vector<16xf32>
      %swap3A_75 = arith.index_cast %scan3A_40 : i32 to index
      %swap3A_76 = arith.constant 64 : index
      %swap3A_77 = tpu.vector_load %arg14[%swap3A_75, %swap3A_76] {strides = array<i32>} : memref<125x80xf32, #tpu.memory_space<vmem>>, vector<16xf32>,
      tpu.vector_store %arg14[%swap3A_75, %swap3A_76], %exp3A_74 {strides = array<i32>} : memref<125x80xf32, #tpu.memory_space<vmem>>, vector<16xf32>,
    }
    %scan3A_17 = arith.constant 125 : i32
    %scan3A_18 = arith.constant 0 : i32
    %scan3A_19 = arith.constant 0 : i32
    %scan3A_20 = arith.constant 125 : i32
    %scan3A_21 = arith.addi %scan3A_19, %scan3A_20 : i32
    %scan3A_22 = arith.constant 1 : i32
    scf.for %scan3A_40 = %scan3A_19 to %scan3A_21 step %scan3A_22  : i32 {
      %dma_start3A = arith.constant 0 : i32
      %dma_start3A_41 = tpu.memref_slice %arg11[%scan3A_40, %dma_start3A] : memref<125x80xi32, #tpu.memory_space<vmem>> -> memref<1x80xi32, #tpu.memory_space<vmem>>
      %dma_start3A_42 = tpu.memref_squeeze %dma_start3A_41 : memref<1x80xi32, #tpu.memory_space<vmem>> -> memref<80xi32, #tpu.memory_space<vmem>>
      %dma_start3A_43 = arith.constant 0 : i32
      %dma_start3A_44 = arith.constant 0 : i32
      %dma_start3A_45 = tpu.memref_slice %arg2[%dma_start3A_43, %dma_start3A_44] : memref<10000x64xf32, #tpu.memory_space<hbm>> -> memref<10000x64xf32, #tpu.memory_space<hbm>>
      tpu.enqueue_indirect_dma source(%dma_start3A_45 : memref<10000x64xf32, #tpu.memory_space<hbm>>) target(%arg15 : memref<80x64xf32, #tpu.memory_space<vmem>>) offsets(%dma_start3A_42 : memref<80xi32, #tpu.memory_space<vmem>>) semaphore(%arg17 : memref<!tpu.dma_semaphore, #tpu.memory_space<semaphore_mem>>)
      %dma_wait3A = arith.constant 0 : i32
      %dma_wait3A_46 = tpu.memref_slice %arg11[%scan3A_40, %dma_wait3A] : memref<125x80xi32, #tpu.memory_space<vmem>> -> memref<1x80xi32, #tpu.memory_space<vmem>>
      %dma_wait3A_47 = tpu.memref_squeeze %dma_wait3A_46 : memref<1x80xi32, #tpu.memory_space<vmem>> -> memref<80xi32, #tpu.memory_space<vmem>>
      %dma_wait3A_48 = arith.constant 0 : i32
      %dma_wait3A_49 = arith.constant 0 : i32
      %dma_wait3A_50 = tpu.memref_slice %arg2[%dma_wait3A_48, %dma_wait3A_49] : memref<10000x64xf32, #tpu.memory_space<hbm>> -> memref<10000x64xf32, #tpu.memory_space<hbm>>
      tpu.wait_indirect_dma semaphore(%arg17 : memref<!tpu.dma_semaphore, #tpu.memory_space<semaphore_mem>>) src(%dma_wait3A_50 : memref<10000x64xf32, #tpu.memory_space<hbm>>) dst(%arg15 : memref<80x64xf32, #tpu.memory_space<vmem>>)
      %scan3A_51 = arith.constant 0 : i32
      %scan3A_52 = arith.constant 0 : i32
      %scan3A_53 = arith.constant 5 : i32
      %scan3A_54 = arith.addi %scan3A_52, %scan3A_53 : i32
      %scan3A_55 = arith.constant 1 : i32
      scf.for %scan3A_57 = %scan3A_52 to %scan3A_54 step %scan3A_55  : i32 {
        %mul3A_58 = arith.constant 16 : i32
        %mul3A_59 = arith.muli %scan3A_57, %mul3A_58 : i32
        %get3A_60 = arith.index_cast %scan3A_40 : i32 to index
        %get3A_61 = arith.index_cast %mul3A_59 : i32 to index
        %get3A_62 = tpu.vector_load %arg14[%get3A_60, %get3A_61] {strides = array<i32>} : memref<125x80xf32, #tpu.memory_space<vmem>>, vector<16xf32>,
        %mul3A_63 = arith.constant 16 : i32
        %mul3A_64 = arith.muli %scan3A_57, %mul3A_63 : i32
        %slice3A = vector.extract_strided_slice %get3A_62 {offsets = [0], sizes = [1], strides = [1]} : vector<16xf32> to vector<1xf32>
        %squeeze3A = vector.extract %slice3A[0] : f32 from vector<1xf32>
        %add3A_65 = arith.constant 0 : i32
        %add3A_66 = arith.addi %mul3A_64, %add3A_65 : i32
        %get3A_67 = arith.index_cast %add3A_66 : i32 to index
        %get3A_68 = arith.constant 0 : index
        %get3A_69 = tpu.vector_load %arg15[%get3A_67, %get3A_68] {strides = array<i32>} : memref<80x64xf32, #tpu.memory_space<vmem>>, vector<16xf32>,
        %mul3A_70 = vector.broadcast %squeeze3A : f32 to vector<16xf32>
        %mul3A_71 = arith.mulf %get3A_69, %mul3A_70 : vector<16xf32>
        %add3A_72 = arith.constant 0 : i32
        %add3A_73 = arith.addi %mul3A_64, %add3A_72 : i32
        %swap3A = arith.index_cast %add3A_73 : i32 to index
        %swap3A_74 = arith.constant 0 : index
        %swap3A_75 = tpu.vector_load %arg15[%swap3A, %swap3A_74] {strides = array<i32>} : memref<80x64xf32, #tpu.memory_space<vmem>>, vector<16xf32>,
        tpu.vector_store %arg15[%swap3A, %swap3A_74], %mul3A_71 {strides = array<i32>} : memref<80x64xf32, #tpu.memory_space<vmem>>, vector<16xf32>,
        %add3A_76 = arith.constant 0 : i32
        %add3A_77 = arith.addi %mul3A_64, %add3A_76 : i32
        %get3A_78 = arith.index_cast %add3A_77 : i32 to index
        %get3A_79 = arith.constant 16 : index
        %get3A_80 = tpu.vector_load %arg15[%get3A_78, %get3A_79] {strides = array<i32>} : memref<80x64xf32, #tpu.memory_space<vmem>>, vector<16xf32>,
        %mul3A_81 = vector.broadcast %squeeze3A : f32 to vector<16xf32>
        %mul3A_82 = arith.mulf %get3A_80, %mul3A_81 : vector<16xf32>
        %add3A_83 = arith.constant 0 : i32
        %add3A_84 = arith.addi %mul3A_64, %add3A_83 : i32
        %swap3A_85 = arith.index_cast %add3A_84 : i32 to index
        %swap3A_86 = arith.constant 16 : index
        %swap3A_87 = tpu.vector_load %arg15[%swap3A_85, %swap3A_86] {strides = array<i32>} : memref<80x64xf32, #tpu.memory_space<vmem>>, vector<16xf32>,
        tpu.vector_store %arg15[%swap3A_85, %swap3A_86], %mul3A_82 {strides = array<i32>} : memref<80x64xf32, #tpu.memory_space<vmem>>, vector<16xf32>,
        %add3A_88 = arith.constant 0 : i32
        %add3A_89 = arith.addi %mul3A_64, %add3A_88 : i32
        %get3A_90 = arith.index_cast %add3A_89 : i32 to index
        %get3A_91 = arith.constant 32 : index
        %get3A_92 = tpu.vector_load %arg15[%get3A_90, %get3A_91] {strides = array<i32>} : memref<80x64xf32, #tpu.memory_space<vmem>>, vector<16xf32>,
        %mul3A_93 = vector.broadcast %squeeze3A : f32 to vector<16xf32>
        %mul3A_94 = arith.mulf %get3A_92, %mul3A_93 : vector<16xf32>
        %add3A_95 = arith.constant 0 : i32
        %add3A_96 = arith.addi %mul3A_64, %add3A_95 : i32
        %swap3A_97 = arith.index_cast %add3A_96 : i32 to index
        %swap3A_98 = arith.constant 32 : index
        %swap3A_99 = tpu.vector_load %arg15[%swap3A_97, %swap3A_98] {strides = array<i32>} : memref<80x64xf32, #tpu.memory_space<vmem>>, vector<16xf32>,
        tpu.vector_store %arg15[%swap3A_97, %swap3A_98], %mul3A_94 {strides = array<i32>} : memref<80x64xf32, #tpu.memory_space<vmem>>, vector<16xf32>,
        %add3A_100 = arith.constant 0 : i32
        %add3A_101 = arith.addi %mul3A_64, %add3A_100 : i32
        %get3A_102 = arith.index_cast %add3A_101 : i32 to index
        %get3A_103 = arith.constant 48 : index
        %get3A_104 = tpu.vector_load %arg15[%get3A_102, %get3A_103] {strides = array<i32>} : memref<80x64xf32, #tpu.memory_space<vmem>>, vector<16xf32>,
        %mul3A_105 = vector.broadcast %squeeze3A : f32 to vector<16xf32>
        %mul3A_106 = arith.mulf %get3A_104, %mul3A_105 : vector<16xf32>
        %add3A_107 = arith.constant 0 : i32
        %add3A_108 = arith.addi %mul3A_64, %add3A_107 : i32
        %swap3A_109 = arith.index_cast %add3A_108 : i32 to index
        %swap3A_110 = arith.constant 48 : index
        %swap3A_111 = tpu.vector_load %arg15[%swap3A_109, %swap3A_110] {strides = array<i32>} : memref<80x64xf32, #tpu.memory_space<vmem>>, vector<16xf32>,
        tpu.vector_store %arg15[%swap3A_109, %swap3A_110], %mul3A_106 {strides = array<i32>} : memref<80x64xf32, #tpu.memory_space<vmem>>, vector<16xf32>,
        %slice3A_112 = vector.extract_strided_slice %get3A_62 {offsets = [1], sizes = [1], strides = [1]} : vector<16xf32> to vector<1xf32>
        %squeeze3A_113 = vector.extract %slice3A_112[0] : f32 from vector<1xf32>
        %add3A_114 = arith.constant 1 : i32
        %add3A_115 = arith.addi %mul3A_64, %add3A_114 : i32
        %get3A_116 = arith.index_cast %add3A_115 : i32 to index
        %get3A_117 = arith.constant 0 : index
        %get3A_118 = tpu.vector_load %arg15[%get3A_116, %get3A_117] {strides = array<i32>} : memref<80x64xf32, #tpu.memory_space<vmem>>, vector<16xf32>,
        %mul3A_119 = vector.broadcast %squeeze3A_113 : f32 to vector<16xf32>
        %mul3A_120 = arith.mulf %get3A_118, %mul3A_119 : vector<16xf32>
        %add3A_121 = arith.constant 1 : i32
        %add3A_122 = arith.addi %mul3A_64, %add3A_121 : i32
        %swap3A_123 = arith.index_cast %add3A_122 : i32 to index
        %swap3A_124 = arith.constant 0 : index
        %swap3A_125 = tpu.vector_load %arg15[%swap3A_123, %swap3A_124] {strides = array<i32>} : memref<80x64xf32, #tpu.memory_space<vmem>>, vector<16xf32>,
        tpu.vector_store %arg15[%swap3A_123, %swap3A_124], %mul3A_120 {strides = array<i32>} : memref<80x64xf32, #tpu.memory_space<vmem>>, vector<16xf32>,
        %add3A_126 = arith.constant 1 : i32
        %add3A_127 = arith.addi %mul3A_64, %add3A_126 : i32
        %get3A_128 = arith.index_cast %add3A_127 : i32 to index
        %get3A_129 = arith.constant 16 : index
        %get3A_130 = tpu.vector_load %arg15[%get3A_128, %get3A_129] {strides = array<i32>} : memref<80x64xf32, #tpu.memory_space<vmem>>, vector<16xf32>,
        %mul3A_131 = vector.broadcast %squeeze3A_113 : f32 to vector<16xf32>
        %mul3A_132 = arith.mulf %get3A_130, %mul3A_131 : vector<16xf32>
        %add3A_133 = arith.constant 1 : i32
        %add3A_134 = arith.addi %mul3A_64, %add3A_133 : i32
        %swap3A_135 = arith.index_cast %add3A_134 : i32 to index
        %swap3A_136 = arith.constant 16 : index
        %swap3A_137 = tpu.vector_load %arg15[%swap3A_135, %swap3A_136] {strides = array<i32>} : memref<80x64xf32, #tpu.memory_space<vmem>>, vector<16xf32>,
        tpu.vector_store %arg15[%swap3A_135, %swap3A_136], %mul3A_132 {strides = array<i32>} : memref<80x64xf32, #tpu.memory_space<vmem>>, vector<16xf32>,
        %add3A_138 = arith.constant 1 : i32
        %add3A_139 = arith.addi %mul3A_64, %add3A_138 : i32
        %get3A_140 = arith.index_cast %add3A_139 : i32 to index
        %get3A_141 = arith.constant 32 : index
        %get3A_142 = tpu.vector_load %arg15[%get3A_140, %get3A_141] {strides = array<i32>} : memref<80x64xf32, #tpu.memory_space<vmem>>, vector<16xf32>,
        %mul3A_143 = vector.broadcast %squeeze3A_113 : f32 to vector<16xf32>
        %mul3A_144 = arith.mulf %get3A_142, %mul3A_143 : vector<16xf32>
        %add3A_145 = arith.constant 1 : i32
        %add3A_146 = arith.addi %mul3A_64, %add3A_145 : i32
        %swap3A_147 = arith.index_cast %add3A_146 : i32 to index
        %swap3A_148 = arith.constant 32 : index
        %swap3A_149 = tpu.vector_load %arg15[%swap3A_147, %swap3A_148] {strides = array<i32>} : memref<80x64xf32, #tpu.memory_space<vmem>>, vector<16xf32>,
        tpu.vector_store %arg15[%swap3A_147, %swap3A_148], %mul3A_144 {strides = array<i32>} : memref<80x64xf32, #tpu.memory_space<vmem>>, vector<16xf32>,
        %add3A_150 = arith.constant 1 : i32
        %add3A_151 = arith.addi %mul3A_64, %add3A_150 : i32
        %get3A_152 = arith.index_cast %add3A_151 : i32 to index
        %get3A_153 = arith.constant 48 : index
        %get3A_154 = tpu.vector_load %arg15[%get3A_152, %get3A_153] {strides = array<i32>} : memref<80x64xf32, #tpu.memory_space<vmem>>, vector<16xf32>,
        %mul3A_155 = vector.broadcast %squeeze3A_113 : f32 to vector<16xf32>
        %mul3A_156 = arith.mulf %get3A_154, %mul3A_155 : vector<16xf32>
        %add3A_157 = arith.constant 1 : i32
        %add3A_158 = arith.addi %mul3A_64, %add3A_157 : i32
        %swap3A_159 = arith.index_cast %add3A_158 : i32 to index
        %swap3A_160 = arith.constant 48 : index
        %swap3A_161 = tpu.vector_load %arg15[%swap3A_159, %swap3A_160] {strides = array<i32>} : memref<80x64xf32, #tpu.memory_space<vmem>>, vector<16xf32>,
        tpu.vector_store %arg15[%swap3A_159, %swap3A_160], %mul3A_156 {strides = array<i32>} : memref<80x64xf32, #tpu.memory_space<vmem>>, vector<16xf32>,
        %slice3A_162 = vector.extract_strided_slice %get3A_62 {offsets = [2], sizes = [1], strides = [1]} : vector<16xf32> to vector<1xf32>
        %squeeze3A_163 = vector.extract %slice3A_162[0] : f32 from vector<1xf32>
        %add3A_164 = arith.constant 2 : i32
        %add3A_165 = arith.addi %mul3A_64, %add3A_164 : i32
        %get3A_166 = arith.index_cast %add3A_165 : i32 to index
        %get3A_167 = arith.constant 0 : index
        %get3A_168 = tpu.vector_load %arg15[%get3A_166, %get3A_167] {strides = array<i32>} : memref<80x64xf32, #tpu.memory_space<vmem>>, vector<16xf32>,
        %mul3A_169 = vector.broadcast %squeeze3A_163 : f32 to vector<16xf32>
        %mul3A_170 = arith.mulf %get3A_168, %mul3A_169 : vector<16xf32>
        %add3A_171 = arith.constant 2 : i32
        %add3A_172 = arith.addi %mul3A_64, %add3A_171 : i32
        %swap3A_173 = arith.index_cast %add3A_172 : i32 to index
        %swap3A_174 = arith.constant 0 : index
        %swap3A_175 = tpu.vector_load %arg15[%swap3A_173, %swap3A_174] {strides = array<i32>} : memref<80x64xf32, #tpu.memory_space<vmem>>, vector<16xf32>,
        tpu.vector_store %arg15[%swap3A_173, %swap3A_174], %mul3A_170 {strides = array<i32>} : memref<80x64xf32, #tpu.memory_space<vmem>>, vector<16xf32>,
        %add3A_176 = arith.constant 2 : i32
        %add3A_177 = arith.addi %mul3A_64, %add3A_176 : i32
        %get3A_178 = arith.index_cast %add3A_177 : i32 to index
        %get3A_179 = arith.constant 16 : index
        %get3A_180 = tpu.vector_load %arg15[%get3A_178, %get3A_179] {strides = array<i32>} : memref<80x64xf32, #tpu.memory_space<vmem>>, vector<16xf32>,
        %mul3A_181 = vector.broadcast %squeeze3A_163 : f32 to vector<16xf32>
        %mul3A_182 = arith.mulf %get3A_180, %mul3A_181 : vector<16xf32>
        %add3A_183 = arith.constant 2 : i32
        %add3A_184 = arith.addi %mul3A_64, %add3A_183 : i32
        %swap3A_185 = arith.index_cast %add3A_184 : i32 to index
        %swap3A_186 = arith.constant 16 : index
        %swap3A_187 = tpu.vector_load %arg15[%swap3A_185, %swap3A_186] {strides = array<i32>} : memref<80x64xf32, #tpu.memory_space<vmem>>, vector<16xf32>,
        tpu.vector_store %arg15[%swap3A_185, %swap3A_186], %mul3A_182 {strides = array<i32>} : memref<80x64xf32, #tpu.memory_space<vmem>>, vector<16xf32>,
        %add3A_188 = arith.constant 2 : i32
        %add3A_189 = arith.addi %mul3A_64, %add3A_188 : i32
        %get3A_190 = arith.index_cast %add3A_189 : i32 to index
        %get3A_191 = arith.constant 32 : index
        %get3A_192 = tpu.vector_load %arg15[%get3A_190, %get3A_191] {strides = array<i32>} : memref<80x64xf32, #tpu.memory_space<vmem>>, vector<16xf32>,
        %mul3A_193 = vector.broadcast %squeeze3A_163 : f32 to vector<16xf32>
        %mul3A_194 = arith.mulf %get3A_192, %mul3A_193 : vector<16xf32>
        %add3A_195 = arith.constant 2 : i32
        %add3A_196 = arith.addi %mul3A_64, %add3A_195 : i32
        %swap3A_197 = arith.index_cast %add3A_196 : i32 to index
        %swap3A_198 = arith.constant 32 : index
        %swap3A_199 = tpu.vector_load %arg15[%swap3A_197, %swap3A_198] {strides = array<i32>} : memref<80x64xf32, #tpu.memory_space<vmem>>, vector<16xf32>,
        tpu.vector_store %arg15[%swap3A_197, %swap3A_198], %mul3A_194 {strides = array<i32>} : memref<80x64xf32, #tpu.memory_space<vmem>>, vector<16xf32>,
        %add3A_200 = arith.constant 2 : i32
        %add3A_201 = arith.addi %mul3A_64, %add3A_200 : i32
        %get3A_202 = arith.index_cast %add3A_201 : i32 to index
        %get3A_203 = arith.constant 48 : index
        %get3A_204 = tpu.vector_load %arg15[%get3A_202, %get3A_203] {strides = array<i32>} : memref<80x64xf32, #tpu.memory_space<vmem>>, vector<16xf32>,
        %mul3A_205 = vector.broadcast %squeeze3A_163 : f32 to vector<16xf32>
        %mul3A_206 = arith.mulf %get3A_204, %mul3A_205 : vector<16xf32>
        %add3A_207 = arith.constant 2 : i32
        %add3A_208 = arith.addi %mul3A_64, %add3A_207 : i32
        %swap3A_209 = arith.index_cast %add3A_208 : i32 to index
        %swap3A_210 = arith.constant 48 : index
        %swap3A_211 = tpu.vector_load %arg15[%swap3A_209, %swap3A_210] {strides = array<i32>} : memref<80x64xf32, #tpu.memory_space<vmem>>, vector<16xf32>,
        tpu.vector_store %arg15[%swap3A_209, %swap3A_210], %mul3A_206 {strides = array<i32>} : memref<80x64xf32, #tpu.memory_space<vmem>>, vector<16xf32>,
        %slice3A_212 = vector.extract_strided_slice %get3A_62 {offsets = [3], sizes = [1], strides = [1]} : vector<16xf32> to vector<1xf32>
        %squeeze3A_213 = vector.extract %slice3A_212[0] : f32 from vector<1xf32>
        %add3A_214 = arith.constant 3 : i32
        %add3A_215 = arith.addi %mul3A_64, %add3A_214 : i32
        %get3A_216 = arith.index_cast %add3A_215 : i32 to index
        %get3A_217 = arith.constant 0 : index
        %get3A_218 = tpu.vector_load %arg15[%get3A_216, %get3A_217] {strides = array<i32>} : memref<80x64xf32, #tpu.memory_space<vmem>>, vector<16xf32>,
        %mul3A_219 = vector.broadcast %squeeze3A_213 : f32 to vector<16xf32>
        %mul3A_220 = arith.mulf %get3A_218, %mul3A_219 : vector<16xf32>
        %add3A_221 = arith.constant 3 : i32
        %add3A_222 = arith.addi %mul3A_64, %add3A_221 : i32
        %swap3A_223 = arith.index_cast %add3A_222 : i32 to index
        %swap3A_224 = arith.constant 0 : index
        %swap3A_225 = tpu.vector_load %arg15[%swap3A_223, %swap3A_224] {strides = array<i32>} : memref<80x64xf32, #tpu.memory_space<vmem>>, vector<16xf32>,
        tpu.vector_store %arg15[%swap3A_223, %swap3A_224], %mul3A_220 {strides = array<i32>} : memref<80x64xf32, #tpu.memory_space<vmem>>, vector<16xf32>,
        %add3A_226 = arith.constant 3 : i32
        %add3A_227 = arith.addi %mul3A_64, %add3A_226 : i32
        %get3A_228 = arith.index_cast %add3A_227 : i32 to index
        %get3A_229 = arith.constant 16 : index
        %get3A_230 = tpu.vector_load %arg15[%get3A_228, %get3A_229] {strides = array<i32>} : memref<80x64xf32, #tpu.memory_space<vmem>>, vector<16xf32>,
        %mul3A_231 = vector.broadcast %squeeze3A_213 : f32 to vector<16xf32>
        %mul3A_232 = arith.mulf %get3A_230, %mul3A_231 : vector<16xf32>
        %add3A_233 = arith.constant 3 : i32
        %add3A_234 = arith.addi %mul3A_64, %add3A_233 : i32
        %swap3A_235 = arith.index_cast %add3A_234 : i32 to index
        %swap3A_236 = arith.constant 16 : index
        %swap3A_237 = tpu.vector_load %arg15[%swap3A_235, %swap3A_236] {strides = array<i32>} : memref<80x64xf32, #tpu.memory_space<vmem>>, vector<16xf32>,
        tpu.vector_store %arg15[%swap3A_235, %swap3A_236], %mul3A_232 {strides = array<i32>} : memref<80x64xf32, #tpu.memory_space<vmem>>, vector<16xf32>,
        %add3A_238 = arith.constant 3 : i32
        %add3A_239 = arith.addi %mul3A_64, %add3A_238 : i32
        %get3A_240 = arith.index_cast %add3A_239 : i32 to index
        %get3A_241 = arith.constant 32 : index
        %get3A_242 = tpu.vector_load %arg15[%get3A_240, %get3A_241] {strides = array<i32>} : memref<80x64xf32, #tpu.memory_space<vmem>>, vector<16xf32>,
        %mul3A_243 = vector.broadcast %squeeze3A_213 : f32 to vector<16xf32>
        %mul3A_244 = arith.mulf %get3A_242, %mul3A_243 : vector<16xf32>
        %add3A_245 = arith.constant 3 : i32
        %add3A_246 = arith.addi %mul3A_64, %add3A_245 : i32
        %swap3A_247 = arith.index_cast %add3A_246 : i32 to index
        %swap3A_248 = arith.constant 32 : index
        %swap3A_249 = tpu.vector_load %arg15[%swap3A_247, %swap3A_248] {strides = array<i32>} : memref<80x64xf32, #tpu.memory_space<vmem>>, vector<16xf32>,
        tpu.vector_store %arg15[%swap3A_247, %swap3A_248], %mul3A_244 {strides = array<i32>} : memref<80x64xf32, #tpu.memory_space<vmem>>, vector<16xf32>,
        %add3A_250 = arith.constant 3 : i32
        %add3A_251 = arith.addi %mul3A_64, %add3A_250 : i32
        %get3A_252 = arith.index_cast %add3A_251 : i32 to index
        %get3A_253 = arith.constant 48 : index
        %get3A_254 = tpu.vector_load %arg15[%get3A_252, %get3A_253] {strides = array<i32>} : memref<80x64xf32, #tpu.memory_space<vmem>>, vector<16xf32>,
        %mul3A_255 = vector.broadcast %squeeze3A_213 : f32 to vector<16xf32>
        %mul3A_256 = arith.mulf %get3A_254, %mul3A_255 : vector<16xf32>
        %add3A_257 = arith.constant 3 : i32
        %add3A_258 = arith.addi %mul3A_64, %add3A_257 : i32
        %swap3A_259 = arith.index_cast %add3A_258 : i32 to index
        %swap3A_260 = arith.constant 48 : index
        %swap3A_261 = tpu.vector_load %arg15[%swap3A_259, %swap3A_260] {strides = array<i32>} : memref<80x64xf32, #tpu.memory_space<vmem>>, vector<16xf32>,
        tpu.vector_store %arg15[%swap3A_259, %swap3A_260], %mul3A_256 {strides = array<i32>} : memref<80x64xf32, #tpu.memory_space<vmem>>, vector<16xf32>,
        %slice3A_262 = vector.extract_strided_slice %get3A_62 {offsets = [4], sizes = [1], strides = [1]} : vector<16xf32> to vector<1xf32>
        %squeeze3A_263 = vector.extract %slice3A_262[0] : f32 from vector<1xf32>
        %add3A_264 = arith.constant 4 : i32
        %add3A_265 = arith.addi %mul3A_64, %add3A_264 : i32
        %get3A_266 = arith.index_cast %add3A_265 : i32 to index
        %get3A_267 = arith.constant 0 : index
        %get3A_268 = tpu.vector_load %arg15[%get3A_266, %get3A_267] {strides = array<i32>} : memref<80x64xf32, #tpu.memory_space<vmem>>, vector<16xf32>,
        %mul3A_269 = vector.broadcast %squeeze3A_263 : f32 to vector<16xf32>
        %mul3A_270 = arith.mulf %get3A_268, %mul3A_269 : vector<16xf32>
        %add3A_271 = arith.constant 4 : i32
        %add3A_272 = arith.addi %mul3A_64, %add3A_271 : i32
        %swap3A_273 = arith.index_cast %add3A_272 : i32 to index
        %swap3A_274 = arith.constant 0 : index
        %swap3A_275 = tpu.vector_load %arg15[%swap3A_273, %swap3A_274] {strides = array<i32>} : memref<80x64xf32, #tpu.memory_space<vmem>>, vector<16xf32>,
        tpu.vector_store %arg15[%swap3A_273, %swap3A_274], %mul3A_270 {strides = array<i32>} : memref<80x64xf32, #tpu.memory_space<vmem>>, vector<16xf32>,
        %add3A_276 = arith.constant 4 : i32
        %add3A_277 = arith.addi %mul3A_64, %add3A_276 : i32
        %get3A_278 = arith.index_cast %add3A_277 : i32 to index
        %get3A_279 = arith.constant 16 : index
        %get3A_280 = tpu.vector_load %arg15[%get3A_278, %get3A_279] {strides = array<i32>} : memref<80x64xf32, #tpu.memory_space<vmem>>, vector<16xf32>,
        %mul3A_281 = vector.broadcast %squeeze3A_263 : f32 to vector<16xf32>
        %mul3A_282 = arith.mulf %get3A_280, %mul3A_281 : vector<16xf32>
        %add3A_283 = arith.constant 4 : i32
        %add3A_284 = arith.addi %mul3A_64, %add3A_283 : i32
        %swap3A_285 = arith.index_cast %add3A_284 : i32 to index
        %swap3A_286 = arith.constant 16 : index
        %swap3A_287 = tpu.vector_load %arg15[%swap3A_285, %swap3A_286] {strides = array<i32>} : memref<80x64xf32, #tpu.memory_space<vmem>>, vector<16xf32>,
        tpu.vector_store %arg15[%swap3A_285, %swap3A_286], %mul3A_282 {strides = array<i32>} : memref<80x64xf32, #tpu.memory_space<vmem>>, vector<16xf32>,
        %add3A_288 = arith.constant 4 : i32
        %add3A_289 = arith.addi %mul3A_64, %add3A_288 : i32
        %get3A_290 = arith.index_cast %add3A_289 : i32 to index
        %get3A_291 = arith.constant 32 : index
        %get3A_292 = tpu.vector_load %arg15[%get3A_290, %get3A_291] {strides = array<i32>} : memref<80x64xf32, #tpu.memory_space<vmem>>, vector<16xf32>,
        %mul3A_293 = vector.broadcast %squeeze3A_263 : f32 to vector<16xf32>
        %mul3A_294 = arith.mulf %get3A_292, %mul3A_293 : vector<16xf32>
        %add3A_295 = arith.constant 4 : i32
        %add3A_296 = arith.addi %mul3A_64, %add3A_295 : i32
        %swap3A_297 = arith.index_cast %add3A_296 : i32 to index
        %swap3A_298 = arith.constant 32 : index
        %swap3A_299 = tpu.vector_load %arg15[%swap3A_297, %swap3A_298] {strides = array<i32>} : memref<80x64xf32, #tpu.memory_space<vmem>>, vector<16xf32>,
        tpu.vector_store %arg15[%swap3A_297, %swap3A_298], %mul3A_294 {strides = array<i32>} : memref<80x64xf32, #tpu.memory_space<vmem>>, vector<16xf32>,
        %add3A_300 = arith.constant 4 : i32
        %add3A_301 = arith.addi %mul3A_64, %add3A_300 : i32
        %get3A_302 = arith.index_cast %add3A_301 : i32 to index
        %get3A_303 = arith.constant 48 : index
        %get3A_304 = tpu.vector_load %arg15[%get3A_302, %get3A_303] {strides = array<i32>} : memref<80x64xf32, #tpu.memory_space<vmem>>, vector<16xf32>,
        %mul3A_305 = vector.broadcast %squeeze3A_263 : f32 to vector<16xf32>
        %mul3A_306 = arith.mulf %get3A_304, %mul3A_305 : vector<16xf32>
        %add3A_307 = arith.constant 4 : i32
        %add3A_308 = arith.addi %mul3A_64, %add3A_307 : i32
        %swap3A_309 = arith.index_cast %add3A_308 : i32 to index
        %swap3A_310 = arith.constant 48 : index
        %swap3A_311 = tpu.vector_load %arg15[%swap3A_309, %swap3A_310] {strides = array<i32>} : memref<80x64xf32, #tpu.memory_space<vmem>>, vector<16xf32>,
        tpu.vector_store %arg15[%swap3A_309, %swap3A_310], %mul3A_306 {strides = array<i32>} : memref<80x64xf32, #tpu.memory_space<vmem>>, vector<16xf32>,
        %slice3A_312 = vector.extract_strided_slice %get3A_62 {offsets = [5], sizes = [1], strides = [1]} : vector<16xf32> to vector<1xf32>
        %squeeze3A_313 = vector.extract %slice3A_312[0] : f32 from vector<1xf32>
        %add3A_314 = arith.constant 5 : i32
        %add3A_315 = arith.addi %mul3A_64, %add3A_314 : i32
        %get3A_316 = arith.index_cast %add3A_315 : i32 to index
        %get3A_317 = arith.constant 0 : index
        %get3A_318 = tpu.vector_load %arg15[%get3A_316, %get3A_317] {strides = array<i32>} : memref<80x64xf32, #tpu.memory_space<vmem>>, vector<16xf32>,
        %mul3A_319 = vector.broadcast %squeeze3A_313 : f32 to vector<16xf32>
        %mul3A_320 = arith.mulf %get3A_318, %mul3A_319 : vector<16xf32>
        %add3A_321 = arith.constant 5 : i32
        %add3A_322 = arith.addi %mul3A_64, %add3A_321 : i32
        %swap3A_323 = arith.index_cast %add3A_322 : i32 to index
        %swap3A_324 = arith.constant 0 : index
        %swap3A_325 = tpu.vector_load %arg15[%swap3A_323, %swap3A_324] {strides = array<i32>} : memref<80x64xf32, #tpu.memory_space<vmem>>, vector<16xf32>,
        tpu.vector_store %arg15[%swap3A_323, %swap3A_324], %mul3A_320 {strides = array<i32>} : memref<80x64xf32, #tpu.memory_space<vmem>>, vector<16xf32>,
        %add3A_326 = arith.constant 5 : i32
        %add3A_327 = arith.addi %mul3A_64, %add3A_326 : i32
        %get3A_328 = arith.index_cast %add3A_327 : i32 to index
        %get3A_329 = arith.constant 16 : index
        %get3A_330 = tpu.vector_load %arg15[%get3A_328, %get3A_329] {strides = array<i32>} : memref<80x64xf32, #tpu.memory_space<vmem>>, vector<16xf32>,
        %mul3A_331 = vector.broadcast %squeeze3A_313 : f32 to vector<16xf32>
        %mul3A_332 = arith.mulf %get3A_330, %mul3A_331 : vector<16xf32>
        %add3A_333 = arith.constant 5 : i32
        %add3A_334 = arith.addi %mul3A_64, %add3A_333 : i32
        %swap3A_335 = arith.index_cast %add3A_334 : i32 to index
        %swap3A_336 = arith.constant 16 : index
        %swap3A_337 = tpu.vector_load %arg15[%swap3A_335, %swap3A_336] {strides = array<i32>} : memref<80x64xf32, #tpu.memory_space<vmem>>, vector<16xf32>,
        tpu.vector_store %arg15[%swap3A_335, %swap3A_336], %mul3A_332 {strides = array<i32>} : memref<80x64xf32, #tpu.memory_space<vmem>>, vector<16xf32>,
        %add3A_338 = arith.constant 5 : i32
        %add3A_339 = arith.addi %mul3A_64, %add3A_338 : i32
        %get3A_340 = arith.index_cast %add3A_339 : i32 to index
        %get3A_341 = arith.constant 32 : index
        %get3A_342 = tpu.vector_load %arg15[%get3A_340, %get3A_341] {strides = array<i32>} : memref<80x64xf32, #tpu.memory_space<vmem>>, vector<16xf32>,
        %mul3A_343 = vector.broadcast %squeeze3A_313 : f32 to vector<16xf32>
        %mul3A_344 = arith.mulf %get3A_342, %mul3A_343 : vector<16xf32>
        %add3A_345 = arith.constant 5 : i32
        %add3A_346 = arith.addi %mul3A_64, %add3A_345 : i32
        %swap3A_347 = arith.index_cast %add3A_346 : i32 to index
        %swap3A_348 = arith.constant 32 : index
        %swap3A_349 = tpu.vector_load %arg15[%swap3A_347, %swap3A_348] {strides = array<i32>} : memref<80x64xf32, #tpu.memory_space<vmem>>, vector<16xf32>,
        tpu.vector_store %arg15[%swap3A_347, %swap3A_348], %mul3A_344 {strides = array<i32>} : memref<80x64xf32, #tpu.memory_space<vmem>>, vector<16xf32>,
        %add3A_350 = arith.constant 5 : i32
        %add3A_351 = arith.addi %mul3A_64, %add3A_350 : i32
        %get3A_352 = arith.index_cast %add3A_351 : i32 to index
        %get3A_353 = arith.constant 48 : index
        %get3A_354 = tpu.vector_load %arg15[%get3A_352, %get3A_353] {strides = array<i32>} : memref<80x64xf32, #tpu.memory_space<vmem>>, vector<16xf32>,
        %mul3A_355 = vector.broadcast %squeeze3A_313 : f32 to vector<16xf32>
        %mul3A_356 = arith.mulf %get3A_354, %mul3A_355 : vector<16xf32>
        %add3A_357 = arith.constant 5 : i32
        %add3A_358 = arith.addi %mul3A_64, %add3A_357 : i32
        %swap3A_359 = arith.index_cast %add3A_358 : i32 to index
        %swap3A_360 = arith.constant 48 : index
        %swap3A_361 = tpu.vector_load %arg15[%swap3A_359, %swap3A_360] {strides = array<i32>} : memref<80x64xf32, #tpu.memory_space<vmem>>, vector<16xf32>,
        tpu.vector_store %arg15[%swap3A_359, %swap3A_360], %mul3A_356 {strides = array<i32>} : memref<80x64xf32, #tpu.memory_space<vmem>>, vector<16xf32>,
        %slice3A_362 = vector.extract_strided_slice %get3A_62 {offsets = [6], sizes = [1], strides = [1]} : vector<16xf32> to vector<1xf32>
        %squeeze3A_363 = vector.extract %slice3A_362[0] : f32 from vector<1xf32>
        %add3A_364 = arith.constant 6 : i32
        %add3A_365 = arith.addi %mul3A_64, %add3A_364 : i32
        %get3A_366 = arith.index_cast %add3A_365 : i32 to index
        %get3A_367 = arith.constant 0 : index
        %get3A_368 = tpu.vector_load %arg15[%get3A_366, %get3A_367] {strides = array<i32>} : memref<80x64xf32, #tpu.memory_space<vmem>>, vector<16xf32>,
        %mul3A_369 = vector.broadcast %squeeze3A_363 : f32 to vector<16xf32>
        %mul3A_370 = arith.mulf %get3A_368, %mul3A_369 : vector<16xf32>
        %add3A_371 = arith.constant 6 : i32
        %add3A_372 = arith.addi %mul3A_64, %add3A_371 : i32
        %swap3A_373 = arith.index_cast %add3A_372 : i32 to index
        %swap3A_374 = arith.constant 0 : index
        %swap3A_375 = tpu.vector_load %arg15[%swap3A_373, %swap3A_374] {strides = array<i32>} : memref<80x64xf32, #tpu.memory_space<vmem>>, vector<16xf32>,
        tpu.vector_store %arg15[%swap3A_373, %swap3A_374], %mul3A_370 {strides = array<i32>} : memref<80x64xf32, #tpu.memory_space<vmem>>, vector<16xf32>,
        %add3A_376 = arith.constant 6 : i32
        %add3A_377 = arith.addi %mul3A_64, %add3A_376 : i32
        %get3A_378 = arith.index_cast %add3A_377 : i32 to index
        %get3A_379 = arith.constant 16 : index
        %get3A_380 = tpu.vector_load %arg15[%get3A_378, %get3A_379] {strides = array<i32>} : memref<80x64xf32, #tpu.memory_space<vmem>>, vector<16xf32>,
        %mul3A_381 = vector.broadcast %squeeze3A_363 : f32 to vector<16xf32>
        %mul3A_382 = arith.mulf %get3A_380, %mul3A_381 : vector<16xf32>
        %add3A_383 = arith.constant 6 : i32
        %add3A_384 = arith.addi %mul3A_64, %add3A_383 : i32
        %swap3A_385 = arith.index_cast %add3A_384 : i32 to index
        %swap3A_386 = arith.constant 16 : index
        %swap3A_387 = tpu.vector_load %arg15[%swap3A_385, %swap3A_386] {strides = array<i32>} : memref<80x64xf32, #tpu.memory_space<vmem>>, vector<16xf32>,
        tpu.vector_store %arg15[%swap3A_385, %swap3A_386], %mul3A_382 {strides = array<i32>} : memref<80x64xf32, #tpu.memory_space<vmem>>, vector<16xf32>,
        %add3A_388 = arith.constant 6 : i32
        %add3A_389 = arith.addi %mul3A_64, %add3A_388 : i32
        %get3A_390 = arith.index_cast %add3A_389 : i32 to index
        %get3A_391 = arith.constant 32 : index
        %get3A_392 = tpu.vector_load %arg15[%get3A_390, %get3A_391] {strides = array<i32>} : memref<80x64xf32, #tpu.memory_space<vmem>>, vector<16xf32>,
        %mul3A_393 = vector.broadcast %squeeze3A_363 : f32 to vector<16xf32>
        %mul3A_394 = arith.mulf %get3A_392, %mul3A_393 : vector<16xf32>
        %add3A_395 = arith.constant 6 : i32
        %add3A_396 = arith.addi %mul3A_64, %add3A_395 : i32
        %swap3A_397 = arith.index_cast %add3A_396 : i32 to index
        %swap3A_398 = arith.constant 32 : index
        %swap3A_399 = tpu.vector_load %arg15[%swap3A_397, %swap3A_398] {strides = array<i32>} : memref<80x64xf32, #tpu.memory_space<vmem>>, vector<16xf32>,
        tpu.vector_store %arg15[%swap3A_397, %swap3A_398], %mul3A_394 {strides = array<i32>} : memref<80x64xf32, #tpu.memory_space<vmem>>, vector<16xf32>,
        %add3A_400 = arith.constant 6 : i32
        %add3A_401 = arith.addi %mul3A_64, %add3A_400 : i32
        %get3A_402 = arith.index_cast %add3A_401 : i32 to index
        %get3A_403 = arith.constant 48 : index
        %get3A_404 = tpu.vector_load %arg15[%get3A_402, %get3A_403] {strides = array<i32>} : memref<80x64xf32, #tpu.memory_space<vmem>>, vector<16xf32>,
        %mul3A_405 = vector.broadcast %squeeze3A_363 : f32 to vector<16xf32>
        %mul3A_406 = arith.mulf %get3A_404, %mul3A_405 : vector<16xf32>
        %add3A_407 = arith.constant 6 : i32
        %add3A_408 = arith.addi %mul3A_64, %add3A_407 : i32
        %swap3A_409 = arith.index_cast %add3A_408 : i32 to index
        %swap3A_410 = arith.constant 48 : index
        %swap3A_411 = tpu.vector_load %arg15[%swap3A_409, %swap3A_410] {strides = array<i32>} : memref<80x64xf32, #tpu.memory_space<vmem>>, vector<16xf32>,
        tpu.vector_store %arg15[%swap3A_409, %swap3A_410], %mul3A_406 {strides = array<i32>} : memref<80x64xf32, #tpu.memory_space<vmem>>, vector<16xf32>,
        %slice3A_412 = vector.extract_strided_slice %get3A_62 {offsets = [7], sizes = [1], strides = [1]} : vector<16xf32> to vector<1xf32>
        %squeeze3A_413 = vector.extract %slice3A_412[0] : f32 from vector<1xf32>
        %add3A_414 = arith.constant 7 : i32
        %add3A_415 = arith.addi %mul3A_64, %add3A_414 : i32
        %get3A_416 = arith.index_cast %add3A_415 : i32 to index
        %get3A_417 = arith.constant 0 : index
        %get3A_418 = tpu.vector_load %arg15[%get3A_416, %get3A_417] {strides = array<i32>} : memref<80x64xf32, #tpu.memory_space<vmem>>, vector<16xf32>,
        %mul3A_419 = vector.broadcast %squeeze3A_413 : f32 to vector<16xf32>
        %mul3A_420 = arith.mulf %get3A_418, %mul3A_419 : vector<16xf32>
        %add3A_421 = arith.constant 7 : i32
        %add3A_422 = arith.addi %mul3A_64, %add3A_421 : i32
        %swap3A_423 = arith.index_cast %add3A_422 : i32 to index
        %swap3A_424 = arith.constant 0 : index
        %swap3A_425 = tpu.vector_load %arg15[%swap3A_423, %swap3A_424] {strides = array<i32>} : memref<80x64xf32, #tpu.memory_space<vmem>>, vector<16xf32>,
        tpu.vector_store %arg15[%swap3A_423, %swap3A_424], %mul3A_420 {strides = array<i32>} : memref<80x64xf32, #tpu.memory_space<vmem>>, vector<16xf32>,
        %add3A_426 = arith.constant 7 : i32
        %add3A_427 = arith.addi %mul3A_64, %add3A_426 : i32
        %get3A_428 = arith.index_cast %add3A_427 : i32 to index
        %get3A_429 = arith.constant 16 : index
        %get3A_430 = tpu.vector_load %arg15[%get3A_428, %get3A_429] {strides = array<i32>} : memref<80x64xf32, #tpu.memory_space<vmem>>, vector<16xf32>,
        %mul3A_431 = vector.broadcast %squeeze3A_413 : f32 to vector<16xf32>
        %mul3A_432 = arith.mulf %get3A_430, %mul3A_431 : vector<16xf32>
        %add3A_433 = arith.constant 7 : i32
        %add3A_434 = arith.addi %mul3A_64, %add3A_433 : i32
        %swap3A_435 = arith.index_cast %add3A_434 : i32 to index
        %swap3A_436 = arith.constant 16 : index
        %swap3A_437 = tpu.vector_load %arg15[%swap3A_435, %swap3A_436] {strides = array<i32>} : memref<80x64xf32, #tpu.memory_space<vmem>>, vector<16xf32>,
        tpu.vector_store %arg15[%swap3A_435, %swap3A_436], %mul3A_432 {strides = array<i32>} : memref<80x64xf32, #tpu.memory_space<vmem>>, vector<16xf32>,
        %add3A_438 = arith.constant 7 : i32
        %add3A_439 = arith.addi %mul3A_64, %add3A_438 : i32
        %get3A_440 = arith.index_cast %add3A_439 : i32 to index
        %get3A_441 = arith.constant 32 : index
        %get3A_442 = tpu.vector_load %arg15[%get3A_440, %get3A_441] {strides = array<i32>} : memref<80x64xf32, #tpu.memory_space<vmem>>, vector<16xf32>,
        %mul3A_443 = vector.broadcast %squeeze3A_413 : f32 to vector<16xf32>
        %mul3A_444 = arith.mulf %get3A_442, %mul3A_443 : vector<16xf32>
        %add3A_445 = arith.constant 7 : i32
        %add3A_446 = arith.addi %mul3A_64, %add3A_445 : i32
        %swap3A_447 = arith.index_cast %add3A_446 : i32 to index
        %swap3A_448 = arith.constant 32 : index
        %swap3A_449 = tpu.vector_load %arg15[%swap3A_447, %swap3A_448] {strides = array<i32>} : memref<80x64xf32, #tpu.memory_space<vmem>>, vector<16xf32>,
        tpu.vector_store %arg15[%swap3A_447, %swap3A_448], %mul3A_444 {strides = array<i32>} : memref<80x64xf32, #tpu.memory_space<vmem>>, vector<16xf32>,
        %add3A_450 = arith.constant 7 : i32
        %add3A_451 = arith.addi %mul3A_64, %add3A_450 : i32
        %get3A_452 = arith.index_cast %add3A_451 : i32 to index
        %get3A_453 = arith.constant 48 : index
        %get3A_454 = tpu.vector_load %arg15[%get3A_452, %get3A_453] {strides = array<i32>} : memref<80x64xf32, #tpu.memory_space<vmem>>, vector<16xf32>,
        %mul3A_455 = vector.broadcast %squeeze3A_413 : f32 to vector<16xf32>
        %mul3A_456 = arith.mulf %get3A_454, %mul3A_455 : vector<16xf32>
        %add3A_457 = arith.constant 7 : i32
        %add3A_458 = arith.addi %mul3A_64, %add3A_457 : i32
        %swap3A_459 = arith.index_cast %add3A_458 : i32 to index
        %swap3A_460 = arith.constant 48 : index
        %swap3A_461 = tpu.vector_load %arg15[%swap3A_459, %swap3A_460] {strides = array<i32>} : memref<80x64xf32, #tpu.memory_space<vmem>>, vector<16xf32>,
        tpu.vector_store %arg15[%swap3A_459, %swap3A_460], %mul3A_456 {strides = array<i32>} : memref<80x64xf32, #tpu.memory_space<vmem>>, vector<16xf32>,
        %slice3A_462 = vector.extract_strided_slice %get3A_62 {offsets = [8], sizes = [1], strides = [1]} : vector<16xf32> to vector<1xf32>
        %squeeze3A_463 = vector.extract %slice3A_462[0] : f32 from vector<1xf32>
        %add3A_464 = arith.constant 8 : i32
        %add3A_465 = arith.addi %mul3A_64, %add3A_464 : i32
        %get3A_466 = arith.index_cast %add3A_465 : i32 to index
        %get3A_467 = arith.constant 0 : index
        %get3A_468 = tpu.vector_load %arg15[%get3A_466, %get3A_467] {strides = array<i32>} : memref<80x64xf32, #tpu.memory_space<vmem>>, vector<16xf32>,
        %mul3A_469 = vector.broadcast %squeeze3A_463 : f32 to vector<16xf32>
        %mul3A_470 = arith.mulf %get3A_468, %mul3A_469 : vector<16xf32>
        %add3A_471 = arith.constant 8 : i32
        %add3A_472 = arith.addi %mul3A_64, %add3A_471 : i32
        %swap3A_473 = arith.index_cast %add3A_472 : i32 to index
        %swap3A_474 = arith.constant 0 : index
        %swap3A_475 = tpu.vector_load %arg15[%swap3A_473, %swap3A_474] {strides = array<i32>} : memref<80x64xf32, #tpu.memory_space<vmem>>, vector<16xf32>,
        tpu.vector_store %arg15[%swap3A_473, %swap3A_474], %mul3A_470 {strides = array<i32>} : memref<80x64xf32, #tpu.memory_space<vmem>>, vector<16xf32>,
        %add3A_476 = arith.constant 8 : i32
        %add3A_477 = arith.addi %mul3A_64, %add3A_476 : i32
        %get3A_478 = arith.index_cast %add3A_477 : i32 to index
        %get3A_479 = arith.constant 16 : index
        %get3A_480 = tpu.vector_load %arg15[%get3A_478, %get3A_479] {strides = array<i32>} : memref<80x64xf32, #tpu.memory_space<vmem>>, vector<16xf32>,
        %mul3A_481 = vector.broadcast %squeeze3A_463 : f32 to vector<16xf32>
        %mul3A_482 = arith.mulf %get3A_480, %mul3A_481 : vector<16xf32>
        %add3A_483 = arith.constant 8 : i32
        %add3A_484 = arith.addi %mul3A_64, %add3A_483 : i32
        %swap3A_485 = arith.index_cast %add3A_484 : i32 to index
        %swap3A_486 = arith.constant 16 : index
        %swap3A_487 = tpu.vector_load %arg15[%swap3A_485, %swap3A_486] {strides = array<i32>} : memref<80x64xf32, #tpu.memory_space<vmem>>, vector<16xf32>,
        tpu.vector_store %arg15[%swap3A_485, %swap3A_486], %mul3A_482 {strides = array<i32>} : memref<80x64xf32, #tpu.memory_space<vmem>>, vector<16xf32>,
        %add3A_488 = arith.constant 8 : i32
        %add3A_489 = arith.addi %mul3A_64, %add3A_488 : i32
        %get3A_490 = arith.index_cast %add3A_489 : i32 to index
        %get3A_491 = arith.constant 32 : index
        %get3A_492 = tpu.vector_load %arg15[%get3A_490, %get3A_491] {strides = array<i32>} : memref<80x64xf32, #tpu.memory_space<vmem>>, vector<16xf32>,
        %mul3A_493 = vector.broadcast %squeeze3A_463 : f32 to vector<16xf32>
        %mul3A_494 = arith.mulf %get3A_492, %mul3A_493 : vector<16xf32>
        %add3A_495 = arith.constant 8 : i32
        %add3A_496 = arith.addi %mul3A_64, %add3A_495 : i32
        %swap3A_497 = arith.index_cast %add3A_496 : i32 to index
        %swap3A_498 = arith.constant 32 : index
        %swap3A_499 = tpu.vector_load %arg15[%swap3A_497, %swap3A_498] {strides = array<i32>} : memref<80x64xf32, #tpu.memory_space<vmem>>, vector<16xf32>,
        tpu.vector_store %arg15[%swap3A_497, %swap3A_498], %mul3A_494 {strides = array<i32>} : memref<80x64xf32, #tpu.memory_space<vmem>>, vector<16xf32>,
        %add3A_500 = arith.constant 8 : i32
        %add3A_501 = arith.addi %mul3A_64, %add3A_500 : i32
        %get3A_502 = arith.index_cast %add3A_501 : i32 to index
        %get3A_503 = arith.constant 48 : index
        %get3A_504 = tpu.vector_load %arg15[%get3A_502, %get3A_503] {strides = array<i32>} : memref<80x64xf32, #tpu.memory_space<vmem>>, vector<16xf32>,
        %mul3A_505 = vector.broadcast %squeeze3A_463 : f32 to vector<16xf32>
        %mul3A_506 = arith.mulf %get3A_504, %mul3A_505 : vector<16xf32>
        %add3A_507 = arith.constant 8 : i32
        %add3A_508 = arith.addi %mul3A_64, %add3A_507 : i32
        %swap3A_509 = arith.index_cast %add3A_508 : i32 to index
        %swap3A_510 = arith.constant 48 : index
        %swap3A_511 = tpu.vector_load %arg15[%swap3A_509, %swap3A_510] {strides = array<i32>} : memref<80x64xf32, #tpu.memory_space<vmem>>, vector<16xf32>,
        tpu.vector_store %arg15[%swap3A_509, %swap3A_510], %mul3A_506 {strides = array<i32>} : memref<80x64xf32, #tpu.memory_space<vmem>>, vector<16xf32>,
        %slice3A_512 = vector.extract_strided_slice %get3A_62 {offsets = [9], sizes = [1], strides = [1]} : vector<16xf32> to vector<1xf32>
        %squeeze3A_513 = vector.extract %slice3A_512[0] : f32 from vector<1xf32>
        %add3A_514 = arith.constant 9 : i32
        %add3A_515 = arith.addi %mul3A_64, %add3A_514 : i32
        %get3A_516 = arith.index_cast %add3A_515 : i32 to index
        %get3A_517 = arith.constant 0 : index
        %get3A_518 = tpu.vector_load %arg15[%get3A_516, %get3A_517] {strides = array<i32>} : memref<80x64xf32, #tpu.memory_space<vmem>>, vector<16xf32>,
        %mul3A_519 = vector.broadcast %squeeze3A_513 : f32 to vector<16xf32>
        %mul3A_520 = arith.mulf %get3A_518, %mul3A_519 : vector<16xf32>
        %add3A_521 = arith.constant 9 : i32
        %add3A_522 = arith.addi %mul3A_64, %add3A_521 : i32
        %swap3A_523 = arith.index_cast %add3A_522 : i32 to index
        %swap3A_524 = arith.constant 0 : index
        %swap3A_525 = tpu.vector_load %arg15[%swap3A_523, %swap3A_524] {strides = array<i32>} : memref<80x64xf32, #tpu.memory_space<vmem>>, vector<16xf32>,
        tpu.vector_store %arg15[%swap3A_523, %swap3A_524], %mul3A_520 {strides = array<i32>} : memref<80x64xf32, #tpu.memory_space<vmem>>, vector<16xf32>,
        %add3A_526 = arith.constant 9 : i32
        %add3A_527 = arith.addi %mul3A_64, %add3A_526 : i32
        %get3A_528 = arith.index_cast %add3A_527 : i32 to index
        %get3A_529 = arith.constant 16 : index
        %get3A_530 = tpu.vector_load %arg15[%get3A_528, %get3A_529] {strides = array<i32>} : memref<80x64xf32, #tpu.memory_space<vmem>>, vector<16xf32>,
        %mul3A_531 = vector.broadcast %squeeze3A_513 : f32 to vector<16xf32>
        %mul3A_532 = arith.mulf %get3A_530, %mul3A_531 : vector<16xf32>
        %add3A_533 = arith.constant 9 : i32
        %add3A_534 = arith.addi %mul3A_64, %add3A_533 : i32
        %swap3A_535 = arith.index_cast %add3A_534 : i32 to index
        %swap3A_536 = arith.constant 16 : index
        %swap3A_537 = tpu.vector_load %arg15[%swap3A_535, %swap3A_536] {strides = array<i32>} : memref<80x64xf32, #tpu.memory_space<vmem>>, vector<16xf32>,
        tpu.vector_store %arg15[%swap3A_535, %swap3A_536], %mul3A_532 {strides = array<i32>} : memref<80x64xf32, #tpu.memory_space<vmem>>, vector<16xf32>,
        %add3A_538 = arith.constant 9 : i32
        %add3A_539 = arith.addi %mul3A_64, %add3A_538 : i32
        %get3A_540 = arith.index_cast %add3A_539 : i32 to index
        %get3A_541 = arith.constant 32 : index
        %get3A_542 = tpu.vector_load %arg15[%get3A_540, %get3A_541] {strides = array<i32>} : memref<80x64xf32, #tpu.memory_space<vmem>>, vector<16xf32>,
        %mul3A_543 = vector.broadcast %squeeze3A_513 : f32 to vector<16xf32>
        %mul3A_544 = arith.mulf %get3A_542, %mul3A_543 : vector<16xf32>
        %add3A_545 = arith.constant 9 : i32
        %add3A_546 = arith.addi %mul3A_64, %add3A_545 : i32
        %swap3A_547 = arith.index_cast %add3A_546 : i32 to index
        %swap3A_548 = arith.constant 32 : index
        %swap3A_549 = tpu.vector_load %arg15[%swap3A_547, %swap3A_548] {strides = array<i32>} : memref<80x64xf32, #tpu.memory_space<vmem>>, vector<16xf32>,
        tpu.vector_store %arg15[%swap3A_547, %swap3A_548], %mul3A_544 {strides = array<i32>} : memref<80x64xf32, #tpu.memory_space<vmem>>, vector<16xf32>,
        %add3A_550 = arith.constant 9 : i32
        %add3A_551 = arith.addi %mul3A_64, %add3A_550 : i32
        %get3A_552 = arith.index_cast %add3A_551 : i32 to index
        %get3A_553 = arith.constant 48 : index
        %get3A_554 = tpu.vector_load %arg15[%get3A_552, %get3A_553] {strides = array<i32>} : memref<80x64xf32, #tpu.memory_space<vmem>>, vector<16xf32>,
        %mul3A_555 = vector.broadcast %squeeze3A_513 : f32 to vector<16xf32>
        %mul3A_556 = arith.mulf %get3A_554, %mul3A_555 : vector<16xf32>
        %add3A_557 = arith.constant 9 : i32
        %add3A_558 = arith.addi %mul3A_64, %add3A_557 : i32
        %swap3A_559 = arith.index_cast %add3A_558 : i32 to index
        %swap3A_560 = arith.constant 48 : index
        %swap3A_561 = tpu.vector_load %arg15[%swap3A_559, %swap3A_560] {strides = array<i32>} : memref<80x64xf32, #tpu.memory_space<vmem>>, vector<16xf32>,
        tpu.vector_store %arg15[%swap3A_559, %swap3A_560], %mul3A_556 {strides = array<i32>} : memref<80x64xf32, #tpu.memory_space<vmem>>, vector<16xf32>,
        %slice3A_562 = vector.extract_strided_slice %get3A_62 {offsets = [10], sizes = [1], strides = [1]} : vector<16xf32> to vector<1xf32>
        %squeeze3A_563 = vector.extract %slice3A_562[0] : f32 from vector<1xf32>
        %add3A_564 = arith.constant 10 : i32
        %add3A_565 = arith.addi %mul3A_64, %add3A_564 : i32
        %get3A_566 = arith.index_cast %add3A_565 : i32 to index
        %get3A_567 = arith.constant 0 : index
        %get3A_568 = tpu.vector_load %arg15[%get3A_566, %get3A_567] {strides = array<i32>} : memref<80x64xf32, #tpu.memory_space<vmem>>, vector<16xf32>,
        %mul3A_569 = vector.broadcast %squeeze3A_563 : f32 to vector<16xf32>
        %mul3A_570 = arith.mulf %get3A_568, %mul3A_569 : vector<16xf32>
        %add3A_571 = arith.constant 10 : i32
        %add3A_572 = arith.addi %mul3A_64, %add3A_571 : i32
        %swap3A_573 = arith.index_cast %add3A_572 : i32 to index
        %swap3A_574 = arith.constant 0 : index
        %swap3A_575 = tpu.vector_load %arg15[%swap3A_573, %swap3A_574] {strides = array<i32>} : memref<80x64xf32, #tpu.memory_space<vmem>>, vector<16xf32>,
        tpu.vector_store %arg15[%swap3A_573, %swap3A_574], %mul3A_570 {strides = array<i32>} : memref<80x64xf32, #tpu.memory_space<vmem>>, vector<16xf32>,
        %add3A_576 = arith.constant 10 : i32
        %add3A_577 = arith.addi %mul3A_64, %add3A_576 : i32
        %get3A_578 = arith.index_cast %add3A_577 : i32 to index
        %get3A_579 = arith.constant 16 : index
        %get3A_580 = tpu.vector_load %arg15[%get3A_578, %get3A_579] {strides = array<i32>} : memref<80x64xf32, #tpu.memory_space<vmem>>, vector<16xf32>,
        %mul3A_581 = vector.broadcast %squeeze3A_563 : f32 to vector<16xf32>
        %mul3A_582 = arith.mulf %get3A_580, %mul3A_581 : vector<16xf32>
        %add3A_583 = arith.constant 10 : i32
        %add3A_584 = arith.addi %mul3A_64, %add3A_583 : i32
        %swap3A_585 = arith.index_cast %add3A_584 : i32 to index
        %swap3A_586 = arith.constant 16 : index
        %swap3A_587 = tpu.vector_load %arg15[%swap3A_585, %swap3A_586] {strides = array<i32>} : memref<80x64xf32, #tpu.memory_space<vmem>>, vector<16xf32>,
        tpu.vector_store %arg15[%swap3A_585, %swap3A_586], %mul3A_582 {strides = array<i32>} : memref<80x64xf32, #tpu.memory_space<vmem>>, vector<16xf32>,
        %add3A_588 = arith.constant 10 : i32
        %add3A_589 = arith.addi %mul3A_64, %add3A_588 : i32
        %get3A_590 = arith.index_cast %add3A_589 : i32 to index
        %get3A_591 = arith.constant 32 : index
        %get3A_592 = tpu.vector_load %arg15[%get3A_590, %get3A_591] {strides = array<i32>} : memref<80x64xf32, #tpu.memory_space<vmem>>, vector<16xf32>,
        %mul3A_593 = vector.broadcast %squeeze3A_563 : f32 to vector<16xf32>
        %mul3A_594 = arith.mulf %get3A_592, %mul3A_593 : vector<16xf32>
        %add3A_595 = arith.constant 10 : i32
        %add3A_596 = arith.addi %mul3A_64, %add3A_595 : i32
        %swap3A_597 = arith.index_cast %add3A_596 : i32 to index
        %swap3A_598 = arith.constant 32 : index
        %swap3A_599 = tpu.vector_load %arg15[%swap3A_597, %swap3A_598] {strides = array<i32>} : memref<80x64xf32, #tpu.memory_space<vmem>>, vector<16xf32>,
        tpu.vector_store %arg15[%swap3A_597, %swap3A_598], %mul3A_594 {strides = array<i32>} : memref<80x64xf32, #tpu.memory_space<vmem>>, vector<16xf32>,
        %add3A_600 = arith.constant 10 : i32
        %add3A_601 = arith.addi %mul3A_64, %add3A_600 : i32
        %get3A_602 = arith.index_cast %add3A_601 : i32 to index
        %get3A_603 = arith.constant 48 : index
        %get3A_604 = tpu.vector_load %arg15[%get3A_602, %get3A_603] {strides = array<i32>} : memref<80x64xf32, #tpu.memory_space<vmem>>, vector<16xf32>,
        %mul3A_605 = vector.broadcast %squeeze3A_563 : f32 to vector<16xf32>
        %mul3A_606 = arith.mulf %get3A_604, %mul3A_605 : vector<16xf32>
        %add3A_607 = arith.constant 10 : i32
        %add3A_608 = arith.addi %mul3A_64, %add3A_607 : i32
        %swap3A_609 = arith.index_cast %add3A_608 : i32 to index
        %swap3A_610 = arith.constant 48 : index
        %swap3A_611 = tpu.vector_load %arg15[%swap3A_609, %swap3A_610] {strides = array<i32>} : memref<80x64xf32, #tpu.memory_space<vmem>>, vector<16xf32>,
        tpu.vector_store %arg15[%swap3A_609, %swap3A_610], %mul3A_606 {strides = array<i32>} : memref<80x64xf32, #tpu.memory_space<vmem>>, vector<16xf32>,
        %slice3A_612 = vector.extract_strided_slice %get3A_62 {offsets = [11], sizes = [1], strides = [1]} : vector<16xf32> to vector<1xf32>
        %squeeze3A_613 = vector.extract %slice3A_612[0] : f32 from vector<1xf32>
        %add3A_614 = arith.constant 11 : i32
        %add3A_615 = arith.addi %mul3A_64, %add3A_614 : i32
        %get3A_616 = arith.index_cast %add3A_615 : i32 to index
        %get3A_617 = arith.constant 0 : index
        %get3A_618 = tpu.vector_load %arg15[%get3A_616, %get3A_617] {strides = array<i32>} : memref<80x64xf32, #tpu.memory_space<vmem>>, vector<16xf32>,
        %mul3A_619 = vector.broadcast %squeeze3A_613 : f32 to vector<16xf32>
        %mul3A_620 = arith.mulf %get3A_618, %mul3A_619 : vector<16xf32>
        %add3A_621 = arith.constant 11 : i32
        %add3A_622 = arith.addi %mul3A_64, %add3A_621 : i32
        %swap3A_623 = arith.index_cast %add3A_622 : i32 to index
        %swap3A_624 = arith.constant 0 : index
        %swap3A_625 = tpu.vector_load %arg15[%swap3A_623, %swap3A_624] {strides = array<i32>} : memref<80x64xf32, #tpu.memory_space<vmem>>, vector<16xf32>,
        tpu.vector_store %arg15[%swap3A_623, %swap3A_624], %mul3A_620 {strides = array<i32>} : memref<80x64xf32, #tpu.memory_space<vmem>>, vector<16xf32>,
        %add3A_626 = arith.constant 11 : i32
        %add3A_627 = arith.addi %mul3A_64, %add3A_626 : i32
        %get3A_628 = arith.index_cast %add3A_627 : i32 to index
        %get3A_629 = arith.constant 16 : index
        %get3A_630 = tpu.vector_load %arg15[%get3A_628, %get3A_629] {strides = array<i32>} : memref<80x64xf32, #tpu.memory_space<vmem>>, vector<16xf32>,
        %mul3A_631 = vector.broadcast %squeeze3A_613 : f32 to vector<16xf32>
        %mul3A_632 = arith.mulf %get3A_630, %mul3A_631 : vector<16xf32>
        %add3A_633 = arith.constant 11 : i32
        %add3A_634 = arith.addi %mul3A_64, %add3A_633 : i32
        %swap3A_635 = arith.index_cast %add3A_634 : i32 to index
        %swap3A_636 = arith.constant 16 : index
        %swap3A_637 = tpu.vector_load %arg15[%swap3A_635, %swap3A_636] {strides = array<i32>} : memref<80x64xf32, #tpu.memory_space<vmem>>, vector<16xf32>,
        tpu.vector_store %arg15[%swap3A_635, %swap3A_636], %mul3A_632 {strides = array<i32>} : memref<80x64xf32, #tpu.memory_space<vmem>>, vector<16xf32>,
        %add3A_638 = arith.constant 11 : i32
        %add3A_639 = arith.addi %mul3A_64, %add3A_638 : i32
        %get3A_640 = arith.index_cast %add3A_639 : i32 to index
        %get3A_641 = arith.constant 32 : index
        %get3A_642 = tpu.vector_load %arg15[%get3A_640, %get3A_641] {strides = array<i32>} : memref<80x64xf32, #tpu.memory_space<vmem>>, vector<16xf32>,
        %mul3A_643 = vector.broadcast %squeeze3A_613 : f32 to vector<16xf32>
        %mul3A_644 = arith.mulf %get3A_642, %mul3A_643 : vector<16xf32>
        %add3A_645 = arith.constant 11 : i32
        %add3A_646 = arith.addi %mul3A_64, %add3A_645 : i32
        %swap3A_647 = arith.index_cast %add3A_646 : i32 to index
        %swap3A_648 = arith.constant 32 : index
        %swap3A_649 = tpu.vector_load %arg15[%swap3A_647, %swap3A_648] {strides = array<i32>} : memref<80x64xf32, #tpu.memory_space<vmem>>, vector<16xf32>,
        tpu.vector_store %arg15[%swap3A_647, %swap3A_648], %mul3A_644 {strides = array<i32>} : memref<80x64xf32, #tpu.memory_space<vmem>>, vector<16xf32>,
        %add3A_650 = arith.constant 11 : i32
        %add3A_651 = arith.addi %mul3A_64, %add3A_650 : i32
        %get3A_652 = arith.index_cast %add3A_651 : i32 to index
        %get3A_653 = arith.constant 48 : index
        %get3A_654 = tpu.vector_load %arg15[%get3A_652, %get3A_653] {strides = array<i32>} : memref<80x64xf32, #tpu.memory_space<vmem>>, vector<16xf32>,
        %mul3A_655 = vector.broadcast %squeeze3A_613 : f32 to vector<16xf32>
        %mul3A_656 = arith.mulf %get3A_654, %mul3A_655 : vector<16xf32>
        %add3A_657 = arith.constant 11 : i32
        %add3A_658 = arith.addi %mul3A_64, %add3A_657 : i32
        %swap3A_659 = arith.index_cast %add3A_658 : i32 to index
        %swap3A_660 = arith.constant 48 : index
        %swap3A_661 = tpu.vector_load %arg15[%swap3A_659, %swap3A_660] {strides = array<i32>} : memref<80x64xf32, #tpu.memory_space<vmem>>, vector<16xf32>,
        tpu.vector_store %arg15[%swap3A_659, %swap3A_660], %mul3A_656 {strides = array<i32>} : memref<80x64xf32, #tpu.memory_space<vmem>>, vector<16xf32>,
        %slice3A_662 = vector.extract_strided_slice %get3A_62 {offsets = [12], sizes = [1], strides = [1]} : vector<16xf32> to vector<1xf32>
        %squeeze3A_663 = vector.extract %slice3A_662[0] : f32 from vector<1xf32>
        %add3A_664 = arith.constant 12 : i32
        %add3A_665 = arith.addi %mul3A_64, %add3A_664 : i32
        %get3A_666 = arith.index_cast %add3A_665 : i32 to index
        %get3A_667 = arith.constant 0 : index
        %get3A_668 = tpu.vector_load %arg15[%get3A_666, %get3A_667] {strides = array<i32>} : memref<80x64xf32, #tpu.memory_space<vmem>>, vector<16xf32>,
        %mul3A_669 = vector.broadcast %squeeze3A_663 : f32 to vector<16xf32>
        %mul3A_670 = arith.mulf %get3A_668, %mul3A_669 : vector<16xf32>
        %add3A_671 = arith.constant 12 : i32
        %add3A_672 = arith.addi %mul3A_64, %add3A_671 : i32
        %swap3A_673 = arith.index_cast %add3A_672 : i32 to index
        %swap3A_674 = arith.constant 0 : index
        %swap3A_675 = tpu.vector_load %arg15[%swap3A_673, %swap3A_674] {strides = array<i32>} : memref<80x64xf32, #tpu.memory_space<vmem>>, vector<16xf32>,
        tpu.vector_store %arg15[%swap3A_673, %swap3A_674], %mul3A_670 {strides = array<i32>} : memref<80x64xf32, #tpu.memory_space<vmem>>, vector<16xf32>,
        %add3A_676 = arith.constant 12 : i32
        %add3A_677 = arith.addi %mul3A_64, %add3A_676 : i32
        %get3A_678 = arith.index_cast %add3A_677 : i32 to index
        %get3A_679 = arith.constant 16 : index
        %get3A_680 = tpu.vector_load %arg15[%get3A_678, %get3A_679] {strides = array<i32>} : memref<80x64xf32, #tpu.memory_space<vmem>>, vector<16xf32>,
        %mul3A_681 = vector.broadcast %squeeze3A_663 : f32 to vector<16xf32>
        %mul3A_682 = arith.mulf %get3A_680, %mul3A_681 : vector<16xf32>
        %add3A_683 = arith.constant 12 : i32
        %add3A_684 = arith.addi %mul3A_64, %add3A_683 : i32
        %swap3A_685 = arith.index_cast %add3A_684 : i32 to index
        %swap3A_686 = arith.constant 16 : index
        %swap3A_687 = tpu.vector_load %arg15[%swap3A_685, %swap3A_686] {strides = array<i32>} : memref<80x64xf32, #tpu.memory_space<vmem>>, vector<16xf32>,
        tpu.vector_store %arg15[%swap3A_685, %swap3A_686], %mul3A_682 {strides = array<i32>} : memref<80x64xf32, #tpu.memory_space<vmem>>, vector<16xf32>,
        %add3A_688 = arith.constant 12 : i32
        %add3A_689 = arith.addi %mul3A_64, %add3A_688 : i32
        %get3A_690 = arith.index_cast %add3A_689 : i32 to index
        %get3A_691 = arith.constant 32 : index
        %get3A_692 = tpu.vector_load %arg15[%get3A_690, %get3A_691] {strides = array<i32>} : memref<80x64xf32, #tpu.memory_space<vmem>>, vector<16xf32>,
        %mul3A_693 = vector.broadcast %squeeze3A_663 : f32 to vector<16xf32>
        %mul3A_694 = arith.mulf %get3A_692, %mul3A_693 : vector<16xf32>
        %add3A_695 = arith.constant 12 : i32
        %add3A_696 = arith.addi %mul3A_64, %add3A_695 : i32
        %swap3A_697 = arith.index_cast %add3A_696 : i32 to index
        %swap3A_698 = arith.constant 32 : index
        %swap3A_699 = tpu.vector_load %arg15[%swap3A_697, %swap3A_698] {strides = array<i32>} : memref<80x64xf32, #tpu.memory_space<vmem>>, vector<16xf32>,
        tpu.vector_store %arg15[%swap3A_697, %swap3A_698], %mul3A_694 {strides = array<i32>} : memref<80x64xf32, #tpu.memory_space<vmem>>, vector<16xf32>,
        %add3A_700 = arith.constant 12 : i32
        %add3A_701 = arith.addi %mul3A_64, %add3A_700 : i32
        %get3A_702 = arith.index_cast %add3A_701 : i32 to index
        %get3A_703 = arith.constant 48 : index
        %get3A_704 = tpu.vector_load %arg15[%get3A_702, %get3A_703] {strides = array<i32>} : memref<80x64xf32, #tpu.memory_space<vmem>>, vector<16xf32>,
        %mul3A_705 = vector.broadcast %squeeze3A_663 : f32 to vector<16xf32>
        %mul3A_706 = arith.mulf %get3A_704, %mul3A_705 : vector<16xf32>
        %add3A_707 = arith.constant 12 : i32
        %add3A_708 = arith.addi %mul3A_64, %add3A_707 : i32
        %swap3A_709 = arith.index_cast %add3A_708 : i32 to index
        %swap3A_710 = arith.constant 48 : index
        %swap3A_711 = tpu.vector_load %arg15[%swap3A_709, %swap3A_710] {strides = array<i32>} : memref<80x64xf32, #tpu.memory_space<vmem>>, vector<16xf32>,
        tpu.vector_store %arg15[%swap3A_709, %swap3A_710], %mul3A_706 {strides = array<i32>} : memref<80x64xf32, #tpu.memory_space<vmem>>, vector<16xf32>,
        %slice3A_712 = vector.extract_strided_slice %get3A_62 {offsets = [13], sizes = [1], strides = [1]} : vector<16xf32> to vector<1xf32>
        %squeeze3A_713 = vector.extract %slice3A_712[0] : f32 from vector<1xf32>
        %add3A_714 = arith.constant 13 : i32
        %add3A_715 = arith.addi %mul3A_64, %add3A_714 : i32
        %get3A_716 = arith.index_cast %add3A_715 : i32 to index
        %get3A_717 = arith.constant 0 : index
        %get3A_718 = tpu.vector_load %arg15[%get3A_716, %get3A_717] {strides = array<i32>} : memref<80x64xf32, #tpu.memory_space<vmem>>, vector<16xf32>,
        %mul3A_719 = vector.broadcast %squeeze3A_713 : f32 to vector<16xf32>
        %mul3A_720 = arith.mulf %get3A_718, %mul3A_719 : vector<16xf32>
        %add3A_721 = arith.constant 13 : i32
        %add3A_722 = arith.addi %mul3A_64, %add3A_721 : i32
        %swap3A_723 = arith.index_cast %add3A_722 : i32 to index
        %swap3A_724 = arith.constant 0 : index
        %swap3A_725 = tpu.vector_load %arg15[%swap3A_723, %swap3A_724] {strides = array<i32>} : memref<80x64xf32, #tpu.memory_space<vmem>>, vector<16xf32>,
        tpu.vector_store %arg15[%swap3A_723, %swap3A_724], %mul3A_720 {strides = array<i32>} : memref<80x64xf32, #tpu.memory_space<vmem>>, vector<16xf32>,
        %add3A_726 = arith.constant 13 : i32
        %add3A_727 = arith.addi %mul3A_64, %add3A_726 : i32
        %get3A_728 = arith.index_cast %add3A_727 : i32 to index
        %get3A_729 = arith.constant 16 : index
        %get3A_730 = tpu.vector_load %arg15[%get3A_728, %get3A_729] {strides = array<i32>} : memref<80x64xf32, #tpu.memory_space<vmem>>, vector<16xf32>,
        %mul3A_731 = vector.broadcast %squeeze3A_713 : f32 to vector<16xf32>
        %mul3A_732 = arith.mulf %get3A_730, %mul3A_731 : vector<16xf32>
        %add3A_733 = arith.constant 13 : i32
        %add3A_734 = arith.addi %mul3A_64, %add3A_733 : i32
        %swap3A_735 = arith.index_cast %add3A_734 : i32 to index
        %swap3A_736 = arith.constant 16 : index
        %swap3A_737 = tpu.vector_load %arg15[%swap3A_735, %swap3A_736] {strides = array<i32>} : memref<80x64xf32, #tpu.memory_space<vmem>>, vector<16xf32>,
        tpu.vector_store %arg15[%swap3A_735, %swap3A_736], %mul3A_732 {strides = array<i32>} : memref<80x64xf32, #tpu.memory_space<vmem>>, vector<16xf32>,
        %add3A_738 = arith.constant 13 : i32
        %add3A_739 = arith.addi %mul3A_64, %add3A_738 : i32
        %get3A_740 = arith.index_cast %add3A_739 : i32 to index
        %get3A_741 = arith.constant 32 : index
        %get3A_742 = tpu.vector_load %arg15[%get3A_740, %get3A_741] {strides = array<i32>} : memref<80x64xf32, #tpu.memory_space<vmem>>, vector<16xf32>,
        %mul3A_743 = vector.broadcast %squeeze3A_713 : f32 to vector<16xf32>
        %mul3A_744 = arith.mulf %get3A_742, %mul3A_743 : vector<16xf32>
        %add3A_745 = arith.constant 13 : i32
        %add3A_746 = arith.addi %mul3A_64, %add3A_745 : i32
        %swap3A_747 = arith.index_cast %add3A_746 : i32 to index
        %swap3A_748 = arith.constant 32 : index
        %swap3A_749 = tpu.vector_load %arg15[%swap3A_747, %swap3A_748] {strides = array<i32>} : memref<80x64xf32, #tpu.memory_space<vmem>>, vector<16xf32>,
        tpu.vector_store %arg15[%swap3A_747, %swap3A_748], %mul3A_744 {strides = array<i32>} : memref<80x64xf32, #tpu.memory_space<vmem>>, vector<16xf32>,
        %add3A_750 = arith.constant 13 : i32
        %add3A_751 = arith.addi %mul3A_64, %add3A_750 : i32
        %get3A_752 = arith.index_cast %add3A_751 : i32 to index
        %get3A_753 = arith.constant 48 : index
        %get3A_754 = tpu.vector_load %arg15[%get3A_752, %get3A_753] {strides = array<i32>} : memref<80x64xf32, #tpu.memory_space<vmem>>, vector<16xf32>,
        %mul3A_755 = vector.broadcast %squeeze3A_713 : f32 to vector<16xf32>
        %mul3A_756 = arith.mulf %get3A_754, %mul3A_755 : vector<16xf32>
        %add3A_757 = arith.constant 13 : i32
        %add3A_758 = arith.addi %mul3A_64, %add3A_757 : i32
        %swap3A_759 = arith.index_cast %add3A_758 : i32 to index
        %swap3A_760 = arith.constant 48 : index
        %swap3A_761 = tpu.vector_load %arg15[%swap3A_759, %swap3A_760] {strides = array<i32>} : memref<80x64xf32, #tpu.memory_space<vmem>>, vector<16xf32>,
        tpu.vector_store %arg15[%swap3A_759, %swap3A_760], %mul3A_756 {strides = array<i32>} : memref<80x64xf32, #tpu.memory_space<vmem>>, vector<16xf32>,
        %slice3A_762 = vector.extract_strided_slice %get3A_62 {offsets = [14], sizes = [1], strides = [1]} : vector<16xf32> to vector<1xf32>
        %squeeze3A_763 = vector.extract %slice3A_762[0] : f32 from vector<1xf32>
        %add3A_764 = arith.constant 14 : i32
        %add3A_765 = arith.addi %mul3A_64, %add3A_764 : i32
        %get3A_766 = arith.index_cast %add3A_765 : i32 to index
        %get3A_767 = arith.constant 0 : index
        %get3A_768 = tpu.vector_load %arg15[%get3A_766, %get3A_767] {strides = array<i32>} : memref<80x64xf32, #tpu.memory_space<vmem>>, vector<16xf32>,
        %mul3A_769 = vector.broadcast %squeeze3A_763 : f32 to vector<16xf32>
        %mul3A_770 = arith.mulf %get3A_768, %mul3A_769 : vector<16xf32>
        %add3A_771 = arith.constant 14 : i32
        %add3A_772 = arith.addi %mul3A_64, %add3A_771 : i32
        %swap3A_773 = arith.index_cast %add3A_772 : i32 to index
        %swap3A_774 = arith.constant 0 : index
        %swap3A_775 = tpu.vector_load %arg15[%swap3A_773, %swap3A_774] {strides = array<i32>} : memref<80x64xf32, #tpu.memory_space<vmem>>, vector<16xf32>,
        tpu.vector_store %arg15[%swap3A_773, %swap3A_774], %mul3A_770 {strides = array<i32>} : memref<80x64xf32, #tpu.memory_space<vmem>>, vector<16xf32>,
        %add3A_776 = arith.constant 14 : i32
        %add3A_777 = arith.addi %mul3A_64, %add3A_776 : i32
        %get3A_778 = arith.index_cast %add3A_777 : i32 to index
        %get3A_779 = arith.constant 16 : index
        %get3A_780 = tpu.vector_load %arg15[%get3A_778, %get3A_779] {strides = array<i32>} : memref<80x64xf32, #tpu.memory_space<vmem>>, vector<16xf32>,
        %mul3A_781 = vector.broadcast %squeeze3A_763 : f32 to vector<16xf32>
        %mul3A_782 = arith.mulf %get3A_780, %mul3A_781 : vector<16xf32>
        %add3A_783 = arith.constant 14 : i32
        %add3A_784 = arith.addi %mul3A_64, %add3A_783 : i32
        %swap3A_785 = arith.index_cast %add3A_784 : i32 to index
        %swap3A_786 = arith.constant 16 : index
        %swap3A_787 = tpu.vector_load %arg15[%swap3A_785, %swap3A_786] {strides = array<i32>} : memref<80x64xf32, #tpu.memory_space<vmem>>, vector<16xf32>,
        tpu.vector_store %arg15[%swap3A_785, %swap3A_786], %mul3A_782 {strides = array<i32>} : memref<80x64xf32, #tpu.memory_space<vmem>>, vector<16xf32>,
        %add3A_788 = arith.constant 14 : i32
        %add3A_789 = arith.addi %mul3A_64, %add3A_788 : i32
        %get3A_790 = arith.index_cast %add3A_789 : i32 to index
        %get3A_791 = arith.constant 32 : index
        %get3A_792 = tpu.vector_load %arg15[%get3A_790, %get3A_791] {strides = array<i32>} : memref<80x64xf32, #tpu.memory_space<vmem>>, vector<16xf32>,
        %mul3A_793 = vector.broadcast %squeeze3A_763 : f32 to vector<16xf32>
        %mul3A_794 = arith.mulf %get3A_792, %mul3A_793 : vector<16xf32>
        %add3A_795 = arith.constant 14 : i32
        %add3A_796 = arith.addi %mul3A_64, %add3A_795 : i32
        %swap3A_797 = arith.index_cast %add3A_796 : i32 to index
        %swap3A_798 = arith.constant 32 : index
        %swap3A_799 = tpu.vector_load %arg15[%swap3A_797, %swap3A_798] {strides = array<i32>} : memref<80x64xf32, #tpu.memory_space<vmem>>, vector<16xf32>,
        tpu.vector_store %arg15[%swap3A_797, %swap3A_798], %mul3A_794 {strides = array<i32>} : memref<80x64xf32, #tpu.memory_space<vmem>>, vector<16xf32>,
        %add3A_800 = arith.constant 14 : i32
        %add3A_801 = arith.addi %mul3A_64, %add3A_800 : i32
        %get3A_802 = arith.index_cast %add3A_801 : i32 to index
        %get3A_803 = arith.constant 48 : index
        %get3A_804 = tpu.vector_load %arg15[%get3A_802, %get3A_803] {strides = array<i32>} : memref<80x64xf32, #tpu.memory_space<vmem>>, vector<16xf32>,
        %mul3A_805 = vector.broadcast %squeeze3A_763 : f32 to vector<16xf32>
        %mul3A_806 = arith.mulf %get3A_804, %mul3A_805 : vector<16xf32>
        %add3A_807 = arith.constant 14 : i32
        %add3A_808 = arith.addi %mul3A_64, %add3A_807 : i32
        %swap3A_809 = arith.index_cast %add3A_808 : i32 to index
        %swap3A_810 = arith.constant 48 : index
        %swap3A_811 = tpu.vector_load %arg15[%swap3A_809, %swap3A_810] {strides = array<i32>} : memref<80x64xf32, #tpu.memory_space<vmem>>, vector<16xf32>,
        tpu.vector_store %arg15[%swap3A_809, %swap3A_810], %mul3A_806 {strides = array<i32>} : memref<80x64xf32, #tpu.memory_space<vmem>>, vector<16xf32>,
        %slice3A_812 = vector.extract_strided_slice %get3A_62 {offsets = [15], sizes = [1], strides = [1]} : vector<16xf32> to vector<1xf32>
        %squeeze3A_813 = vector.extract %slice3A_812[0] : f32 from vector<1xf32>
        %add3A_814 = arith.constant 15 : i32
        %add3A_815 = arith.addi %mul3A_64, %add3A_814 : i32
        %get3A_816 = arith.index_cast %add3A_815 : i32 to index
        %get3A_817 = arith.constant 0 : index
        %get3A_818 = tpu.vector_load %arg15[%get3A_816, %get3A_817] {strides = array<i32>} : memref<80x64xf32, #tpu.memory_space<vmem>>, vector<16xf32>,
        %mul3A_819 = vector.broadcast %squeeze3A_813 : f32 to vector<16xf32>
        %mul3A_820 = arith.mulf %get3A_818, %mul3A_819 : vector<16xf32>
        %add3A_821 = arith.constant 15 : i32
        %add3A_822 = arith.addi %mul3A_64, %add3A_821 : i32
        %swap3A_823 = arith.index_cast %add3A_822 : i32 to index
        %swap3A_824 = arith.constant 0 : index
        %swap3A_825 = tpu.vector_load %arg15[%swap3A_823, %swap3A_824] {strides = array<i32>} : memref<80x64xf32, #tpu.memory_space<vmem>>, vector<16xf32>,
        tpu.vector_store %arg15[%swap3A_823, %swap3A_824], %mul3A_820 {strides = array<i32>} : memref<80x64xf32, #tpu.memory_space<vmem>>, vector<16xf32>,
        %add3A_826 = arith.constant 15 : i32
        %add3A_827 = arith.addi %mul3A_64, %add3A_826 : i32
        %get3A_828 = arith.index_cast %add3A_827 : i32 to index
        %get3A_829 = arith.constant 16 : index
        %get3A_830 = tpu.vector_load %arg15[%get3A_828, %get3A_829] {strides = array<i32>} : memref<80x64xf32, #tpu.memory_space<vmem>>, vector<16xf32>,
        %mul3A_831 = vector.broadcast %squeeze3A_813 : f32 to vector<16xf32>
        %mul3A_832 = arith.mulf %get3A_830, %mul3A_831 : vector<16xf32>
        %add3A_833 = arith.constant 15 : i32
        %add3A_834 = arith.addi %mul3A_64, %add3A_833 : i32
        %swap3A_835 = arith.index_cast %add3A_834 : i32 to index
        %swap3A_836 = arith.constant 16 : index
        %swap3A_837 = tpu.vector_load %arg15[%swap3A_835, %swap3A_836] {strides = array<i32>} : memref<80x64xf32, #tpu.memory_space<vmem>>, vector<16xf32>,
        tpu.vector_store %arg15[%swap3A_835, %swap3A_836], %mul3A_832 {strides = array<i32>} : memref<80x64xf32, #tpu.memory_space<vmem>>, vector<16xf32>,
        %add3A_838 = arith.constant 15 : i32
        %add3A_839 = arith.addi %mul3A_64, %add3A_838 : i32
        %get3A_840 = arith.index_cast %add3A_839 : i32 to index
        %get3A_841 = arith.constant 32 : index
        %get3A_842 = tpu.vector_load %arg15[%get3A_840, %get3A_841] {strides = array<i32>} : memref<80x64xf32, #tpu.memory_space<vmem>>, vector<16xf32>,
        %mul3A_843 = vector.broadcast %squeeze3A_813 : f32 to vector<16xf32>
        %mul3A_844 = arith.mulf %get3A_842, %mul3A_843 : vector<16xf32>
        %add3A_845 = arith.constant 15 : i32
        %add3A_846 = arith.addi %mul3A_64, %add3A_845 : i32
        %swap3A_847 = arith.index_cast %add3A_846 : i32 to index
        %swap3A_848 = arith.constant 32 : index
        %swap3A_849 = tpu.vector_load %arg15[%swap3A_847, %swap3A_848] {strides = array<i32>} : memref<80x64xf32, #tpu.memory_space<vmem>>, vector<16xf32>,
        tpu.vector_store %arg15[%swap3A_847, %swap3A_848], %mul3A_844 {strides = array<i32>} : memref<80x64xf32, #tpu.memory_space<vmem>>, vector<16xf32>,
        %add3A_850 = arith.constant 15 : i32
        %add3A_851 = arith.addi %mul3A_64, %add3A_850 : i32
        %get3A_852 = arith.index_cast %add3A_851 : i32 to index
        %get3A_853 = arith.constant 48 : index
        %get3A_854 = tpu.vector_load %arg15[%get3A_852, %get3A_853] {strides = array<i32>} : memref<80x64xf32, #tpu.memory_space<vmem>>, vector<16xf32>,
        %mul3A_855 = vector.broadcast %squeeze3A_813 : f32 to vector<16xf32>
        %mul3A_856 = arith.mulf %get3A_854, %mul3A_855 : vector<16xf32>
        %add3A_857 = arith.constant 15 : i32
        %add3A_858 = arith.addi %mul3A_64, %add3A_857 : i32
        %swap3A_859 = arith.index_cast %add3A_858 : i32 to index
        %swap3A_860 = arith.constant 48 : index
        %swap3A_861 = tpu.vector_load %arg15[%swap3A_859, %swap3A_860] {strides = array<i32>} : memref<80x64xf32, #tpu.memory_space<vmem>>, vector<16xf32>,
        tpu.vector_store %arg15[%swap3A_859, %swap3A_860], %mul3A_856 {strides = array<i32>} : memref<80x64xf32, #tpu.memory_space<vmem>>, vector<16xf32>,
      }
      %scan3A_56 = arith.constant 5 : i32
      "tpu.region"() ({
        %run_scoped3A = tpu.sem_alloc : memref<!tpu.dma_semaphore, #tpu.memory_space<semaphore_mem>>
        %dma_start3A_57 = arith.constant 0 : i32
        %dma_start3A_58 = tpu.memref_slice %arg12[%scan3A_40, %dma_start3A_57] : memref<125x80xi32, #tpu.memory_space<vmem>> -> memref<1x80xi32, #tpu.memory_space<vmem>>
        %dma_start3A_59 = tpu.memref_squeeze %dma_start3A_58 : memref<1x80xi32, #tpu.memory_space<vmem>> -> memref<80xi32, #tpu.memory_space<vmem>>
        %dma_start3A_60 = arith.constant 0 : i32
        %dma_start3A_61 = arith.constant 0 : i32
        %dma_start3A_62 = tpu.memref_slice %arg18[%dma_start3A_60, %dma_start3A_61] : memref<10000x64xf32, #tpu.memory_space<vmem_shared>> -> memref<10000x64xf32, #tpu.memory_space<vmem_shared>>
        tpu.enqueue_indirect_dma source(%arg15 : memref<80x64xf32, #tpu.memory_space<vmem>>) target(%dma_start3A_62 : memref<10000x64xf32, #tpu.memory_space<vmem_shared>>) offsets(%dma_start3A_59 : memref<80xi32, #tpu.memory_space<vmem>>) semaphore(%run_scoped3A : memref<!tpu.dma_semaphore, #tpu.memory_space<semaphore_mem>>) {add = true}
        %dma_wait3A_63 = arith.constant 0 : i32
        %dma_wait3A_64 = tpu.memref_slice %arg12[%scan3A_40, %dma_wait3A_63] : memref<125x80xi32, #tpu.memory_space<vmem>> -> memref<1x80xi32, #tpu.memory_space<vmem>>
        %dma_wait3A_65 = tpu.memref_squeeze %dma_wait3A_64 : memref<1x80xi32, #tpu.memory_space<vmem>> -> memref<80xi32, #tpu.memory_space<vmem>>
        %dma_wait3A_66 = arith.constant 0 : i32
        %dma_wait3A_67 = arith.constant 0 : i32
        %dma_wait3A_68 = tpu.memref_slice %arg18[%dma_wait3A_66, %dma_wait3A_67] : memref<10000x64xf32, #tpu.memory_space<vmem_shared>> -> memref<10000x64xf32, #tpu.memory_space<vmem_shared>>
        tpu.wait_indirect_dma semaphore(%run_scoped3A : memref<!tpu.dma_semaphore, #tpu.memory_space<semaphore_mem>>) src(%arg15 : memref<80x64xf32, #tpu.memory_space<vmem>>) dst(%dma_wait3A_68 : memref<10000x64xf32, #tpu.memory_space<vmem_shared>>)
        tpu.yield
      }) : () -> ()
      "tpu.region"() ({
        %run_scoped3A = tpu.sem_alloc : memref<!tpu.dma_semaphore, #tpu.memory_space<semaphore_mem>>
        %dma_start3A_57 = arith.constant 0 : i32
        %dma_start3A_58 = tpu.memref_slice %arg14[%scan3A_40, %dma_start3A_57] : memref<125x80xf32, #tpu.memory_space<vmem>> -> memref<1x80xf32, #tpu.memory_space<vmem>>
        %dma_start3A_59 = tpu.memref_squeeze %dma_start3A_58 : memref<1x80xf32, #tpu.memory_space<vmem>> -> memref<80xf32, #tpu.memory_space<vmem>>
        %dma_start3A_60 = arith.constant 0 : i32
        %dma_start3A_61 = tpu.memref_slice %arg12[%scan3A_40, %dma_start3A_60] : memref<125x80xi32, #tpu.memory_space<vmem>> -> memref<1x80xi32, #tpu.memory_space<vmem>>
        %dma_start3A_62 = tpu.memref_squeeze %dma_start3A_61 : memref<1x80xi32, #tpu.memory_space<vmem>> -> memref<80xi32, #tpu.memory_space<vmem>>
        %dma_start3A_63 = arith.constant 0 : i32
        %dma_start3A_64 = tpu.memref_slice %arg19[%dma_start3A_63] : memref<10000xf32, #tpu.memory_space<vmem_shared>> -> memref<10000xf32, #tpu.memory_space<vmem_shared>>
        tpu.enqueue_indirect_dma source(%dma_start3A_59 : memref<80xf32, #tpu.memory_space<vmem>>) target(%dma_start3A_64 : memref<10000xf32, #tpu.memory_space<vmem_shared>>) offsets(%dma_start3A_62 : memref<80xi32, #tpu.memory_space<vmem>>) semaphore(%run_scoped3A : memref<!tpu.dma_semaphore, #tpu.memory_space<semaphore_mem>>) {add = true}
        %dma_wait3A_65 = arith.constant 0 : i32
        %dma_wait3A_66 = tpu.memref_slice %arg14[%scan3A_40, %dma_wait3A_65] : memref<125x80xf32, #tpu.memory_space<vmem>> -> memref<1x80xf32, #tpu.memory_space<vmem>>
        %dma_wait3A_67 = tpu.memref_squeeze %dma_wait3A_66 : memref<1x80xf32, #tpu.memory_space<vmem>> -> memref<80xf32, #tpu.memory_space<vmem>>
        %dma_wait3A_68 = arith.constant 0 : i32
        %dma_wait3A_69 = tpu.memref_slice %arg12[%scan3A_40, %dma_wait3A_68] : memref<125x80xi32, #tpu.memory_space<vmem>> -> memref<1x80xi32, #tpu.memory_space<vmem>>
        %dma_wait3A_70 = tpu.memref_squeeze %dma_wait3A_69 : memref<1x80xi32, #tpu.memory_space<vmem>> -> memref<80xi32, #tpu.memory_space<vmem>>
        %dma_wait3A_71 = arith.constant 0 : i32
        %dma_wait3A_72 = tpu.memref_slice %arg19[%dma_wait3A_71] : memref<10000xf32, #tpu.memory_space<vmem_shared>> -> memref<10000xf32, #tpu.memory_space<vmem_shared>>
        tpu.wait_indirect_dma semaphore(%run_scoped3A : memref<!tpu.dma_semaphore, #tpu.memory_space<semaphore_mem>>) src(%dma_wait3A_67 : memref<80xf32, #tpu.memory_space<vmem>>) dst(%dma_wait3A_72 : memref<10000xf32, #tpu.memory_space<vmem_shared>>)
        tpu.yield
      }) : () -> ()
    }
    %scan3A_23 = arith.constant 125 : i32
    %barrier3A_24 = arith.constant 0 : index
    tpu.barrier barrier_id(%barrier3A_24)
    %lt3A_25 = arith.constant 15 : i32
    %lt3A_26 = arith.cmpi slt, %arg1, %lt3A_25 : i32
    %convert_element_type3A_27 = arith.extui %lt3A_26 : i1 to i32
    %cond3A_28 = arith.constant 0 : i32
    %cond3A_29 = arith.cmpi ne, %convert_element_type3A_27, %cond3A_28 : i32
    scf.if %cond3A_29 {
      %mul3A_40 = arith.constant 624 : i32
      %mul3A_41 = arith.muli %arg1, %mul3A_40 : i32
      %mul3A_42 = arith.constant 624 : i32
      %mul3A_43 = arith.muli %arg1, %mul3A_42 : i32
      "tpu.region"() ({
        %run_scoped3A = tpu.sem_alloc : memref<!tpu.dma_semaphore, #tpu.memory_space<semaphore_mem>>
        %dma_start3A = arith.constant 0 : i32
        %dma_start3A_44 = arith.constant 0 : i32
        %dma_start3A_45 = tpu.memref_slice %arg9[%arg0, %dma_start3A, %dma_start3A_44] : memref<2x10000x64xf32, #tpu.memory_space<hbm>> -> memref<1x10000x64xf32, #tpu.memory_space<hbm>>
        %dma_start3A_46 = tpu.memref_squeeze %dma_start3A_45 : memref<1x10000x64xf32, #tpu.memory_space<hbm>> -> memref<10000x64xf32, #tpu.memory_space<hbm>>
        %dma_start3A_47 = arith.constant 0 : i32
        %dma_start3A_48 = tpu.memref_slice %dma_start3A_46[%mul3A_43, %dma_start3A_47] : memref<10000x64xf32, #tpu.memory_space<hbm>> -> memref<624x64xf32, #tpu.memory_space<hbm>>
        %dma_start3A_49 = arith.constant 0 : i32
        %dma_start3A_50 = tpu.memref_slice %arg18[%mul3A_41, %dma_start3A_49] : memref<10000x64xf32, #tpu.memory_space<vmem_shared>> -> memref<624x64xf32, #tpu.memory_space<vmem_shared>>
        tpu.enqueue_dma source(%dma_start3A_50 : memref<624x64xf32, #tpu.memory_space<vmem_shared>>) target(%dma_start3A_48 : memref<624x64xf32, #tpu.memory_space<hbm>>) target_semaphore(%run_scoped3A : memref<!tpu.dma_semaphore, #tpu.memory_space<semaphore_mem>>)
        %dma_wait3A = arith.constant 0 : i32
        %dma_wait3A_51 = arith.constant 0 : i32
        %dma_wait3A_52 = tpu.memref_slice %arg9[%arg0, %dma_wait3A, %dma_wait3A_51] : memref<2x10000x64xf32, #tpu.memory_space<hbm>> -> memref<1x10000x64xf32, #tpu.memory_space<hbm>>
        %dma_wait3A_53 = tpu.memref_squeeze %dma_wait3A_52 : memref<1x10000x64xf32, #tpu.memory_space<hbm>> -> memref<10000x64xf32, #tpu.memory_space<hbm>>
        %dma_wait3A_54 = arith.constant 0 : i32
        %dma_wait3A_55 = tpu.memref_slice %dma_wait3A_53[%mul3A_43, %dma_wait3A_54] : memref<10000x64xf32, #tpu.memory_space<hbm>> -> memref<624x64xf32, #tpu.memory_space<hbm>>
        %dma_wait3A_56 = arith.constant 0 : i32
        %dma_wait3A_57 = tpu.memref_slice %arg18[%mul3A_41, %dma_wait3A_56] : memref<10000x64xf32, #tpu.memory_space<vmem_shared>> -> memref<624x64xf32, #tpu.memory_space<vmem_shared>>
        tpu.wait_dma2 semaphore(%run_scoped3A : memref<!tpu.dma_semaphore, #tpu.memory_space<semaphore_mem>>) src(%dma_wait3A_57 : memref<624x64xf32, #tpu.memory_space<vmem_shared>>) dst(%dma_wait3A_55 : memref<624x64xf32, #tpu.memory_space<hbm>>)
        tpu.yield
      }) : () -> ()
    } else {
    }
    %eq3A_30 = arith.constant 15 : i32
    %eq3A_31 = arith.cmpi eq, %arg1, %eq3A_30 : i32
    %convert_element_type3A_32 = arith.extui %eq3A_31 : i1 to i32
    %cond3A_33 = arith.constant 0 : i32
    %cond3A_34 = arith.cmpi ne, %convert_element_type3A_32, %cond3A_33 : i32
    scf.if %cond3A_34 {
      "tpu.region"() ({
        %run_scoped3A = tpu.sem_alloc : memref<!tpu.dma_semaphore, #tpu.memory_space<semaphore_mem>>
        %dma_start3A = arith.constant 0 : i32
        %dma_start3A_40 = arith.constant 0 : i32
        %dma_start3A_41 = tpu.memref_slice %arg9[%arg0, %dma_start3A, %dma_start3A_40] : memref<2x10000x64xf32, #tpu.memory_space<hbm>> -> memref<1x10000x64xf32, #tpu.memory_space<hbm>>
        %dma_start3A_42 = tpu.memref_squeeze %dma_start3A_41 : memref<1x10000x64xf32, #tpu.memory_space<hbm>> -> memref<10000x64xf32, #tpu.memory_space<hbm>>
        %dma_start3A_43 = arith.constant 9360 : i32
        %dma_start3A_44 = arith.constant 0 : i32
        %dma_start3A_45 = tpu.memref_slice %dma_start3A_42[%dma_start3A_43, %dma_start3A_44] : memref<10000x64xf32, #tpu.memory_space<hbm>> -> memref<640x64xf32, #tpu.memory_space<hbm>>
        %dma_start3A_46 = arith.constant 9360 : i32
        %dma_start3A_47 = arith.constant 0 : i32
        %dma_start3A_48 = tpu.memref_slice %arg18[%dma_start3A_46, %dma_start3A_47] : memref<10000x64xf32, #tpu.memory_space<vmem_shared>> -> memref<640x64xf32, #tpu.memory_space<vmem_shared>>
        tpu.enqueue_dma source(%dma_start3A_48 : memref<640x64xf32, #tpu.memory_space<vmem_shared>>) target(%dma_start3A_45 : memref<640x64xf32, #tpu.memory_space<hbm>>) target_semaphore(%run_scoped3A : memref<!tpu.dma_semaphore, #tpu.memory_space<semaphore_mem>>)
        %dma_wait3A = arith.constant 0 : i32
        %dma_wait3A_49 = arith.constant 0 : i32
        %dma_wait3A_50 = tpu.memref_slice %arg9[%arg0, %dma_wait3A, %dma_wait3A_49] : memref<2x10000x64xf32, #tpu.memory_space<hbm>> -> memref<1x10000x64xf32, #tpu.memory_space<hbm>>
        %dma_wait3A_51 = tpu.memref_squeeze %dma_wait3A_50 : memref<1x10000x64xf32, #tpu.memory_space<hbm>> -> memref<10000x64xf32, #tpu.memory_space<hbm>>
        %dma_wait3A_52 = arith.constant 9360 : i32
        %dma_wait3A_53 = arith.constant 0 : i32
        %dma_wait3A_54 = tpu.memref_slice %dma_wait3A_51[%dma_wait3A_52, %dma_wait3A_53] : memref<10000x64xf32, #tpu.memory_space<hbm>> -> memref<640x64xf32, #tpu.memory_space<hbm>>
        %dma_wait3A_55 = arith.constant 9360 : i32
        %dma_wait3A_56 = arith.constant 0 : i32
        %dma_wait3A_57 = tpu.memref_slice %arg18[%dma_wait3A_55, %dma_wait3A_56] : memref<10000x64xf32, #tpu.memory_space<vmem_shared>> -> memref<640x64xf32, #tpu.memory_space<vmem_shared>>
        tpu.wait_dma2 semaphore(%run_scoped3A : memref<!tpu.dma_semaphore, #tpu.memory_space<semaphore_mem>>) src(%dma_wait3A_57 : memref<640x64xf32, #tpu.memory_space<vmem_shared>>) dst(%dma_wait3A_54 : memref<640x64xf32, #tpu.memory_space<hbm>>)
        tpu.yield
      }) : () -> ()
    } else {
    }
    %eq3A_35 = arith.constant 0 : i32
    %eq3A_36 = arith.cmpi eq, %arg1, %eq3A_35 : i32
    %convert_element_type3A_37 = arith.extui %eq3A_36 : i1 to i32
    %cond3A_38 = arith.constant 0 : i32
    %cond3A_39 = arith.cmpi ne, %convert_element_type3A_37, %cond3A_38 : i32
    scf.if %cond3A_39 {
      "tpu.region"() ({
        %run_scoped3A = tpu.sem_alloc : memref<!tpu.dma_semaphore, #tpu.memory_space<semaphore_mem>>
        %dma_start3A = arith.constant 0 : i32
        %dma_start3A_40 = tpu.memref_slice %arg10[%arg0, %dma_start3A] : memref<2x10000xf32, #tpu.memory_space<hbm>> -> memref<1x10000xf32, #tpu.memory_space<hbm>>
        %dma_start3A_41 = tpu.memref_squeeze %dma_start3A_40 : memref<1x10000xf32, #tpu.memory_space<hbm>> -> memref<10000xf32, #tpu.memory_space<hbm>>
        tpu.enqueue_dma source(%arg19 : memref<10000xf32, #tpu.memory_space<vmem_shared>>) target(%dma_start3A_41 : memref<10000xf32, #tpu.memory_space<hbm>>) target_semaphore(%run_scoped3A : memref<!tpu.dma_semaphore, #tpu.memory_space<semaphore_mem>>)
        %dma_wait3A = arith.constant 0 : i32
        %dma_wait3A_42 = tpu.memref_slice %arg10[%arg0, %dma_wait3A] : memref<2x10000xf32, #tpu.memory_space<hbm>> -> memref<1x10000xf32, #tpu.memory_space<hbm>>
        %dma_wait3A_43 = tpu.memref_squeeze %dma_wait3A_42 : memref<1x10000xf32, #tpu.memory_space<hbm>> -> memref<10000xf32, #tpu.memory_space<hbm>>
        tpu.wait_dma2 semaphore(%run_scoped3A : memref<!tpu.dma_semaphore, #tpu.memory_space<semaphore_mem>>) src(%arg19 : memref<10000xf32, #tpu.memory_space<vmem_shared>>) dst(%dma_wait3A_43 : memref<10000xf32, #tpu.memory_space<hbm>>)
        tpu.yield
      }) : () -> ()
    } else {
    }
    return
  }
}

#map = affine_map<(d0, d1) -> (0, 0)>
#map1 = affine_map<(d0, d1) -> (0, 0, 0)>
module attributes {stable_mosaic.version = 14 : i64} {
  func.func @_alpha_sc(%arg0: i32, %arg1: i32, %arg2: memref<10000x64xf32, #tpu.memory_space<hbm>>, %arg3: memref<10000x64xf32, #tpu.memory_space<hbm>>, %arg4: memref<32x125x80xi32, #tpu.memory_space<hbm>>, %arg5: memref<32x125x80xi32, #tpu.memory_space<hbm>>, %arg6: memref<32x125x80xf32, #tpu.memory_space<hbm>>, %arg7: memref<125x80xi32, #tpu.memory_space<vmem>>, %arg8: memref<125x80xi32, #tpu.memory_space<vmem>>, %arg9: memref<80x64xf32, #tpu.memory_space<vmem>>, %arg10: memref<80x64xf32, #tpu.memory_space<vmem>>, %arg11: memref<125x80xf32, #tpu.memory_space<vmem>>, %arg12: memref<!tpu.dma_semaphore, #tpu.memory_space<semaphore_mem>>, %arg13: memref<!tpu.dma_semaphore, #tpu.memory_space<semaphore_mem>>) attributes {dimension_semantics = [#tpu.dimension_semantics<core_parallel>, #tpu.dimension_semantics<subcore_parallel>], iteration_bounds = array<i64: 2, 16>, scalar_prefetch = 0 : i64, scratch_operands = 7 : i64, tpu.core_type = #tpu.core_type<sc_vector_subcore>, window_params = [{transform_indices = #map}, {transform_indices = #map}, {transform_indices = #map1}, {transform_indices = #map1}, {transform_indices = #map1}]} {
    %mul3A = arith.constant 2 : i32
    %mul3A_0 = arith.muli %arg1, %mul3A : i32
    %add3A = arith.addi %mul3A_0, %arg0 : i32
    "tpu.region"() ({
      %run_scoped3A = tpu.sem_alloc : memref<!tpu.dma_semaphore, #tpu.memory_space<semaphore_mem>>
      %dma_start3A = arith.constant 0 : i32
      %dma_start3A_6 = arith.constant 0 : i32
      %dma_start3A_7 = tpu.memref_slice %arg4[%add3A, %dma_start3A, %dma_start3A_6] : memref<32x125x80xi32, #tpu.memory_space<hbm>> -> memref<1x125x80xi32, #tpu.memory_space<hbm>>
      %dma_start3A_8 = tpu.memref_squeeze %dma_start3A_7 : memref<1x125x80xi32, #tpu.memory_space<hbm>> -> memref<125x80xi32, #tpu.memory_space<hbm>>
      %dma_start3A_9 = arith.constant 0 : i32
      %dma_start3A_10 = arith.constant 0 : i32
      %dma_start3A_11 = tpu.memref_slice %arg4[%add3A, %dma_start3A_9, %dma_start3A_10] : memref<32x125x80xi32, #tpu.memory_space<hbm>> -> memref<1x125x80xi32, #tpu.memory_space<hbm>>
      %dma_start3A_12 = tpu.memref_squeeze %dma_start3A_11 : memref<1x125x80xi32, #tpu.memory_space<hbm>> -> memref<125x80xi32, #tpu.memory_space<hbm>>
      tpu.enqueue_dma source(%dma_start3A_12 : memref<125x80xi32, #tpu.memory_space<hbm>>) target(%arg7 : memref<125x80xi32, #tpu.memory_space<vmem>>) target_semaphore(%run_scoped3A : memref<!tpu.dma_semaphore, #tpu.memory_space<semaphore_mem>>)
      %dma_wait3A = arith.constant 0 : i32
      %dma_wait3A_13 = arith.constant 0 : i32
      %dma_wait3A_14 = tpu.memref_slice %arg4[%add3A, %dma_wait3A, %dma_wait3A_13] : memref<32x125x80xi32, #tpu.memory_space<hbm>> -> memref<1x125x80xi32, #tpu.memory_space<hbm>>
      %dma_wait3A_15 = tpu.memref_squeeze %dma_wait3A_14 : memref<1x125x80xi32, #tpu.memory_space<hbm>> -> memref<125x80xi32, #tpu.memory_space<hbm>>
      %dma_wait3A_16 = arith.constant 0 : i32
      %dma_wait3A_17 = arith.constant 0 : i32
      %dma_wait3A_18 = tpu.memref_slice %arg4[%add3A, %dma_wait3A_16, %dma_wait3A_17] : memref<32x125x80xi32, #tpu.memory_space<hbm>> -> memref<1x125x80xi32, #tpu.memory_space<hbm>>
      %dma_wait3A_19 = tpu.memref_squeeze %dma_wait3A_18 : memref<1x125x80xi32, #tpu.memory_space<hbm>> -> memref<125x80xi32, #tpu.memory_space<hbm>>
      tpu.wait_dma2 semaphore(%run_scoped3A : memref<!tpu.dma_semaphore, #tpu.memory_space<semaphore_mem>>) src(%dma_wait3A_19 : memref<125x80xi32, #tpu.memory_space<hbm>>) dst(%arg7 : memref<125x80xi32, #tpu.memory_space<vmem>>)
      tpu.yield
    }) : () -> ()
    "tpu.region"() ({
      %run_scoped3A = tpu.sem_alloc : memref<!tpu.dma_semaphore, #tpu.memory_space<semaphore_mem>>
      %dma_start3A = arith.constant 0 : i32
      %dma_start3A_6 = arith.constant 0 : i32
      %dma_start3A_7 = tpu.memref_slice %arg5[%add3A, %dma_start3A, %dma_start3A_6] : memref<32x125x80xi32, #tpu.memory_space<hbm>> -> memref<1x125x80xi32, #tpu.memory_space<hbm>>
      %dma_start3A_8 = tpu.memref_squeeze %dma_start3A_7 : memref<1x125x80xi32, #tpu.memory_space<hbm>> -> memref<125x80xi32, #tpu.memory_space<hbm>>
      %dma_start3A_9 = arith.constant 0 : i32
      %dma_start3A_10 = arith.constant 0 : i32
      %dma_start3A_11 = tpu.memref_slice %arg5[%add3A, %dma_start3A_9, %dma_start3A_10] : memref<32x125x80xi32, #tpu.memory_space<hbm>> -> memref<1x125x80xi32, #tpu.memory_space<hbm>>
      %dma_start3A_12 = tpu.memref_squeeze %dma_start3A_11 : memref<1x125x80xi32, #tpu.memory_space<hbm>> -> memref<125x80xi32, #tpu.memory_space<hbm>>
      tpu.enqueue_dma source(%dma_start3A_12 : memref<125x80xi32, #tpu.memory_space<hbm>>) target(%arg8 : memref<125x80xi32, #tpu.memory_space<vmem>>) target_semaphore(%run_scoped3A : memref<!tpu.dma_semaphore, #tpu.memory_space<semaphore_mem>>)
      %dma_wait3A = arith.constant 0 : i32
      %dma_wait3A_13 = arith.constant 0 : i32
      %dma_wait3A_14 = tpu.memref_slice %arg5[%add3A, %dma_wait3A, %dma_wait3A_13] : memref<32x125x80xi32, #tpu.memory_space<hbm>> -> memref<1x125x80xi32, #tpu.memory_space<hbm>>
      %dma_wait3A_15 = tpu.memref_squeeze %dma_wait3A_14 : memref<1x125x80xi32, #tpu.memory_space<hbm>> -> memref<125x80xi32, #tpu.memory_space<hbm>>
      %dma_wait3A_16 = arith.constant 0 : i32
      %dma_wait3A_17 = arith.constant 0 : i32
      %dma_wait3A_18 = tpu.memref_slice %arg5[%add3A, %dma_wait3A_16, %dma_wait3A_17] : memref<32x125x80xi32, #tpu.memory_space<hbm>> -> memref<1x125x80xi32, #tpu.memory_space<hbm>>
      %dma_wait3A_19 = tpu.memref_squeeze %dma_wait3A_18 : memref<1x125x80xi32, #tpu.memory_space<hbm>> -> memref<125x80xi32, #tpu.memory_space<hbm>>
      tpu.wait_dma2 semaphore(%run_scoped3A : memref<!tpu.dma_semaphore, #tpu.memory_space<semaphore_mem>>) src(%dma_wait3A_19 : memref<125x80xi32, #tpu.memory_space<hbm>>) dst(%arg8 : memref<125x80xi32, #tpu.memory_space<vmem>>)
      tpu.yield
    }) : () -> ()
    %scan3A = arith.constant 0 : i32
    %scan3A_1 = arith.constant 0 : i32
    %scan3A_2 = arith.constant 125 : i32
    %scan3A_3 = arith.addi %scan3A_1, %scan3A_2 : i32
    %scan3A_4 = arith.constant 1 : i32
    scf.for %scan3A_6 = %scan3A_1 to %scan3A_3 step %scan3A_4  : i32 {
      %dma_start3A = arith.constant 0 : i32
      %dma_start3A_7 = tpu.memref_slice %arg8[%scan3A_6, %dma_start3A] : memref<125x80xi32, #tpu.memory_space<vmem>> -> memref<1x80xi32, #tpu.memory_space<vmem>>
      %dma_start3A_8 = tpu.memref_squeeze %dma_start3A_7 : memref<1x80xi32, #tpu.memory_space<vmem>> -> memref<80xi32, #tpu.memory_space<vmem>>
      %dma_start3A_9 = arith.constant 0 : i32
      %dma_start3A_10 = arith.constant 0 : i32
      %dma_start3A_11 = tpu.memref_slice %arg2[%dma_start3A_9, %dma_start3A_10] : memref<10000x64xf32, #tpu.memory_space<hbm>> -> memref<10000x64xf32, #tpu.memory_space<hbm>>
      tpu.enqueue_indirect_dma source(%dma_start3A_11 : memref<10000x64xf32, #tpu.memory_space<hbm>>) target(%arg9 : memref<80x64xf32, #tpu.memory_space<vmem>>) offsets(%dma_start3A_8 : memref<80xi32, #tpu.memory_space<vmem>>) semaphore(%arg12 : memref<!tpu.dma_semaphore, #tpu.memory_space<semaphore_mem>>)
      %dma_start3A_12 = arith.constant 0 : i32
      %dma_start3A_13 = tpu.memref_slice %arg7[%scan3A_6, %dma_start3A_12] : memref<125x80xi32, #tpu.memory_space<vmem>> -> memref<1x80xi32, #tpu.memory_space<vmem>>
      %dma_start3A_14 = tpu.memref_squeeze %dma_start3A_13 : memref<1x80xi32, #tpu.memory_space<vmem>> -> memref<80xi32, #tpu.memory_space<vmem>>
      %dma_start3A_15 = arith.constant 0 : i32
      %dma_start3A_16 = arith.constant 0 : i32
      %dma_start3A_17 = tpu.memref_slice %arg3[%dma_start3A_15, %dma_start3A_16] : memref<10000x64xf32, #tpu.memory_space<hbm>> -> memref<10000x64xf32, #tpu.memory_space<hbm>>
      tpu.enqueue_indirect_dma source(%dma_start3A_17 : memref<10000x64xf32, #tpu.memory_space<hbm>>) target(%arg10 : memref<80x64xf32, #tpu.memory_space<vmem>>) offsets(%dma_start3A_14 : memref<80xi32, #tpu.memory_space<vmem>>) semaphore(%arg13 : memref<!tpu.dma_semaphore, #tpu.memory_space<semaphore_mem>>)
      %dma_wait3A = arith.constant 0 : i32
      %dma_wait3A_18 = tpu.memref_slice %arg8[%scan3A_6, %dma_wait3A] : memref<125x80xi32, #tpu.memory_space<vmem>> -> memref<1x80xi32, #tpu.memory_space<vmem>>
      %dma_wait3A_19 = tpu.memref_squeeze %dma_wait3A_18 : memref<1x80xi32, #tpu.memory_space<vmem>> -> memref<80xi32, #tpu.memory_space<vmem>>
      %dma_wait3A_20 = arith.constant 0 : i32
      %dma_wait3A_21 = arith.constant 0 : i32
      %dma_wait3A_22 = tpu.memref_slice %arg2[%dma_wait3A_20, %dma_wait3A_21] : memref<10000x64xf32, #tpu.memory_space<hbm>> -> memref<10000x64xf32, #tpu.memory_space<hbm>>
      tpu.wait_indirect_dma semaphore(%arg12 : memref<!tpu.dma_semaphore, #tpu.memory_space<semaphore_mem>>) src(%dma_wait3A_22 : memref<10000x64xf32, #tpu.memory_space<hbm>>) dst(%arg9 : memref<80x64xf32, #tpu.memory_space<vmem>>)
      %dma_wait3A_23 = arith.constant 0 : i32
      %dma_wait3A_24 = tpu.memref_slice %arg7[%scan3A_6, %dma_wait3A_23] : memref<125x80xi32, #tpu.memory_space<vmem>> -> memref<1x80xi32, #tpu.memory_space<vmem>>
      %dma_wait3A_25 = tpu.memref_squeeze %dma_wait3A_24 : memref<1x80xi32, #tpu.memory_space<vmem>> -> memref<80xi32, #tpu.memory_space<vmem>>
      %dma_wait3A_26 = arith.constant 0 : i32
      %dma_wait3A_27 = arith.constant 0 : i32
      %dma_wait3A_28 = tpu.memref_slice %arg3[%dma_wait3A_26, %dma_wait3A_27] : memref<10000x64xf32, #tpu.memory_space<hbm>> -> memref<10000x64xf32, #tpu.memory_space<hbm>>
      tpu.wait_indirect_dma semaphore(%arg13 : memref<!tpu.dma_semaphore, #tpu.memory_space<semaphore_mem>>) src(%dma_wait3A_28 : memref<10000x64xf32, #tpu.memory_space<hbm>>) dst(%arg10 : memref<80x64xf32, #tpu.memory_space<vmem>>)
      %iota3A = tpu.iota {dimensions = array<i32: 0>} : vector<16xi32>
      %add3A_29 = arith.constant 0 : i32
      %add3A_30 = vector.broadcast %add3A_29 : i32 to vector<16xi32>
      %add3A_31 = arith.addi %iota3A, %add3A_30 : vector<16xi32>
      %broadcast_in_dim3A = arith.constant 0.000000e+00 : f32
      %broadcast_in_dim3A_32 = vector.broadcast %broadcast_in_dim3A : f32 to vector<16xf32>
      %scan3A_33 = arith.constant 0 : i32
      %scan3A_34 = arith.constant 16 : i32
      %scan3A_35 = arith.addi %scan3A_33, %scan3A_34 : i32
      %scan3A_36 = arith.constant 1 : i32
      %scan3A_37 = scf.for %scan3A_116 = %scan3A_33 to %scan3A_35 step %scan3A_36 iter_args(%scan3A_117 = %broadcast_in_dim3A_32) -> (vector<16xf32>)  : i32 {
        %mul3A_118 = arith.constant 4 : i32
        %mul3A_119 = arith.muli %scan3A_116, %mul3A_118 : i32
        %add3A_120 = arith.constant 0 : i32
        %add3A_121 = arith.addi %mul3A_119, %add3A_120 : i32
        %broadcast_in_dim3A_122 = arith.constant 0 : i32
        %broadcast_in_dim3A_123 = vector.broadcast %broadcast_in_dim3A_122 : i32 to vector<16xi32>
        %add3A_124 = vector.broadcast %add3A_121 : i32 to vector<16xi32>
        %add3A_125 = arith.addi %broadcast_in_dim3A_123, %add3A_124 : vector<16xi32>
        %gather3A = tpu.vector_load_idx %arg9[%add3A_31, %add3A_125] : memref<80x64xf32, #tpu.memory_space<vmem>>[vector<16xi32>, vector<16xi32>], vector<16xf32>,
        %gather3A_126 = tpu.vector_load_idx %arg10[%add3A_31, %add3A_125] : memref<80x64xf32, #tpu.memory_space<vmem>>[vector<16xi32>, vector<16xi32>], vector<16xf32>,
        %mul3A_127 = arith.mulf %gather3A, %gather3A_126 : vector<16xf32>
        %add3A_128 = arith.addf %scan3A_117, %mul3A_127 : vector<16xf32>
        %mul3A_129 = arith.constant 4 : i32
        %mul3A_130 = arith.muli %scan3A_116, %mul3A_129 : i32
        %add3A_131 = arith.constant 1 : i32
        %add3A_132 = arith.addi %mul3A_130, %add3A_131 : i32
        %broadcast_in_dim3A_133 = arith.constant 0 : i32
        %broadcast_in_dim3A_134 = vector.broadcast %broadcast_in_dim3A_133 : i32 to vector<16xi32>
        %add3A_135 = vector.broadcast %add3A_132 : i32 to vector<16xi32>
        %add3A_136 = arith.addi %broadcast_in_dim3A_134, %add3A_135 : vector<16xi32>
        %gather3A_137 = tpu.vector_load_idx %arg9[%add3A_31, %add3A_136] : memref<80x64xf32, #tpu.memory_space<vmem>>[vector<16xi32>, vector<16xi32>], vector<16xf32>,
        %gather3A_138 = tpu.vector_load_idx %arg10[%add3A_31, %add3A_136] : memref<80x64xf32, #tpu.memory_space<vmem>>[vector<16xi32>, vector<16xi32>], vector<16xf32>,
        %mul3A_139 = arith.mulf %gather3A_137, %gather3A_138 : vector<16xf32>
        %add3A_140 = arith.addf %add3A_128, %mul3A_139 : vector<16xf32>
        %mul3A_141 = arith.constant 4 : i32
        %mul3A_142 = arith.muli %scan3A_116, %mul3A_141 : i32
        %add3A_143 = arith.constant 2 : i32
        %add3A_144 = arith.addi %mul3A_142, %add3A_143 : i32
        %broadcast_in_dim3A_145 = arith.constant 0 : i32
        %broadcast_in_dim3A_146 = vector.broadcast %broadcast_in_dim3A_145 : i32 to vector<16xi32>
        %add3A_147 = vector.broadcast %add3A_144 : i32 to vector<16xi32>
        %add3A_148 = arith.addi %broadcast_in_dim3A_146, %add3A_147 : vector<16xi32>
        %gather3A_149 = tpu.vector_load_idx %arg9[%add3A_31, %add3A_148] : memref<80x64xf32, #tpu.memory_space<vmem>>[vector<16xi32>, vector<16xi32>], vector<16xf32>,
        %gather3A_150 = tpu.vector_load_idx %arg10[%add3A_31, %add3A_148] : memref<80x64xf32, #tpu.memory_space<vmem>>[vector<16xi32>, vector<16xi32>], vector<16xf32>,
        %mul3A_151 = arith.mulf %gather3A_149, %gather3A_150 : vector<16xf32>
        %add3A_152 = arith.addf %add3A_140, %mul3A_151 : vector<16xf32>
        %mul3A_153 = arith.constant 4 : i32
        %mul3A_154 = arith.muli %scan3A_116, %mul3A_153 : i32
        %add3A_155 = arith.constant 3 : i32
        %add3A_156 = arith.addi %mul3A_154, %add3A_155 : i32
        %broadcast_in_dim3A_157 = arith.constant 0 : i32
        %broadcast_in_dim3A_158 = vector.broadcast %broadcast_in_dim3A_157 : i32 to vector<16xi32>
        %add3A_159 = vector.broadcast %add3A_156 : i32 to vector<16xi32>
        %add3A_160 = arith.addi %broadcast_in_dim3A_158, %add3A_159 : vector<16xi32>
        %gather3A_161 = tpu.vector_load_idx %arg9[%add3A_31, %add3A_160] : memref<80x64xf32, #tpu.memory_space<vmem>>[vector<16xi32>, vector<16xi32>], vector<16xf32>,
        %gather3A_162 = tpu.vector_load_idx %arg10[%add3A_31, %add3A_160] : memref<80x64xf32, #tpu.memory_space<vmem>>[vector<16xi32>, vector<16xi32>], vector<16xf32>,
        %mul3A_163 = arith.mulf %gather3A_161, %gather3A_162 : vector<16xf32>
        %add3A_164 = arith.addf %add3A_152, %mul3A_163 : vector<16xf32>
        scf.yield %add3A_164 : vector<16xf32>
      }
      %scan3A_38 = arith.constant 16 : i32
      %mul3A_39 = arith.constant 1.250000e-01 : f32
      %mul3A_40 = vector.broadcast %mul3A_39 : f32 to vector<16xf32>
      %mul3A_41 = arith.mulf %scan3A_37, %mul3A_40 : vector<16xf32>
      %swap3A = arith.index_cast %scan3A_6 : i32 to index
      %swap3A_42 = arith.constant 0 : index
      %swap3A_43 = tpu.vector_load %arg11[%swap3A, %swap3A_42] {strides = array<i32>} : memref<125x80xf32, #tpu.memory_space<vmem>>, vector<16xf32>,
      tpu.vector_store %arg11[%swap3A, %swap3A_42], %mul3A_41 {strides = array<i32>} : memref<125x80xf32, #tpu.memory_space<vmem>>, vector<16xf32>,
      %iota3A_44 = tpu.iota {dimensions = array<i32: 0>} : vector<16xi32>
      %add3A_45 = arith.constant 16 : i32
      %add3A_46 = vector.broadcast %add3A_45 : i32 to vector<16xi32>
      %add3A_47 = arith.addi %iota3A_44, %add3A_46 : vector<16xi32>
      %broadcast_in_dim3A_48 = arith.constant 0.000000e+00 : f32
      %broadcast_in_dim3A_49 = vector.broadcast %broadcast_in_dim3A_48 : f32 to vector<16xf32>
      %scan3A_50 = arith.constant 0 : i32
      %scan3A_51 = arith.constant 16 : i32
      %scan3A_52 = arith.addi %scan3A_50, %scan3A_51 : i32
      %scan3A_53 = arith.constant 1 : i32
      %scan3A_54 = scf.for %scan3A_116 = %scan3A_50 to %scan3A_52 step %scan3A_53 iter_args(%scan3A_117 = %broadcast_in_dim3A_49) -> (vector<16xf32>)  : i32 {
        %mul3A_118 = arith.constant 4 : i32
        %mul3A_119 = arith.muli %scan3A_116, %mul3A_118 : i32
        %add3A_120 = arith.constant 0 : i32
        %add3A_121 = arith.addi %mul3A_119, %add3A_120 : i32
        %broadcast_in_dim3A_122 = arith.constant 0 : i32
        %broadcast_in_dim3A_123 = vector.broadcast %broadcast_in_dim3A_122 : i32 to vector<16xi32>
        %add3A_124 = vector.broadcast %add3A_121 : i32 to vector<16xi32>
        %add3A_125 = arith.addi %broadcast_in_dim3A_123, %add3A_124 : vector<16xi32>
        %gather3A = tpu.vector_load_idx %arg9[%add3A_47, %add3A_125] : memref<80x64xf32, #tpu.memory_space<vmem>>[vector<16xi32>, vector<16xi32>], vector<16xf32>,
        %gather3A_126 = tpu.vector_load_idx %arg10[%add3A_47, %add3A_125] : memref<80x64xf32, #tpu.memory_space<vmem>>[vector<16xi32>, vector<16xi32>], vector<16xf32>,
        %mul3A_127 = arith.mulf %gather3A, %gather3A_126 : vector<16xf32>
        %add3A_128 = arith.addf %scan3A_117, %mul3A_127 : vector<16xf32>
        %mul3A_129 = arith.constant 4 : i32
        %mul3A_130 = arith.muli %scan3A_116, %mul3A_129 : i32
        %add3A_131 = arith.constant 1 : i32
        %add3A_132 = arith.addi %mul3A_130, %add3A_131 : i32
        %broadcast_in_dim3A_133 = arith.constant 0 : i32
        %broadcast_in_dim3A_134 = vector.broadcast %broadcast_in_dim3A_133 : i32 to vector<16xi32>
        %add3A_135 = vector.broadcast %add3A_132 : i32 to vector<16xi32>
        %add3A_136 = arith.addi %broadcast_in_dim3A_134, %add3A_135 : vector<16xi32>
        %gather3A_137 = tpu.vector_load_idx %arg9[%add3A_47, %add3A_136] : memref<80x64xf32, #tpu.memory_space<vmem>>[vector<16xi32>, vector<16xi32>], vector<16xf32>,
        %gather3A_138 = tpu.vector_load_idx %arg10[%add3A_47, %add3A_136] : memref<80x64xf32, #tpu.memory_space<vmem>>[vector<16xi32>, vector<16xi32>], vector<16xf32>,
        %mul3A_139 = arith.mulf %gather3A_137, %gather3A_138 : vector<16xf32>
        %add3A_140 = arith.addf %add3A_128, %mul3A_139 : vector<16xf32>
        %mul3A_141 = arith.constant 4 : i32
        %mul3A_142 = arith.muli %scan3A_116, %mul3A_141 : i32
        %add3A_143 = arith.constant 2 : i32
        %add3A_144 = arith.addi %mul3A_142, %add3A_143 : i32
        %broadcast_in_dim3A_145 = arith.constant 0 : i32
        %broadcast_in_dim3A_146 = vector.broadcast %broadcast_in_dim3A_145 : i32 to vector<16xi32>
        %add3A_147 = vector.broadcast %add3A_144 : i32 to vector<16xi32>
        %add3A_148 = arith.addi %broadcast_in_dim3A_146, %add3A_147 : vector<16xi32>
        %gather3A_149 = tpu.vector_load_idx %arg9[%add3A_47, %add3A_148] : memref<80x64xf32, #tpu.memory_space<vmem>>[vector<16xi32>, vector<16xi32>], vector<16xf32>,
        %gather3A_150 = tpu.vector_load_idx %arg10[%add3A_47, %add3A_148] : memref<80x64xf32, #tpu.memory_space<vmem>>[vector<16xi32>, vector<16xi32>], vector<16xf32>,
        %mul3A_151 = arith.mulf %gather3A_149, %gather3A_150 : vector<16xf32>
        %add3A_152 = arith.addf %add3A_140, %mul3A_151 : vector<16xf32>
        %mul3A_153 = arith.constant 4 : i32
        %mul3A_154 = arith.muli %scan3A_116, %mul3A_153 : i32
        %add3A_155 = arith.constant 3 : i32
        %add3A_156 = arith.addi %mul3A_154, %add3A_155 : i32
        %broadcast_in_dim3A_157 = arith.constant 0 : i32
        %broadcast_in_dim3A_158 = vector.broadcast %broadcast_in_dim3A_157 : i32 to vector<16xi32>
        %add3A_159 = vector.broadcast %add3A_156 : i32 to vector<16xi32>
        %add3A_160 = arith.addi %broadcast_in_dim3A_158, %add3A_159 : vector<16xi32>
        %gather3A_161 = tpu.vector_load_idx %arg9[%add3A_47, %add3A_160] : memref<80x64xf32, #tpu.memory_space<vmem>>[vector<16xi32>, vector<16xi32>], vector<16xf32>,
        %gather3A_162 = tpu.vector_load_idx %arg10[%add3A_47, %add3A_160] : memref<80x64xf32, #tpu.memory_space<vmem>>[vector<16xi32>, vector<16xi32>], vector<16xf32>,
        %mul3A_163 = arith.mulf %gather3A_161, %gather3A_162 : vector<16xf32>
        %add3A_164 = arith.addf %add3A_152, %mul3A_163 : vector<16xf32>
        scf.yield %add3A_164 : vector<16xf32>
      }
      %scan3A_55 = arith.constant 16 : i32
      %mul3A_56 = arith.constant 1.250000e-01 : f32
      %mul3A_57 = vector.broadcast %mul3A_56 : f32 to vector<16xf32>
      %mul3A_58 = arith.mulf %scan3A_54, %mul3A_57 : vector<16xf32>
      %swap3A_59 = arith.index_cast %scan3A_6 : i32 to index
      %swap3A_60 = arith.constant 16 : index
      %swap3A_61 = tpu.vector_load %arg11[%swap3A_59, %swap3A_60] {strides = array<i32>} : memref<125x80xf32, #tpu.memory_space<vmem>>, vector<16xf32>,
      tpu.vector_store %arg11[%swap3A_59, %swap3A_60], %mul3A_58 {strides = array<i32>} : memref<125x80xf32, #tpu.memory_space<vmem>>, vector<16xf32>,
      %iota3A_62 = tpu.iota {dimensions = array<i32: 0>} : vector<16xi32>
      %add3A_63 = arith.constant 32 : i32
      %add3A_64 = vector.broadcast %add3A_63 : i32 to vector<16xi32>
      %add3A_65 = arith.addi %iota3A_62, %add3A_64 : vector<16xi32>
      %broadcast_in_dim3A_66 = arith.constant 0.000000e+00 : f32
      %broadcast_in_dim3A_67 = vector.broadcast %broadcast_in_dim3A_66 : f32 to vector<16xf32>
      %scan3A_68 = arith.constant 0 : i32
      %scan3A_69 = arith.constant 16 : i32
      %scan3A_70 = arith.addi %scan3A_68, %scan3A_69 : i32
      %scan3A_71 = arith.constant 1 : i32
      %scan3A_72 = scf.for %scan3A_116 = %scan3A_68 to %scan3A_70 step %scan3A_71 iter_args(%scan3A_117 = %broadcast_in_dim3A_67) -> (vector<16xf32>)  : i32 {
        %mul3A_118 = arith.constant 4 : i32
        %mul3A_119 = arith.muli %scan3A_116, %mul3A_118 : i32
        %add3A_120 = arith.constant 0 : i32
        %add3A_121 = arith.addi %mul3A_119, %add3A_120 : i32
        %broadcast_in_dim3A_122 = arith.constant 0 : i32
        %broadcast_in_dim3A_123 = vector.broadcast %broadcast_in_dim3A_122 : i32 to vector<16xi32>
        %add3A_124 = vector.broadcast %add3A_121 : i32 to vector<16xi32>
        %add3A_125 = arith.addi %broadcast_in_dim3A_123, %add3A_124 : vector<16xi32>
        %gather3A = tpu.vector_load_idx %arg9[%add3A_65, %add3A_125] : memref<80x64xf32, #tpu.memory_space<vmem>>[vector<16xi32>, vector<16xi32>], vector<16xf32>,
        %gather3A_126 = tpu.vector_load_idx %arg10[%add3A_65, %add3A_125] : memref<80x64xf32, #tpu.memory_space<vmem>>[vector<16xi32>, vector<16xi32>], vector<16xf32>,
        %mul3A_127 = arith.mulf %gather3A, %gather3A_126 : vector<16xf32>
        %add3A_128 = arith.addf %scan3A_117, %mul3A_127 : vector<16xf32>
        %mul3A_129 = arith.constant 4 : i32
        %mul3A_130 = arith.muli %scan3A_116, %mul3A_129 : i32
        %add3A_131 = arith.constant 1 : i32
        %add3A_132 = arith.addi %mul3A_130, %add3A_131 : i32
        %broadcast_in_dim3A_133 = arith.constant 0 : i32
        %broadcast_in_dim3A_134 = vector.broadcast %broadcast_in_dim3A_133 : i32 to vector<16xi32>
        %add3A_135 = vector.broadcast %add3A_132 : i32 to vector<16xi32>
        %add3A_136 = arith.addi %broadcast_in_dim3A_134, %add3A_135 : vector<16xi32>
        %gather3A_137 = tpu.vector_load_idx %arg9[%add3A_65, %add3A_136] : memref<80x64xf32, #tpu.memory_space<vmem>>[vector<16xi32>, vector<16xi32>], vector<16xf32>,
        %gather3A_138 = tpu.vector_load_idx %arg10[%add3A_65, %add3A_136] : memref<80x64xf32, #tpu.memory_space<vmem>>[vector<16xi32>, vector<16xi32>], vector<16xf32>,
        %mul3A_139 = arith.mulf %gather3A_137, %gather3A_138 : vector<16xf32>
        %add3A_140 = arith.addf %add3A_128, %mul3A_139 : vector<16xf32>
        %mul3A_141 = arith.constant 4 : i32
        %mul3A_142 = arith.muli %scan3A_116, %mul3A_141 : i32
        %add3A_143 = arith.constant 2 : i32
        %add3A_144 = arith.addi %mul3A_142, %add3A_143 : i32
        %broadcast_in_dim3A_145 = arith.constant 0 : i32
        %broadcast_in_dim3A_146 = vector.broadcast %broadcast_in_dim3A_145 : i32 to vector<16xi32>
        %add3A_147 = vector.broadcast %add3A_144 : i32 to vector<16xi32>
        %add3A_148 = arith.addi %broadcast_in_dim3A_146, %add3A_147 : vector<16xi32>
        %gather3A_149 = tpu.vector_load_idx %arg9[%add3A_65, %add3A_148] : memref<80x64xf32, #tpu.memory_space<vmem>>[vector<16xi32>, vector<16xi32>], vector<16xf32>,
        %gather3A_150 = tpu.vector_load_idx %arg10[%add3A_65, %add3A_148] : memref<80x64xf32, #tpu.memory_space<vmem>>[vector<16xi32>, vector<16xi32>], vector<16xf32>,
        %mul3A_151 = arith.mulf %gather3A_149, %gather3A_150 : vector<16xf32>
        %add3A_152 = arith.addf %add3A_140, %mul3A_151 : vector<16xf32>
        %mul3A_153 = arith.constant 4 : i32
        %mul3A_154 = arith.muli %scan3A_116, %mul3A_153 : i32
        %add3A_155 = arith.constant 3 : i32
        %add3A_156 = arith.addi %mul3A_154, %add3A_155 : i32
        %broadcast_in_dim3A_157 = arith.constant 0 : i32
        %broadcast_in_dim3A_158 = vector.broadcast %broadcast_in_dim3A_157 : i32 to vector<16xi32>
        %add3A_159 = vector.broadcast %add3A_156 : i32 to vector<16xi32>
        %add3A_160 = arith.addi %broadcast_in_dim3A_158, %add3A_159 : vector<16xi32>
        %gather3A_161 = tpu.vector_load_idx %arg9[%add3A_65, %add3A_160] : memref<80x64xf32, #tpu.memory_space<vmem>>[vector<16xi32>, vector<16xi32>], vector<16xf32>,
        %gather3A_162 = tpu.vector_load_idx %arg10[%add3A_65, %add3A_160] : memref<80x64xf32, #tpu.memory_space<vmem>>[vector<16xi32>, vector<16xi32>], vector<16xf32>,
        %mul3A_163 = arith.mulf %gather3A_161, %gather3A_162 : vector<16xf32>
        %add3A_164 = arith.addf %add3A_152, %mul3A_163 : vector<16xf32>
        scf.yield %add3A_164 : vector<16xf32>
      }
      %scan3A_73 = arith.constant 16 : i32
      %mul3A_74 = arith.constant 1.250000e-01 : f32
      %mul3A_75 = vector.broadcast %mul3A_74 : f32 to vector<16xf32>
      %mul3A_76 = arith.mulf %scan3A_72, %mul3A_75 : vector<16xf32>
      %swap3A_77 = arith.index_cast %scan3A_6 : i32 to index
      %swap3A_78 = arith.constant 32 : index
      %swap3A_79 = tpu.vector_load %arg11[%swap3A_77, %swap3A_78] {strides = array<i32>} : memref<125x80xf32, #tpu.memory_space<vmem>>, vector<16xf32>,
      tpu.vector_store %arg11[%swap3A_77, %swap3A_78], %mul3A_76 {strides = array<i32>} : memref<125x80xf32, #tpu.memory_space<vmem>>, vector<16xf32>,
      %iota3A_80 = tpu.iota {dimensions = array<i32: 0>} : vector<16xi32>
      %add3A_81 = arith.constant 48 : i32
      %add3A_82 = vector.broadcast %add3A_81 : i32 to vector<16xi32>
      %add3A_83 = arith.addi %iota3A_80, %add3A_82 : vector<16xi32>
      %broadcast_in_dim3A_84 = arith.constant 0.000000e+00 : f32
      %broadcast_in_dim3A_85 = vector.broadcast %broadcast_in_dim3A_84 : f32 to vector<16xf32>
      %scan3A_86 = arith.constant 0 : i32
      %scan3A_87 = arith.constant 16 : i32
      %scan3A_88 = arith.addi %scan3A_86, %scan3A_87 : i32
      %scan3A_89 = arith.constant 1 : i32
      %scan3A_90 = scf.for %scan3A_116 = %scan3A_86 to %scan3A_88 step %scan3A_89 iter_args(%scan3A_117 = %broadcast_in_dim3A_85) -> (vector<16xf32>)  : i32 {
        %mul3A_118 = arith.constant 4 : i32
        %mul3A_119 = arith.muli %scan3A_116, %mul3A_118 : i32
        %add3A_120 = arith.constant 0 : i32
        %add3A_121 = arith.addi %mul3A_119, %add3A_120 : i32
        %broadcast_in_dim3A_122 = arith.constant 0 : i32
        %broadcast_in_dim3A_123 = vector.broadcast %broadcast_in_dim3A_122 : i32 to vector<16xi32>
        %add3A_124 = vector.broadcast %add3A_121 : i32 to vector<16xi32>
        %add3A_125 = arith.addi %broadcast_in_dim3A_123, %add3A_124 : vector<16xi32>
        %gather3A = tpu.vector_load_idx %arg9[%add3A_83, %add3A_125] : memref<80x64xf32, #tpu.memory_space<vmem>>[vector<16xi32>, vector<16xi32>], vector<16xf32>,
        %gather3A_126 = tpu.vector_load_idx %arg10[%add3A_83, %add3A_125] : memref<80x64xf32, #tpu.memory_space<vmem>>[vector<16xi32>, vector<16xi32>], vector<16xf32>,
        %mul3A_127 = arith.mulf %gather3A, %gather3A_126 : vector<16xf32>
        %add3A_128 = arith.addf %scan3A_117, %mul3A_127 : vector<16xf32>
        %mul3A_129 = arith.constant 4 : i32
        %mul3A_130 = arith.muli %scan3A_116, %mul3A_129 : i32
        %add3A_131 = arith.constant 1 : i32
        %add3A_132 = arith.addi %mul3A_130, %add3A_131 : i32
        %broadcast_in_dim3A_133 = arith.constant 0 : i32
        %broadcast_in_dim3A_134 = vector.broadcast %broadcast_in_dim3A_133 : i32 to vector<16xi32>
        %add3A_135 = vector.broadcast %add3A_132 : i32 to vector<16xi32>
        %add3A_136 = arith.addi %broadcast_in_dim3A_134, %add3A_135 : vector<16xi32>
        %gather3A_137 = tpu.vector_load_idx %arg9[%add3A_83, %add3A_136] : memref<80x64xf32, #tpu.memory_space<vmem>>[vector<16xi32>, vector<16xi32>], vector<16xf32>,
        %gather3A_138 = tpu.vector_load_idx %arg10[%add3A_83, %add3A_136] : memref<80x64xf32, #tpu.memory_space<vmem>>[vector<16xi32>, vector<16xi32>], vector<16xf32>,
        %mul3A_139 = arith.mulf %gather3A_137, %gather3A_138 : vector<16xf32>
        %add3A_140 = arith.addf %add3A_128, %mul3A_139 : vector<16xf32>
        %mul3A_141 = arith.constant 4 : i32
        %mul3A_142 = arith.muli %scan3A_116, %mul3A_141 : i32
        %add3A_143 = arith.constant 2 : i32
        %add3A_144 = arith.addi %mul3A_142, %add3A_143 : i32
        %broadcast_in_dim3A_145 = arith.constant 0 : i32
        %broadcast_in_dim3A_146 = vector.broadcast %broadcast_in_dim3A_145 : i32 to vector<16xi32>
        %add3A_147 = vector.broadcast %add3A_144 : i32 to vector<16xi32>
        %add3A_148 = arith.addi %broadcast_in_dim3A_146, %add3A_147 : vector<16xi32>
        %gather3A_149 = tpu.vector_load_idx %arg9[%add3A_83, %add3A_148] : memref<80x64xf32, #tpu.memory_space<vmem>>[vector<16xi32>, vector<16xi32>], vector<16xf32>,
        %gather3A_150 = tpu.vector_load_idx %arg10[%add3A_83, %add3A_148] : memref<80x64xf32, #tpu.memory_space<vmem>>[vector<16xi32>, vector<16xi32>], vector<16xf32>,
        %mul3A_151 = arith.mulf %gather3A_149, %gather3A_150 : vector<16xf32>
        %add3A_152 = arith.addf %add3A_140, %mul3A_151 : vector<16xf32>
        %mul3A_153 = arith.constant 4 : i32
        %mul3A_154 = arith.muli %scan3A_116, %mul3A_153 : i32
        %add3A_155 = arith.constant 3 : i32
        %add3A_156 = arith.addi %mul3A_154, %add3A_155 : i32
        %broadcast_in_dim3A_157 = arith.constant 0 : i32
        %broadcast_in_dim3A_158 = vector.broadcast %broadcast_in_dim3A_157 : i32 to vector<16xi32>
        %add3A_159 = vector.broadcast %add3A_156 : i32 to vector<16xi32>
        %add3A_160 = arith.addi %broadcast_in_dim3A_158, %add3A_159 : vector<16xi32>
        %gather3A_161 = tpu.vector_load_idx %arg9[%add3A_83, %add3A_160] : memref<80x64xf32, #tpu.memory_space<vmem>>[vector<16xi32>, vector<16xi32>], vector<16xf32>,
        %gather3A_162 = tpu.vector_load_idx %arg10[%add3A_83, %add3A_160] : memref<80x64xf32, #tpu.memory_space<vmem>>[vector<16xi32>, vector<16xi32>], vector<16xf32>,
        %mul3A_163 = arith.mulf %gather3A_161, %gather3A_162 : vector<16xf32>
        %add3A_164 = arith.addf %add3A_152, %mul3A_163 : vector<16xf32>
        scf.yield %add3A_164 : vector<16xf32>
      }
      %scan3A_91 = arith.constant 16 : i32
      %mul3A_92 = arith.constant 1.250000e-01 : f32
      %mul3A_93 = vector.broadcast %mul3A_92 : f32 to vector<16xf32>
      %mul3A_94 = arith.mulf %scan3A_90, %mul3A_93 : vector<16xf32>
      %swap3A_95 = arith.index_cast %scan3A_6 : i32 to index
      %swap3A_96 = arith.constant 48 : index
      %swap3A_97 = tpu.vector_load %arg11[%swap3A_95, %swap3A_96] {strides = array<i32>} : memref<125x80xf32, #tpu.memory_space<vmem>>, vector<16xf32>,
      tpu.vector_store %arg11[%swap3A_95, %swap3A_96], %mul3A_94 {strides = array<i32>} : memref<125x80xf32, #tpu.memory_space<vmem>>, vector<16xf32>,
      %iota3A_98 = tpu.iota {dimensions = array<i32: 0>} : vector<16xi32>
      %add3A_99 = arith.constant 64 : i32
      %add3A_100 = vector.broadcast %add3A_99 : i32 to vector<16xi32>
      %add3A_101 = arith.addi %iota3A_98, %add3A_100 : vector<16xi32>
      %broadcast_in_dim3A_102 = arith.constant 0.000000e+00 : f32
      %broadcast_in_dim3A_103 = vector.broadcast %broadcast_in_dim3A_102 : f32 to vector<16xf32>
      %scan3A_104 = arith.constant 0 : i32
      %scan3A_105 = arith.constant 16 : i32
      %scan3A_106 = arith.addi %scan3A_104, %scan3A_105 : i32
      %scan3A_107 = arith.constant 1 : i32
      %scan3A_108 = scf.for %scan3A_116 = %scan3A_104 to %scan3A_106 step %scan3A_107 iter_args(%scan3A_117 = %broadcast_in_dim3A_103) -> (vector<16xf32>)  : i32 {
        %mul3A_118 = arith.constant 4 : i32
        %mul3A_119 = arith.muli %scan3A_116, %mul3A_118 : i32
        %add3A_120 = arith.constant 0 : i32
        %add3A_121 = arith.addi %mul3A_119, %add3A_120 : i32
        %broadcast_in_dim3A_122 = arith.constant 0 : i32
        %broadcast_in_dim3A_123 = vector.broadcast %broadcast_in_dim3A_122 : i32 to vector<16xi32>
        %add3A_124 = vector.broadcast %add3A_121 : i32 to vector<16xi32>
        %add3A_125 = arith.addi %broadcast_in_dim3A_123, %add3A_124 : vector<16xi32>
        %gather3A = tpu.vector_load_idx %arg9[%add3A_101, %add3A_125] : memref<80x64xf32, #tpu.memory_space<vmem>>[vector<16xi32>, vector<16xi32>], vector<16xf32>,
        %gather3A_126 = tpu.vector_load_idx %arg10[%add3A_101, %add3A_125] : memref<80x64xf32, #tpu.memory_space<vmem>>[vector<16xi32>, vector<16xi32>], vector<16xf32>,
        %mul3A_127 = arith.mulf %gather3A, %gather3A_126 : vector<16xf32>
        %add3A_128 = arith.addf %scan3A_117, %mul3A_127 : vector<16xf32>
        %mul3A_129 = arith.constant 4 : i32
        %mul3A_130 = arith.muli %scan3A_116, %mul3A_129 : i32
        %add3A_131 = arith.constant 1 : i32
        %add3A_132 = arith.addi %mul3A_130, %add3A_131 : i32
        %broadcast_in_dim3A_133 = arith.constant 0 : i32
        %broadcast_in_dim3A_134 = vector.broadcast %broadcast_in_dim3A_133 : i32 to vector<16xi32>
        %add3A_135 = vector.broadcast %add3A_132 : i32 to vector<16xi32>
        %add3A_136 = arith.addi %broadcast_in_dim3A_134, %add3A_135 : vector<16xi32>
        %gather3A_137 = tpu.vector_load_idx %arg9[%add3A_101, %add3A_136] : memref<80x64xf32, #tpu.memory_space<vmem>>[vector<16xi32>, vector<16xi32>], vector<16xf32>,
        %gather3A_138 = tpu.vector_load_idx %arg10[%add3A_101, %add3A_136] : memref<80x64xf32, #tpu.memory_space<vmem>>[vector<16xi32>, vector<16xi32>], vector<16xf32>,
        %mul3A_139 = arith.mulf %gather3A_137, %gather3A_138 : vector<16xf32>
        %add3A_140 = arith.addf %add3A_128, %mul3A_139 : vector<16xf32>
        %mul3A_141 = arith.constant 4 : i32
        %mul3A_142 = arith.muli %scan3A_116, %mul3A_141 : i32
        %add3A_143 = arith.constant 2 : i32
        %add3A_144 = arith.addi %mul3A_142, %add3A_143 : i32
        %broadcast_in_dim3A_145 = arith.constant 0 : i32
        %broadcast_in_dim3A_146 = vector.broadcast %broadcast_in_dim3A_145 : i32 to vector<16xi32>
        %add3A_147 = vector.broadcast %add3A_144 : i32 to vector<16xi32>
        %add3A_148 = arith.addi %broadcast_in_dim3A_146, %add3A_147 : vector<16xi32>
        %gather3A_149 = tpu.vector_load_idx %arg9[%add3A_101, %add3A_148] : memref<80x64xf32, #tpu.memory_space<vmem>>[vector<16xi32>, vector<16xi32>], vector<16xf32>,
        %gather3A_150 = tpu.vector_load_idx %arg10[%add3A_101, %add3A_148] : memref<80x64xf32, #tpu.memory_space<vmem>>[vector<16xi32>, vector<16xi32>], vector<16xf32>,
        %mul3A_151 = arith.mulf %gather3A_149, %gather3A_150 : vector<16xf32>
        %add3A_152 = arith.addf %add3A_140, %mul3A_151 : vector<16xf32>
        %mul3A_153 = arith.constant 4 : i32
        %mul3A_154 = arith.muli %scan3A_116, %mul3A_153 : i32
        %add3A_155 = arith.constant 3 : i32
        %add3A_156 = arith.addi %mul3A_154, %add3A_155 : i32
        %broadcast_in_dim3A_157 = arith.constant 0 : i32
        %broadcast_in_dim3A_158 = vector.broadcast %broadcast_in_dim3A_157 : i32 to vector<16xi32>
        %add3A_159 = vector.broadcast %add3A_156 : i32 to vector<16xi32>
        %add3A_160 = arith.addi %broadcast_in_dim3A_158, %add3A_159 : vector<16xi32>
        %gather3A_161 = tpu.vector_load_idx %arg9[%add3A_101, %add3A_160] : memref<80x64xf32, #tpu.memory_space<vmem>>[vector<16xi32>, vector<16xi32>], vector<16xf32>,
        %gather3A_162 = tpu.vector_load_idx %arg10[%add3A_101, %add3A_160] : memref<80x64xf32, #tpu.memory_space<vmem>>[vector<16xi32>, vector<16xi32>], vector<16xf32>,
        %mul3A_163 = arith.mulf %gather3A_161, %gather3A_162 : vector<16xf32>
        %add3A_164 = arith.addf %add3A_152, %mul3A_163 : vector<16xf32>
        scf.yield %add3A_164 : vector<16xf32>
      }
      %scan3A_109 = arith.constant 16 : i32
      %mul3A_110 = arith.constant 1.250000e-01 : f32
      %mul3A_111 = vector.broadcast %mul3A_110 : f32 to vector<16xf32>
      %mul3A_112 = arith.mulf %scan3A_108, %mul3A_111 : vector<16xf32>
      %swap3A_113 = arith.index_cast %scan3A_6 : i32 to index
      %swap3A_114 = arith.constant 64 : index
      %swap3A_115 = tpu.vector_load %arg11[%swap3A_113, %swap3A_114] {strides = array<i32>} : memref<125x80xf32, #tpu.memory_space<vmem>>, vector<16xf32>,
      tpu.vector_store %arg11[%swap3A_113, %swap3A_114], %mul3A_112 {strides = array<i32>} : memref<125x80xf32, #tpu.memory_space<vmem>>, vector<16xf32>,
    }
    %scan3A_5 = arith.constant 125 : i32
    "tpu.region"() ({
      %run_scoped3A = tpu.sem_alloc : memref<!tpu.dma_semaphore, #tpu.memory_space<semaphore_mem>>
      %dma_start3A = arith.constant 0 : i32
      %dma_start3A_6 = arith.constant 0 : i32
      %dma_start3A_7 = tpu.memref_slice %arg6[%add3A, %dma_start3A, %dma_start3A_6] : memref<32x125x80xf32, #tpu.memory_space<hbm>> -> memref<1x125x80xf32, #tpu.memory_space<hbm>>
      %dma_start3A_8 = tpu.memref_squeeze %dma_start3A_7 : memref<1x125x80xf32, #tpu.memory_space<hbm>> -> memref<125x80xf32, #tpu.memory_space<hbm>>
      %dma_start3A_9 = arith.constant 0 : i32
      %dma_start3A_10 = arith.constant 0 : i32
      %dma_start3A_11 = tpu.memref_slice %arg6[%add3A, %dma_start3A_9, %dma_start3A_10] : memref<32x125x80xf32, #tpu.memory_space<hbm>> -> memref<1x125x80xf32, #tpu.memory_space<hbm>>
      %dma_start3A_12 = tpu.memref_squeeze %dma_start3A_11 : memref<1x125x80xf32, #tpu.memory_space<hbm>> -> memref<125x80xf32, #tpu.memory_space<hbm>>
      tpu.enqueue_dma source(%arg11 : memref<125x80xf32, #tpu.memory_space<vmem>>) target(%dma_start3A_12 : memref<125x80xf32, #tpu.memory_space<hbm>>) target_semaphore(%run_scoped3A : memref<!tpu.dma_semaphore, #tpu.memory_space<semaphore_mem>>)
      %dma_wait3A = arith.constant 0 : i32
      %dma_wait3A_13 = arith.constant 0 : i32
      %dma_wait3A_14 = tpu.memref_slice %arg6[%add3A, %dma_wait3A, %dma_wait3A_13] : memref<32x125x80xf32, #tpu.memory_space<hbm>> -> memref<1x125x80xf32, #tpu.memory_space<hbm>>
      %dma_wait3A_15 = tpu.memref_squeeze %dma_wait3A_14 : memref<1x125x80xf32, #tpu.memory_space<hbm>> -> memref<125x80xf32, #tpu.memory_space<hbm>>
      %dma_wait3A_16 = arith.constant 0 : i32
      %dma_wait3A_17 = arith.constant 0 : i32
      %dma_wait3A_18 = tpu.memref_slice %arg6[%add3A, %dma_wait3A_16, %dma_wait3A_17] : memref<32x125x80xf32, #tpu.memory_space<hbm>> -> memref<1x125x80xf32, #tpu.memory_space<hbm>>
      %dma_wait3A_19 = tpu.memref_squeeze %dma_wait3A_18 : memref<1x125x80xf32, #tpu.memory_space<hbm>> -> memref<125x80xf32, #tpu.memory_space<hbm>>
      tpu.wait_dma2 semaphore(%run_scoped3A : memref<!tpu.dma_semaphore, #tpu.memory_space<semaphore_mem>>) src(%arg11 : memref<125x80xf32, #tpu.memory_space<vmem>>) dst(%dma_wait3A_19 : memref<125x80xf32, #tpu.memory_space<hbm>>)
      tpu.yield
    }) : () -> ()
    return
  }
}

#map = affine_map<(d0, d1) -> (0, 0)>
#map1 = affine_map<(d0, d1) -> (0, 0, 0)>
module attributes {stable_mosaic.version = 14 : i64} {
  func.func @gs(%arg0: i32, %arg1: i32, %arg2: memref<10000x64xf32, #tpu.memory_space<hbm>>, %arg3: memref<32x125x80xi32, #tpu.memory_space<hbm>>, %arg4: memref<32x125x80xi32, #tpu.memory_space<hbm>>, %arg5: memref<10000x64xf32, #tpu.memory_space<hbm>>, %arg6: memref<2x10000x64xf32, #tpu.memory_space<hbm>>, %arg7: memref<125x80xi32, #tpu.memory_space<vmem>>, %arg8: memref<125x80xi32, #tpu.memory_space<vmem>>, %arg9: memref<80x64xf32, #tpu.memory_space<vmem>>, %arg10: memref<80x64xf32, #tpu.memory_space<vmem>>, %arg11: memref<!tpu.dma_semaphore, #tpu.memory_space<semaphore_mem>>, %arg12: memref<!tpu.dma_semaphore, #tpu.memory_space<semaphore_mem>>, %arg13: memref<10000x64xf32, #tpu.memory_space<vmem_shared>>) attributes {dimension_semantics = [#tpu.dimension_semantics<core_parallel>, #tpu.dimension_semantics<subcore_parallel>], iteration_bounds = array<i64: 2, 16>, scalar_prefetch = 0 : i64, scratch_operands = 7 : i64, tpu.core_type = #tpu.core_type<sc_vector_subcore>, window_params = [{transform_indices = #map}, {transform_indices = #map1}, {transform_indices = #map1}, {transform_indices = #map}, {transform_indices = #map1}]} {
    %mul3A = arith.constant 2 : i32
    %mul3A_0 = arith.muli %arg1, %mul3A : i32
    %add3A = arith.addi %mul3A_0, %arg0 : i32
    "tpu.region"() ({
      %run_scoped3A_35 = tpu.sem_alloc : memref<!tpu.dma_semaphore, #tpu.memory_space<semaphore_mem>>
      %dma_start3A_36 = arith.constant 0 : i32
      %dma_start3A_37 = arith.constant 0 : i32
      %dma_start3A_38 = tpu.memref_slice %arg3[%add3A, %dma_start3A_36, %dma_start3A_37] : memref<32x125x80xi32, #tpu.memory_space<hbm>> -> memref<1x125x80xi32, #tpu.memory_space<hbm>>
      %dma_start3A_39 = tpu.memref_squeeze %dma_start3A_38 : memref<1x125x80xi32, #tpu.memory_space<hbm>> -> memref<125x80xi32, #tpu.memory_space<hbm>>
      %dma_start3A_40 = arith.constant 0 : i32
      %dma_start3A_41 = arith.constant 0 : i32
      %dma_start3A_42 = tpu.memref_slice %arg3[%add3A, %dma_start3A_40, %dma_start3A_41] : memref<32x125x80xi32, #tpu.memory_space<hbm>> -> memref<1x125x80xi32, #tpu.memory_space<hbm>>
      %dma_start3A_43 = tpu.memref_squeeze %dma_start3A_42 : memref<1x125x80xi32, #tpu.memory_space<hbm>> -> memref<125x80xi32, #tpu.memory_space<hbm>>
      tpu.enqueue_dma source(%dma_start3A_43 : memref<125x80xi32, #tpu.memory_space<hbm>>) target(%arg7 : memref<125x80xi32, #tpu.memory_space<vmem>>) target_semaphore(%run_scoped3A_35 : memref<!tpu.dma_semaphore, #tpu.memory_space<semaphore_mem>>)
      %dma_wait3A_44 = arith.constant 0 : i32
      %dma_wait3A_45 = arith.constant 0 : i32
      %dma_wait3A_46 = tpu.memref_slice %arg3[%add3A, %dma_wait3A_44, %dma_wait3A_45] : memref<32x125x80xi32, #tpu.memory_space<hbm>> -> memref<1x125x80xi32, #tpu.memory_space<hbm>>
      %dma_wait3A_47 = tpu.memref_squeeze %dma_wait3A_46 : memref<1x125x80xi32, #tpu.memory_space<hbm>> -> memref<125x80xi32, #tpu.memory_space<hbm>>
      %dma_wait3A_48 = arith.constant 0 : i32
      %dma_wait3A_49 = arith.constant 0 : i32
      %dma_wait3A_50 = tpu.memref_slice %arg3[%add3A, %dma_wait3A_48, %dma_wait3A_49] : memref<32x125x80xi32, #tpu.memory_space<hbm>> -> memref<1x125x80xi32, #tpu.memory_space<hbm>>
      %dma_wait3A_51 = tpu.memref_squeeze %dma_wait3A_50 : memref<1x125x80xi32, #tpu.memory_space<hbm>> -> memref<125x80xi32, #tpu.memory_space<hbm>>
      tpu.wait_dma2 semaphore(%run_scoped3A_35 : memref<!tpu.dma_semaphore, #tpu.memory_space<semaphore_mem>>) src(%dma_wait3A_51 : memref<125x80xi32, #tpu.memory_space<hbm>>) dst(%arg7 : memref<125x80xi32, #tpu.memory_space<vmem>>)
      tpu.yield
    }) : () -> ()
    "tpu.region"() ({
      %run_scoped3A_35 = tpu.sem_alloc : memref<!tpu.dma_semaphore, #tpu.memory_space<semaphore_mem>>
      %dma_start3A_36 = arith.constant 0 : i32
      %dma_start3A_37 = arith.constant 0 : i32
      %dma_start3A_38 = tpu.memref_slice %arg4[%add3A, %dma_start3A_36, %dma_start3A_37] : memref<32x125x80xi32, #tpu.memory_space<hbm>> -> memref<1x125x80xi32, #tpu.memory_space<hbm>>
      %dma_start3A_39 = tpu.memref_squeeze %dma_start3A_38 : memref<1x125x80xi32, #tpu.memory_space<hbm>> -> memref<125x80xi32, #tpu.memory_space<hbm>>
      %dma_start3A_40 = arith.constant 0 : i32
      %dma_start3A_41 = arith.constant 0 : i32
      %dma_start3A_42 = tpu.memref_slice %arg4[%add3A, %dma_start3A_40, %dma_start3A_41] : memref<32x125x80xi32, #tpu.memory_space<hbm>> -> memref<1x125x80xi32, #tpu.memory_space<hbm>>
      %dma_start3A_43 = tpu.memref_squeeze %dma_start3A_42 : memref<1x125x80xi32, #tpu.memory_space<hbm>> -> memref<125x80xi32, #tpu.memory_space<hbm>>
      tpu.enqueue_dma source(%dma_start3A_43 : memref<125x80xi32, #tpu.memory_space<hbm>>) target(%arg8 : memref<125x80xi32, #tpu.memory_space<vmem>>) target_semaphore(%run_scoped3A_35 : memref<!tpu.dma_semaphore, #tpu.memory_space<semaphore_mem>>)
      %dma_wait3A_44 = arith.constant 0 : i32
      %dma_wait3A_45 = arith.constant 0 : i32
      %dma_wait3A_46 = tpu.memref_slice %arg4[%add3A, %dma_wait3A_44, %dma_wait3A_45] : memref<32x125x80xi32, #tpu.memory_space<hbm>> -> memref<1x125x80xi32, #tpu.memory_space<hbm>>
      %dma_wait3A_47 = tpu.memref_squeeze %dma_wait3A_46 : memref<1x125x80xi32, #tpu.memory_space<hbm>> -> memref<125x80xi32, #tpu.memory_space<hbm>>
      %dma_wait3A_48 = arith.constant 0 : i32
      %dma_wait3A_49 = arith.constant 0 : i32
      %dma_wait3A_50 = tpu.memref_slice %arg4[%add3A, %dma_wait3A_48, %dma_wait3A_49] : memref<32x125x80xi32, #tpu.memory_space<hbm>> -> memref<1x125x80xi32, #tpu.memory_space<hbm>>
      %dma_wait3A_51 = tpu.memref_squeeze %dma_wait3A_50 : memref<1x125x80xi32, #tpu.memory_space<hbm>> -> memref<125x80xi32, #tpu.memory_space<hbm>>
      tpu.wait_dma2 semaphore(%run_scoped3A_35 : memref<!tpu.dma_semaphore, #tpu.memory_space<semaphore_mem>>) src(%dma_wait3A_51 : memref<125x80xi32, #tpu.memory_space<hbm>>) dst(%arg8 : memref<125x80xi32, #tpu.memory_space<vmem>>)
      tpu.yield
    }) : () -> ()
    %lt3A = arith.constant 15 : i32
    %lt3A_1 = arith.cmpi slt, %arg1, %lt3A : i32
    %convert_element_type3A = arith.extui %lt3A_1 : i1 to i32
    %cond3A = arith.constant 0 : i32
    %cond3A_2 = arith.cmpi ne, %convert_element_type3A, %cond3A : i32
    scf.if %cond3A_2 {
      %mul3A_35 = arith.constant 624 : i32
      %mul3A_36 = arith.muli %arg1, %mul3A_35 : i32
      %mul3A_37 = arith.constant 624 : i32
      %mul3A_38 = arith.muli %arg1, %mul3A_37 : i32
      "tpu.region"() ({
        %run_scoped3A_39 = tpu.sem_alloc : memref<!tpu.dma_semaphore, #tpu.memory_space<semaphore_mem>>
        %dma_start3A_40 = arith.constant 0 : i32
        %dma_start3A_41 = tpu.memref_slice %arg13[%mul3A_38, %dma_start3A_40] : memref<10000x64xf32, #tpu.memory_space<vmem_shared>> -> memref<624x64xf32, #tpu.memory_space<vmem_shared>>
        %dma_start3A_42 = arith.constant 0 : i32
        %dma_start3A_43 = tpu.memref_slice %arg5[%mul3A_36, %dma_start3A_42] : memref<10000x64xf32, #tpu.memory_space<hbm>> -> memref<624x64xf32, #tpu.memory_space<hbm>>
        tpu.enqueue_dma source(%dma_start3A_43 : memref<624x64xf32, #tpu.memory_space<hbm>>) target(%dma_start3A_41 : memref<624x64xf32, #tpu.memory_space<vmem_shared>>) target_semaphore(%run_scoped3A_39 : memref<!tpu.dma_semaphore, #tpu.memory_space<semaphore_mem>>)
        %dma_wait3A_44 = arith.constant 0 : i32
        %dma_wait3A_45 = tpu.memref_slice %arg13[%mul3A_38, %dma_wait3A_44] : memref<10000x64xf32, #tpu.memory_space<vmem_shared>> -> memref<624x64xf32, #tpu.memory_space<vmem_shared>>
        %dma_wait3A_46 = arith.constant 0 : i32
        %dma_wait3A_47 = tpu.memref_slice %arg5[%mul3A_36, %dma_wait3A_46] : memref<10000x64xf32, #tpu.memory_space<hbm>> -> memref<624x64xf32, #tpu.memory_space<hbm>>
        tpu.wait_dma2 semaphore(%run_scoped3A_39 : memref<!tpu.dma_semaphore, #tpu.memory_space<semaphore_mem>>) src(%dma_wait3A_47 : memref<624x64xf32, #tpu.memory_space<hbm>>) dst(%dma_wait3A_45 : memref<624x64xf32, #tpu.memory_space<vmem_shared>>)
        tpu.yield
      }) : () -> ()
    } else {
    }
    %eq3A = arith.constant 15 : i32
    %eq3A_3 = arith.cmpi eq, %arg1, %eq3A : i32
    %convert_element_type3A_4 = arith.extui %eq3A_3 : i1 to i32
    %cond3A_5 = arith.constant 0 : i32
    %cond3A_6 = arith.cmpi ne, %convert_element_type3A_4, %cond3A_5 : i32
    scf.if %cond3A_6 {
      "tpu.region"() ({
        %run_scoped3A_35 = tpu.sem_alloc : memref<!tpu.dma_semaphore, #tpu.memory_space<semaphore_mem>>
        %dma_start3A_36 = arith.constant 9360 : i32
        %dma_start3A_37 = arith.constant 0 : i32
        %dma_start3A_38 = tpu.memref_slice %arg13[%dma_start3A_36, %dma_start3A_37] : memref<10000x64xf32, #tpu.memory_space<vmem_shared>> -> memref<640x64xf32, #tpu.memory_space<vmem_shared>>
        %dma_start3A_39 = arith.constant 9360 : i32
        %dma_start3A_40 = arith.constant 0 : i32
        %dma_start3A_41 = tpu.memref_slice %arg5[%dma_start3A_39, %dma_start3A_40] : memref<10000x64xf32, #tpu.memory_space<hbm>> -> memref<640x64xf32, #tpu.memory_space<hbm>>
        tpu.enqueue_dma source(%dma_start3A_41 : memref<640x64xf32, #tpu.memory_space<hbm>>) target(%dma_start3A_38 : memref<640x64xf32, #tpu.memory_space<vmem_shared>>) target_semaphore(%run_scoped3A_35 : memref<!tpu.dma_semaphore, #tpu.memory_space<semaphore_mem>>)
        %dma_wait3A_42 = arith.constant 9360 : i32
        %dma_wait3A_43 = arith.constant 0 : i32
        %dma_wait3A_44 = tpu.memref_slice %arg13[%dma_wait3A_42, %dma_wait3A_43] : memref<10000x64xf32, #tpu.memory_space<vmem_shared>> -> memref<640x64xf32, #tpu.memory_space<vmem_shared>>
        %dma_wait3A_45 = arith.constant 9360 : i32
        %dma_wait3A_46 = arith.constant 0 : i32
        %dma_wait3A_47 = tpu.memref_slice %arg5[%dma_wait3A_45, %dma_wait3A_46] : memref<10000x64xf32, #tpu.memory_space<hbm>> -> memref<640x64xf32, #tpu.memory_space<hbm>>
        tpu.wait_dma2 semaphore(%run_scoped3A_35 : memref<!tpu.dma_semaphore, #tpu.memory_space<semaphore_mem>>) src(%dma_wait3A_47 : memref<640x64xf32, #tpu.memory_space<hbm>>) dst(%dma_wait3A_44 : memref<640x64xf32, #tpu.memory_space<vmem_shared>>)
        tpu.yield
      }) : () -> ()
    } else {
    }
    %barrier3A = arith.constant 0 : index
    tpu.barrier barrier_id(%barrier3A)
    %dma_start3A = arith.constant 0 : i32
    %dma_start3A_7 = arith.constant 0 : i32
    %dma_start3A_8 = tpu.memref_slice %arg7[%dma_start3A, %dma_start3A_7] : memref<125x80xi32, #tpu.memory_space<vmem>> -> memref<1x80xi32, #tpu.memory_space<vmem>>
    %dma_start3A_9 = tpu.memref_squeeze %dma_start3A_8 : memref<1x80xi32, #tpu.memory_space<vmem>> -> memref<80xi32, #tpu.memory_space<vmem>>
    %dma_start3A_10 = arith.constant 0 : i32
    %dma_start3A_11 = arith.constant 0 : i32
    %dma_start3A_12 = tpu.memref_slice %arg2[%dma_start3A_10, %dma_start3A_11] : memref<10000x64xf32, #tpu.memory_space<hbm>> -> memref<10000x64xf32, #tpu.memory_space<hbm>>
    tpu.enqueue_indirect_dma source(%dma_start3A_12 : memref<10000x64xf32, #tpu.memory_space<hbm>>) target(%arg9 : memref<80x64xf32, #tpu.memory_space<vmem>>) offsets(%dma_start3A_9 : memref<80xi32, #tpu.memory_space<vmem>>) semaphore(%arg11 : memref<!tpu.dma_semaphore, #tpu.memory_space<semaphore_mem>>)
    %scan3A = arith.constant 0 : i32
    %scan3A_13 = arith.constant 0 : i32
    %scan3A_14 = arith.constant 62 : i32
    %scan3A_15 = arith.addi %scan3A_13, %scan3A_14 : i32
    %scan3A_16 = arith.constant 1 : i32
    scf.for %scan3A_35 = %scan3A_13 to %scan3A_15 step %scan3A_16  : i32 {
      %mul3A_36 = arith.constant 2 : i32
      %mul3A_37 = arith.muli %scan3A_35, %mul3A_36 : i32
      %add3A_38 = arith.constant 0 : i32
      %add3A_39 = arith.addi %mul3A_37, %add3A_38 : i32
      %add3A_40 = arith.constant 1 : i32
      %add3A_41 = arith.addi %add3A_39, %add3A_40 : i32
      %dma_start3A_42 = arith.constant 0 : i32
      %dma_start3A_43 = tpu.memref_slice %arg7[%add3A_41, %dma_start3A_42] : memref<125x80xi32, #tpu.memory_space<vmem>> -> memref<1x80xi32, #tpu.memory_space<vmem>>
      %dma_start3A_44 = tpu.memref_squeeze %dma_start3A_43 : memref<1x80xi32, #tpu.memory_space<vmem>> -> memref<80xi32, #tpu.memory_space<vmem>>
      %dma_start3A_45 = arith.constant 0 : i32
      %dma_start3A_46 = arith.constant 0 : i32
      %dma_start3A_47 = tpu.memref_slice %arg2[%dma_start3A_45, %dma_start3A_46] : memref<10000x64xf32, #tpu.memory_space<hbm>> -> memref<10000x64xf32, #tpu.memory_space<hbm>>
      tpu.enqueue_indirect_dma source(%dma_start3A_47 : memref<10000x64xf32, #tpu.memory_space<hbm>>) target(%arg10 : memref<80x64xf32, #tpu.memory_space<vmem>>) offsets(%dma_start3A_44 : memref<80xi32, #tpu.memory_space<vmem>>) semaphore(%arg12 : memref<!tpu.dma_semaphore, #tpu.memory_space<semaphore_mem>>)
      %dma_wait3A_48 = arith.constant 0 : i32
      %dma_wait3A_49 = tpu.memref_slice %arg7[%add3A_39, %dma_wait3A_48] : memref<125x80xi32, #tpu.memory_space<vmem>> -> memref<1x80xi32, #tpu.memory_space<vmem>>
      %dma_wait3A_50 = tpu.memref_squeeze %dma_wait3A_49 : memref<1x80xi32, #tpu.memory_space<vmem>> -> memref<80xi32, #tpu.memory_space<vmem>>
      %dma_wait3A_51 = arith.constant 0 : i32
      %dma_wait3A_52 = arith.constant 0 : i32
      %dma_wait3A_53 = tpu.memref_slice %arg2[%dma_wait3A_51, %dma_wait3A_52] : memref<10000x64xf32, #tpu.memory_space<hbm>> -> memref<10000x64xf32, #tpu.memory_space<hbm>>
      tpu.wait_indirect_dma semaphore(%arg11 : memref<!tpu.dma_semaphore, #tpu.memory_space<semaphore_mem>>) src(%dma_wait3A_53 : memref<10000x64xf32, #tpu.memory_space<hbm>>) dst(%arg9 : memref<80x64xf32, #tpu.memory_space<vmem>>)
      "tpu.region"() ({
        %run_scoped3A_72 = tpu.sem_alloc : memref<!tpu.dma_semaphore, #tpu.memory_space<semaphore_mem>>
        %dma_start3A_73 = arith.constant 0 : i32
        %dma_start3A_74 = tpu.memref_slice %arg8[%add3A_39, %dma_start3A_73] : memref<125x80xi32, #tpu.memory_space<vmem>> -> memref<1x80xi32, #tpu.memory_space<vmem>>
        %dma_start3A_75 = tpu.memref_squeeze %dma_start3A_74 : memref<1x80xi32, #tpu.memory_space<vmem>> -> memref<80xi32, #tpu.memory_space<vmem>>
        %dma_start3A_76 = arith.constant 0 : i32
        %dma_start3A_77 = arith.constant 0 : i32
        %dma_start3A_78 = tpu.memref_slice %arg13[%dma_start3A_76, %dma_start3A_77] : memref<10000x64xf32, #tpu.memory_space<vmem_shared>> -> memref<10000x64xf32, #tpu.memory_space<vmem_shared>>
        tpu.enqueue_indirect_dma source(%arg9 : memref<80x64xf32, #tpu.memory_space<vmem>>) target(%dma_start3A_78 : memref<10000x64xf32, #tpu.memory_space<vmem_shared>>) offsets(%dma_start3A_75 : memref<80xi32, #tpu.memory_space<vmem>>) semaphore(%run_scoped3A_72 : memref<!tpu.dma_semaphore, #tpu.memory_space<semaphore_mem>>) {add = true}
        %dma_wait3A_79 = arith.constant 0 : i32
        %dma_wait3A_80 = tpu.memref_slice %arg8[%add3A_39, %dma_wait3A_79] : memref<125x80xi32, #tpu.memory_space<vmem>> -> memref<1x80xi32, #tpu.memory_space<vmem>>
        %dma_wait3A_81 = tpu.memref_squeeze %dma_wait3A_80 : memref<1x80xi32, #tpu.memory_space<vmem>> -> memref<80xi32, #tpu.memory_space<vmem>>
        %dma_wait3A_82 = arith.constant 0 : i32
        %dma_wait3A_83 = arith.constant 0 : i32
        %dma_wait3A_84 = tpu.memref_slice %arg13[%dma_wait3A_82, %dma_wait3A_83] : memref<10000x64xf32, #tpu.memory_space<vmem_shared>> -> memref<10000x64xf32, #tpu.memory_space<vmem_shared>>
        tpu.wait_indirect_dma semaphore(%run_scoped3A_72 : memref<!tpu.dma_semaphore, #tpu.memory_space<semaphore_mem>>) src(%arg9 : memref<80x64xf32, #tpu.memory_space<vmem>>) dst(%dma_wait3A_84 : memref<10000x64xf32, #tpu.memory_space<vmem_shared>>)
        tpu.yield
      }) : () -> ()
      %mul3A_54 = arith.constant 2 : i32
      %mul3A_55 = arith.muli %scan3A_35, %mul3A_54 : i32
      %add3A_56 = arith.constant 1 : i32
      %add3A_57 = arith.addi %mul3A_55, %add3A_56 : i32
      %add3A_58 = arith.constant 1 : i32
      %add3A_59 = arith.addi %add3A_57, %add3A_58 : i32
      %dma_start3A_60 = arith.constant 0 : i32
      %dma_start3A_61 = tpu.memref_slice %arg7[%add3A_59, %dma_start3A_60] : memref<125x80xi32, #tpu.memory_space<vmem>> -> memref<1x80xi32, #tpu.memory_space<vmem>>
      %dma_start3A_62 = tpu.memref_squeeze %dma_start3A_61 : memref<1x80xi32, #tpu.memory_space<vmem>> -> memref<80xi32, #tpu.memory_space<vmem>>
      %dma_start3A_63 = arith.constant 0 : i32
      %dma_start3A_64 = arith.constant 0 : i32
      %dma_start3A_65 = tpu.memref_slice %arg2[%dma_start3A_63, %dma_start3A_64] : memref<10000x64xf32, #tpu.memory_space<hbm>> -> memref<10000x64xf32, #tpu.memory_space<hbm>>
      tpu.enqueue_indirect_dma source(%dma_start3A_65 : memref<10000x64xf32, #tpu.memory_space<hbm>>) target(%arg9 : memref<80x64xf32, #tpu.memory_space<vmem>>) offsets(%dma_start3A_62 : memref<80xi32, #tpu.memory_space<vmem>>) semaphore(%arg11 : memref<!tpu.dma_semaphore, #tpu.memory_space<semaphore_mem>>)
      %dma_wait3A_66 = arith.constant 0 : i32
      %dma_wait3A_67 = tpu.memref_slice %arg7[%add3A_57, %dma_wait3A_66] : memref<125x80xi32, #tpu.memory_space<vmem>> -> memref<1x80xi32, #tpu.memory_space<vmem>>
      %dma_wait3A_68 = tpu.memref_squeeze %dma_wait3A_67 : memref<1x80xi32, #tpu.memory_space<vmem>> -> memref<80xi32, #tpu.memory_space<vmem>>
      %dma_wait3A_69 = arith.constant 0 : i32
      %dma_wait3A_70 = arith.constant 0 : i32
      %dma_wait3A_71 = tpu.memref_slice %arg2[%dma_wait3A_69, %dma_wait3A_70] : memref<10000x64xf32, #tpu.memory_space<hbm>> -> memref<10000x64xf32, #tpu.memory_space<hbm>>
      tpu.wait_indirect_dma semaphore(%arg12 : memref<!tpu.dma_semaphore, #tpu.memory_space<semaphore_mem>>) src(%dma_wait3A_71 : memref<10000x64xf32, #tpu.memory_space<hbm>>) dst(%arg10 : memref<80x64xf32, #tpu.memory_space<vmem>>)
      "tpu.region"() ({
        %run_scoped3A_72 = tpu.sem_alloc : memref<!tpu.dma_semaphore, #tpu.memory_space<semaphore_mem>>
        %dma_start3A_73 = arith.constant 0 : i32
        %dma_start3A_74 = tpu.memref_slice %arg8[%add3A_57, %dma_start3A_73] : memref<125x80xi32, #tpu.memory_space<vmem>> -> memref<1x80xi32, #tpu.memory_space<vmem>>
        %dma_start3A_75 = tpu.memref_squeeze %dma_start3A_74 : memref<1x80xi32, #tpu.memory_space<vmem>> -> memref<80xi32, #tpu.memory_space<vmem>>
        %dma_start3A_76 = arith.constant 0 : i32
        %dma_start3A_77 = arith.constant 0 : i32
        %dma_start3A_78 = tpu.memref_slice %arg13[%dma_start3A_76, %dma_start3A_77] : memref<10000x64xf32, #tpu.memory_space<vmem_shared>> -> memref<10000x64xf32, #tpu.memory_space<vmem_shared>>
        tpu.enqueue_indirect_dma source(%arg10 : memref<80x64xf32, #tpu.memory_space<vmem>>) target(%dma_start3A_78 : memref<10000x64xf32, #tpu.memory_space<vmem_shared>>) offsets(%dma_start3A_75 : memref<80xi32, #tpu.memory_space<vmem>>) semaphore(%run_scoped3A_72 : memref<!tpu.dma_semaphore, #tpu.memory_space<semaphore_mem>>) {add = true}
        %dma_wait3A_79 = arith.constant 0 : i32
        %dma_wait3A_80 = tpu.memref_slice %arg8[%add3A_57, %dma_wait3A_79] : memref<125x80xi32, #tpu.memory_space<vmem>> -> memref<1x80xi32, #tpu.memory_space<vmem>>
        %dma_wait3A_81 = tpu.memref_squeeze %dma_wait3A_80 : memref<1x80xi32, #tpu.memory_space<vmem>> -> memref<80xi32, #tpu.memory_space<vmem>>
        %dma_wait3A_82 = arith.constant 0 : i32
        %dma_wait3A_83 = arith.constant 0 : i32
        %dma_wait3A_84 = tpu.memref_slice %arg13[%dma_wait3A_82, %dma_wait3A_83] : memref<10000x64xf32, #tpu.memory_space<vmem_shared>> -> memref<10000x64xf32, #tpu.memory_space<vmem_shared>>
        tpu.wait_indirect_dma semaphore(%run_scoped3A_72 : memref<!tpu.dma_semaphore, #tpu.memory_space<semaphore_mem>>) src(%arg10 : memref<80x64xf32, #tpu.memory_space<vmem>>) dst(%dma_wait3A_84 : memref<10000x64xf32, #tpu.memory_space<vmem_shared>>)
        tpu.yield
      }) : () -> ()
    }
    %scan3A_17 = arith.constant 62 : i32
    %dma_wait3A = arith.constant 124 : i32
    %dma_wait3A_18 = arith.constant 0 : i32
    %dma_wait3A_19 = tpu.memref_slice %arg7[%dma_wait3A, %dma_wait3A_18] : memref<125x80xi32, #tpu.memory_space<vmem>> -> memref<1x80xi32, #tpu.memory_space<vmem>>
    %dma_wait3A_20 = tpu.memref_squeeze %dma_wait3A_19 : memref<1x80xi32, #tpu.memory_space<vmem>> -> memref<80xi32, #tpu.memory_space<vmem>>
    %dma_wait3A_21 = arith.constant 0 : i32
    %dma_wait3A_22 = arith.constant 0 : i32
    %dma_wait3A_23 = tpu.memref_slice %arg2[%dma_wait3A_21, %dma_wait3A_22] : memref<10000x64xf32, #tpu.memory_space<hbm>> -> memref<10000x64xf32, #tpu.memory_space<hbm>>
    tpu.wait_indirect_dma semaphore(%arg11 : memref<!tpu.dma_semaphore, #tpu.memory_space<semaphore_mem>>) src(%dma_wait3A_23 : memref<10000x64xf32, #tpu.memory_space<hbm>>) dst(%arg9 : memref<80x64xf32, #tpu.memory_space<vmem>>)
    %run_scoped3A = arith.constant 124 : i32
    "tpu.region"() ({
      %run_scoped3A_35 = tpu.sem_alloc : memref<!tpu.dma_semaphore, #tpu.memory_space<semaphore_mem>>
      %dma_start3A_36 = arith.constant 0 : i32
      %dma_start3A_37 = tpu.memref_slice %arg8[%run_scoped3A, %dma_start3A_36] : memref<125x80xi32, #tpu.memory_space<vmem>> -> memref<1x80xi32, #tpu.memory_space<vmem>>
      %dma_start3A_38 = tpu.memref_squeeze %dma_start3A_37 : memref<1x80xi32, #tpu.memory_space<vmem>> -> memref<80xi32, #tpu.memory_space<vmem>>
      %dma_start3A_39 = arith.constant 0 : i32
      %dma_start3A_40 = arith.constant 0 : i32
      %dma_start3A_41 = tpu.memref_slice %arg13[%dma_start3A_39, %dma_start3A_40] : memref<10000x64xf32, #tpu.memory_space<vmem_shared>> -> memref<10000x64xf32, #tpu.memory_space<vmem_shared>>
      tpu.enqueue_indirect_dma source(%arg9 : memref<80x64xf32, #tpu.memory_space<vmem>>) target(%dma_start3A_41 : memref<10000x64xf32, #tpu.memory_space<vmem_shared>>) offsets(%dma_start3A_38 : memref<80xi32, #tpu.memory_space<vmem>>) semaphore(%run_scoped3A_35 : memref<!tpu.dma_semaphore, #tpu.memory_space<semaphore_mem>>) {add = true}
      %dma_wait3A_42 = arith.constant 0 : i32
      %dma_wait3A_43 = tpu.memref_slice %arg8[%run_scoped3A, %dma_wait3A_42] : memref<125x80xi32, #tpu.memory_space<vmem>> -> memref<1x80xi32, #tpu.memory_space<vmem>>
      %dma_wait3A_44 = tpu.memref_squeeze %dma_wait3A_43 : memref<1x80xi32, #tpu.memory_space<vmem>> -> memref<80xi32, #tpu.memory_space<vmem>>
      %dma_wait3A_45 = arith.constant 0 : i32
      %dma_wait3A_46 = arith.constant 0 : i32
      %dma_wait3A_47 = tpu.memref_slice %arg13[%dma_wait3A_45, %dma_wait3A_46] : memref<10000x64xf32, #tpu.memory_space<vmem_shared>> -> memref<10000x64xf32, #tpu.memory_space<vmem_shared>>
      tpu.wait_indirect_dma semaphore(%run_scoped3A_35 : memref<!tpu.dma_semaphore, #tpu.memory_space<semaphore_mem>>) src(%arg9 : memref<80x64xf32, #tpu.memory_space<vmem>>) dst(%dma_wait3A_47 : memref<10000x64xf32, #tpu.memory_space<vmem_shared>>)
      tpu.yield
    }) : () -> ()
    %barrier3A_24 = arith.constant 0 : index
    tpu.barrier barrier_id(%barrier3A_24)
    %lt3A_25 = arith.constant 15 : i32
    %lt3A_26 = arith.cmpi slt, %arg1, %lt3A_25 : i32
    %convert_element_type3A_27 = arith.extui %lt3A_26 : i1 to i32
    %cond3A_28 = arith.constant 0 : i32
    %cond3A_29 = arith.cmpi ne, %convert_element_type3A_27, %cond3A_28 : i32
    scf.if %cond3A_29 {
      %mul3A_35 = arith.constant 624 : i32
      %mul3A_36 = arith.muli %arg1, %mul3A_35 : i32
      %mul3A_37 = arith.constant 624 : i32
      %mul3A_38 = arith.muli %arg1, %mul3A_37 : i32
      "tpu.region"() ({
        %run_scoped3A_39 = tpu.sem_alloc : memref<!tpu.dma_semaphore, #tpu.memory_space<semaphore_mem>>
        %dma_start3A_40 = arith.constant 0 : i32
        %dma_start3A_41 = arith.constant 0 : i32
        %dma_start3A_42 = tpu.memref_slice %arg6[%arg0, %dma_start3A_40, %dma_start3A_41] : memref<2x10000x64xf32, #tpu.memory_space<hbm>> -> memref<1x10000x64xf32, #tpu.memory_space<hbm>>
        %dma_start3A_43 = tpu.memref_squeeze %dma_start3A_42 : memref<1x10000x64xf32, #tpu.memory_space<hbm>> -> memref<10000x64xf32, #tpu.memory_space<hbm>>
        %dma_start3A_44 = arith.constant 0 : i32
        %dma_start3A_45 = tpu.memref_slice %dma_start3A_43[%mul3A_38, %dma_start3A_44] : memref<10000x64xf32, #tpu.memory_space<hbm>> -> memref<624x64xf32, #tpu.memory_space<hbm>>
        %dma_start3A_46 = arith.constant 0 : i32
        %dma_start3A_47 = tpu.memref_slice %arg13[%mul3A_36, %dma_start3A_46] : memref<10000x64xf32, #tpu.memory_space<vmem_shared>> -> memref<624x64xf32, #tpu.memory_space<vmem_shared>>
        tpu.enqueue_dma source(%dma_start3A_47 : memref<624x64xf32, #tpu.memory_space<vmem_shared>>) target(%dma_start3A_45 : memref<624x64xf32, #tpu.memory_space<hbm>>) target_semaphore(%run_scoped3A_39 : memref<!tpu.dma_semaphore, #tpu.memory_space<semaphore_mem>>)
        %dma_wait3A_48 = arith.constant 0 : i32
        %dma_wait3A_49 = arith.constant 0 : i32
        %dma_wait3A_50 = tpu.memref_slice %arg6[%arg0, %dma_wait3A_48, %dma_wait3A_49] : memref<2x10000x64xf32, #tpu.memory_space<hbm>> -> memref<1x10000x64xf32, #tpu.memory_space<hbm>>
        %dma_wait3A_51 = tpu.memref_squeeze %dma_wait3A_50 : memref<1x10000x64xf32, #tpu.memory_space<hbm>> -> memref<10000x64xf32, #tpu.memory_space<hbm>>
        %dma_wait3A_52 = arith.constant 0 : i32
        %dma_wait3A_53 = tpu.memref_slice %dma_wait3A_51[%mul3A_38, %dma_wait3A_52] : memref<10000x64xf32, #tpu.memory_space<hbm>> -> memref<624x64xf32, #tpu.memory_space<hbm>>
        %dma_wait3A_54 = arith.constant 0 : i32
        %dma_wait3A_55 = tpu.memref_slice %arg13[%mul3A_36, %dma_wait3A_54] : memref<10000x64xf32, #tpu.memory_space<vmem_shared>> -> memref<624x64xf32, #tpu.memory_space<vmem_shared>>
        tpu.wait_dma2 semaphore(%run_scoped3A_39 : memref<!tpu.dma_semaphore, #tpu.memory_space<semaphore_mem>>) src(%dma_wait3A_55 : memref<624x64xf32, #tpu.memory_space<vmem_shared>>) dst(%dma_wait3A_53 : memref<624x64xf32, #tpu.memory_space<hbm>>)
        tpu.yield
      }) : () -> ()
    } else {
    }
    %eq3A_30 = arith.constant 15 : i32
    %eq3A_31 = arith.cmpi eq, %arg1, %eq3A_30 : i32
    %convert_element_type3A_32 = arith.extui %eq3A_31 : i1 to i32
    %cond3A_33 = arith.constant 0 : i32
    %cond3A_34 = arith.cmpi ne, %convert_element_type3A_32, %cond3A_33 : i32
    scf.if %cond3A_34 {
      "tpu.region"() ({
        %run_scoped3A_35 = tpu.sem_alloc : memref<!tpu.dma_semaphore, #tpu.memory_space<semaphore_mem>>
        %dma_start3A_36 = arith.constant 0 : i32
        %dma_start3A_37 = arith.constant 0 : i32
        %dma_start3A_38 = tpu.memref_slice %arg6[%arg0, %dma_start3A_36, %dma_start3A_37] : memref<2x10000x64xf32, #tpu.memory_space<hbm>> -> memref<1x10000x64xf32, #tpu.memory_space<hbm>>
        %dma_start3A_39 = tpu.memref_squeeze %dma_start3A_38 : memref<1x10000x64xf32, #tpu.memory_space<hbm>> -> memref<10000x64xf32, #tpu.memory_space<hbm>>
        %dma_start3A_40 = arith.constant 9360 : i32
        %dma_start3A_41 = arith.constant 0 : i32
        %dma_start3A_42 = tpu.memref_slice %dma_start3A_39[%dma_start3A_40, %dma_start3A_41] : memref<10000x64xf32, #tpu.memory_space<hbm>> -> memref<640x64xf32, #tpu.memory_space<hbm>>
        %dma_start3A_43 = arith.constant 9360 : i32
        %dma_start3A_44 = arith.constant 0 : i32
        %dma_start3A_45 = tpu.memref_slice %arg13[%dma_start3A_43, %dma_start3A_44] : memref<10000x64xf32, #tpu.memory_space<vmem_shared>> -> memref<640x64xf32, #tpu.memory_space<vmem_shared>>
        tpu.enqueue_dma source(%dma_start3A_45 : memref<640x64xf32, #tpu.memory_space<vmem_shared>>) target(%dma_start3A_42 : memref<640x64xf32, #tpu.memory_space<hbm>>) target_semaphore(%run_scoped3A_35 : memref<!tpu.dma_semaphore, #tpu.memory_space<semaphore_mem>>)
        %dma_wait3A_46 = arith.constant 0 : i32
        %dma_wait3A_47 = arith.constant 0 : i32
        %dma_wait3A_48 = tpu.memref_slice %arg6[%arg0, %dma_wait3A_46, %dma_wait3A_47] : memref<2x10000x64xf32, #tpu.memory_space<hbm>> -> memref<1x10000x64xf32, #tpu.memory_space<hbm>>
        %dma_wait3A_49 = tpu.memref_squeeze %dma_wait3A_48 : memref<1x10000x64xf32, #tpu.memory_space<hbm>> -> memref<10000x64xf32, #tpu.memory_space<hbm>>
        %dma_wait3A_50 = arith.constant 9360 : i32
        %dma_wait3A_51 = arith.constant 0 : i32
        %dma_wait3A_52 = tpu.memref_slice %dma_wait3A_49[%dma_wait3A_50, %dma_wait3A_51] : memref<10000x64xf32, #tpu.memory_space<hbm>> -> memref<640x64xf32, #tpu.memory_space<hbm>>
        %dma_wait3A_53 = arith.constant 9360 : i32
        %dma_wait3A_54 = arith.constant 0 : i32
        %dma_wait3A_55 = tpu.memref_slice %arg13[%dma_wait3A_53, %dma_wait3A_54] : memref<10000x64xf32, #tpu.memory_space<vmem_shared>> -> memref<640x64xf32, #tpu.memory_space<vmem_shared>>
        tpu.wait_dma2 semaphore(%run_scoped3A_35 : memref<!tpu.dma_semaphore, #tpu.memory_space<semaphore_mem>>) src(%dma_wait3A_55 : memref<640x64xf32, #tpu.memory_space<vmem_shared>>) dst(%dma_wait3A_52 : memref<640x64xf32, #tpu.memory_space<hbm>>)
        tpu.yield
      }) : () -> ()
    } else {
    }
    return
  }
}

#map = affine_map<(d0, d1) -> (0, 0)>
#map1 = affine_map<(d0, d1) -> (0, 0, 0)>
module attributes {stable_mosaic.version = 14 : i64} {
  func.func @gs(%arg0: i32, %arg1: i32, %arg2: memref<10000x128xf32, #tpu.memory_space<hbm>>, %arg3: memref<32x125x80xi32, #tpu.memory_space<hbm>>, %arg4: memref<32x125x80xi32, #tpu.memory_space<hbm>>, %arg5: memref<10000x128xf32, #tpu.memory_space<hbm>>, %arg6: memref<2x10000x128xf32, #tpu.memory_space<hbm>>, %arg7: memref<125x80xi32, #tpu.memory_space<vmem>>, %arg8: memref<125x80xi32, #tpu.memory_space<vmem>>, %arg9: memref<80x128xf32, #tpu.memory_space<vmem>>, %arg10: memref<80x128xf32, #tpu.memory_space<vmem>>, %arg11: memref<!tpu.dma_semaphore, #tpu.memory_space<semaphore_mem>>, %arg12: memref<!tpu.dma_semaphore, #tpu.memory_space<semaphore_mem>>, %arg13: memref<10000x128xf32, #tpu.memory_space<vmem_shared>>) attributes {dimension_semantics = [#tpu.dimension_semantics<core_parallel>, #tpu.dimension_semantics<subcore_parallel>], iteration_bounds = array<i64: 2, 16>, scalar_prefetch = 0 : i64, scratch_operands = 7 : i64, tpu.core_type = #tpu.core_type<sc_vector_subcore>, window_params = [{transform_indices = #map}, {transform_indices = #map1}, {transform_indices = #map1}, {transform_indices = #map}, {transform_indices = #map1}]} {
    %mul3A = arith.constant 2 : i32
    %mul3A_0 = arith.muli %arg1, %mul3A : i32
    %add3A = arith.addi %mul3A_0, %arg0 : i32
    "tpu.region"() ({
      %run_scoped3A_35 = tpu.sem_alloc : memref<!tpu.dma_semaphore, #tpu.memory_space<semaphore_mem>>
      %dma_start3A_36 = arith.constant 0 : i32
      %dma_start3A_37 = arith.constant 0 : i32
      %dma_start3A_38 = tpu.memref_slice %arg3[%add3A, %dma_start3A_36, %dma_start3A_37] : memref<32x125x80xi32, #tpu.memory_space<hbm>> -> memref<1x125x80xi32, #tpu.memory_space<hbm>>
      %dma_start3A_39 = tpu.memref_squeeze %dma_start3A_38 : memref<1x125x80xi32, #tpu.memory_space<hbm>> -> memref<125x80xi32, #tpu.memory_space<hbm>>
      %dma_start3A_40 = arith.constant 0 : i32
      %dma_start3A_41 = arith.constant 0 : i32
      %dma_start3A_42 = tpu.memref_slice %arg3[%add3A, %dma_start3A_40, %dma_start3A_41] : memref<32x125x80xi32, #tpu.memory_space<hbm>> -> memref<1x125x80xi32, #tpu.memory_space<hbm>>
      %dma_start3A_43 = tpu.memref_squeeze %dma_start3A_42 : memref<1x125x80xi32, #tpu.memory_space<hbm>> -> memref<125x80xi32, #tpu.memory_space<hbm>>
      tpu.enqueue_dma source(%dma_start3A_43 : memref<125x80xi32, #tpu.memory_space<hbm>>) target(%arg7 : memref<125x80xi32, #tpu.memory_space<vmem>>) target_semaphore(%run_scoped3A_35 : memref<!tpu.dma_semaphore, #tpu.memory_space<semaphore_mem>>)
      %dma_wait3A_44 = arith.constant 0 : i32
      %dma_wait3A_45 = arith.constant 0 : i32
      %dma_wait3A_46 = tpu.memref_slice %arg3[%add3A, %dma_wait3A_44, %dma_wait3A_45] : memref<32x125x80xi32, #tpu.memory_space<hbm>> -> memref<1x125x80xi32, #tpu.memory_space<hbm>>
      %dma_wait3A_47 = tpu.memref_squeeze %dma_wait3A_46 : memref<1x125x80xi32, #tpu.memory_space<hbm>> -> memref<125x80xi32, #tpu.memory_space<hbm>>
      %dma_wait3A_48 = arith.constant 0 : i32
      %dma_wait3A_49 = arith.constant 0 : i32
      %dma_wait3A_50 = tpu.memref_slice %arg3[%add3A, %dma_wait3A_48, %dma_wait3A_49] : memref<32x125x80xi32, #tpu.memory_space<hbm>> -> memref<1x125x80xi32, #tpu.memory_space<hbm>>
      %dma_wait3A_51 = tpu.memref_squeeze %dma_wait3A_50 : memref<1x125x80xi32, #tpu.memory_space<hbm>> -> memref<125x80xi32, #tpu.memory_space<hbm>>
      tpu.wait_dma2 semaphore(%run_scoped3A_35 : memref<!tpu.dma_semaphore, #tpu.memory_space<semaphore_mem>>) src(%dma_wait3A_51 : memref<125x80xi32, #tpu.memory_space<hbm>>) dst(%arg7 : memref<125x80xi32, #tpu.memory_space<vmem>>)
      tpu.yield
    }) : () -> ()
    "tpu.region"() ({
      %run_scoped3A_35 = tpu.sem_alloc : memref<!tpu.dma_semaphore, #tpu.memory_space<semaphore_mem>>
      %dma_start3A_36 = arith.constant 0 : i32
      %dma_start3A_37 = arith.constant 0 : i32
      %dma_start3A_38 = tpu.memref_slice %arg4[%add3A, %dma_start3A_36, %dma_start3A_37] : memref<32x125x80xi32, #tpu.memory_space<hbm>> -> memref<1x125x80xi32, #tpu.memory_space<hbm>>
      %dma_start3A_39 = tpu.memref_squeeze %dma_start3A_38 : memref<1x125x80xi32, #tpu.memory_space<hbm>> -> memref<125x80xi32, #tpu.memory_space<hbm>>
      %dma_start3A_40 = arith.constant 0 : i32
      %dma_start3A_41 = arith.constant 0 : i32
      %dma_start3A_42 = tpu.memref_slice %arg4[%add3A, %dma_start3A_40, %dma_start3A_41] : memref<32x125x80xi32, #tpu.memory_space<hbm>> -> memref<1x125x80xi32, #tpu.memory_space<hbm>>
      %dma_start3A_43 = tpu.memref_squeeze %dma_start3A_42 : memref<1x125x80xi32, #tpu.memory_space<hbm>> -> memref<125x80xi32, #tpu.memory_space<hbm>>
      tpu.enqueue_dma source(%dma_start3A_43 : memref<125x80xi32, #tpu.memory_space<hbm>>) target(%arg8 : memref<125x80xi32, #tpu.memory_space<vmem>>) target_semaphore(%run_scoped3A_35 : memref<!tpu.dma_semaphore, #tpu.memory_space<semaphore_mem>>)
      %dma_wait3A_44 = arith.constant 0 : i32
      %dma_wait3A_45 = arith.constant 0 : i32
      %dma_wait3A_46 = tpu.memref_slice %arg4[%add3A, %dma_wait3A_44, %dma_wait3A_45] : memref<32x125x80xi32, #tpu.memory_space<hbm>> -> memref<1x125x80xi32, #tpu.memory_space<hbm>>
      %dma_wait3A_47 = tpu.memref_squeeze %dma_wait3A_46 : memref<1x125x80xi32, #tpu.memory_space<hbm>> -> memref<125x80xi32, #tpu.memory_space<hbm>>
      %dma_wait3A_48 = arith.constant 0 : i32
      %dma_wait3A_49 = arith.constant 0 : i32
      %dma_wait3A_50 = tpu.memref_slice %arg4[%add3A, %dma_wait3A_48, %dma_wait3A_49] : memref<32x125x80xi32, #tpu.memory_space<hbm>> -> memref<1x125x80xi32, #tpu.memory_space<hbm>>
      %dma_wait3A_51 = tpu.memref_squeeze %dma_wait3A_50 : memref<1x125x80xi32, #tpu.memory_space<hbm>> -> memref<125x80xi32, #tpu.memory_space<hbm>>
      tpu.wait_dma2 semaphore(%run_scoped3A_35 : memref<!tpu.dma_semaphore, #tpu.memory_space<semaphore_mem>>) src(%dma_wait3A_51 : memref<125x80xi32, #tpu.memory_space<hbm>>) dst(%arg8 : memref<125x80xi32, #tpu.memory_space<vmem>>)
      tpu.yield
    }) : () -> ()
    %lt3A = arith.constant 15 : i32
    %lt3A_1 = arith.cmpi slt, %arg1, %lt3A : i32
    %convert_element_type3A = arith.extui %lt3A_1 : i1 to i32
    %cond3A = arith.constant 0 : i32
    %cond3A_2 = arith.cmpi ne, %convert_element_type3A, %cond3A : i32
    scf.if %cond3A_2 {
      %mul3A_35 = arith.constant 624 : i32
      %mul3A_36 = arith.muli %arg1, %mul3A_35 : i32
      %mul3A_37 = arith.constant 624 : i32
      %mul3A_38 = arith.muli %arg1, %mul3A_37 : i32
      "tpu.region"() ({
        %run_scoped3A_39 = tpu.sem_alloc : memref<!tpu.dma_semaphore, #tpu.memory_space<semaphore_mem>>
        %dma_start3A_40 = arith.constant 0 : i32
        %dma_start3A_41 = tpu.memref_slice %arg13[%mul3A_38, %dma_start3A_40] : memref<10000x128xf32, #tpu.memory_space<vmem_shared>> -> memref<624x128xf32, #tpu.memory_space<vmem_shared>>
        %dma_start3A_42 = arith.constant 0 : i32
        %dma_start3A_43 = tpu.memref_slice %arg5[%mul3A_36, %dma_start3A_42] : memref<10000x128xf32, #tpu.memory_space<hbm>> -> memref<624x128xf32, #tpu.memory_space<hbm>>
        tpu.enqueue_dma source(%dma_start3A_43 : memref<624x128xf32, #tpu.memory_space<hbm>>) target(%dma_start3A_41 : memref<624x128xf32, #tpu.memory_space<vmem_shared>>) target_semaphore(%run_scoped3A_39 : memref<!tpu.dma_semaphore, #tpu.memory_space<semaphore_mem>>)
        %dma_wait3A_44 = arith.constant 0 : i32
        %dma_wait3A_45 = tpu.memref_slice %arg13[%mul3A_38, %dma_wait3A_44] : memref<10000x128xf32, #tpu.memory_space<vmem_shared>> -> memref<624x128xf32, #tpu.memory_space<vmem_shared>>
        %dma_wait3A_46 = arith.constant 0 : i32
        %dma_wait3A_47 = tpu.memref_slice %arg5[%mul3A_36, %dma_wait3A_46] : memref<10000x128xf32, #tpu.memory_space<hbm>> -> memref<624x128xf32, #tpu.memory_space<hbm>>
        tpu.wait_dma2 semaphore(%run_scoped3A_39 : memref<!tpu.dma_semaphore, #tpu.memory_space<semaphore_mem>>) src(%dma_wait3A_47 : memref<624x128xf32, #tpu.memory_space<hbm>>) dst(%dma_wait3A_45 : memref<624x128xf32, #tpu.memory_space<vmem_shared>>)
        tpu.yield
      }) : () -> ()
    } else {
    }
    %eq3A = arith.constant 15 : i32
    %eq3A_3 = arith.cmpi eq, %arg1, %eq3A : i32
    %convert_element_type3A_4 = arith.extui %eq3A_3 : i1 to i32
    %cond3A_5 = arith.constant 0 : i32
    %cond3A_6 = arith.cmpi ne, %convert_element_type3A_4, %cond3A_5 : i32
    scf.if %cond3A_6 {
      "tpu.region"() ({
        %run_scoped3A_35 = tpu.sem_alloc : memref<!tpu.dma_semaphore, #tpu.memory_space<semaphore_mem>>
        %dma_start3A_36 = arith.constant 9360 : i32
        %dma_start3A_37 = arith.constant 0 : i32
        %dma_start3A_38 = tpu.memref_slice %arg13[%dma_start3A_36, %dma_start3A_37] : memref<10000x128xf32, #tpu.memory_space<vmem_shared>> -> memref<640x128xf32, #tpu.memory_space<vmem_shared>>
        %dma_start3A_39 = arith.constant 9360 : i32
        %dma_start3A_40 = arith.constant 0 : i32
        %dma_start3A_41 = tpu.memref_slice %arg5[%dma_start3A_39, %dma_start3A_40] : memref<10000x128xf32, #tpu.memory_space<hbm>> -> memref<640x128xf32, #tpu.memory_space<hbm>>
        tpu.enqueue_dma source(%dma_start3A_41 : memref<640x128xf32, #tpu.memory_space<hbm>>) target(%dma_start3A_38 : memref<640x128xf32, #tpu.memory_space<vmem_shared>>) target_semaphore(%run_scoped3A_35 : memref<!tpu.dma_semaphore, #tpu.memory_space<semaphore_mem>>)
        %dma_wait3A_42 = arith.constant 9360 : i32
        %dma_wait3A_43 = arith.constant 0 : i32
        %dma_wait3A_44 = tpu.memref_slice %arg13[%dma_wait3A_42, %dma_wait3A_43] : memref<10000x128xf32, #tpu.memory_space<vmem_shared>> -> memref<640x128xf32, #tpu.memory_space<vmem_shared>>
        %dma_wait3A_45 = arith.constant 9360 : i32
        %dma_wait3A_46 = arith.constant 0 : i32
        %dma_wait3A_47 = tpu.memref_slice %arg5[%dma_wait3A_45, %dma_wait3A_46] : memref<10000x128xf32, #tpu.memory_space<hbm>> -> memref<640x128xf32, #tpu.memory_space<hbm>>
        tpu.wait_dma2 semaphore(%run_scoped3A_35 : memref<!tpu.dma_semaphore, #tpu.memory_space<semaphore_mem>>) src(%dma_wait3A_47 : memref<640x128xf32, #tpu.memory_space<hbm>>) dst(%dma_wait3A_44 : memref<640x128xf32, #tpu.memory_space<vmem_shared>>)
        tpu.yield
      }) : () -> ()
    } else {
    }
    %barrier3A = arith.constant 0 : index
    tpu.barrier barrier_id(%barrier3A)
    %dma_start3A = arith.constant 0 : i32
    %dma_start3A_7 = arith.constant 0 : i32
    %dma_start3A_8 = tpu.memref_slice %arg7[%dma_start3A, %dma_start3A_7] : memref<125x80xi32, #tpu.memory_space<vmem>> -> memref<1x80xi32, #tpu.memory_space<vmem>>
    %dma_start3A_9 = tpu.memref_squeeze %dma_start3A_8 : memref<1x80xi32, #tpu.memory_space<vmem>> -> memref<80xi32, #tpu.memory_space<vmem>>
    %dma_start3A_10 = arith.constant 0 : i32
    %dma_start3A_11 = arith.constant 0 : i32
    %dma_start3A_12 = tpu.memref_slice %arg2[%dma_start3A_10, %dma_start3A_11] : memref<10000x128xf32, #tpu.memory_space<hbm>> -> memref<10000x128xf32, #tpu.memory_space<hbm>>
    tpu.enqueue_indirect_dma source(%dma_start3A_12 : memref<10000x128xf32, #tpu.memory_space<hbm>>) target(%arg9 : memref<80x128xf32, #tpu.memory_space<vmem>>) offsets(%dma_start3A_9 : memref<80xi32, #tpu.memory_space<vmem>>) semaphore(%arg11 : memref<!tpu.dma_semaphore, #tpu.memory_space<semaphore_mem>>)
    %scan3A = arith.constant 0 : i32
    %scan3A_13 = arith.constant 0 : i32
    %scan3A_14 = arith.constant 62 : i32
    %scan3A_15 = arith.addi %scan3A_13, %scan3A_14 : i32
    %scan3A_16 = arith.constant 1 : i32
    scf.for %scan3A_35 = %scan3A_13 to %scan3A_15 step %scan3A_16  : i32 {
      %mul3A_36 = arith.constant 2 : i32
      %mul3A_37 = arith.muli %scan3A_35, %mul3A_36 : i32
      %add3A_38 = arith.constant 0 : i32
      %add3A_39 = arith.addi %mul3A_37, %add3A_38 : i32
      %add3A_40 = arith.constant 1 : i32
      %add3A_41 = arith.addi %add3A_39, %add3A_40 : i32
      %dma_start3A_42 = arith.constant 0 : i32
      %dma_start3A_43 = tpu.memref_slice %arg7[%add3A_41, %dma_start3A_42] : memref<125x80xi32, #tpu.memory_space<vmem>> -> memref<1x80xi32, #tpu.memory_space<vmem>>
      %dma_start3A_44 = tpu.memref_squeeze %dma_start3A_43 : memref<1x80xi32, #tpu.memory_space<vmem>> -> memref<80xi32, #tpu.memory_space<vmem>>
      %dma_start3A_45 = arith.constant 0 : i32
      %dma_start3A_46 = arith.constant 0 : i32
      %dma_start3A_47 = tpu.memref_slice %arg2[%dma_start3A_45, %dma_start3A_46] : memref<10000x128xf32, #tpu.memory_space<hbm>> -> memref<10000x128xf32, #tpu.memory_space<hbm>>
      tpu.enqueue_indirect_dma source(%dma_start3A_47 : memref<10000x128xf32, #tpu.memory_space<hbm>>) target(%arg10 : memref<80x128xf32, #tpu.memory_space<vmem>>) offsets(%dma_start3A_44 : memref<80xi32, #tpu.memory_space<vmem>>) semaphore(%arg12 : memref<!tpu.dma_semaphore, #tpu.memory_space<semaphore_mem>>)
      %dma_wait3A_48 = arith.constant 0 : i32
      %dma_wait3A_49 = tpu.memref_slice %arg7[%add3A_39, %dma_wait3A_48] : memref<125x80xi32, #tpu.memory_space<vmem>> -> memref<1x80xi32, #tpu.memory_space<vmem>>
      %dma_wait3A_50 = tpu.memref_squeeze %dma_wait3A_49 : memref<1x80xi32, #tpu.memory_space<vmem>> -> memref<80xi32, #tpu.memory_space<vmem>>
      %dma_wait3A_51 = arith.constant 0 : i32
      %dma_wait3A_52 = arith.constant 0 : i32
      %dma_wait3A_53 = tpu.memref_slice %arg2[%dma_wait3A_51, %dma_wait3A_52] : memref<10000x128xf32, #tpu.memory_space<hbm>> -> memref<10000x128xf32, #tpu.memory_space<hbm>>
      tpu.wait_indirect_dma semaphore(%arg11 : memref<!tpu.dma_semaphore, #tpu.memory_space<semaphore_mem>>) src(%dma_wait3A_53 : memref<10000x128xf32, #tpu.memory_space<hbm>>) dst(%arg9 : memref<80x128xf32, #tpu.memory_space<vmem>>)
      "tpu.region"() ({
        %run_scoped3A_72 = tpu.sem_alloc : memref<!tpu.dma_semaphore, #tpu.memory_space<semaphore_mem>>
        %dma_start3A_73 = arith.constant 0 : i32
        %dma_start3A_74 = tpu.memref_slice %arg8[%add3A_39, %dma_start3A_73] : memref<125x80xi32, #tpu.memory_space<vmem>> -> memref<1x80xi32, #tpu.memory_space<vmem>>
        %dma_start3A_75 = tpu.memref_squeeze %dma_start3A_74 : memref<1x80xi32, #tpu.memory_space<vmem>> -> memref<80xi32, #tpu.memory_space<vmem>>
        %dma_start3A_76 = arith.constant 0 : i32
        %dma_start3A_77 = arith.constant 0 : i32
        %dma_start3A_78 = tpu.memref_slice %arg13[%dma_start3A_76, %dma_start3A_77] : memref<10000x128xf32, #tpu.memory_space<vmem_shared>> -> memref<10000x128xf32, #tpu.memory_space<vmem_shared>>
        tpu.enqueue_indirect_dma source(%arg9 : memref<80x128xf32, #tpu.memory_space<vmem>>) target(%dma_start3A_78 : memref<10000x128xf32, #tpu.memory_space<vmem_shared>>) offsets(%dma_start3A_75 : memref<80xi32, #tpu.memory_space<vmem>>) semaphore(%run_scoped3A_72 : memref<!tpu.dma_semaphore, #tpu.memory_space<semaphore_mem>>) {add = true}
        %dma_wait3A_79 = arith.constant 0 : i32
        %dma_wait3A_80 = tpu.memref_slice %arg8[%add3A_39, %dma_wait3A_79] : memref<125x80xi32, #tpu.memory_space<vmem>> -> memref<1x80xi32, #tpu.memory_space<vmem>>
        %dma_wait3A_81 = tpu.memref_squeeze %dma_wait3A_80 : memref<1x80xi32, #tpu.memory_space<vmem>> -> memref<80xi32, #tpu.memory_space<vmem>>
        %dma_wait3A_82 = arith.constant 0 : i32
        %dma_wait3A_83 = arith.constant 0 : i32
        %dma_wait3A_84 = tpu.memref_slice %arg13[%dma_wait3A_82, %dma_wait3A_83] : memref<10000x128xf32, #tpu.memory_space<vmem_shared>> -> memref<10000x128xf32, #tpu.memory_space<vmem_shared>>
        tpu.wait_indirect_dma semaphore(%run_scoped3A_72 : memref<!tpu.dma_semaphore, #tpu.memory_space<semaphore_mem>>) src(%arg9 : memref<80x128xf32, #tpu.memory_space<vmem>>) dst(%dma_wait3A_84 : memref<10000x128xf32, #tpu.memory_space<vmem_shared>>)
        tpu.yield
      }) : () -> ()
      %mul3A_54 = arith.constant 2 : i32
      %mul3A_55 = arith.muli %scan3A_35, %mul3A_54 : i32
      %add3A_56 = arith.constant 1 : i32
      %add3A_57 = arith.addi %mul3A_55, %add3A_56 : i32
      %add3A_58 = arith.constant 1 : i32
      %add3A_59 = arith.addi %add3A_57, %add3A_58 : i32
      %dma_start3A_60 = arith.constant 0 : i32
      %dma_start3A_61 = tpu.memref_slice %arg7[%add3A_59, %dma_start3A_60] : memref<125x80xi32, #tpu.memory_space<vmem>> -> memref<1x80xi32, #tpu.memory_space<vmem>>
      %dma_start3A_62 = tpu.memref_squeeze %dma_start3A_61 : memref<1x80xi32, #tpu.memory_space<vmem>> -> memref<80xi32, #tpu.memory_space<vmem>>
      %dma_start3A_63 = arith.constant 0 : i32
      %dma_start3A_64 = arith.constant 0 : i32
      %dma_start3A_65 = tpu.memref_slice %arg2[%dma_start3A_63, %dma_start3A_64] : memref<10000x128xf32, #tpu.memory_space<hbm>> -> memref<10000x128xf32, #tpu.memory_space<hbm>>
      tpu.enqueue_indirect_dma source(%dma_start3A_65 : memref<10000x128xf32, #tpu.memory_space<hbm>>) target(%arg9 : memref<80x128xf32, #tpu.memory_space<vmem>>) offsets(%dma_start3A_62 : memref<80xi32, #tpu.memory_space<vmem>>) semaphore(%arg11 : memref<!tpu.dma_semaphore, #tpu.memory_space<semaphore_mem>>)
      %dma_wait3A_66 = arith.constant 0 : i32
      %dma_wait3A_67 = tpu.memref_slice %arg7[%add3A_57, %dma_wait3A_66] : memref<125x80xi32, #tpu.memory_space<vmem>> -> memref<1x80xi32, #tpu.memory_space<vmem>>
      %dma_wait3A_68 = tpu.memref_squeeze %dma_wait3A_67 : memref<1x80xi32, #tpu.memory_space<vmem>> -> memref<80xi32, #tpu.memory_space<vmem>>
      %dma_wait3A_69 = arith.constant 0 : i32
      %dma_wait3A_70 = arith.constant 0 : i32
      %dma_wait3A_71 = tpu.memref_slice %arg2[%dma_wait3A_69, %dma_wait3A_70] : memref<10000x128xf32, #tpu.memory_space<hbm>> -> memref<10000x128xf32, #tpu.memory_space<hbm>>
      tpu.wait_indirect_dma semaphore(%arg12 : memref<!tpu.dma_semaphore, #tpu.memory_space<semaphore_mem>>) src(%dma_wait3A_71 : memref<10000x128xf32, #tpu.memory_space<hbm>>) dst(%arg10 : memref<80x128xf32, #tpu.memory_space<vmem>>)
      "tpu.region"() ({
        %run_scoped3A_72 = tpu.sem_alloc : memref<!tpu.dma_semaphore, #tpu.memory_space<semaphore_mem>>
        %dma_start3A_73 = arith.constant 0 : i32
        %dma_start3A_74 = tpu.memref_slice %arg8[%add3A_57, %dma_start3A_73] : memref<125x80xi32, #tpu.memory_space<vmem>> -> memref<1x80xi32, #tpu.memory_space<vmem>>
        %dma_start3A_75 = tpu.memref_squeeze %dma_start3A_74 : memref<1x80xi32, #tpu.memory_space<vmem>> -> memref<80xi32, #tpu.memory_space<vmem>>
        %dma_start3A_76 = arith.constant 0 : i32
        %dma_start3A_77 = arith.constant 0 : i32
        %dma_start3A_78 = tpu.memref_slice %arg13[%dma_start3A_76, %dma_start3A_77] : memref<10000x128xf32, #tpu.memory_space<vmem_shared>> -> memref<10000x128xf32, #tpu.memory_space<vmem_shared>>
        tpu.enqueue_indirect_dma source(%arg10 : memref<80x128xf32, #tpu.memory_space<vmem>>) target(%dma_start3A_78 : memref<10000x128xf32, #tpu.memory_space<vmem_shared>>) offsets(%dma_start3A_75 : memref<80xi32, #tpu.memory_space<vmem>>) semaphore(%run_scoped3A_72 : memref<!tpu.dma_semaphore, #tpu.memory_space<semaphore_mem>>) {add = true}
        %dma_wait3A_79 = arith.constant 0 : i32
        %dma_wait3A_80 = tpu.memref_slice %arg8[%add3A_57, %dma_wait3A_79] : memref<125x80xi32, #tpu.memory_space<vmem>> -> memref<1x80xi32, #tpu.memory_space<vmem>>
        %dma_wait3A_81 = tpu.memref_squeeze %dma_wait3A_80 : memref<1x80xi32, #tpu.memory_space<vmem>> -> memref<80xi32, #tpu.memory_space<vmem>>
        %dma_wait3A_82 = arith.constant 0 : i32
        %dma_wait3A_83 = arith.constant 0 : i32
        %dma_wait3A_84 = tpu.memref_slice %arg13[%dma_wait3A_82, %dma_wait3A_83] : memref<10000x128xf32, #tpu.memory_space<vmem_shared>> -> memref<10000x128xf32, #tpu.memory_space<vmem_shared>>
        tpu.wait_indirect_dma semaphore(%run_scoped3A_72 : memref<!tpu.dma_semaphore, #tpu.memory_space<semaphore_mem>>) src(%arg10 : memref<80x128xf32, #tpu.memory_space<vmem>>) dst(%dma_wait3A_84 : memref<10000x128xf32, #tpu.memory_space<vmem_shared>>)
        tpu.yield
      }) : () -> ()
    }
    %scan3A_17 = arith.constant 62 : i32
    %dma_wait3A = arith.constant 124 : i32
    %dma_wait3A_18 = arith.constant 0 : i32
    %dma_wait3A_19 = tpu.memref_slice %arg7[%dma_wait3A, %dma_wait3A_18] : memref<125x80xi32, #tpu.memory_space<vmem>> -> memref<1x80xi32, #tpu.memory_space<vmem>>
    %dma_wait3A_20 = tpu.memref_squeeze %dma_wait3A_19 : memref<1x80xi32, #tpu.memory_space<vmem>> -> memref<80xi32, #tpu.memory_space<vmem>>
    %dma_wait3A_21 = arith.constant 0 : i32
    %dma_wait3A_22 = arith.constant 0 : i32
    %dma_wait3A_23 = tpu.memref_slice %arg2[%dma_wait3A_21, %dma_wait3A_22] : memref<10000x128xf32, #tpu.memory_space<hbm>> -> memref<10000x128xf32, #tpu.memory_space<hbm>>
    tpu.wait_indirect_dma semaphore(%arg11 : memref<!tpu.dma_semaphore, #tpu.memory_space<semaphore_mem>>) src(%dma_wait3A_23 : memref<10000x128xf32, #tpu.memory_space<hbm>>) dst(%arg9 : memref<80x128xf32, #tpu.memory_space<vmem>>)
    %run_scoped3A = arith.constant 124 : i32
    "tpu.region"() ({
      %run_scoped3A_35 = tpu.sem_alloc : memref<!tpu.dma_semaphore, #tpu.memory_space<semaphore_mem>>
      %dma_start3A_36 = arith.constant 0 : i32
      %dma_start3A_37 = tpu.memref_slice %arg8[%run_scoped3A, %dma_start3A_36] : memref<125x80xi32, #tpu.memory_space<vmem>> -> memref<1x80xi32, #tpu.memory_space<vmem>>
      %dma_start3A_38 = tpu.memref_squeeze %dma_start3A_37 : memref<1x80xi32, #tpu.memory_space<vmem>> -> memref<80xi32, #tpu.memory_space<vmem>>
      %dma_start3A_39 = arith.constant 0 : i32
      %dma_start3A_40 = arith.constant 0 : i32
      %dma_start3A_41 = tpu.memref_slice %arg13[%dma_start3A_39, %dma_start3A_40] : memref<10000x128xf32, #tpu.memory_space<vmem_shared>> -> memref<10000x128xf32, #tpu.memory_space<vmem_shared>>
      tpu.enqueue_indirect_dma source(%arg9 : memref<80x128xf32, #tpu.memory_space<vmem>>) target(%dma_start3A_41 : memref<10000x128xf32, #tpu.memory_space<vmem_shared>>) offsets(%dma_start3A_38 : memref<80xi32, #tpu.memory_space<vmem>>) semaphore(%run_scoped3A_35 : memref<!tpu.dma_semaphore, #tpu.memory_space<semaphore_mem>>) {add = true}
      %dma_wait3A_42 = arith.constant 0 : i32
      %dma_wait3A_43 = tpu.memref_slice %arg8[%run_scoped3A, %dma_wait3A_42] : memref<125x80xi32, #tpu.memory_space<vmem>> -> memref<1x80xi32, #tpu.memory_space<vmem>>
      %dma_wait3A_44 = tpu.memref_squeeze %dma_wait3A_43 : memref<1x80xi32, #tpu.memory_space<vmem>> -> memref<80xi32, #tpu.memory_space<vmem>>
      %dma_wait3A_45 = arith.constant 0 : i32
      %dma_wait3A_46 = arith.constant 0 : i32
      %dma_wait3A_47 = tpu.memref_slice %arg13[%dma_wait3A_45, %dma_wait3A_46] : memref<10000x128xf32, #tpu.memory_space<vmem_shared>> -> memref<10000x128xf32, #tpu.memory_space<vmem_shared>>
      tpu.wait_indirect_dma semaphore(%run_scoped3A_35 : memref<!tpu.dma_semaphore, #tpu.memory_space<semaphore_mem>>) src(%arg9 : memref<80x128xf32, #tpu.memory_space<vmem>>) dst(%dma_wait3A_47 : memref<10000x128xf32, #tpu.memory_space<vmem_shared>>)
      tpu.yield
    }) : () -> ()
    %barrier3A_24 = arith.constant 0 : index
    tpu.barrier barrier_id(%barrier3A_24)
    %lt3A_25 = arith.constant 15 : i32
    %lt3A_26 = arith.cmpi slt, %arg1, %lt3A_25 : i32
    %convert_element_type3A_27 = arith.extui %lt3A_26 : i1 to i32
    %cond3A_28 = arith.constant 0 : i32
    %cond3A_29 = arith.cmpi ne, %convert_element_type3A_27, %cond3A_28 : i32
    scf.if %cond3A_29 {
      %mul3A_35 = arith.constant 624 : i32
      %mul3A_36 = arith.muli %arg1, %mul3A_35 : i32
      %mul3A_37 = arith.constant 624 : i32
      %mul3A_38 = arith.muli %arg1, %mul3A_37 : i32
      "tpu.region"() ({
        %run_scoped3A_39 = tpu.sem_alloc : memref<!tpu.dma_semaphore, #tpu.memory_space<semaphore_mem>>
        %dma_start3A_40 = arith.constant 0 : i32
        %dma_start3A_41 = arith.constant 0 : i32
        %dma_start3A_42 = tpu.memref_slice %arg6[%arg0, %dma_start3A_40, %dma_start3A_41] : memref<2x10000x128xf32, #tpu.memory_space<hbm>> -> memref<1x10000x128xf32, #tpu.memory_space<hbm>>
        %dma_start3A_43 = tpu.memref_squeeze %dma_start3A_42 : memref<1x10000x128xf32, #tpu.memory_space<hbm>> -> memref<10000x128xf32, #tpu.memory_space<hbm>>
        %dma_start3A_44 = arith.constant 0 : i32
        %dma_start3A_45 = tpu.memref_slice %dma_start3A_43[%mul3A_38, %dma_start3A_44] : memref<10000x128xf32, #tpu.memory_space<hbm>> -> memref<624x128xf32, #tpu.memory_space<hbm>>
        %dma_start3A_46 = arith.constant 0 : i32
        %dma_start3A_47 = tpu.memref_slice %arg13[%mul3A_36, %dma_start3A_46] : memref<10000x128xf32, #tpu.memory_space<vmem_shared>> -> memref<624x128xf32, #tpu.memory_space<vmem_shared>>
        tpu.enqueue_dma source(%dma_start3A_47 : memref<624x128xf32, #tpu.memory_space<vmem_shared>>) target(%dma_start3A_45 : memref<624x128xf32, #tpu.memory_space<hbm>>) target_semaphore(%run_scoped3A_39 : memref<!tpu.dma_semaphore, #tpu.memory_space<semaphore_mem>>)
        %dma_wait3A_48 = arith.constant 0 : i32
        %dma_wait3A_49 = arith.constant 0 : i32
        %dma_wait3A_50 = tpu.memref_slice %arg6[%arg0, %dma_wait3A_48, %dma_wait3A_49] : memref<2x10000x128xf32, #tpu.memory_space<hbm>> -> memref<1x10000x128xf32, #tpu.memory_space<hbm>>
        %dma_wait3A_51 = tpu.memref_squeeze %dma_wait3A_50 : memref<1x10000x128xf32, #tpu.memory_space<hbm>> -> memref<10000x128xf32, #tpu.memory_space<hbm>>
        %dma_wait3A_52 = arith.constant 0 : i32
        %dma_wait3A_53 = tpu.memref_slice %dma_wait3A_51[%mul3A_38, %dma_wait3A_52] : memref<10000x128xf32, #tpu.memory_space<hbm>> -> memref<624x128xf32, #tpu.memory_space<hbm>>
        %dma_wait3A_54 = arith.constant 0 : i32
        %dma_wait3A_55 = tpu.memref_slice %arg13[%mul3A_36, %dma_wait3A_54] : memref<10000x128xf32, #tpu.memory_space<vmem_shared>> -> memref<624x128xf32, #tpu.memory_space<vmem_shared>>
        tpu.wait_dma2 semaphore(%run_scoped3A_39 : memref<!tpu.dma_semaphore, #tpu.memory_space<semaphore_mem>>) src(%dma_wait3A_55 : memref<624x128xf32, #tpu.memory_space<vmem_shared>>) dst(%dma_wait3A_53 : memref<624x128xf32, #tpu.memory_space<hbm>>)
        tpu.yield
      }) : () -> ()
    } else {
    }
    %eq3A_30 = arith.constant 15 : i32
    %eq3A_31 = arith.cmpi eq, %arg1, %eq3A_30 : i32
    %convert_element_type3A_32 = arith.extui %eq3A_31 : i1 to i32
    %cond3A_33 = arith.constant 0 : i32
    %cond3A_34 = arith.cmpi ne, %convert_element_type3A_32, %cond3A_33 : i32
    scf.if %cond3A_34 {
      "tpu.region"() ({
        %run_scoped3A_35 = tpu.sem_alloc : memref<!tpu.dma_semaphore, #tpu.memory_space<semaphore_mem>>
        %dma_start3A_36 = arith.constant 0 : i32
        %dma_start3A_37 = arith.constant 0 : i32
        %dma_start3A_38 = tpu.memref_slice %arg6[%arg0, %dma_start3A_36, %dma_start3A_37] : memref<2x10000x128xf32, #tpu.memory_space<hbm>> -> memref<1x10000x128xf32, #tpu.memory_space<hbm>>
        %dma_start3A_39 = tpu.memref_squeeze %dma_start3A_38 : memref<1x10000x128xf32, #tpu.memory_space<hbm>> -> memref<10000x128xf32, #tpu.memory_space<hbm>>
        %dma_start3A_40 = arith.constant 9360 : i32
        %dma_start3A_41 = arith.constant 0 : i32
        %dma_start3A_42 = tpu.memref_slice %dma_start3A_39[%dma_start3A_40, %dma_start3A_41] : memref<10000x128xf32, #tpu.memory_space<hbm>> -> memref<640x128xf32, #tpu.memory_space<hbm>>
        %dma_start3A_43 = arith.constant 9360 : i32
        %dma_start3A_44 = arith.constant 0 : i32
        %dma_start3A_45 = tpu.memref_slice %arg13[%dma_start3A_43, %dma_start3A_44] : memref<10000x128xf32, #tpu.memory_space<vmem_shared>> -> memref<640x128xf32, #tpu.memory_space<vmem_shared>>
        tpu.enqueue_dma source(%dma_start3A_45 : memref<640x128xf32, #tpu.memory_space<vmem_shared>>) target(%dma_start3A_42 : memref<640x128xf32, #tpu.memory_space<hbm>>) target_semaphore(%run_scoped3A_35 : memref<!tpu.dma_semaphore, #tpu.memory_space<semaphore_mem>>)
        %dma_wait3A_46 = arith.constant 0 : i32
        %dma_wait3A_47 = arith.constant 0 : i32
        %dma_wait3A_48 = tpu.memref_slice %arg6[%arg0, %dma_wait3A_46, %dma_wait3A_47] : memref<2x10000x128xf32, #tpu.memory_space<hbm>> -> memref<1x10000x128xf32, #tpu.memory_space<hbm>>
        %dma_wait3A_49 = tpu.memref_squeeze %dma_wait3A_48 : memref<1x10000x128xf32, #tpu.memory_space<hbm>> -> memref<10000x128xf32, #tpu.memory_space<hbm>>
        %dma_wait3A_50 = arith.constant 9360 : i32
        %dma_wait3A_51 = arith.constant 0 : i32
        %dma_wait3A_52 = tpu.memref_slice %dma_wait3A_49[%dma_wait3A_50, %dma_wait3A_51] : memref<10000x128xf32, #tpu.memory_space<hbm>> -> memref<640x128xf32, #tpu.memory_space<hbm>>
        %dma_wait3A_53 = arith.constant 9360 : i32
        %dma_wait3A_54 = arith.constant 0 : i32
        %dma_wait3A_55 = tpu.memref_slice %arg13[%dma_wait3A_53, %dma_wait3A_54] : memref<10000x128xf32, #tpu.memory_space<vmem_shared>> -> memref<640x128xf32, #tpu.memory_space<vmem_shared>>
        tpu.wait_dma2 semaphore(%run_scoped3A_35 : memref<!tpu.dma_semaphore, #tpu.memory_space<semaphore_mem>>) src(%dma_wait3A_55 : memref<640x128xf32, #tpu.memory_space<vmem_shared>>) dst(%dma_wait3A_52 : memref<640x128xf32, #tpu.memory_space<hbm>>)
        tpu.yield
      }) : () -> ()
    } else {
    }
    return
  }
}

module attributes {stable_mosaic.version = 14 : i64} {
  func.func @_t1_body(%arg0: i32, %arg1: memref<2x1000x1xf32, #tpu.memory_space<vmem>>, %arg2: memref<1000x128xf32, #tpu.memory_space<vmem>>, %arg3: memref<128x64xf32, #tpu.memory_space<vmem>>, %arg4: memref<1000x1xf32, #tpu.memory_space<vmem>>, %arg5: memref<1000x64xf32, #tpu.memory_space<vmem>>) attributes {dimension_semantics = [#tpu.dimension_semantics<arbitrary>], iteration_bounds = array<i64: 10>, scalar_prefetch = 0 : i64, scratch_operands = 0 : i64, tpu.core_type = #tpu.core_type<tc>, window_params = [{transform_indices = @transform_0, window_bounds = array<i64: 2, 1000, 1>}, {transform_indices = @transform_1, window_bounds = array<i64: 1000, 128>}, {pipeline_mode = #tpu.pipeline_mode<synchronous>, transform_indices = @transform_2, window_bounds = array<i64: 128, 64>}, {transform_indices = @transform_3, window_bounds = array<i64: 1000, 1>}, {transform_indices = @transform_4, window_bounds = array<i64: 1000, 64>}]} {
    %get3A = arith.constant 0 : index
    %get3A_0 = arith.constant 0 : index
    %get3A_1 = arith.constant 0 : index
    %get3A_2 = vector.load %arg1[%get3A, %get3A_0, %get3A_1] : memref<2x1000x1xf32, #tpu.memory_space<vmem>>, vector<1x1000x1xf32>
    %get3A_3 = vector.shape_cast %get3A_2 : vector<1x1000x1xf32> to vector<1000x1xf32>
    %get3A_4 = arith.constant 1 : index
    %get3A_5 = arith.constant 0 : index
    %get3A_6 = arith.constant 0 : index
    %get3A_7 = vector.load %arg1[%get3A_4, %get3A_5, %get3A_6] : memref<2x1000x1xf32, #tpu.memory_space<vmem>>, vector<1x1000x1xf32>
    %get3A_8 = vector.shape_cast %get3A_7 : vector<1x1000x1xf32> to vector<1000x1xf32>
    %add3A = arith.addf %get3A_3, %get3A_8 : vector<1000x1xf32>
    %add3A_9 = arith.constant 1.000000e+00 : f32
    %add3A_10 = vector.broadcast %add3A_9 : f32 to vector<1000x1xf32>
    %add3A_11 = arith.addf %add3A, %add3A_10 : vector<1000x1xf32>
    %rsqrt3A = math.rsqrt %add3A_11 : vector<1000x1xf32>
    %get3A_12 = arith.constant 0 : index
    %get3A_13 = arith.constant 0 : index
    %get3A_14 = vector.load %arg2[%get3A_12, %get3A_13] : memref<1000x128xf32, #tpu.memory_space<vmem>>, vector<1000x128xf32>
    %get3A_15 = arith.constant 0 : index
    %get3A_16 = arith.constant 0 : index
    %get3A_17 = vector.load %arg3[%get3A_15, %get3A_16] : memref<128x64xf32, #tpu.memory_space<vmem>>, vector<128x64xf32>
    %dot_general3A = arith.constant dense<0.000000e+00> : vector<1000x64xf32>
    %dot_general3A_18 = tpu.matmul %get3A_14, %get3A_17, %dot_general3A {dimension_numbers = #tpu.dot_dimension_numbers<[1], [0], [0], [1], [0, 0, 1, 1], [], []>, transpose_lhs_hint = false} : vector<1000x128xf32>, vector<128x64xf32>, vector<1000x64xf32> -> vector<1000x64xf32>
    %swap3A = arith.constant 0 : index
    %swap3A_19 = arith.constant 0 : index
    %swap3A_20 = vector.load %arg4[%swap3A, %swap3A_19] : memref<1000x1xf32, #tpu.memory_space<vmem>>, vector<1000x1xf32>
    tpu.vector_store %arg4[%swap3A, %swap3A_19], %rsqrt3A {strides = array<i32>} : memref<1000x1xf32, #tpu.memory_space<vmem>>, vector<1000x1xf32>,
    %mul3A = vector.broadcast %rsqrt3A : vector<1000x1xf32> to vector<1000x64xf32>
    %mul3A_21 = arith.mulf %dot_general3A_18, %mul3A : vector<1000x64xf32>
    %swap3A_22 = arith.constant 0 : index
    %swap3A_23 = arith.constant 0 : index
    %swap3A_24 = vector.load %arg5[%swap3A_22, %swap3A_23] : memref<1000x64xf32, #tpu.memory_space<vmem>>, vector<1000x64xf32>
    tpu.vector_store %arg5[%swap3A_22, %swap3A_23], %mul3A_21 {strides = array<i32>} : memref<1000x64xf32, #tpu.memory_space<vmem>>, vector<1000x64xf32>,
    return
  }
  func.func @transform_0(%arg0: i32) -> (i32, i32, i32) {
    %c0_i32 = arith.constant 0 : i32
    %c0_i32_0 = arith.constant 0 : i32
    %c0_i32_1 = arith.constant 0 : i32
    return %c0_i32, %arg0, %c0_i32_0 : i32, i32, i32
  }
  func.func @transform_1(%arg0: i32) -> (i32, i32) {
    %c0_i32 = arith.constant 0 : i32
    %c0_i32_0 = arith.constant 0 : i32
    return %arg0, %c0_i32 : i32, i32
  }
  func.func @transform_2(%arg0: i32) -> (i32, i32) {
    %c0_i32 = arith.constant 0 : i32
    %c0_i32_0 = arith.constant 0 : i32
    %c0_i32_1 = arith.constant 0 : i32
    return %c0_i32, %c0_i32_0 : i32, i32
  }
  func.func @transform_3(%arg0: i32) -> (i32, i32) {
    %c0_i32 = arith.constant 0 : i32
    %c0_i32_0 = arith.constant 0 : i32
    return %arg0, %c0_i32 : i32, i32
  }
  func.func @transform_4(%arg0: i32) -> (i32, i32) {
    %c0_i32 = arith.constant 0 : i32
    %c0_i32_0 = arith.constant 0 : i32
    return %arg0, %c0_i32 : i32, i32
  }
}

module attributes {stable_mosaic.version = 14 : i64} {
  func.func @_t2_body(%arg0: i32, %arg1: memref<2x1000x64xf32, #tpu.memory_space<vmem>>, %arg2: memref<1000x64xf32, #tpu.memory_space<vmem>>, %arg3: memref<1000x1xf32, #tpu.memory_space<vmem>>, %arg4: memref<1x64xf32, #tpu.memory_space<vmem>>, %arg5: memref<64x64xf32, #tpu.memory_space<vmem>>, %arg6: memref<1x64xf32, #tpu.memory_space<vmem>>, %arg7: memref<64x64xf32, #tpu.memory_space<vmem>>, %arg8: memref<1x64xf32, #tpu.memory_space<vmem>>, %arg9: memref<64x64xf32, #tpu.memory_space<vmem>>, %arg10: memref<1x64xf32, #tpu.memory_space<vmem>>, %arg11: memref<64x64xf32, #tpu.memory_space<vmem>>, %arg12: memref<1x64xf32, #tpu.memory_space<vmem>>, %arg13: memref<1000x64xf32, #tpu.memory_space<vmem>>, %arg14: memref<1000x64xf32, #tpu.memory_space<vmem>>, %arg15: memref<1000x64xf32, #tpu.memory_space<vmem>>, %arg16: memref<1000x64xf32, #tpu.memory_space<vmem>>) attributes {dimension_semantics = [#tpu.dimension_semantics<arbitrary>], iteration_bounds = array<i64: 10>, scalar_prefetch = 0 : i64, scratch_operands = 0 : i64, tpu.core_type = #tpu.core_type<tc>, window_params = [{transform_indices = @transform_0, window_bounds = array<i64: 2, 1000, 64>}, {transform_indices = @transform_1, window_bounds = array<i64: 1000, 64>}, {transform_indices = @transform_2, window_bounds = array<i64: 1000, 1>}, {pipeline_mode = #tpu.pipeline_mode<synchronous>, transform_indices = @transform_3, window_bounds = array<i64: 1, 64>}, {pipeline_mode = #tpu.pipeline_mode<synchronous>, transform_indices = @transform_4, window_bounds = array<i64: 64, 64>}, {pipeline_mode = #tpu.pipeline_mode<synchronous>, transform_indices = @transform_5, window_bounds = array<i64: 1, 64>}, {pipeline_mode = #tpu.pipeline_mode<synchronous>, transform_indices = @transform_6, window_bounds = array<i64: 64, 64>}, {pipeline_mode = #tpu.pipeline_mode<synchronous>, transform_indices = @transform_7, window_bounds = array<i64: 1, 64>}, {pipeline_mode = #tpu.pipeline_mode<synchronous>, transform_indices = @transform_8, window_bounds = array<i64: 64, 64>}, {pipeline_mode = #tpu.pipeline_mode<synchronous>, transform_indices = @transform_9, window_bounds = array<i64: 1, 64>}, {pipeline_mode = #tpu.pipeline_mode<synchronous>, transform_indices = @transform_10, window_bounds = array<i64: 64, 64>}, {pipeline_mode = #tpu.pipeline_mode<synchronous>, transform_indices = @transform_11, window_bounds = array<i64: 1, 64>}, {transform_indices = @transform_12, window_bounds = array<i64: 1000, 64>}, {transform_indices = @transform_13, window_bounds = array<i64: 1000, 64>}, {transform_indices = @transform_14, window_bounds = array<i64: 1000, 64>}, {transform_indices = @transform_15, window_bounds = array<i64: 1000, 64>}]} {
    %get3A = arith.constant 0 : index
    %get3A_0 = arith.constant 0 : index
    %get3A_1 = vector.load %arg3[%get3A, %get3A_0] : memref<1000x1xf32, #tpu.memory_space<vmem>>, vector<1000x1xf32>
    %get3A_2 = arith.constant 0 : index
    %get3A_3 = arith.constant 0 : index
    %get3A_4 = arith.constant 0 : index
    %get3A_5 = vector.load %arg1[%get3A_2, %get3A_3, %get3A_4] : memref<2x1000x64xf32, #tpu.memory_space<vmem>>, vector<1x1000x64xf32>
    %get3A_6 = vector.shape_cast %get3A_5 : vector<1x1000x64xf32> to vector<1000x64xf32>
    %get3A_7 = arith.constant 1 : index
    %get3A_8 = arith.constant 0 : index
    %get3A_9 = arith.constant 0 : index
    %get3A_10 = vector.load %arg1[%get3A_7, %get3A_8, %get3A_9] : memref<2x1000x64xf32, #tpu.memory_space<vmem>>, vector<1x1000x64xf32>
    %get3A_11 = vector.shape_cast %get3A_10 : vector<1x1000x64xf32> to vector<1000x64xf32>
    %add3A = arith.addf %get3A_6, %get3A_11 : vector<1000x64xf32>
    %get3A_12 = arith.constant 0 : index
    %get3A_13 = arith.constant 0 : index
    %get3A_14 = vector.load %arg2[%get3A_12, %get3A_13] : memref<1000x64xf32, #tpu.memory_space<vmem>>, vector<1000x64xf32>
    %add3A_15 = arith.addf %add3A, %get3A_14 : vector<1000x64xf32>
    %mul3A = vector.broadcast %get3A_1 : vector<1000x1xf32> to vector<1000x64xf32>
    %mul3A_16 = arith.mulf %mul3A, %add3A_15 : vector<1000x64xf32>
    %get3A_17 = arith.constant 0 : index
    %get3A_18 = arith.constant 0 : index
    %get3A_19 = vector.load %arg4[%get3A_17, %get3A_18] : memref<1x64xf32, #tpu.memory_space<vmem>>, vector<1x64xf32>
    %add3A_20 = vector.broadcast %get3A_19 : vector<1x64xf32> to vector<1000x64xf32>
    %add3A_21 = arith.addf %mul3A_16, %add3A_20 : vector<1000x64xf32>
    %max3A = arith.constant 0.000000e+00 : f32
    %max3A_22 = vector.broadcast %max3A : f32 to vector<1000x64xf32>
    %max3A_23 = arith.maximumf %add3A_21, %max3A_22 : vector<1000x64xf32>
    %get3A_24 = arith.constant 0 : index
    %get3A_25 = arith.constant 0 : index
    %get3A_26 = vector.load %arg5[%get3A_24, %get3A_25] : memref<64x64xf32, #tpu.memory_space<vmem>>, vector<64x64xf32>
    %dot_general3A = arith.constant dense<0.000000e+00> : vector<1000x64xf32>
    %dot_general3A_27 = tpu.matmul %max3A_23, %get3A_26, %dot_general3A {dimension_numbers = #tpu.dot_dimension_numbers<[1], [0], [0], [1], [0, 0, 1, 1], [], []>, transpose_lhs_hint = false} : vector<1000x64xf32>, vector<64x64xf32>, vector<1000x64xf32> -> vector<1000x64xf32>
    %get3A_28 = arith.constant 0 : index
    %get3A_29 = arith.constant 0 : index
    %get3A_30 = vector.load %arg6[%get3A_28, %get3A_29] : memref<1x64xf32, #tpu.memory_space<vmem>>, vector<1x64xf32>
    %add3A_31 = vector.broadcast %get3A_30 : vector<1x64xf32> to vector<1000x64xf32>
    %add3A_32 = arith.addf %dot_general3A_27, %add3A_31 : vector<1000x64xf32>
    %swap3A = arith.constant 0 : index
    %swap3A_33 = arith.constant 0 : index
    %swap3A_34 = vector.load %arg13[%swap3A, %swap3A_33] : memref<1000x64xf32, #tpu.memory_space<vmem>>, vector<1000x64xf32>
    tpu.vector_store %arg13[%swap3A, %swap3A_33], %add3A_32 {strides = array<i32>} : memref<1000x64xf32, #tpu.memory_space<vmem>>, vector<1000x64xf32>,
    %get3A_35 = arith.constant 0 : index
    %get3A_36 = arith.constant 0 : index
    %get3A_37 = vector.load %arg7[%get3A_35, %get3A_36] : memref<64x64xf32, #tpu.memory_space<vmem>>, vector<64x64xf32>
    %dot_general3A_38 = arith.constant dense<0.000000e+00> : vector<1000x64xf32>
    %dot_general3A_39 = tpu.matmul %max3A_23, %get3A_37, %dot_general3A_38 {dimension_numbers = #tpu.dot_dimension_numbers<[1], [0], [0], [1], [0, 0, 1, 1], [], []>, transpose_lhs_hint = false} : vector<1000x64xf32>, vector<64x64xf32>, vector<1000x64xf32> -> vector<1000x64xf32>
    %get3A_40 = arith.constant 0 : index
    %get3A_41 = arith.constant 0 : index
    %get3A_42 = vector.load %arg8[%get3A_40, %get3A_41] : memref<1x64xf32, #tpu.memory_space<vmem>>, vector<1x64xf32>
    %add3A_43 = vector.broadcast %get3A_42 : vector<1x64xf32> to vector<1000x64xf32>
    %add3A_44 = arith.addf %dot_general3A_39, %add3A_43 : vector<1000x64xf32>
    %swap3A_45 = arith.constant 0 : index
    %swap3A_46 = arith.constant 0 : index
    %swap3A_47 = vector.load %arg14[%swap3A_45, %swap3A_46] : memref<1000x64xf32, #tpu.memory_space<vmem>>, vector<1000x64xf32>
    tpu.vector_store %arg14[%swap3A_45, %swap3A_46], %add3A_44 {strides = array<i32>} : memref<1000x64xf32, #tpu.memory_space<vmem>>, vector<1000x64xf32>,
    %get3A_48 = arith.constant 0 : index
    %get3A_49 = arith.constant 0 : index
    %get3A_50 = vector.load %arg9[%get3A_48, %get3A_49] : memref<64x64xf32, #tpu.memory_space<vmem>>, vector<64x64xf32>
    %dot_general3A_51 = arith.constant dense<0.000000e+00> : vector<1000x64xf32>
    %dot_general3A_52 = tpu.matmul %max3A_23, %get3A_50, %dot_general3A_51 {dimension_numbers = #tpu.dot_dimension_numbers<[1], [0], [0], [1], [0, 0, 1, 1], [], []>, transpose_lhs_hint = false} : vector<1000x64xf32>, vector<64x64xf32>, vector<1000x64xf32> -> vector<1000x64xf32>
    %get3A_53 = arith.constant 0 : index
    %get3A_54 = arith.constant 0 : index
    %get3A_55 = vector.load %arg10[%get3A_53, %get3A_54] : memref<1x64xf32, #tpu.memory_space<vmem>>, vector<1x64xf32>
    %add3A_56 = vector.broadcast %get3A_55 : vector<1x64xf32> to vector<1000x64xf32>
    %add3A_57 = arith.addf %dot_general3A_52, %add3A_56 : vector<1000x64xf32>
    %swap3A_58 = arith.constant 0 : index
    %swap3A_59 = arith.constant 0 : index
    %swap3A_60 = vector.load %arg15[%swap3A_58, %swap3A_59] : memref<1000x64xf32, #tpu.memory_space<vmem>>, vector<1000x64xf32>
    tpu.vector_store %arg15[%swap3A_58, %swap3A_59], %add3A_57 {strides = array<i32>} : memref<1000x64xf32, #tpu.memory_space<vmem>>, vector<1000x64xf32>,
    %get3A_61 = arith.constant 0 : index
    %get3A_62 = arith.constant 0 : index
    %get3A_63 = vector.load %arg11[%get3A_61, %get3A_62] : memref<64x64xf32, #tpu.memory_space<vmem>>, vector<64x64xf32>
    %dot_general3A_64 = arith.constant dense<0.000000e+00> : vector<1000x64xf32>
    %dot_general3A_65 = tpu.matmul %max3A_23, %get3A_63, %dot_general3A_64 {dimension_numbers = #tpu.dot_dimension_numbers<[1], [0], [0], [1], [0, 0, 1, 1], [], []>, transpose_lhs_hint = false} : vector<1000x64xf32>, vector<64x64xf32>, vector<1000x64xf32> -> vector<1000x64xf32>
    %get3A_66 = arith.constant 0 : index
    %get3A_67 = arith.constant 0 : index
    %get3A_68 = vector.load %arg12[%get3A_66, %get3A_67] : memref<1x64xf32, #tpu.memory_space<vmem>>, vector<1x64xf32>
    %add3A_69 = vector.broadcast %get3A_68 : vector<1x64xf32> to vector<1000x64xf32>
    %add3A_70 = arith.addf %dot_general3A_65, %add3A_69 : vector<1000x64xf32>
    %swap3A_71 = arith.constant 0 : index
    %swap3A_72 = arith.constant 0 : index
    %swap3A_73 = vector.load %arg16[%swap3A_71, %swap3A_72] : memref<1000x64xf32, #tpu.memory_space<vmem>>, vector<1000x64xf32>
    tpu.vector_store %arg16[%swap3A_71, %swap3A_72], %add3A_70 {strides = array<i32>} : memref<1000x64xf32, #tpu.memory_space<vmem>>, vector<1000x64xf32>,
    return
  }
  func.func @transform_0(%arg0: i32) -> (i32, i32, i32) {
    %c0_i32 = arith.constant 0 : i32
    %c0_i32_0 = arith.constant 0 : i32
    %c0_i32_1 = arith.constant 0 : i32
    return %c0_i32, %arg0, %c0_i32_0 : i32, i32, i32
  }
  func.func @transform_1(%arg0: i32) -> (i32, i32) {
    %c0_i32 = arith.constant 0 : i32
    %c0_i32_0 = arith.constant 0 : i32
    return %arg0, %c0_i32 : i32, i32
  }
  func.func @transform_2(%arg0: i32) -> (i32, i32) {
    %c0_i32 = arith.constant 0 : i32
    %c0_i32_0 = arith.constant 0 : i32
    return %arg0, %c0_i32 : i32, i32
  }
  func.func @transform_3(%arg0: i32) -> (i32, i32) {
    %c0_i32 = arith.constant 0 : i32
    %c0_i32_0 = arith.constant 0 : i32
    %c0_i32_1 = arith.constant 0 : i32
    return %c0_i32, %c0_i32_0 : i32, i32
  }
  func.func @transform_4(%arg0: i32) -> (i32, i32) {
    %c0_i32 = arith.constant 0 : i32
    %c0_i32_0 = arith.constant 0 : i32
    %c0_i32_1 = arith.constant 0 : i32
    return %c0_i32, %c0_i32_0 : i32, i32
  }
  func.func @transform_5(%arg0: i32) -> (i32, i32) {
    %c0_i32 = arith.constant 0 : i32
    %c0_i32_0 = arith.constant 0 : i32
    %c0_i32_1 = arith.constant 0 : i32
    return %c0_i32, %c0_i32_0 : i32, i32
  }
  func.func @transform_6(%arg0: i32) -> (i32, i32) {
    %c0_i32 = arith.constant 0 : i32
    %c0_i32_0 = arith.constant 0 : i32
    %c0_i32_1 = arith.constant 0 : i32
    return %c0_i32, %c0_i32_0 : i32, i32
  }
  func.func @transform_7(%arg0: i32) -> (i32, i32) {
    %c0_i32 = arith.constant 0 : i32
    %c0_i32_0 = arith.constant 0 : i32
    %c0_i32_1 = arith.constant 0 : i32
    return %c0_i32, %c0_i32_0 : i32, i32
  }
  func.func @transform_8(%arg0: i32) -> (i32, i32) {
    %c0_i32 = arith.constant 0 : i32
    %c0_i32_0 = arith.constant 0 : i32
    %c0_i32_1 = arith.constant 0 : i32
    return %c0_i32, %c0_i32_0 : i32, i32
  }
  func.func @transform_9(%arg0: i32) -> (i32, i32) {
    %c0_i32 = arith.constant 0 : i32
    %c0_i32_0 = arith.constant 0 : i32
    %c0_i32_1 = arith.constant 0 : i32
    return %c0_i32, %c0_i32_0 : i32, i32
  }
  func.func @transform_10(%arg0: i32) -> (i32, i32) {
    %c0_i32 = arith.constant 0 : i32
    %c0_i32_0 = arith.constant 0 : i32
    %c0_i32_1 = arith.constant 0 : i32
    return %c0_i32, %c0_i32_0 : i32, i32
  }
  func.func @transform_11(%arg0: i32) -> (i32, i32) {
    %c0_i32 = arith.constant 0 : i32
    %c0_i32_0 = arith.constant 0 : i32
    %c0_i32_1 = arith.constant 0 : i32
    return %c0_i32, %c0_i32_0 : i32, i32
  }
  func.func @transform_12(%arg0: i32) -> (i32, i32) {
    %c0_i32 = arith.constant 0 : i32
    %c0_i32_0 = arith.constant 0 : i32
    return %arg0, %c0_i32 : i32, i32
  }
  func.func @transform_13(%arg0: i32) -> (i32, i32) {
    %c0_i32 = arith.constant 0 : i32
    %c0_i32_0 = arith.constant 0 : i32
    return %arg0, %c0_i32 : i32, i32
  }
  func.func @transform_14(%arg0: i32) -> (i32, i32) {
    %c0_i32 = arith.constant 0 : i32
    %c0_i32_0 = arith.constant 0 : i32
    return %arg0, %c0_i32 : i32, i32
  }
  func.func @transform_15(%arg0: i32) -> (i32, i32) {
    %c0_i32 = arith.constant 0 : i32
    %c0_i32_0 = arith.constant 0 : i32
    return %arg0, %c0_i32 : i32, i32
  }
}

module attributes {stable_mosaic.version = 14 : i64} {
  func.func @_t3_body(%arg0: memref<2500x128xf32, #tpu.memory_space<vmem>>, %arg1: memref<1x1xf32, #tpu.memory_space<vmem>>) attributes {dimension_semantics = [], scalar_prefetch = 0 : i64, scratch_operands = 0 : i64, tpu.core_type = #tpu.core_type<tc>} {
    %get3A = arith.constant 0 : index
    %get3A_0 = arith.constant 0 : index
    %get3A_1 = vector.load %arg0[%get3A, %get3A_0] : memref<2500x128xf32, #tpu.memory_space<vmem>>, vector<2500x128xf32>
    %reduce_max3A = vector.shape_cast %get3A_1 : vector<2500x128xf32> to vector<1x2500x128xf32>
    %reduce_max3A_2 = arith.constant dense<0xFF800000> : vector<1xf32>
    %reduce_max3A_3 = vector.multi_reduction <maximumf>, %reduce_max3A, %reduce_max3A_2 [1, 2] : vector<1x2500x128xf32> to vector<1xf32>
    %reduce_max3A_4 = vector.shape_cast %reduce_max3A_3 : vector<1xf32> to vector<1x1x1xf32>
    %reduce_max3A_5 = vector.extract %reduce_max3A_4[0, 0, 0] : f32 from vector<1x1x1xf32>
    %reshape3A = vector.broadcast %reduce_max3A_5 : f32 to vector<1x1xf32>
    %swap3A = arith.constant 0 : index
    %swap3A_6 = arith.constant 0 : index
    %swap3A_7 = vector.load %arg1[%swap3A, %swap3A_6] : memref<1x1xf32, #tpu.memory_space<vmem>>, vector<1x1xf32>
    tpu.vector_store %arg1[%swap3A, %swap3A_6], %reshape3A {strides = array<i32>} : memref<1x1xf32, #tpu.memory_space<vmem>>, vector<1x1xf32>,
    return
  }
}

module attributes {stable_mosaic.version = 14 : i64} {
  func.func @_t4_body(%arg0: i32, %arg1: memref<2x1000x64xf32, #tpu.memory_space<vmem>>, %arg2: memref<2x1000x1xf32, #tpu.memory_space<vmem>>, %arg3: memref<1000x64xf32, #tpu.memory_space<vmem>>, %arg4: memref<1000x1xf32, #tpu.memory_space<vmem>>, %arg5: memref<64x128xf32, #tpu.memory_space<vmem>>, %arg6: memref<1000x128xf32, #tpu.memory_space<vmem>>) attributes {dimension_semantics = [#tpu.dimension_semantics<arbitrary>], iteration_bounds = array<i64: 10>, scalar_prefetch = 0 : i64, scratch_operands = 0 : i64, tpu.core_type = #tpu.core_type<tc>, window_params = [{transform_indices = @transform_0, window_bounds = array<i64: 2, 1000, 64>}, {transform_indices = @transform_1, window_bounds = array<i64: 2, 1000, 1>}, {transform_indices = @transform_2, window_bounds = array<i64: 1000, 64>}, {transform_indices = @transform_3, window_bounds = array<i64: 1000, 1>}, {pipeline_mode = #tpu.pipeline_mode<synchronous>, transform_indices = @transform_4, window_bounds = array<i64: 64, 128>}, {transform_indices = @transform_5, window_bounds = array<i64: 1000, 128>}]} {
    %get3A = arith.constant 0 : index
    %get3A_0 = arith.constant 0 : index
    %get3A_1 = arith.constant 0 : index
    %get3A_2 = vector.load %arg2[%get3A, %get3A_0, %get3A_1] : memref<2x1000x1xf32, #tpu.memory_space<vmem>>, vector<1x1000x1xf32>
    %get3A_3 = vector.shape_cast %get3A_2 : vector<1x1000x1xf32> to vector<1000x1xf32>
    %get3A_4 = arith.constant 1 : index
    %get3A_5 = arith.constant 0 : index
    %get3A_6 = arith.constant 0 : index
    %get3A_7 = vector.load %arg2[%get3A_4, %get3A_5, %get3A_6] : memref<2x1000x1xf32, #tpu.memory_space<vmem>>, vector<1x1000x1xf32>
    %get3A_8 = vector.shape_cast %get3A_7 : vector<1x1000x1xf32> to vector<1000x1xf32>
    %add3A = arith.addf %get3A_3, %get3A_8 : vector<1000x1xf32>
    %get3A_9 = arith.constant 0 : index
    %get3A_10 = arith.constant 0 : index
    %get3A_11 = arith.constant 0 : index
    %get3A_12 = vector.load %arg1[%get3A_9, %get3A_10, %get3A_11] : memref<2x1000x64xf32, #tpu.memory_space<vmem>>, vector<1x1000x64xf32>
    %get3A_13 = vector.shape_cast %get3A_12 : vector<1x1000x64xf32> to vector<1000x64xf32>
    %get3A_14 = arith.constant 1 : index
    %get3A_15 = arith.constant 0 : index
    %get3A_16 = arith.constant 0 : index
    %get3A_17 = vector.load %arg1[%get3A_14, %get3A_15, %get3A_16] : memref<2x1000x64xf32, #tpu.memory_space<vmem>>, vector<1x1000x64xf32>
    %get3A_18 = vector.shape_cast %get3A_17 : vector<1x1000x64xf32> to vector<1000x64xf32>
    %add3A_19 = arith.addf %get3A_13, %get3A_18 : vector<1000x64xf32>
    %add3A_20 = arith.constant 1.000000e-16 : f32
    %add3A_21 = vector.broadcast %add3A_20 : f32 to vector<1000x1xf32>
    %add3A_22 = arith.addf %add3A, %add3A_21 : vector<1000x1xf32>
    %div3A = vector.broadcast %add3A_22 : vector<1000x1xf32> to vector<1000x64xf32>
    %div3A_23 = arith.divf %add3A_19, %div3A : vector<1000x64xf32>
    %get3A_24 = arith.constant 0 : index
    %get3A_25 = arith.constant 0 : index
    %get3A_26 = vector.load %arg3[%get3A_24, %get3A_25] : memref<1000x64xf32, #tpu.memory_space<vmem>>, vector<1000x64xf32>
    %add3A_27 = arith.addf %div3A_23, %get3A_26 : vector<1000x64xf32>
    %get3A_28 = arith.constant 0 : index
    %get3A_29 = arith.constant 0 : index
    %get3A_30 = vector.load %arg5[%get3A_28, %get3A_29] : memref<64x128xf32, #tpu.memory_space<vmem>>, vector<64x128xf32>
    %dot_general3A = arith.constant dense<0.000000e+00> : vector<1000x128xf32>
    %dot_general3A_31 = tpu.matmul %add3A_27, %get3A_30, %dot_general3A {dimension_numbers = #tpu.dot_dimension_numbers<[1], [0], [0], [1], [0, 0, 1, 1], [], []>, transpose_lhs_hint = false} : vector<1000x64xf32>, vector<64x128xf32>, vector<1000x128xf32> -> vector<1000x128xf32>
    %get3A_32 = arith.constant 0 : index
    %get3A_33 = arith.constant 0 : index
    %get3A_34 = vector.load %arg4[%get3A_32, %get3A_33] : memref<1000x1xf32, #tpu.memory_space<vmem>>, vector<1000x1xf32>
    %mul3A = vector.broadcast %get3A_34 : vector<1000x1xf32> to vector<1000x128xf32>
    %mul3A_35 = arith.mulf %dot_general3A_31, %mul3A : vector<1000x128xf32>
    %swap3A = arith.constant 0 : index
    %swap3A_36 = arith.constant 0 : index
    %swap3A_37 = vector.load %arg6[%swap3A, %swap3A_36] : memref<1000x128xf32, #tpu.memory_space<vmem>>, vector<1000x128xf32>
    tpu.vector_store %arg6[%swap3A, %swap3A_36], %mul3A_35 {strides = array<i32>} : memref<1000x128xf32, #tpu.memory_space<vmem>>, vector<1000x128xf32>,
    return
  }
  func.func @transform_0(%arg0: i32) -> (i32, i32, i32) {
    %c0_i32 = arith.constant 0 : i32
    %c0_i32_0 = arith.constant 0 : i32
    %c0_i32_1 = arith.constant 0 : i32
    return %c0_i32, %arg0, %c0_i32_0 : i32, i32, i32
  }
  func.func @transform_1(%arg0: i32) -> (i32, i32, i32) {
    %c0_i32 = arith.constant 0 : i32
    %c0_i32_0 = arith.constant 0 : i32
    %c0_i32_1 = arith.constant 0 : i32
    return %c0_i32, %arg0, %c0_i32_0 : i32, i32, i32
  }
  func.func @transform_2(%arg0: i32) -> (i32, i32) {
    %c0_i32 = arith.constant 0 : i32
    %c0_i32_0 = arith.constant 0 : i32
    return %arg0, %c0_i32 : i32, i32
  }
  func.func @transform_3(%arg0: i32) -> (i32, i32) {
    %c0_i32 = arith.constant 0 : i32
    %c0_i32_0 = arith.constant 0 : i32
    return %arg0, %c0_i32 : i32, i32
  }
  func.func @transform_4(%arg0: i32) -> (i32, i32) {
    %c0_i32 = arith.constant 0 : i32
    %c0_i32_0 = arith.constant 0 : i32
    %c0_i32_1 = arith.constant 0 : i32
    return %c0_i32, %c0_i32_0 : i32, i32
  }
  func.func @transform_5(%arg0: i32) -> (i32, i32) {
    %c0_i32 = arith.constant 0 : i32
    %c0_i32_0 = arith.constant 0 : i32
    return %arg0, %c0_i32 : i32, i32
  }
}

module attributes {stable_mosaic.version = 14 : i64} {
  func.func @_t5_body(%arg0: i32, %arg1: memref<2x1000x128xf32, #tpu.memory_space<vmem>>, %arg2: memref<1000x128xf32, #tpu.memory_space<vmem>>, %arg3: memref<1000x1xf32, #tpu.memory_space<vmem>>, %arg4: memref<1x128xf32, #tpu.memory_space<vmem>>, %arg5: memref<1000x128xf32, #tpu.memory_space<vmem>>) attributes {dimension_semantics = [#tpu.dimension_semantics<arbitrary>], iteration_bounds = array<i64: 10>, scalar_prefetch = 0 : i64, scratch_operands = 0 : i64, tpu.core_type = #tpu.core_type<tc>, window_params = [{transform_indices = @transform_0, window_bounds = array<i64: 2, 1000, 128>}, {transform_indices = @transform_1, window_bounds = array<i64: 1000, 128>}, {transform_indices = @transform_2, window_bounds = array<i64: 1000, 1>}, {pipeline_mode = #tpu.pipeline_mode<synchronous>, transform_indices = @transform_3, window_bounds = array<i64: 1, 128>}, {transform_indices = @transform_4, window_bounds = array<i64: 1000, 128>}]} {
    %get3A = arith.constant 0 : index
    %get3A_0 = arith.constant 0 : index
    %get3A_1 = vector.load %arg3[%get3A, %get3A_0] : memref<1000x1xf32, #tpu.memory_space<vmem>>, vector<1000x1xf32>
    %get3A_2 = arith.constant 0 : index
    %get3A_3 = arith.constant 0 : index
    %get3A_4 = arith.constant 0 : index
    %get3A_5 = vector.load %arg1[%get3A_2, %get3A_3, %get3A_4] : memref<2x1000x128xf32, #tpu.memory_space<vmem>>, vector<1x1000x128xf32>
    %get3A_6 = vector.shape_cast %get3A_5 : vector<1x1000x128xf32> to vector<1000x128xf32>
    %get3A_7 = arith.constant 1 : index
    %get3A_8 = arith.constant 0 : index
    %get3A_9 = arith.constant 0 : index
    %get3A_10 = vector.load %arg1[%get3A_7, %get3A_8, %get3A_9] : memref<2x1000x128xf32, #tpu.memory_space<vmem>>, vector<1x1000x128xf32>
    %get3A_11 = vector.shape_cast %get3A_10 : vector<1x1000x128xf32> to vector<1000x128xf32>
    %add3A = arith.addf %get3A_6, %get3A_11 : vector<1000x128xf32>
    %get3A_12 = arith.constant 0 : index
    %get3A_13 = arith.constant 0 : index
    %get3A_14 = vector.load %arg2[%get3A_12, %get3A_13] : memref<1000x128xf32, #tpu.memory_space<vmem>>, vector<1000x128xf32>
    %add3A_15 = arith.addf %add3A, %get3A_14 : vector<1000x128xf32>
    %mul3A = vector.broadcast %get3A_1 : vector<1000x1xf32> to vector<1000x128xf32>
    %mul3A_16 = arith.mulf %mul3A, %add3A_15 : vector<1000x128xf32>
    %get3A_17 = arith.constant 0 : index
    %get3A_18 = arith.constant 0 : index
    %get3A_19 = vector.load %arg4[%get3A_17, %get3A_18] : memref<1x128xf32, #tpu.memory_space<vmem>>, vector<1x128xf32>
    %add3A_20 = vector.broadcast %get3A_19 : vector<1x128xf32> to vector<1000x128xf32>
    %add3A_21 = arith.addf %mul3A_16, %add3A_20 : vector<1000x128xf32>
    %swap3A = arith.constant 0 : index
    %swap3A_22 = arith.constant 0 : index
    %swap3A_23 = vector.load %arg5[%swap3A, %swap3A_22] : memref<1000x128xf32, #tpu.memory_space<vmem>>, vector<1000x128xf32>
    tpu.vector_store %arg5[%swap3A, %swap3A_22], %add3A_21 {strides = array<i32>} : memref<1000x128xf32, #tpu.memory_space<vmem>>, vector<1000x128xf32>,
    return
  }
  func.func @transform_0(%arg0: i32) -> (i32, i32, i32) {
    %c0_i32 = arith.constant 0 : i32
    %c0_i32_0 = arith.constant 0 : i32
    %c0_i32_1 = arith.constant 0 : i32
    return %c0_i32, %arg0, %c0_i32_0 : i32, i32, i32
  }
  func.func @transform_1(%arg0: i32) -> (i32, i32) {
    %c0_i32 = arith.constant 0 : i32
    %c0_i32_0 = arith.constant 0 : i32
    return %arg0, %c0_i32 : i32, i32
  }
  func.func @transform_2(%arg0: i32) -> (i32, i32) {
    %c0_i32 = arith.constant 0 : i32
    %c0_i32_0 = arith.constant 0 : i32
    return %arg0, %c0_i32 : i32, i32
  }
  func.func @transform_3(%arg0: i32) -> (i32, i32) {
    %c0_i32 = arith.constant 0 : i32
    %c0_i32_0 = arith.constant 0 : i32
    %c0_i32_1 = arith.constant 0 : i32
    return %c0_i32, %c0_i32_0 : i32, i32
  }
  func.func @transform_4(%arg0: i32) -> (i32, i32) {
    %c0_i32 = arith.constant 0 : i32
    %c0_i32_0 = arith.constant 0 : i32
    return %arg0, %c0_i32 : i32, i32
  }
}

</mosaic_0001>

<sc_bundles>
// kernel: kernel.12.cloned.1.call-start
scs
__scs_entry_jumppad:
0x0: {  	(pc) =	sbr.rel $0x88, $3  }
0x1: {  	(tag) =	ssettag $0x0;
	lr =	simm.s32 $0x1  }
0x2: {  	[smem:$0x3F93] =	sst lr;
	_ =	strace $0xD0000000  }
0x3: {  	_ = 	snop  }
0x4: {  	_ = 	snop  }
0x5: {  	_ = 	snop  }
0x6: {  	_ = 	snop  }
0x7: {  	_ = 	snop  }
__scs_overlays_trampoline_lowered:
0x8: {  	[smem:$0x3FA2] =	sst s0  }
0x9: {  	[smem:$0x3FA3] =	sst s1  }
0xa: {  	[smem:$0x3FA4] =	sst s2  }
0xb: {  	[smem:$0x3FA5] =	sst s3  }
0xc: {  	[smem:$0x3FA6] =	sst s4  }
0xd: {  	[smem:$0x3FA7] =	sst s5  }
0xe: {  	[smem:$0x3FA8] =	sst s6  }
0xf: {  	[smem:$0x3FA9] =	sst s7  }
0x10: {  	[smem:$0x3FAA] =	sst s8  }
0x11: {  	[smem:$0x3FAB] =	sst s9;
	s0 =	simm.s32 @!p0 $0x0  }
0x12: {  	s1 =	sld [smem:$0x3F91];
	s0 =	simm.s32 @p0 $0x1  }
0x13: {  	[smem:$0x3FAC] =	sst s0;
	s0 =	simm.s32 @!p1 $0x0  }
0x14: {  	s2 =	sld [smem:$0x3F90];
	s0 =	simm.s32 @p1 $0x1  }
0x15: {  	[smem:$0x3FAD] =	sst s0;
	s0 =	simm.s32 @!p2 $0x0  }
0x16: {  	s3 =	sld [smem:$0x3FDB];
	s0 =	simm.s32 @p2 $0x1  }
0x17: {  	s4 =	simm.s32 $0x1BF5;
	[smem:$0x3FAF] =	sst s0  }
0x18: {  	s0 =	sld [smem:$0x3F92];
	_ =	swait.ge [sflag:s4], $0x0  }
0x19: {  	s7 =	sld [smem:$0x3F93]  }
0x1a: {  	s8 =	sadd.s32 $0xFFFFE003, lr  }
0x1b: {  	s9 =	sadd.s32 $0xFFFFFEF7, lr;
	s5 =	simm.s32 $0xFFFFFFFF;
	p2 =	slt.u32 s8, $0xFFFFF086  }
0x1c: {  	p1 =	slt.u32 s9, $0xF7A;
	s5 =	simm.s32 @!p2 $0x0  }
0x1d: {  	s5 =	simm.s32 @p1 $0x1;
	p0 =	seq.s32 s7, s2  }
0x1e: {  	s7 =	smul.u32 @!p0 $0xF7A, s2;
	p2 =	seq.s32 @!p0 s5, $0x0  }
0x1f: {  	s9 =	smul.u32 $0xF7A, s1;
	s8 =	simm.s32 @!p0 $0x1BF5;
	p2 =	por !p2, p0  }
0x20: {  	[sflag:s8] =	ssyncset.s32 @!p0 $0xFFFFF086;
	s6 =	sadd.s32 @!p0 s3, s7;
	s7 =	simm.s32 @!p0 $0x108  }
0x21: {  	s3 =	sadd.s32 s3, s9;
	s6 =	sadd.s32 @!p0 $0x88, s6;
	s7 =	simm.s32 @p2 $0x1082  }
0x22: {  	[simem:s7], [sflag:s8] =	dma.local @!p0 [hbm:s6], $0xF7A  }
0x23: {  	s9 =	sor.u32 $0xD0000000, s2;
	s6 =	simm.s32 $0x108;
	_ =	swait.ge @!p0 [sflag:s8], $0x0  }
0x24: {  	s3 =	sadd.s32 $0x88, s3;
	s6 =	simm.s32 @!p1 $0x1082;
	[sflag:s4] =	ssyncset.s32 $0xFFFFF086  }
0x25: {  	[simem:s6], [sflag:s4] =	dma.local [hbm:s3], $0xF7A  }
0x26: {  	[smem:$0x3F93] =	sst s1;
	(tag) =	ssettag s2;
	_ =	strace s9  }
0x27: {  	s1 =	sld [smem:$0x3FA3]  }
0x28: {  	s2 =	sld [smem:$0x3FA4]  }
0x29: {  	s4 =	sld [smem:$0x3FA6]  }
0x2a: {  	p0 =	seq.s32 s5, $0x0;
	s5 =	sld [smem:$0x3FA7]  }
0x2b: {  	s6 =	sld [smem:$0x3FA8]  }
0x2c: {  	s7 =	sld [smem:$0x3FA9]  }
0x2d: {  	s3 =	simm.s32 $0x108;
	s8 =	sld [smem:$0x3FAA]  }
0x2e: {  	s3 =	simm.s32 @!p0 $0x1082;
	s9 =	sld [smem:$0x3FAB]  }
0x2f: {  	lr =	sadd.s32 s0, s3;
	s0 =	sld [smem:$0x3FA2]  }
0x30: {  	s3 =	sld [smem:$0x3FA5]  }
0x31: {  	[smem:$0x3FAE] =	sst s10  }
0x32: {  	s10 =	sld [smem:$0x3FAC];
	_ =	sdelay $0x3  }
0x33: {  	p0 =	seq.s32 s10, $0x1;
	s10 =	sld [smem:$0x3FAE];
	_ =	sdelay $0x3  }
0x34: {  	[smem:$0x3FAE] =	sst s10  }
0x35: {  	s10 =	sld [smem:$0x3FAD];
	_ =	sdelay $0x3  }
0x36: {  	p1 =	seq.s32 s10, $0x1;
	s10 =	sld [smem:$0x3FAE];
	_ =	sdelay $0x3  }
0x37: {  	[smem:$0x3FAE] =	sst s10  }
0x38: {  	s10 =	sld [smem:$0x3FAF]  }
0x39: {  	_ = 	snop;
	(pc) =	sbr.ind lr, $3  }
0x3a: {  	_ = 	snop  }
0x3b: {  	_ = 	snop  }
0x3c: {  	p2 =	seq.s32 s10, $0x1;
	s10 =	sld [smem:$0x3FAE]  }
0x3d: {  	_ =	shalt  }
0x3e: {  	_ =	shalt  }
0x3f: {  	_ =	shalt  }
0x40: {  	_ =	shalt  }
0x41: {  	_ =	shalt  }
0x42: {  	_ =	shalt  }
0x43: {  	_ =	shalt  }
0x44: {  	_ =	shalt  }
0x45: {  	_ =	shalt  }
0x46: {  	_ =	shalt  }
0x47: {  	_ =	shalt  }
0x48: {  	_ =	shalt  }
0x49: {  	_ =	shalt  }
0x4a: {  	_ =	shalt  }
0x4b: {  	_ =	shalt  }
0x4c: {  	_ =	shalt  }
0x4d: {  	_ =	shalt  }
0x4e: {  	_ =	shalt  }
0x4f: {  	_ =	shalt  }
0x50: {  	_ =	shalt  }
0x51: {  	_ =	shalt  }
0x52: {  	_ =	shalt  }
0x53: {  	_ =	shalt  }
0x54: {  	_ =	shalt  }
0x55: {  	_ =	shalt  }
0x56: {  	_ =	shalt  }
0x57: {  	_ =	shalt  }
0x58: {  	_ =	shalt  }
0x59: {  	_ =	shalt  }
0x5a: {  	_ =	shalt  }
0x5b: {  	_ =	shalt  }
0x5c: {  	_ =	shalt  }
0x5d: {  	_ =	shalt  }
0x5e: {  	_ =	shalt  }
0x5f: {  	_ =	shalt  }
0x60: {  	_ =	shalt  }
0x61: {  	_ =	shalt  }
0x62: {  	_ =	shalt  }
0x63: {  	_ =	shalt  }
0x64: {  	_ =	shalt  }
0x65: {  	_ =	shalt  }
0x66: {  	_ =	shalt  }
0x67: {  	_ =	shalt  }
0x68: {  	_ =	shalt  }
0x69: {  	_ =	shalt  }
0x6a: {  	_ =	shalt  }
0x6b: {  	_ =	shalt  }
0x6c: {  	_ =	shalt  }
0x6d: {  	_ =	shalt  }
0x6e: {  	_ =	shalt  }
0x6f: {  	_ =	shalt  }
0x70: {  	_ =	shalt  }
0x71: {  	_ =	shalt  }
0x72: {  	_ =	shalt  }
0x73: {  	_ =	shalt  }
0x74: {  	_ =	shalt  }
0x75: {  	_ =	shalt  }
0x76: {  	_ =	shalt  }
0x77: {  	_ =	shalt  }
0x78: {  	_ =	shalt  }
0x79: {  	_ =	shalt  }
0x7a: {  	_ =	shalt  }
0x7b: {  	_ =	shalt  }
0x7c: {  	_ =	shalt  }
0x7d: {  	_ =	shalt  }
0x7e: {  	_ =	shalt  }
0x7f: {  	_ =	shalt  }
0x80: {  	_ =	shalt  }
0x81: {  	_ =	shalt  }
0x82: {  	_ =	shalt  }
0x83: {  	_ =	shalt  }
0x84: {  	_ =	shalt  }
0x85: {  	_ =	shalt  }
0x86: {  	_ =	shalt  }
0x87: {  	_ =	shalt  }
.Lfunc_end0:
.L_simem_size_0:
called_computation_lowered:
.L_overlay_start_0:
0x88: {  	s2 =	sld [smem:$0x3FD9]  }
0x89: {  	s3 =	sld [smem:$0x3FFE];
	_ =	sdelay $0x1  }
0x8a: {  	s1 =	srdreg.scid  }
0x8b: {  	s0 =	sand.u32 $0x1, s1  }
0x8c: {  	s17 =	sshll.u32 s0, $0xA;
	s2 =	sadd.s32 s3, s2  }
0x8d: {  	s2 =	sadd.s32 s2, s17  }
0x8e: {  	[smem:$0x3FBA] =	sst s2  }
0x8f: {  	_ = 	snop  }
0x90: {  	s2 =	sld [smem:$0x3FD0];
	(tm) =	ssettm $0x1  }
0x91: {  	s18 =	sld [smem:$0x3FFB];
	_ =	sdelay $0x3  }
0x92: {  	_ =	strace s18  }
0x93: {  	s3 =	sld [smem:$0x3FFC];
	_ =	sdelay $0x3  }
0x94: {  	_ =	strace s3  }
0x95: {  	s3 =	sld [smem:$0x3FFD];
	_ =	sdelay $0x3  }
0x96: {  	_ =	strace s3  }
0x97: {  	_ =	strace $0x8FFFFFFF  }
0x98: {  	s19 =	sld [smem:$0x3FDB];
	_ =	sdelay $0x1  }
0x99: {  	s4 =	simm.s32 $_scs_section_size  }
0x9a: {  	s5 =	simm.s32 $_size__tile_overlayer_lowered;
	s6 =	simm.s32 $_tile_overlayer_lowered  }
0x9b: {  	s22 =	simm.s32 $0x1BFF;
	s21 =	sshll.u32 s6, $0x1;
	s3 =	sadd.s32 s4, s19  }
0x9c: {  	s7 =	simm.s32 $0x0;
	s20 =	sshll.u32 s5, $0x1;
	s5 =	sadd.s32 s21, s3  }
0x9d: {  	[timem:s7], [sflag:s22] =	dma.local [hbm:s5], s20  }
0x9e: {  	_ =	swait.ge [sflag:s22], s20  }
0x9f: {  	s4 =	ssub.s32 $0x0, s20;
	[sflag:s22] =	ssyncset.done $0x0  }
0xa0: {  	[sflag:s22] =	ssyncadd.s32 s4;
	_ =	sdelay $0x1  }
0xa1: {  	s23 =	simm.s32 $0x1B8B  }
0xa2: {  	_ =	swait.ge [sflag:s23], $0x1  }
0xa3: {  	[sflag:s23] =	ssyncset.done $0x0  }
0xa4: {  	s25 =	simm.s32 $0x1B8E;
	s24 =	sld [smem:$0x3FFE];
	[sflag:s23] =	ssyncadd.s32 $0xFFFFFFFF  }
0xa5: {  	s26 =	simm.s32 $execute0_lowered;
	[smem:$0x3FD2] =	sst s25  }
0xa6: {  	s5 =	sshll.u32 s26, $0x1;
	_ =	strace $0x80000046;
	[dreg:$0x1] =	wrdreg $0xFFFFFFFF  }
0xa7: {  	s28 =	simm.s32 $_size_execute0_lowered;
	s3 =	sadd.s32 s3, s5;
	[dreg:$0x0] =	wrdreg $0x0  }
0xa8: {  	s5 =	sshll.u32 s28, $0x1;
	[dreg:$0x2] =	wrdreg s3  }
0xa9: {  	[dreg:$0x3] =	wrdreg s5  }
0xaa: {  	[dreg:$0x4] =	wrdreg $0xC0  }
0xab: {  	_ =	task [dreg:s7], $0x5FFFF  }
0xac: {  	[dreg:$0x1] =	wrdreg $0xFFFFFFFF  }
0xad: {  	[dreg:$0x0] =	wrdreg $0x60  }
0xae: {  	[dreg:$0x2] =	wrdreg s24  }
0xaf: {  	[dreg:$0x3] =	wrdreg s2  }
0xb0: {  	[dreg:$0x4] =	wrdreg $0x27600  }
0xb1: {  	[dreg:$0x5] =	wrdreg $0x9  }
0xb2: {  	_ =	task.clear_ibuf [dreg:s7], $0x6FFFF;
	_ =	strace $0x90000046  }
0xb3: {  	s29 =	simm.s32 $0x9;
	_ =	strace $0x80000048  }
0xb4: {  	_ =	swait.ge [sflag:s29], $0x1  }
0xb5: {  	[sflag:s29] =	ssyncadd.s32 $0xFFFFFFFF  }
0xb6: {  	_ =	strace $0x90000048  }
0xb7: {  	_ =	sfence  }
0xb8: {  	s30 =	sld [smem:$0x0];
	_ =	sdelay $0x2  }
0xb9: {  	s31 =	sshll.u32 s1, $0xD;
	s1 =	sshrl.u32 s1, $0x2  }
0xba: {  	s3 =	sand.u32 $0x4000, s31;
	s1 =	sadd.s32 s1, s30  }
0xbb: {  	s0 =	sor.u32 s3, s0;
	s1 =	sshll.u32 s1, $0x11  }
0xbc: {  	s0 =	sor.u32 s1, s0  }
0xbd: {  	s0 =	sadd.s32 $0x8F2B, s0  }
0xbe: {  	[sflag:s0] =	ssyncadd.remote.s32 $0x1  }
0xbf: {  	_ =	sfence.sel $0xFFFF  }
0xc0: {  	[dreg:$0x0] =	wrdreg $0xFFFFFFFF;
	(pc) =	sbr.abs _section_cstart, $3  }
0xc1: {  	[dreg:$0x1] =	wrdreg $0xFFFFFFFF  }
0xc2: {  	_ =	task.clear_ibuf [dreg:s7], $0x2FFFF;
	_ =	strace $0x9FFFFFFF  }
0xc3: {  	(tm) =	ssettm $0x7FFFFFFF  }
tec
execute0_lowered:
.L_overlay_start_1:
0x0: {  	(tag) =	ssettag $0x1  }
0x1: {  	s3 =	rddreg [dreg:$0x0]  }
0x2: {  	s5 =	rddreg [dreg:$0x1]  }
0x3: {  	s0 =	srdreg.scid;
	s6 =	stileid.u32  }
0x4: {  	s1 =	rddreg [dreg:$0x2];
	s2 =	simm.s32 $0x0;
	s11 =	simm.s32 $0x0  }
0x5: {  	s4 =	sand.u32 $0x1, s0;
	s7 =	sshll.u32 s6, $0x1;
	s0 =	rddreg [dreg:$0x3]  }
0x6: {  	[smem:$0x7FF] =	sst s2;
	p0 =	sne.s32 s6, $0x0;
	s8 =	ssub.s32 $0x2, s4  }
0x7: {  	s7 =	sor.u32 s4, s7;
	s10 =	smul.u32 $0x4E2, s4;
	s9 =	sshrl.u32 s8, $0x1  }
0x8: {  	_ =	strace $0x80000047;
	s7 =	smul.u32 $0x4E2, s7;
	s31 =	ssub.s32 s8, s9  }
0x9: {  	s5 =	sadd.s32 s5, s10;
	s8 =	sshrl.u32 @!p0 s1, $0x3;
	s9 =	simm.s32 $0x50  }
0xa: {  	s10 =	simm.s32 $0x2710;
	s30 =	sadd.s32 s7, s3;
	s3 =	sadd.s32 $0x18600, s3  }
0xb: {  	v0 =	vimm.f32 $1.000000000e+00;
	s6 =	smax.u32 s31, $0x1;
	s7 =	simm.s32 $0x1;
	s4 =	sadd.s32 $0xE800, s30  }
.LBB2_1:
0xc: {  	[tilespmem:s2], [sflag:$0x1] =	stream.linear.gather [hbm4b:s4+s2], $0x2710, $0x38;
	[tilespmem:$0x29D8] =	vst v63  }
0xd: {  	_ =	swait.ge [sflag:s7], $0x2710  }
0xe: {  	[sflag:s7] =	ssyncset.done $0x0  }
0xf: {  	[sflag:s7] =	ssyncadd.s32 $0xFFFFD8F0  }
0x10: {  	[tilespmem:$0x2710] =	vst v0  }
0x11: {  	[tilespmem:$0x2720] =	vst v0  }
0x12: {  	[tilespmem:$0x2730] =	vst v0  }
0x13: {  	[tilespmem:$0x2740] =	vst v0  }
0x14: {  	s12 =	simm.s32 @!p0 $0x1C01;
	[tilespmem:$0x2750] =	vst v0  }
0x15: {  	[spmem:s8], [sflag:s12] =	dma.local @!p0 [hbm:s3], $0x4E2  }
0x16: {  	s12 =	simm.s32 @!p0 $0x1  }
0x17: {  	_ =	swait.ge @!p0 [sflag:s12], $0x4E2  }
0x18: {  	[sflag:s12] =	ssyncset.done @!p0 $0x0  }
0x19: {  	[sflag:s12] =	ssyncadd.s32 @!p0 $0xFFFFFB1E  }
0x1a: {  	s31 =	simm.s32 $0x0;
	[bflag:$0x0] =	sbarrier.arrive $0xFFFF  }
0x1b: {  	[spmem:s1] =	stream.indirect.scatter.add.f32 [tilespmem:s10], [sflag:$0x1], $0x1, s31, s9, $0xb8;
	[tilespmem:$0x29D8] =	vst v63  }
0x1c: {  	_ =	swait.ge [sflag:s7], $0x50  }
0x1d: {  	s12 =	simm.s32 $0x140;
	[sflag:s7] =	ssyncset.done $0x0  }
.LBB2_2:
0x1e: {  	s13 =	sshra.s32 s12, $0x2;
	[sflag:s7] =	ssyncadd.s32 $0xFFFFFFB0;
	p1 =	sne.s32 s12, $0x9B00  }
0x1f: {  	[spmem:s1] =	stream.indirect.scatter.add.f32 [tilespmem:s10], [sflag:$0x1], $0x1, s13, s9, $0xb8;
	[tilespmem:$0x29D8] =	vst v63  }
.Ltmp0:
0x20: {  	_ = 	snop;
	(pc) =	sbr.rel @p1 .LBB2_2-.Ltmp0, $4  }
0x21: {  	_ = 	snop  }
0x22: {  	s12 =	sadd.s32 $0x140, s12  }
0x23: {  	_ =	swait.ge [sflag:s7], $0x50  }
0x24: {  	[sflag:s7] =	ssyncset.done $0x0  }
0x25: {  	[sflag:s7] =	ssyncadd.s32 $0xFFFFFFB0;
	s11 =	sadd.s32 $0x1, s11  }
0x26: {  	s12 =	simm.s32 @!p0 $0x1C01;
	[bflag:$0x0] =	sbarrier.arrive $0xFFFF;
	p1 =	sne.s32 s11, s6  }
0x27: {  	[hbm:s5], [sflag:s12] =	dma.local @!p0 [spmem:s8], $0x4E2  }
.Ltmp1:
0x28: {  	_ = 	snop;
	(pc) =	sbr.rel @p1 .LBB2_1-.Ltmp1, $4  }
0x29: {  	s12 =	simm.s32 @!p0 $0x1  }
0x2a: {  	_ =	swait.ge @!p0 [sflag:s12], $0x4E2  }
0x2b: {  	[sflag:s12] =	ssyncset.done @!p0 $0x0  }
0x2c: {  	[sflag:s12] =	ssyncadd.s32 @!p0 $0xFFFFFB1E  }
0x2d: {  	_ =	sfence.sel $0x180000  }
0x2e: {  	[bflag:$0x0] =	sbarrier.arrive $0xFFFF  }
0x2f: {  	_ =	strace $0x90000047  }
0x30: {  	s0 =	sadd.s32 @!p0 $0x100000, s0;
	[bflag:$0x2] =	sbarrier.arrive $0xFFFF  }
0x31: {  	[sflag:s0] =	ssyncadd.tile.s32 @!p0 $0x1;
	_ =	shalt  }
.Lfunc_end2:
_tile_overlayer_lowered:
.L_overlay_start_2:
0x32: {  	(tag) =	ssettag $0x2  }
0x33: {  	s0 =	rddreg [dreg:$0x0];
	s2 =	stileid.u32  }
0x34: {  	s1 =	rddreg [dreg:$0x1];
	p0 =	sne.s32 s2, $0x0  }
0x35: {  	s3 =	rddreg [dreg:$0x2];
	[bflag:$0x3] =	sbarrier.arrive $0xFFFF;
	s2 =	simm.s32 @!p0 $0x1C01  }
0x36: {  	[timem:s3], [sflag:s2] =	dma.local @!p0 [hbm:s0], s1  }
0x37: {  	s0 =	simm.s32 @!p0 $0x1  }
0x38: {  	_ =	swait.ge @!p0 [sflag:s0], s1  }
0x39: {  	s1 =	ssub.s32 @!p0 $0x0, s1;
	[sflag:s0] =	ssyncset.done @!p0 $0x0  }
0x3a: {  	[sflag:s0] =	ssyncadd.s32 @!p0 s1  }
0x3b: {  	[bflag:$0x3] =	sbarrier.arrive $0xFFFF  }
0x3c: {  	_ =	shalt  }

// kernel: kernel.15.cloned.1.call-start
scs
__scs_entry_jumppad:
0x0: {  	(pc) =	sbr.rel $0x88, $3  }
0x1: {  	(tag) =	ssettag $0x0;
	lr =	simm.s32 $0x1  }
0x2: {  	[smem:$0x3F93] =	sst lr;
	_ =	strace $0xD0000000  }
0x3: {  	_ = 	snop  }
0x4: {  	_ = 	snop  }
0x5: {  	_ = 	snop  }
0x6: {  	_ = 	snop  }
0x7: {  	_ = 	snop  }
__scs_overlays_trampoline_lowered:
0x8: {  	[smem:$0x3FA2] =	sst s0  }
0x9: {  	[smem:$0x3FA3] =	sst s1  }
0xa: {  	[smem:$0x3FA4] =	sst s2  }
0xb: {  	[smem:$0x3FA5] =	sst s3  }
0xc: {  	[smem:$0x3FA6] =	sst s4  }
0xd: {  	[smem:$0x3FA7] =	sst s5  }
0xe: {  	[smem:$0x3FA8] =	sst s6  }
0xf: {  	[smem:$0x3FA9] =	sst s7  }
0x10: {  	[smem:$0x3FAA] =	sst s8  }
0x11: {  	[smem:$0x3FAB] =	sst s9;
	s0 =	simm.s32 @!p0 $0x0  }
0x12: {  	s1 =	sld [smem:$0x3F91];
	s0 =	simm.s32 @p0 $0x1  }
0x13: {  	[smem:$0x3FAC] =	sst s0;
	s0 =	simm.s32 @!p1 $0x0  }
0x14: {  	s2 =	sld [smem:$0x3F90];
	s0 =	simm.s32 @p1 $0x1  }
0x15: {  	[smem:$0x3FAD] =	sst s0;
	s0 =	simm.s32 @!p2 $0x0  }
0x16: {  	s3 =	sld [smem:$0x3FDB];
	s0 =	simm.s32 @p2 $0x1  }
0x17: {  	s4 =	simm.s32 $0x1BF5;
	[smem:$0x3FAF] =	sst s0  }
0x18: {  	s0 =	sld [smem:$0x3F92];
	_ =	swait.ge [sflag:s4], $0x0  }
0x19: {  	s7 =	sld [smem:$0x3F93]  }
0x1a: {  	s8 =	sadd.s32 $0xFFFFE003, lr  }
0x1b: {  	s9 =	sadd.s32 $0xFFFFFEF7, lr;
	s5 =	simm.s32 $0xFFFFFFFF;
	p2 =	slt.u32 s8, $0xFFFFF086  }
0x1c: {  	p1 =	slt.u32 s9, $0xF7A;
	s5 =	simm.s32 @!p2 $0x0  }
0x1d: {  	s5 =	simm.s32 @p1 $0x1;
	p0 =	seq.s32 s7, s2  }
0x1e: {  	s7 =	smul.u32 @!p0 $0xF7A, s2;
	p2 =	seq.s32 @!p0 s5, $0x0  }
0x1f: {  	s9 =	smul.u32 $0xF7A, s1;
	s8 =	simm.s32 @!p0 $0x1BF5;
	p2 =	por !p2, p0  }
0x20: {  	[sflag:s8] =	ssyncset.s32 @!p0 $0xFFFFF086;
	s6 =	sadd.s32 @!p0 s3, s7;
	s7 =	simm.s32 @!p0 $0x108  }
0x21: {  	s3 =	sadd.s32 s3, s9;
	s6 =	sadd.s32 @!p0 $0x88, s6;
	s7 =	simm.s32 @p2 $0x1082  }
0x22: {  	[simem:s7], [sflag:s8] =	dma.local @!p0 [hbm:s6], $0xF7A  }
0x23: {  	s9 =	sor.u32 $0xD0000000, s2;
	s6 =	simm.s32 $0x108;
	_ =	swait.ge @!p0 [sflag:s8], $0x0  }
0x24: {  	s3 =	sadd.s32 $0x88, s3;
	s6 =	simm.s32 @!p1 $0x1082;
	[sflag:s4] =	ssyncset.s32 $0xFFFFF086  }
0x25: {  	[simem:s6], [sflag:s4] =	dma.local [hbm:s3], $0xF7A  }
0x26: {  	[smem:$0x3F93] =	sst s1;
	(tag) =	ssettag s2;
	_ =	strace s9  }
0x27: {  	s1 =	sld [smem:$0x3FA3]  }
0x28: {  	s2 =	sld [smem:$0x3FA4]  }
0x29: {  	s4 =	sld [smem:$0x3FA6]  }
0x2a: {  	p0 =	seq.s32 s5, $0x0;
	s5 =	sld [smem:$0x3FA7]  }
0x2b: {  	s6 =	sld [smem:$0x3FA8]  }
0x2c: {  	s7 =	sld [smem:$0x3FA9]  }
0x2d: {  	s3 =	simm.s32 $0x108;
	s8 =	sld [smem:$0x3FAA]  }
0x2e: {  	s3 =	simm.s32 @!p0 $0x1082;
	s9 =	sld [smem:$0x3FAB]  }
0x2f: {  	lr =	sadd.s32 s0, s3;
	s0 =	sld [smem:$0x3FA2]  }
0x30: {  	s3 =	sld [smem:$0x3FA5]  }
0x31: {  	[smem:$0x3FAE] =	sst s10  }
0x32: {  	s10 =	sld [smem:$0x3FAC];
	_ =	sdelay $0x3  }
0x33: {  	p0 =	seq.s32 s10, $0x1;
	s10 =	sld [smem:$0x3FAE];
	_ =	sdelay $0x3  }
0x34: {  	[smem:$0x3FAE] =	sst s10  }
0x35: {  	s10 =	sld [smem:$0x3FAD];
	_ =	sdelay $0x3  }
0x36: {  	p1 =	seq.s32 s10, $0x1;
	s10 =	sld [smem:$0x3FAE];
	_ =	sdelay $0x3  }
0x37: {  	[smem:$0x3FAE] =	sst s10  }
0x38: {  	s10 =	sld [smem:$0x3FAF]  }
0x39: {  	_ = 	snop;
	(pc) =	sbr.ind lr, $3  }
0x3a: {  	_ = 	snop  }
0x3b: {  	_ = 	snop  }
0x3c: {  	p2 =	seq.s32 s10, $0x1;
	s10 =	sld [smem:$0x3FAE]  }
0x3d: {  	_ =	shalt  }
0x3e: {  	_ =	shalt  }
0x3f: {  	_ =	shalt  }
0x40: {  	_ =	shalt  }
0x41: {  	_ =	shalt  }
0x42: {  	_ =	shalt  }
0x43: {  	_ =	shalt  }
0x44: {  	_ =	shalt  }
0x45: {  	_ =	shalt  }
0x46: {  	_ =	shalt  }
0x47: {  	_ =	shalt  }
0x48: {  	_ =	shalt  }
0x49: {  	_ =	shalt  }
0x4a: {  	_ =	shalt  }
0x4b: {  	_ =	shalt  }
0x4c: {  	_ =	shalt  }
0x4d: {  	_ =	shalt  }
0x4e: {  	_ =	shalt  }
0x4f: {  	_ =	shalt  }
0x50: {  	_ =	shalt  }
0x51: {  	_ =	shalt  }
0x52: {  	_ =	shalt  }
0x53: {  	_ =	shalt  }
0x54: {  	_ =	shalt  }
0x55: {  	_ =	shalt  }
0x56: {  	_ =	shalt  }
0x57: {  	_ =	shalt  }
0x58: {  	_ =	shalt  }
0x59: {  	_ =	shalt  }
0x5a: {  	_ =	shalt  }
0x5b: {  	_ =	shalt  }
0x5c: {  	_ =	shalt  }
0x5d: {  	_ =	shalt  }
0x5e: {  	_ =	shalt  }
0x5f: {  	_ =	shalt  }
0x60: {  	_ =	shalt  }
0x61: {  	_ =	shalt  }
0x62: {  	_ =	shalt  }
0x63: {  	_ =	shalt  }
0x64: {  	_ =	shalt  }
0x65: {  	_ =	shalt  }
0x66: {  	_ =	shalt  }
0x67: {  	_ =	shalt  }
0x68: {  	_ =	shalt  }
0x69: {  	_ =	shalt  }
0x6a: {  	_ =	shalt  }
0x6b: {  	_ =	shalt  }
0x6c: {  	_ =	shalt  }
0x6d: {  	_ =	shalt  }
0x6e: {  	_ =	shalt  }
0x6f: {  	_ =	shalt  }
0x70: {  	_ =	shalt  }
0x71: {  	_ =	shalt  }
0x72: {  	_ =	shalt  }
0x73: {  	_ =	shalt  }
0x74: {  	_ =	shalt  }
0x75: {  	_ =	shalt  }
0x76: {  	_ =	shalt  }
0x77: {  	_ =	shalt  }
0x78: {  	_ =	shalt  }
0x79: {  	_ =	shalt  }
0x7a: {  	_ =	shalt  }
0x7b: {  	_ =	shalt  }
0x7c: {  	_ =	shalt  }
0x7d: {  	_ =	shalt  }
0x7e: {  	_ =	shalt  }
0x7f: {  	_ =	shalt  }
0x80: {  	_ =	shalt  }
0x81: {  	_ =	shalt  }
0x82: {  	_ =	shalt  }
0x83: {  	_ =	shalt  }
0x84: {  	_ =	shalt  }
0x85: {  	_ =	shalt  }
0x86: {  	_ =	shalt  }
0x87: {  	_ =	shalt  }
.Lfunc_end0:
.L_simem_size_0:
called_computation.1_lowered:
.L_overlay_start_0:
0x88: {  	s2 =	sld [smem:$0x3FD9]  }
0x89: {  	s3 =	sld [smem:$0x3FFE];
	_ =	sdelay $0x1  }
0x8a: {  	s1 =	srdreg.scid  }
0x8b: {  	s0 =	sand.u32 $0x1, s1  }
0x8c: {  	s16 =	sshll.u32 s0, $0xA;
	s2 =	sadd.s32 s3, s2  }
0x8d: {  	s2 =	sadd.s32 s2, s16  }
0x8e: {  	[smem:$0x3FBA] =	sst s2  }
0x8f: {  	_ = 	snop  }
0x90: {  	(tm) =	ssettm $0x1  }
0x91: {  	s17 =	sld [smem:$0x3FFB];
	_ =	sdelay $0x3  }
0x92: {  	_ =	strace s17  }
0x93: {  	s2 =	sld [smem:$0x3FFC];
	_ =	sdelay $0x3  }
0x94: {  	_ =	strace s2  }
0x95: {  	s2 =	sld [smem:$0x3FFD];
	_ =	sdelay $0x3  }
0x96: {  	_ =	strace s2  }
0x97: {  	_ =	strace $0x8FFFFFFF  }
0x98: {  	s18 =	sld [smem:$0x3FDB];
	_ =	sdelay $0x1  }
0x99: {  	s19 =	simm.s32 $_scs_section_size  }
0x9a: {  	s4 =	simm.s32 $_size__tile_overlayer_lowered;
	s5 =	simm.s32 $_tile_overlayer_lowered  }
0x9b: {  	s22 =	simm.s32 $0x1BFF;
	s21 =	sshll.u32 s5, $0x1;
	s2 =	sadd.s32 s19, s18  }
0x9c: {  	s6 =	simm.s32 $0x0;
	s20 =	sshll.u32 s4, $0x1;
	s4 =	sadd.s32 s21, s2  }
0x9d: {  	[timem:s6], [sflag:s22] =	dma.local [hbm:s4], s20  }
0x9e: {  	_ =	swait.ge [sflag:s22], s20  }
0x9f: {  	s3 =	ssub.s32 $0x0, s20;
	[sflag:s22] =	ssyncset.done $0x0  }
0xa0: {  	[sflag:s22] =	ssyncadd.s32 s3;
	_ =	sdelay $0x1  }
0xa1: {  	s23 =	simm.s32 $0x1B8B  }
0xa2: {  	_ =	swait.ge [sflag:s23], $0x1  }
0xa3: {  	[sflag:s23] =	ssyncset.done $0x0  }
0xa4: {  	s25 =	simm.s32 $0x1B8E;
	s24 =	sld [smem:$0x3FFE];
	[sflag:s23] =	ssyncadd.s32 $0xFFFFFFFF  }
0xa5: {  	s26 =	simm.s32 $execute0_lowered;
	[smem:$0x3FD2] =	sst s25  }
0xa6: {  	s4 =	sshll.u32 s26, $0x1;
	_ =	strace $0x80000049;
	[dreg:$0x1] =	wrdreg $0xFFFFFFFF  }
0xa7: {  	s28 =	simm.s32 $_size_execute0_lowered;
	s2 =	sadd.s32 s2, s4;
	[dreg:$0x0] =	wrdreg $0x0  }
0xa8: {  	s4 =	sshll.u32 s28, $0x1;
	[dreg:$0x2] =	wrdreg s2  }
0xa9: {  	[dreg:$0x3] =	wrdreg s4  }
0xaa: {  	[dreg:$0x4] =	wrdreg $0xC0  }
0xab: {  	_ =	task [dreg:s6], $0x5FFFF  }
0xac: {  	[dreg:$0x1] =	wrdreg $0xFFFFFFFF  }
0xad: {  	[dreg:$0x0] =	wrdreg $0x60  }
0xae: {  	[dreg:$0x2] =	wrdreg s24  }
0xaf: {  	[dreg:$0x3] =	wrdreg $0x76200  }
0xb0: {  	[dreg:$0x4] =	wrdreg $0x9  }
0xb1: {  	_ =	task.clear_ibuf [dreg:s6], $0x5FFFF;
	_ =	strace $0x90000049  }
0xb2: {  	s29 =	simm.s32 $0x9;
	_ =	strace $0x8000004B  }
0xb3: {  	_ =	swait.ge [sflag:s29], $0x1  }
0xb4: {  	[sflag:s29] =	ssyncadd.s32 $0xFFFFFFFF  }
0xb5: {  	_ =	strace $0x9000004B  }
0xb6: {  	_ =	sfence  }
0xb7: {  	s30 =	sld [smem:$0x0];
	_ =	sdelay $0x2  }
0xb8: {  	s31 =	sshll.u32 s1, $0xD;
	s1 =	sshrl.u32 s1, $0x2  }
0xb9: {  	s3 =	sand.u32 $0x4000, s31;
	s1 =	sadd.s32 s1, s30  }
0xba: {  	s0 =	sor.u32 s3, s0;
	s1 =	sshll.u32 s1, $0x11  }
0xbb: {  	s0 =	sor.u32 s1, s0  }
0xbc: {  	s0 =	sadd.s32 $0x8F2B, s0  }
0xbd: {  	[sflag:s0] =	ssyncadd.remote.s32 $0x1  }
0xbe: {  	_ =	sfence.sel $0xFFFF  }
0xbf: {  	[dreg:$0x0] =	wrdreg $0xFFFFFFFF;
	(pc) =	sbr.abs _section_cstart, $3  }
0xc0: {  	[dreg:$0x1] =	wrdreg $0xFFFFFFFF  }
0xc1: {  	_ =	task.clear_ibuf [dreg:s6], $0x2FFFF;
	_ =	strace $0x9FFFFFFF  }
0xc2: {  	(tm) =	ssettm $0x7FFFFFFF  }
0xc3: {  	_ =	shalt  }
tec
execute0_lowered:
.L_overlay_start_1:
0x0: {  	(tag) =	ssettag $0x1  }
0x1: {  	s1 =	srdreg.scid  }
0x2: {  	s0 =	stileid.u32;
	s9 =	rddreg [dreg:$0x0]  }
0x3: {  	s2 =	rddreg [dreg:$0x1];
	s3 =	simm.s32 $0x0;
	s17 =	simm.s32 $0x50  }
0x4: {  	s18 =	simm.s32 $0x4E20;
	s19 =	simm.s32 $0x6220;
	s20 =	simm.s32 $0x1  }
0x5: {  	s21 =	simm.s32 $0x2;
	s22 =	simm.s32 $0x4DD0;
	s24 =	simm.s32 $0x0  }
0x6: {  	s6 =	sand.u32 $0x1, s1;
	s30 =	sshll.u32 s0, $0x1;
	s1 =	rddreg [dreg:$0x2]  }
0x7: {  	[smem:$0x7FF] =	sst s3;
	s8 =	smul.u32 $0x9C00, s0;
	s14 =	sadd.s32 $0x92400, s2  }
0x8: {  	p0 =	seq.s32 s0, $0xF;
	s4 =	sor.u32 s6, s30;
	_ =	strace $0x8000004A  }
0x9: {  	s7 =	smul.u32 $0x13880, s6;
	s6 =	ssub.s32 $0x2, s6;
	s15 =	sshll.u32 @!p0 s0, $0x6  }
0xa: {  	s14 =	sshrl.u32 @p0 s14, $0x3;
	s5 =	smul.u32 $0x4E2, s4;
	s4 =	sadd.s32 $0x3FE00, s9  }
0xb: {  	s31 =	sshrl.u32 s6, $0x1;
	s16 =	sadd.s32 s8, s2;
	s15 =	sor.u32 @!p0 $0x1C03, s15  }
0xc: {  	s12 =	sadd.s32 s7, s9;
	s10 =	sadd.s32 s5, s9;
	s5 =	sshrl.u32 s8, $0x3  }
0xd: {  	s13 =	ssub.s32 s6, s31;
	s16 =	sshrl.u32 @!p0 s16, $0x3;
	s11 =	sadd.s32 s5, s9  }
0xe: {  	s6 =	sadd.s32 $0x4A00, s10;
	s7 =	sadd.s32 $0xE800, s10;
	s9 =	sadd.s32 $0x65C80, s9  }
0xf: {  	s10 =	sadd.s32 $0x67200, s12;
	s12 =	simm.s32 $0x3;
	s8 =	sadd.s32 $0x53800, s11  }
0x10: {  	s11 =	smax.u32 s13, $0x1;
	s13 =	simm.s32 $0x2710;
	s23 =	sadd.s32 @p0 $0x12480, s10  }
.LBB2_1:
0x11: {  	[tilespmem:s3], [sflag:$0x3] =	stream.linear.gather [hbm4b:s6+s3], $0x2710, $0x38;
	[tilespmem:$0x11260] =	vst v63  }
0x12: {  	_ =	swait.ge [sflag:s12], $0x2710  }
0x13: {  	[sflag:s12] =	ssyncset.done $0x0  }
0x14: {  	[sflag:s12] =	ssyncadd.s32 $0xFFFFD8F0  }
0x15: {  	[tilespmem:s13], [sflag:$0x3] =	stream.linear.gather [hbm4b:s7+s3], $0x2710, $0x38;
	[tilespmem:$0x11260] =	vst v63  }
0x16: {  	_ =	swait.ge [sflag:s12], $0x2710  }
0x17: {  	[sflag:s12] =	ssyncset.done $0x0  }
0x18: {  	s25 =	simm.s32 @p0 $0x1FC3;
	[sflag:s12] =	ssyncadd.s32 $0xFFFFD8F0  }
0x19: {  	[spmem:s14], [sflag:s25] =	dma.local @p0 [hbm:s9], $0x1400  }
0x1a: {  	s25 =	simm.s32 @p0 $0x3  }
0x1b: {  	_ =	swait.ge @p0 [sflag:s25], $0x1400  }
0x1c: {  	[sflag:s25] =	ssyncset.done @p0 $0x0  }
0x1d: {  	[sflag:s25] =	ssyncadd.s32 @p0 $0xFFFFEC00;
	s25 =	simm.s32 @!p0 $0x3  }
0x1e: {  	[spmem:s16], [sflag:s15] =	dma.local @!p0 [hbm:s8], $0x1380  }
0x1f: {  	_ =	swait.ge @!p0 [sflag:s25], $0x1380  }
0x20: {  	[sflag:s25] =	ssyncset.done @!p0 $0x0  }
0x21: {  	[sflag:s25] =	ssyncadd.s32 @!p0 $0xFFFFEC80  }
0x22: {  	[bflag:$0x0] =	sbarrier.arrive $0xFFFF  }
0x23: {  	[tilespmem:s18], [sflag:$0x1] =	stream.indirect.gather [hbm4b:s4+s17], $0x40, s3, s17, $0xb8;
	[tilespmem:$0x11260] =	vst v63  }
0x24: {  	s28 =	simm.s32 $0x50  }
0x25: {  	[tilespmem:s19], [sflag:$0x2] =	stream.indirect.gather [hbm4b:s4+s17], $0x40, s28, s17, $0xb8;
	[tilespmem:$0x11260] =	vst v63  }
0x26: {  	_ =	swait.ge [sflag:s20], $0x1400  }
0x27: {  	[sflag:s20] =	ssyncset.done $0x0  }
0x28: {  	s29 =	simm.s32 $0x2710;
	[sflag:s20] =	ssyncadd.s32 $0xFFFFEC00  }
0x29: {  	[spmem:s2] =	stream.indirect.scatter.add.f32 [tilespmem:s18], [sflag:$0x3], $0x40, s29, s17, $0xb8;
	[tilespmem:$0x11260] =	vst v63  }
0x2a: {  	_ =	swait.ge [sflag:s12], $0x1400  }
0x2b: {  	[sflag:s12] =	ssyncset.done $0x0  }
0x2c: {  	s30 =	simm.s32 $0xA0;
	[sflag:s12] =	ssyncadd.s32 $0xFFFFEC00  }
0x2d: {  	[tilespmem:s18], [sflag:$0x1] =	stream.indirect.gather [hbm4b:s4+s17], $0x40, s30, s17, $0xb8;
	[tilespmem:$0x11260] =	vst v63  }
0x2e: {  	_ =	swait.ge [sflag:s21], $0x1400  }
0x2f: {  	[sflag:s21] =	ssyncset.done $0x0  }
0x30: {  	s31 =	simm.s32 $0x2760;
	[sflag:s21] =	ssyncadd.s32 $0xFFFFEC00  }
0x31: {  	[spmem:s2] =	stream.indirect.scatter.add.f32 [tilespmem:s19], [sflag:$0x3], $0x40, s31, s17, $0xb8;
	[tilespmem:$0x11260] =	vst v63  }
0x32: {  	_ =	swait.ge [sflag:s12], $0x1400  }
0x33: {  	s26 =	simm.s32 $0x500;
	s25 =	simm.s32 $0xA0;
	[sflag:s12] =	ssyncset.done $0x0  }
.LBB2_2:
0x34: {  	s28 =	sadd.s32 $0x50, s25  }
0x35: {  	[sflag:s12] =	ssyncadd.s32 $0xFFFFEC00;
	s29 =	smov.u32 s26;
	s30 =	sadd.s32 $0x280, s26  }
0x36: {  	[tilespmem:s19], [sflag:$0x2] =	stream.indirect.gather [hbm4b:s4+s17], $0x40, s28, s17, $0xb8;
	[tilespmem:$0x11260] =	vst v63  }
0x37: {  	p1 =	sne.s32 s26, $0x9880;
	_ =	swait.ge [sflag:s20], $0x1400  }
0x38: {  	[sflag:s20] =	ssyncset.done $0x0  }
0x39: {  	s26 =	sadd.s32 $0x2710, s25;
	[sflag:s20] =	ssyncadd.s32 $0xFFFFEC00  }
0x3a: {  	[spmem:s2] =	stream.indirect.scatter.add.f32 [tilespmem:s18], [sflag:$0x3], $0x40, s26, s17, $0xb8;
	[tilespmem:$0x11260] =	vst v63  }
0x3b: {  	_ =	swait.ge [sflag:s12], $0x1400  }
0x3c: {  	[sflag:s12] =	ssyncset.done $0x0  }
0x3d: {  	s26 =	sadd.s32 $0xA0, s25;
	[sflag:s12] =	ssyncadd.s32 $0xFFFFEC00  }
0x3e: {  	[tilespmem:s18], [sflag:$0x1] =	stream.indirect.gather [hbm4b:s4+s17], $0x40, s26, s17, $0xb8;
	[tilespmem:$0x11260] =	vst v63  }
0x3f: {  	_ =	swait.ge [sflag:s21], $0x1400  }
.Ltmp0:
0x40: {  	[sflag:s21] =	ssyncset.done $0x0;
	(pc) =	sbr.rel @p1 .LBB2_2-.Ltmp0, $4  }
0x41: {  	s25 =	sadd.s32 $0x2760, s25;
	[sflag:s21] =	ssyncadd.s32 $0xFFFFEC00  }
0x42: {  	[spmem:s2] =	stream.indirect.scatter.add.f32 [tilespmem:s19], [sflag:$0x3], $0x40, s25, s17, $0xb8;
	[tilespmem:$0x11260] =	vst v63  }
0x43: {  	_ =	swait.ge [sflag:s12], $0x1400  }
0x44: {  	s26 =	smov.u32 s30;
	s25 =	sshra.s32 s29, $0x2;
	[sflag:s12] =	ssyncset.done $0x0  }
0x45: {  	s26 =	sadd.s32 $0x50, s25;
	[sflag:s12] =	ssyncadd.s32 $0xFFFFEC00  }
0x46: {  	[tilespmem:s19], [sflag:$0x2] =	stream.indirect.gather [hbm4b:s4+s17], $0x40, s26, s17, $0xb8;
	[tilespmem:$0x11260] =	vst v63  }
0x47: {  	_ =	swait.ge [sflag:s20], $0x1400  }
0x48: {  	[sflag:s20] =	ssyncset.done $0x0  }
0x49: {  	s29 =	sadd.s32 $0x2710, s25;
	[sflag:s20] =	ssyncadd.s32 $0xFFFFEC00  }
0x4a: {  	[spmem:s2] =	stream.indirect.scatter.add.f32 [tilespmem:s18], [sflag:$0x3], $0x40, s29, s17, $0xb8;
	[tilespmem:$0x11260] =	vst v63  }
0x4b: {  	_ =	swait.ge [sflag:s12], $0x1400  }
0x4c: {  	[sflag:s12] =	ssyncset.done $0x0  }
0x4d: {  	s30 =	sadd.s32 $0xA0, s25;
	[sflag:s12] =	ssyncadd.s32 $0xFFFFEC00  }
0x4e: {  	[tilespmem:s18], [sflag:$0x1] =	stream.indirect.gather [hbm4b:s4+s17], $0x40, s30, s17, $0xb8;
	[tilespmem:$0x11260] =	vst v63  }
0x4f: {  	_ =	swait.ge [sflag:s21], $0x1400  }
0x50: {  	[sflag:s21] =	ssyncset.done $0x0  }
0x51: {  	s31 =	sadd.s32 $0x2760, s25;
	[sflag:s21] =	ssyncadd.s32 $0xFFFFEC00  }
0x52: {  	[spmem:s2] =	stream.indirect.scatter.add.f32 [tilespmem:s19], [sflag:$0x3], $0x40, s31, s17, $0xb8;
	[tilespmem:$0x11260] =	vst v63  }
0x53: {  	_ =	swait.ge [sflag:s12], $0x1400  }
0x54: {  	[sflag:s12] =	ssyncset.done $0x0  }
0x55: {  	[sflag:s12] =	ssyncadd.s32 $0xFFFFEC00  }
0x56: {  	_ =	swait.ge [sflag:s20], $0x1400  }
0x57: {  	[sflag:s20] =	ssyncset.done $0x0  }
0x58: {  	[sflag:s20] =	ssyncadd.s32 $0xFFFFEC00  }
0x59: {  	[spmem:s2] =	stream.indirect.scatter.add.f32 [tilespmem:s18], [sflag:$0x3], $0x40, s22, s17, $0xb8;
	[tilespmem:$0x11260] =	vst v63  }
0x5a: {  	_ =	swait.ge [sflag:s12], $0x1400  }
0x5b: {  	[sflag:s12] =	ssyncset.done $0x0  }
0x5c: {  	[sflag:s12] =	ssyncadd.s32 $0xFFFFEC00  }
0x5d: {  	s25 =	simm.s32 @p0 $0x1FC3;
	[bflag:$0x0] =	sbarrier.arrive $0xFFFF  }
0x5e: {  	[hbm:s23], [sflag:s25] =	dma.local @p0 [spmem:s14], $0x1400  }
0x5f: {  	s25 =	simm.s32 @p0 $0x3  }
0x60: {  	_ =	swait.ge @p0 [sflag:s25], $0x1400  }
0x61: {  	s24 =	sadd.s32 $0x1, s24;
	[sflag:s25] =	ssyncset.done @p0 $0x0  }
0x62: {  	p1 =	sne.s32 s24, s11;
	[sflag:s25] =	ssyncadd.s32 @p0 $0xFFFFEC00;
	s25 =	sadd.s32 @!p0 s5, s10  }
0x63: {  	[hbm:s25], [sflag:s15] =	dma.local @!p0 [spmem:s16], $0x1380  }
.Ltmp1:
0x64: {  	_ = 	snop;
	(pc) =	sbr.rel @p1 .LBB2_1-.Ltmp1, $4  }
0x65: {  	s25 =	simm.s32 @!p0 $0x3  }
0x66: {  	_ =	swait.ge @!p0 [sflag:s25], $0x1380  }
0x67: {  	[sflag:s25] =	ssyncset.done @!p0 $0x0  }
0x68: {  	[sflag:s25] =	ssyncadd.s32 @!p0 $0xFFFFEC80  }
0x69: {  	_ =	sfence.sel $0x180000  }
0x6a: {  	[bflag:$0x0] =	sbarrier.arrive $0xFFFF  }
0x6b: {  	p0 =	sne.s32 s0, $0x0;
	_ =	strace $0x9000004A  }
0x6c: {  	s0 =	sadd.s32 @!p0 $0x100000, s1;
	[bflag:$0x2] =	sbarrier.arrive $0xFFFF  }
0x6d: {  	[sflag:s0] =	ssyncadd.tile.s32 @!p0 $0x1;
	_ =	shalt  }
.Lfunc_end2:
_tile_overlayer_lowered:
.L_overlay_start_2:
0x6e: {  	(tag) =	ssettag $0x2  }
0x6f: {  	s0 =	rddreg [dreg:$0x0];
	s2 =	stileid.u32  }
0x70: {  	s1 =	rddreg [dreg:$0x1];
	p0 =	sne.s32 s2, $0x0  }
0x71: {  	s3 =	rddreg [dreg:$0x2];
	[bflag:$0x3] =	sbarrier.arrive $0xFFFF;
	s2 =	simm.s32 @!p0 $0x1C03  }
0x72: {  	[timem:s3], [sflag:s2] =	dma.local @!p0 [hbm:s0], s1  }
0x73: {  	s0 =	simm.s32 @!p0 $0x3  }
0x74: {  	_ =	swait.ge @!p0 [sflag:s0], s1  }
0x75: {  	s1 =	ssub.s32 @!p0 $0x0, s1;
	[sflag:s0] =	ssyncset.done @!p0 $0x0  }
0x76: {  	[sflag:s0] =	ssyncadd.s32 @!p0 s1  }
0x77: {  	[bflag:$0x3] =	sbarrier.arrive $0xFFFF  }
0x78: {  	_ =	shalt  }

// kernel: kernel.18.cloned.1.call-start
scs
__scs_entry_jumppad:
0x0: {  	(pc) =	sbr.rel $0x88, $3  }
0x1: {  	(tag) =	ssettag $0x0;
	lr =	simm.s32 $0x1  }
0x2: {  	[smem:$0x3F93] =	sst lr;
	_ =	strace $0xD0000000  }
0x3: {  	_ = 	snop  }
0x4: {  	_ = 	snop  }
0x5: {  	_ = 	snop  }
0x6: {  	_ = 	snop  }
0x7: {  	_ = 	snop  }
__scs_overlays_trampoline_lowered:
0x8: {  	[smem:$0x3FA2] =	sst s0  }
0x9: {  	[smem:$0x3FA3] =	sst s1  }
0xa: {  	[smem:$0x3FA4] =	sst s2  }
0xb: {  	[smem:$0x3FA5] =	sst s3  }
0xc: {  	[smem:$0x3FA6] =	sst s4  }
0xd: {  	[smem:$0x3FA7] =	sst s5  }
0xe: {  	[smem:$0x3FA8] =	sst s6  }
0xf: {  	[smem:$0x3FA9] =	sst s7  }
0x10: {  	[smem:$0x3FAA] =	sst s8  }
0x11: {  	[smem:$0x3FAB] =	sst s9;
	s0 =	simm.s32 @!p0 $0x0  }
0x12: {  	s1 =	sld [smem:$0x3F91];
	s0 =	simm.s32 @p0 $0x1  }
0x13: {  	[smem:$0x3FAC] =	sst s0;
	s0 =	simm.s32 @!p1 $0x0  }
0x14: {  	s2 =	sld [smem:$0x3F90];
	s0 =	simm.s32 @p1 $0x1  }
0x15: {  	[smem:$0x3FAD] =	sst s0;
	s0 =	simm.s32 @!p2 $0x0  }
0x16: {  	s3 =	sld [smem:$0x3FDB];
	s0 =	simm.s32 @p2 $0x1  }
0x17: {  	s4 =	simm.s32 $0x1BF5;
	[smem:$0x3FAF] =	sst s0  }
0x18: {  	s0 =	sld [smem:$0x3F92];
	_ =	swait.ge [sflag:s4], $0x0  }
0x19: {  	s7 =	sld [smem:$0x3F93]  }
0x1a: {  	s8 =	sadd.s32 $0xFFFFE003, lr  }
0x1b: {  	s9 =	sadd.s32 $0xFFFFFEF7, lr;
	s5 =	simm.s32 $0xFFFFFFFF;
	p2 =	slt.u32 s8, $0xFFFFF086  }
0x1c: {  	p1 =	slt.u32 s9, $0xF7A;
	s5 =	simm.s32 @!p2 $0x0  }
0x1d: {  	s5 =	simm.s32 @p1 $0x1;
	p0 =	seq.s32 s7, s2  }
0x1e: {  	s7 =	smul.u32 @!p0 $0xF7A, s2;
	p2 =	seq.s32 @!p0 s5, $0x0  }
0x1f: {  	s9 =	smul.u32 $0xF7A, s1;
	s8 =	simm.s32 @!p0 $0x1BF5;
	p2 =	por !p2, p0  }
0x20: {  	[sflag:s8] =	ssyncset.s32 @!p0 $0xFFFFF086;
	s6 =	sadd.s32 @!p0 s3, s7;
	s7 =	simm.s32 @!p0 $0x108  }
0x21: {  	s3 =	sadd.s32 s3, s9;
	s6 =	sadd.s32 @!p0 $0x88, s6;
	s7 =	simm.s32 @p2 $0x1082  }
0x22: {  	[simem:s7], [sflag:s8] =	dma.local @!p0 [hbm:s6], $0xF7A  }
0x23: {  	s9 =	sor.u32 $0xD0000000, s2;
	s6 =	simm.s32 $0x108;
	_ =	swait.ge @!p0 [sflag:s8], $0x0  }
0x24: {  	s3 =	sadd.s32 $0x88, s3;
	s6 =	simm.s32 @!p1 $0x1082;
	[sflag:s4] =	ssyncset.s32 $0xFFFFF086  }
0x25: {  	[simem:s6], [sflag:s4] =	dma.local [hbm:s3], $0xF7A  }
0x26: {  	[smem:$0x3F93] =	sst s1;
	(tag) =	ssettag s2;
	_ =	strace s9  }
0x27: {  	s1 =	sld [smem:$0x3FA3]  }
0x28: {  	s2 =	sld [smem:$0x3FA4]  }
0x29: {  	s4 =	sld [smem:$0x3FA6]  }
0x2a: {  	p0 =	seq.s32 s5, $0x0;
	s5 =	sld [smem:$0x3FA7]  }
0x2b: {  	s6 =	sld [smem:$0x3FA8]  }
0x2c: {  	s7 =	sld [smem:$0x3FA9]  }
0x2d: {  	s3 =	simm.s32 $0x108;
	s8 =	sld [smem:$0x3FAA]  }
0x2e: {  	s3 =	simm.s32 @!p0 $0x1082;
	s9 =	sld [smem:$0x3FAB]  }
0x2f: {  	lr =	sadd.s32 s0, s3;
	s0 =	sld [smem:$0x3FA2]  }
0x30: {  	s3 =	sld [smem:$0x3FA5]  }
0x31: {  	[smem:$0x3FAE] =	sst s10  }
0x32: {  	s10 =	sld [smem:$0x3FAC];
	_ =	sdelay $0x3  }
0x33: {  	p0 =	seq.s32 s10, $0x1;
	s10 =	sld [smem:$0x3FAE];
	_ =	sdelay $0x3  }
0x34: {  	[smem:$0x3FAE] =	sst s10  }
0x35: {  	s10 =	sld [smem:$0x3FAD];
	_ =	sdelay $0x3  }
0x36: {  	p1 =	seq.s32 s10, $0x1;
	s10 =	sld [smem:$0x3FAE];
	_ =	sdelay $0x3  }
0x37: {  	[smem:$0x3FAE] =	sst s10  }
0x38: {  	s10 =	sld [smem:$0x3FAF]  }
0x39: {  	_ = 	snop;
	(pc) =	sbr.ind lr, $3  }
0x3a: {  	_ = 	snop  }
0x3b: {  	_ = 	snop  }
0x3c: {  	p2 =	seq.s32 s10, $0x1;
	s10 =	sld [smem:$0x3FAE]  }
0x3d: {  	_ =	shalt  }
0x3e: {  	_ =	shalt  }
0x3f: {  	_ =	shalt  }
0x40: {  	_ =	shalt  }
0x41: {  	_ =	shalt  }
0x42: {  	_ =	shalt  }
0x43: {  	_ =	shalt  }
0x44: {  	_ =	shalt  }
0x45: {  	_ =	shalt  }
0x46: {  	_ =	shalt  }
0x47: {  	_ =	shalt  }
0x48: {  	_ =	shalt  }
0x49: {  	_ =	shalt  }
0x4a: {  	_ =	shalt  }
0x4b: {  	_ =	shalt  }
0x4c: {  	_ =	shalt  }
0x4d: {  	_ =	shalt  }
0x4e: {  	_ =	shalt  }
0x4f: {  	_ =	shalt  }
0x50: {  	_ =	shalt  }
0x51: {  	_ =	shalt  }
0x52: {  	_ =	shalt  }
0x53: {  	_ =	shalt  }
0x54: {  	_ =	shalt  }
0x55: {  	_ =	shalt  }
0x56: {  	_ =	shalt  }
0x57: {  	_ =	shalt  }
0x58: {  	_ =	shalt  }
0x59: {  	_ =	shalt  }
0x5a: {  	_ =	shalt  }
0x5b: {  	_ =	shalt  }
0x5c: {  	_ =	shalt  }
0x5d: {  	_ =	shalt  }
0x5e: {  	_ =	shalt  }
0x5f: {  	_ =	shalt  }
0x60: {  	_ =	shalt  }
0x61: {  	_ =	shalt  }
0x62: {  	_ =	shalt  }
0x63: {  	_ =	shalt  }
0x64: {  	_ =	shalt  }
0x65: {  	_ =	shalt  }
0x66: {  	_ =	shalt  }
0x67: {  	_ =	shalt  }
0x68: {  	_ =	shalt  }
0x69: {  	_ =	shalt  }
0x6a: {  	_ =	shalt  }
0x6b: {  	_ =	shalt  }
0x6c: {  	_ =	shalt  }
0x6d: {  	_ =	shalt  }
0x6e: {  	_ =	shalt  }
0x6f: {  	_ =	shalt  }
0x70: {  	_ =	shalt  }
0x71: {  	_ =	shalt  }
0x72: {  	_ =	shalt  }
0x73: {  	_ =	shalt  }
0x74: {  	_ =	shalt  }
0x75: {  	_ =	shalt  }
0x76: {  	_ =	shalt  }
0x77: {  	_ =	shalt  }
0x78: {  	_ =	shalt  }
0x79: {  	_ =	shalt  }
0x7a: {  	_ =	shalt  }
0x7b: {  	_ =	shalt  }
0x7c: {  	_ =	shalt  }
0x7d: {  	_ =	shalt  }
0x7e: {  	_ =	shalt  }
0x7f: {  	_ =	shalt  }
0x80: {  	_ =	shalt  }
0x81: {  	_ =	shalt  }
0x82: {  	_ =	shalt  }
0x83: {  	_ =	shalt  }
0x84: {  	_ =	shalt  }
0x85: {  	_ =	shalt  }
0x86: {  	_ =	shalt  }
0x87: {  	_ =	shalt  }
.Lfunc_end0:
.L_simem_size_0:
called_computation.2_lowered:
.L_overlay_start_0:
0x88: {  	s2 =	sld [smem:$0x3FD9]  }
0x89: {  	s3 =	sld [smem:$0x3FFE];
	_ =	sdelay $0x1  }
0x8a: {  	s1 =	srdreg.scid  }
0x8b: {  	s0 =	sand.u32 $0x1, s1  }
0x8c: {  	s17 =	sshll.u32 s0, $0xA;
	s2 =	sadd.s32 s3, s2  }
0x8d: {  	s2 =	sadd.s32 s2, s17  }
0x8e: {  	[smem:$0x3FBA] =	sst s2  }
0x8f: {  	_ = 	snop  }
0x90: {  	s2 =	sld [smem:$0x3FD0];
	(tm) =	ssettm $0x1  }
0x91: {  	s18 =	sld [smem:$0x3FFB];
	_ =	sdelay $0x3  }
0x92: {  	_ =	strace s18  }
0x93: {  	s3 =	sld [smem:$0x3FFC];
	_ =	sdelay $0x3  }
0x94: {  	_ =	strace s3  }
0x95: {  	s3 =	sld [smem:$0x3FFD];
	_ =	sdelay $0x3  }
0x96: {  	_ =	strace s3  }
0x97: {  	_ =	strace $0x8FFFFFFF  }
0x98: {  	s19 =	sld [smem:$0x3FDB];
	_ =	sdelay $0x1  }
0x99: {  	s4 =	simm.s32 $_scs_section_size  }
0x9a: {  	s5 =	simm.s32 $_size__tile_overlayer_lowered;
	s6 =	simm.s32 $_tile_overlayer_lowered  }
0x9b: {  	s22 =	simm.s32 $0x1BFF;
	s21 =	sshll.u32 s6, $0x1;
	s3 =	sadd.s32 s4, s19  }
0x9c: {  	s7 =	simm.s32 $0x0;
	s20 =	sshll.u32 s5, $0x1;
	s5 =	sadd.s32 s21, s3  }
0x9d: {  	[timem:s7], [sflag:s22] =	dma.local [hbm:s5], s20  }
0x9e: {  	_ =	swait.ge [sflag:s22], s20  }
0x9f: {  	s4 =	ssub.s32 $0x0, s20;
	[sflag:s22] =	ssyncset.done $0x0  }
0xa0: {  	[sflag:s22] =	ssyncadd.s32 s4;
	_ =	sdelay $0x1  }
0xa1: {  	s23 =	simm.s32 $0x1B8B  }
0xa2: {  	_ =	swait.ge [sflag:s23], $0x1  }
0xa3: {  	[sflag:s23] =	ssyncset.done $0x0  }
0xa4: {  	s25 =	simm.s32 $0x1B8E;
	s24 =	sld [smem:$0x3FFE];
	[sflag:s23] =	ssyncadd.s32 $0xFFFFFFFF  }
0xa5: {  	s26 =	simm.s32 $execute0_lowered;
	[smem:$0x3FD2] =	sst s25  }
0xa6: {  	s5 =	sshll.u32 s26, $0x1;
	_ =	strace $0x8000004C;
	[dreg:$0x1] =	wrdreg $0xFFFFFFFF  }
0xa7: {  	s28 =	simm.s32 $_size_execute0_lowered;
	s3 =	sadd.s32 s3, s5;
	[dreg:$0x0] =	wrdreg $0x0  }
0xa8: {  	s5 =	sshll.u32 s28, $0x1;
	[dreg:$0x2] =	wrdreg s3  }
0xa9: {  	[dreg:$0x3] =	wrdreg s5  }
0xaa: {  	[dreg:$0x4] =	wrdreg $0xC0  }
0xab: {  	_ =	task [dreg:s7], $0x5FFFF  }
0xac: {  	[dreg:$0x1] =	wrdreg $0xFFFFFFFF  }
0xad: {  	[dreg:$0x0] =	wrdreg $0x60  }
0xae: {  	[dreg:$0x2] =	wrdreg s2  }
0xaf: {  	[dreg:$0x3] =	wrdreg s24  }
0xb0: {  	[dreg:$0x4] =	wrdreg $0x9  }
0xb1: {  	_ =	task.clear_ibuf [dreg:s7], $0x5FFFF;
	_ =	strace $0x9000004C  }
0xb2: {  	s29 =	simm.s32 $0x9;
	_ =	strace $0x8000004E  }
0xb3: {  	_ =	swait.ge [sflag:s29], $0x1  }
0xb4: {  	[sflag:s29] =	ssyncadd.s32 $0xFFFFFFFF  }
0xb5: {  	_ =	strace $0x9000004E  }
0xb6: {  	_ =	sfence  }
0xb7: {  	s30 =	sld [smem:$0x0];
	_ =	sdelay $0x2  }
0xb8: {  	s31 =	sshll.u32 s1, $0xD;
	s1 =	sshrl.u32 s1, $0x2  }
0xb9: {  	s3 =	sand.u32 $0x4000, s31;
	s1 =	sadd.s32 s1, s30  }
0xba: {  	s0 =	sor.u32 s3, s0;
	s1 =	sshll.u32 s1, $0x11  }
0xbb: {  	s0 =	sor.u32 s1, s0  }
0xbc: {  	s0 =	sadd.s32 $0x8F2B, s0  }
0xbd: {  	[sflag:s0] =	ssyncadd.remote.s32 $0x1  }
0xbe: {  	_ =	sfence.sel $0xFFFF  }
0xbf: {  	[dreg:$0x0] =	wrdreg $0xFFFFFFFF;
	(pc) =	sbr.abs _section_cstart, $3  }
0xc0: {  	[dreg:$0x1] =	wrdreg $0xFFFFFFFF  }
0xc1: {  	_ =	task.clear_ibuf [dreg:s7], $0x2FFFF;
	_ =	strace $0x9FFFFFFF  }
0xc2: {  	(tm) =	ssettm $0x7FFFFFFF  }
0xc3: {  	_ =	shalt  }
tec
execute0_lowered:
.L_overlay_start_1:
0x0: {  	(tag) =	ssettag $0x1  }
0x1: {  	s1 =	srdreg.scid  }
0x2: {  	s0 =	stileid.u32;
	s2 =	rddreg [dreg:$0x0]  }
0x3: {  	s5 =	rddreg [dreg:$0x1];
	s3 =	simm.s32 $0x0;
	s10 =	simm.s32 $0x2710  }
0x4: {  	s11 =	simm.s32 $0x50;
	s12 =	simm.s32 $0x4E20;
	s13 =	simm.s32 $0x6220  }
0x5: {  	s14 =	simm.s32 $0x1;
	s4 =	sand.u32 $0x1, s1;
	s30 =	sshll.u32 s0, $0x1  }
0x6: {  	s15 =	simm.s32 $0x2;
	s16 =	simm.s32 $0x7620;
	s6 =	sor.u32 s4, s30  }
0x7: {  	v0 =	vlaneseq.u32;
	s17 =	simm.s32 $0x0;
	[smem:$0x7FF] =	sst s3;
	s6 =	smul.u32 $0x4E2, s6  }
0x8: {  	s1 =	rddreg [dreg:$0x2];
	v0 =	vmul.u32 $0x40, v0;
	s7 =	ssub.s32 $0x2, s4;
	_ =	strace $0x8000004D  }
0x9: {  	s4 =	sadd.s32 $0x3FE00, s5;
	s31 =	sshrl.u32 s7, $0x1;
	s8 =	sadd.s32 s6, s5  }
0xa: {  	v1 =	vor.u32 $0x400, v0;
	s9 =	ssub.s32 s7, s31;
	s5 =	sadd.s32 $0x4A00, s8;
	s6 =	sadd.s32 $0xE800, s8  }
0xb: {  	v2 =	vor.u32 $0x800, v0;
	v3 =	vor.u32 $0xC00, v0;
	v4 =	vor.u32 $0x1000, v0;
	s7 =	sadd.s32 $0x67200, s8;
	s8 =	smax.u32 s9, $0x1;
	s9 =	simm.s32 $0x3  }
.LBB2_1:
0xc: {  	[tilespmem:s3], [sflag:$0x3] =	stream.linear.gather [hbm4b:s5+s3], $0x2710, $0x38;
	[tilespmem:$0x9D30] =	vst v63  }
0xd: {  	_ =	swait.ge [sflag:s9], $0x2710  }
0xe: {  	[sflag:s9] =	ssyncset.done $0x0  }
0xf: {  	[sflag:s9] =	ssyncadd.s32 $0xFFFFD8F0  }
0x10: {  	[tilespmem:s10], [sflag:$0x3] =	stream.linear.gather [hbm4b:s6+s3], $0x2710, $0x38;
	[tilespmem:$0x9D30] =	vst v63  }
0x11: {  	_ =	swait.ge [sflag:s9], $0x2710  }
0x12: {  	[sflag:s9] =	ssyncset.done $0x0  }
0x13: {  	s18 =	simm.s32 $0x0;
	[sflag:s9] =	ssyncadd.s32 $0xFFFFD8F0  }
.LBB2_2:
0x14: {  	s19 =	smul.u32 $0x50, s18;
	_ =	sdelay $0x1  }
0x15: {  	s21 =	simm.s32 $0x0;
	s20 =	sadd.s32 $0x2710, s19  }
0x16: {  	v5 =	vmov s21;
	[tilespmem:s12], [sflag:$0x1] =	stream.indirect.gather [hbm4b:s2+s11], $0x40, s20, s11, $0xb8;
	[tilespmem:$0x9D30] =	vst v63  }
0x17: {  	s22 =	simm.s32 $0x1;
	v5 =	vand.u32 $0x3C, v5  }
0x18: {  	v6 =	vmov s22;
	v5 =	vbroadcast v5, $0x0;
	[tilespmem:s13], [sflag:$0x2] =	stream.indirect.gather [hbm4b:s4+s11], $0x40, s19, s11, $0xb8;
	[tilespmem:$0x9D30] =	vst v63  }
0x19: {  	s23 =	simm.s32 $0x2;
	v6 =	vand.u32 $0x3D, v6;
	_ =	swait.ge [sflag:s14], $0x1400  }
0x1a: {  	v7 =	vmov s23;
	v6 =	vbroadcast v6, $0x0;
	v5 =	vor.u32 v0, v5;
	[sflag:s14] =	ssyncset.done $0x0  }
0x1b: {  	s24 =	simm.s32 $0x3;
	v7 =	vand.u32 $0x3E, v7;
	[sflag:s14] =	ssyncadd.s32 $0xFFFFEC00  }
0x1c: {  	v8 =	vmov s24;
	v7 =	vbroadcast v7, $0x0;
	v6 =	vor.u32 v0, v6;
	_ =	swait.ge [sflag:s15], $0x1400  }
0x1d: {  	s25 =	simm.s32 $0x4;
	v8 =	vand.u32 $0x3F, v8;
	[sflag:s15] =	ssyncset.done $0x0  }
0x1e: {  	v9 =	vmov s25;
	v8 =	vbroadcast v8, $0x0;
	v7 =	vor.u32 v0, v7;
	[sflag:s15] =	ssyncadd.s32 $0xFFFFEC00  }
0x1f: {  	s26 =	simm.s32 $0x5;
	v9 =	vand.u32 $0x3C, v9;
	v11 =	vld.idx.msk [tilespmem:v5+s12+$0x0], $0xffff  }
0x20: {  	s28 =	simm.s32 $0x6;
	v9 =	vbroadcast v9, $0x0;
	v16 =	vor.u32 v0, v8;
	v8 =	vmov s26;
	v14 =	vld.idx.msk [tilespmem:v5+s13+$0x0], $0xffff  }
0x21: {  	s29 =	simm.s32 $0x7;
	v12 =	vmov s28;
	v10 =	vand.u32 $0x3D, v8;
	v5 =	vld.idx.msk [tilespmem:v6+s12+$0x0], $0xffff  }
0x22: {  	v13 =	vmov s29;
	v8 =	vor.u32 v0, v9;
	v10 =	vbroadcast v10, $0x0;
	v9 =	vld.idx.msk [tilespmem:v6+s13+$0x0], $0xffff  }
0x23: {  	v12 =	vand.u32 $0x3E, v12;
	v19 =	vand.u32 $0x3F, v13;
	s20 =	simm.s32 $0x8;
	v6 =	vld.idx.msk [tilespmem:v7+s12+$0x0], $0xffff  }
0x24: {  	s30 =	simm.s32 $0x9;
	v18 =	vbroadcast v12, $0x0;
	v17 =	vmov s20;
	v12 =	vor.u32 v0, v10;
	v13 =	vld.idx.msk [tilespmem:v7+s13+$0x0], $0xffff  }
0x25: {  	v15 =	vimm.f32 $0.0e+00;
	v22 =	vmov s30;
	v21 =	vand.u32 $0x3C, v17;
	v7 =	vld.idx.msk [tilespmem:v16+s12+$0x0], $0xffff  }
0x26: {  	s31 =	simm.s32 $0xA;
	v17 =	vbroadcast v19, $0x0;
	v10 =	vor.u32 v0, v18;
	v20 =	vmul.f32 v14, v11;
	v14 =	vld.idx.msk [tilespmem:v16+s13+$0x0], $0xffff  }
0x27: {  	s21 =	simm.s32 $0xC;
	v19 =	vand.u32 $0x3D, v22;
	v18 =	vmov s31;
	v16 =	vbroadcast v21, $0x0;
	v11 =	vld.idx.msk [tilespmem:v8+s12+$0x0], $0xffff  }
.LBB2_3:
0x28: {  	p0 =	sne.s32 s21, $0x3C;
	s22 =	sadd.s32 $0x3, s20;
	v21 =	vld.idx.msk [tilespmem:v8+s13+$0x0], $0xffff;
	v22 =	vor.u32 v0, v17;
	v15 =	vadd.f32 v20, v15;
	v17 =	vmul.f32 v9, v5;
	s20 =	smov.u32 s21  }
0x29: {  	v19 =	vbroadcast v19, $0x0;
	v18 =	vand.u32 $0x3E, v18;
	v20 =	vmov s22;
	v5 =	vld.idx.msk [tilespmem:v12+s12+$0x0], $0xffff  }
0x2a: {  	v8 =	vor.u32 v0, v16;
	v16 =	vmul.f32 v13, v6;
	v9 =	vld.idx.msk [tilespmem:v12+s13+$0x0], $0xffff;
	v15 =	vadd.f32 v17, v15  }
.Ltmp0:
0x2b: {  	v18 =	vbroadcast v18, $0x0;
	v17 =	vmov s21;
	v20 =	vand.u32 $0x3F, v20;
	v6 =	vld.idx.msk [tilespmem:v10+s12+$0x0], $0xffff;
	(pc) =	sbr.rel @p0 .LBB2_3-.Ltmp0, $4  }
0x2c: {  	s22 =	sadd.s32 $0x1, s21;
	v12 =	vor.u32 v0, v19;
	v13 =	vld.idx.msk [tilespmem:v10+s13+$0x0], $0xffff;
	v15 =	vadd.f32 v16, v15;
	v16 =	vmul.f32 v14, v7  }
0x2d: {  	v23 =	vmov s22;
	v19 =	vand.u32 $0x3C, v17;
	v17 =	vbroadcast v20, $0x0;
	v7 =	vld.idx.msk [tilespmem:v22+s12+$0x0], $0xffff  }
0x2e: {  	s22 =	sadd.s32 $0x2, s21;
	v10 =	vor.u32 v0, v18;
	v20 =	vmul.f32 v21, v11;
	v14 =	vld.idx.msk [tilespmem:v22+s13+$0x0], $0xffff;
	v15 =	vadd.f32 v16, v15  }
0x2f: {  	s21 =	sadd.s32 $0x4, s21;
	v18 =	vmov s22;
	v16 =	vbroadcast v19, $0x0;
	v19 =	vand.u32 $0x3D, v23;
	v11 =	vld.idx.msk [tilespmem:v8+s12+$0x0], $0xffff  }
0x30: {  	_ =	sdelay $0x2  }
0x31: {  	v15 =	vadd.f32 v20, v15;
	v5 =	vmul.f32 v9, v5  }
0x32: {  	v8 =	vld.idx.msk [tilespmem:v8+s13+$0x0], $0xffff;
	v9 =	vor.u32 v0, v17  }
0x33: {  	v17 =	vld.idx.msk [tilespmem:v12+s12+$0x0], $0xffff;
	v6 =	vmul.f32 v13, v6;
	v5 =	vadd.f32 v5, v15  }
0x34: {  	v12 =	vld.idx.msk [tilespmem:v12+s13+$0x0], $0xffff;
	v13 =	vbroadcast v19, $0x0;
	v15 =	vor.u32 v0, v16  }
0x35: {  	s20 =	sadd.s32 $0x3, s20;
	v16 =	vand.u32 $0x3E, v18;
	v18 =	vld.idx.msk [tilespmem:v10+s12+$0x0], $0xffff;
	v5 =	vadd.f32 v6, v5;
	v6 =	vmul.f32 v14, v7  }
0x36: {  	v10 =	vld.idx.msk [tilespmem:v10+s13+$0x0], $0xffff;
	v13 =	vor.u32 v0, v13;
	v7 =	vmov s20;
	v14 =	vbroadcast v16, $0x0  }
0x37: {  	v7 =	vand.u32 $0x3F, v7;
	v16 =	vld.idx.msk [tilespmem:v9+s12+$0x0], $0xffff;
	v8 =	vmul.f32 v8, v11;
	v5 =	vadd.f32 v6, v5  }
0x38: {  	v9 =	vld.idx.msk [tilespmem:v9+s13+$0x0], $0xffff;
	v6 =	vbroadcast v7, $0x0;
	v7 =	vor.u32 v0, v14  }
0x39: {  	v11 =	vld.idx.msk [tilespmem:v15+s12+$0x0], $0xffff;
	v5 =	vadd.f32 v8, v5;
	v8 =	vmul.f32 v12, v17  }
0x3a: {  	v12 =	vld.idx.msk [tilespmem:v15+s13+$0x0], $0xffff;
	v6 =	vor.u32 v0, v6  }
0x3b: {  	v14 =	vld.idx.msk [tilespmem:v13+s12+$0x0], $0xffff;
	v5 =	vadd.f32 v8, v5;
	v8 =	vmul.f32 v10, v18  }
0x3c: {  	v10 =	vld.idx.msk [tilespmem:v13+s13+$0x0], $0xffff  }
0x3d: {  	v13 =	vld.idx.msk [tilespmem:v7+s12+$0x0], $0xffff;
	v5 =	vadd.f32 v8, v5;
	v8 =	vmul.f32 v9, v16  }
0x3e: {  	v7 =	vld.idx.msk [tilespmem:v7+s13+$0x0], $0xffff  }
0x3f: {  	v9 =	vld.idx.msk [tilespmem:v6+s12+$0x0], $0xffff;
	v11 =	vmul.f32 v12, v11;
	v5 =	vadd.f32 v8, v5  }
0x40: {  	v6 =	vld.idx.msk [tilespmem:v6+s13+$0x0], $0xffff  }
0x41: {  	v8 =	vmul.f32 v10, v14;
	v5 =	vadd.f32 v11, v5;
	_ =	sdelay $0x1  }
0x42: {  	s22 =	simm.s32 $0x0;
	v7 =	vmul.f32 v7, v13;
	v5 =	vadd.f32 v8, v5  }
0x43: {  	v8 =	vmov s22  }
0x44: {  	s23 =	simm.s32 $0x1;
	v6 =	vmul.f32 v6, v9;
	v5 =	vadd.f32 v7, v5;
	v7 =	vand.u32 $0x3C, v8  }
0x45: {  	v8 =	vmov s23;
	v7 =	vbroadcast v7, $0x0  }
0x46: {  	s24 =	simm.s32 $0x2;
	v5 =	vadd.f32 v6, v5;
	v6 =	vand.u32 $0x3D, v8  }
0x47: {  	s25 =	simm.s32 $0x3;
	v8 =	vmov s24;
	v6 =	vbroadcast v6, $0x0;
	v7 =	vor.u32 v1, v7  }
0x48: {  	v9 =	vmov s25;
	v8 =	vand.u32 $0x3E, v8  }
0x49: {  	v5 =	vmul.f32 $1.250000000e-01, v5;
	v8 =	vbroadcast v8, $0x0;
	v6 =	vor.u32 v1, v6  }
0x4a: {  	s26 =	simm.s32 $0x4;
	v9 =	vand.u32 $0x3F, v9  }
0x4b: {  	v9 =	vbroadcast v9, $0x0;
	[tilespmem:s19+$0x7620] =	vst v5;
	v5 =	vmov s26;
	v10 =	vor.u32 v1, v8  }
0x4c: {  	s28 =	simm.s32 $0x5;
	v5 =	vand.u32 $0x3C, v5;
	v11 =	vld.idx.msk [tilespmem:v7+s12+$0x0], $0xffff  }
0x4d: {  	v16 =	vor.u32 v1, v9;
	v8 =	vbroadcast v5, $0x0;
	v14 =	vld.idx.msk [tilespmem:v7+s13+$0x0], $0xffff;
	v7 =	vmov s28  }
0x4e: {  	s29 =	simm.s32 $0x6;
	v7 =	vand.u32 $0x3D, v7;
	v5 =	vld.idx.msk [tilespmem:v6+s12+$0x0], $0xffff  }
0x4f: {  	s21 =	simm.s32 $0x7;
	s20 =	simm.s32 $0x8;
	v12 =	vmov s29;
	v8 =	vor.u32 v1, v8;
	v9 =	vld.idx.msk [tilespmem:v6+s13+$0x0], $0xffff;
	v7 =	vbroadcast v7, $0x0  }
0x50: {  	v17 =	vmov s20;
	v12 =	vand.u32 $0x3E, v12;
	v13 =	vmov s21;
	v6 =	vld.idx.msk [tilespmem:v10+s12+$0x0], $0xffff  }
0x51: {  	s30 =	simm.s32 $0x9;
	v18 =	vbroadcast v12, $0x0;
	v19 =	vand.u32 $0x3F, v13;
	v13 =	vld.idx.msk [tilespmem:v10+s13+$0x0], $0xffff;
	v12 =	vor.u32 v1, v7  }
0x52: {  	v22 =	vmov s30;
	v15 =	vimm.f32 $0.0e+00;
	v21 =	vand.u32 $0x3C, v17;
	v7 =	vld.idx.msk [tilespmem:v16+s12+$0x0], $0xffff  }
0x53: {  	s31 =	simm.s32 $0xA;
	v17 =	vbroadcast v19, $0x0;
	v10 =	vor.u32 v1, v18;
	v20 =	vmul.f32 v14, v11;
	v14 =	vld.idx.msk [tilespmem:v16+s13+$0x0], $0xffff  }
0x54: {  	s21 =	simm.s32 $0xC;
	v19 =	vand.u32 $0x3D, v22;
	v18 =	vmov s31;
	v16 =	vbroadcast v21, $0x0;
	v11 =	vld.idx.msk [tilespmem:v8+s12+$0x0], $0xffff  }
.LBB2_5:
0x55: {  	p0 =	sne.s32 s21, $0x3C;
	s22 =	sadd.s32 $0x3, s20;
	v21 =	vld.idx.msk [tilespmem:v8+s13+$0x0], $0xffff;
	v22 =	vor.u32 v1, v17;
	v15 =	vadd.f32 v20, v15;
	v17 =	vmul.f32 v9, v5;
	s20 =	smov.u32 s21  }
0x56: {  	v19 =	vbroadcast v19, $0x0;
	v18 =	vand.u32 $0x3E, v18;
	v20 =	vmov s22;
	v5 =	vld.idx.msk [tilespmem:v12+s12+$0x0], $0xffff  }
0x57: {  	v8 =	vor.u32 v1, v16;
	v16 =	vmul.f32 v13, v6;
	v9 =	vld.idx.msk [tilespmem:v12+s13+$0x0], $0xffff;
	v15 =	vadd.f32 v17, v15  }
.Ltmp1:
0x58: {  	v18 =	vbroadcast v18, $0x0;
	v17 =	vmov s21;
	v20 =	vand.u32 $0x3F, v20;
	v6 =	vld.idx.msk [tilespmem:v10+s12+$0x0], $0xffff;
	(pc) =	sbr.rel @p0 .LBB2_5-.Ltmp1, $4  }
0x59: {  	s22 =	sadd.s32 $0x1, s21;
	v12 =	vor.u32 v1, v19;
	v13 =	vld.idx.msk [tilespmem:v10+s13+$0x0], $0xffff;
	v15 =	vadd.f32 v16, v15;
	v16 =	vmul.f32 v14, v7  }
0x5a: {  	v23 =	vmov s22;
	v19 =	vand.u32 $0x3C, v17;
	v17 =	vbroadcast v20, $0x0;
	v7 =	vld.idx.msk [tilespmem:v22+s12+$0x0], $0xffff  }
0x5b: {  	s22 =	sadd.s32 $0x2, s21;
	v10 =	vor.u32 v1, v18;
	v20 =	vmul.f32 v21, v11;
	v14 =	vld.idx.msk [tilespmem:v22+s13+$0x0], $0xffff;
	v15 =	vadd.f32 v16, v15  }
0x5c: {  	s21 =	sadd.s32 $0x4, s21;
	v18 =	vmov s22;
	v16 =	vbroadcast v19, $0x0;
	v19 =	vand.u32 $0x3D, v23;
	v11 =	vld.idx.msk [tilespmem:v8+s12+$0x0], $0xffff  }
0x5d: {  	_ =	sdelay $0x2  }
0x5e: {  	v15 =	vadd.f32 v20, v15;
	v5 =	vmul.f32 v9, v5  }
0x5f: {  	v8 =	vld.idx.msk [tilespmem:v8+s13+$0x0], $0xffff;
	v9 =	vor.u32 v1, v17  }
0x60: {  	v17 =	vld.idx.msk [tilespmem:v12+s12+$0x0], $0xffff;
	v6 =	vmul.f32 v13, v6;
	v5 =	vadd.f32 v5, v15  }
0x61: {  	v12 =	vld.idx.msk [tilespmem:v12+s13+$0x0], $0xffff;
	v13 =	vbroadcast v19, $0x0;
	v15 =	vor.u32 v1, v16  }
0x62: {  	s20 =	sadd.s32 $0x3, s20;
	v16 =	vand.u32 $0x3E, v18;
	v18 =	vld.idx.msk [tilespmem:v10+s12+$0x0], $0xffff;
	v5 =	vadd.f32 v6, v5;
	v6 =	vmul.f32 v14, v7  }
0x63: {  	v10 =	vld.idx.msk [tilespmem:v10+s13+$0x0], $0xffff;
	v13 =	vor.u32 v1, v13;
	v7 =	vmov s20;
	v14 =	vbroadcast v16, $0x0  }
0x64: {  	v7 =	vand.u32 $0x3F, v7;
	v16 =	vld.idx.msk [tilespmem:v9+s12+$0x0], $0xffff;
	v8 =	vmul.f32 v8, v11;
	v5 =	vadd.f32 v6, v5  }
0x65: {  	v9 =	vld.idx.msk [tilespmem:v9+s13+$0x0], $0xffff;
	v6 =	vbroadcast v7, $0x0;
	v7 =	vor.u32 v1, v14  }
0x66: {  	v11 =	vld.idx.msk [tilespmem:v15+s12+$0x0], $0xffff;
	v5 =	vadd.f32 v8, v5;
	v8 =	vmul.f32 v12, v17  }
0x67: {  	v12 =	vld.idx.msk [tilespmem:v15+s13+$0x0], $0xffff;
	v6 =	vor.u32 v1, v6  }
0x68: {  	v14 =	vld.idx.msk [tilespmem:v13+s12+$0x0], $0xffff;
	v5 =	vadd.f32 v8, v5;
	v8 =	vmul.f32 v10, v18  }
0x69: {  	v10 =	vld.idx.msk [tilespmem:v13+s13+$0x0], $0xffff  }
0x6a: {  	v13 =	vld.idx.msk [tilespmem:v7+s12+$0x0], $0xffff;
	v5 =	vadd.f32 v8, v5;
	v8 =	vmul.f32 v9, v16  }
0x6b: {  	v7 =	vld.idx.msk [tilespmem:v7+s13+$0x0], $0xffff  }
0x6c: {  	v9 =	vld.idx.msk [tilespmem:v6+s12+$0x0], $0xffff;
	v11 =	vmul.f32 v12, v11;
	v5 =	vadd.f32 v8, v5  }
0x6d: {  	v6 =	vld.idx.msk [tilespmem:v6+s13+$0x0], $0xffff  }
0x6e: {  	v8 =	vmul.f32 v10, v14;
	v5 =	vadd.f32 v11, v5;
	_ =	sdelay $0x1  }
0x6f: {  	s22 =	simm.s32 $0x0;
	v7 =	vmul.f32 v7, v13;
	v5 =	vadd.f32 v8, v5  }
0x70: {  	v8 =	vmov s22  }
0x71: {  	s23 =	simm.s32 $0x1;
	v6 =	vmul.f32 v6, v9;
	v5 =	vadd.f32 v7, v5;
	v7 =	vand.u32 $0x3C, v8  }
0x72: {  	v8 =	vmov s23;
	v7 =	vbroadcast v7, $0x0  }
0x73: {  	s24 =	simm.s32 $0x2;
	v5 =	vadd.f32 v6, v5;
	v6 =	vand.u32 $0x3D, v8  }
0x74: {  	s25 =	simm.s32 $0x3;
	v8 =	vmov s24;
	v6 =	vbroadcast v6, $0x0;
	v7 =	vor.u32 v2, v7  }
0x75: {  	v9 =	vmov s25;
	v8 =	vand.u32 $0x3E, v8  }
0x76: {  	v5 =	vmul.f32 $1.250000000e-01, v5;
	v8 =	vbroadcast v8, $0x0;
	v6 =	vor.u32 v2, v6  }
0x77: {  	s26 =	simm.s32 $0x4;
	v9 =	vand.u32 $0x3F, v9  }
0x78: {  	v9 =	vbroadcast v9, $0x0;
	[tilespmem:s19+$0x7630] =	vst v5;
	v5 =	vmov s26;
	v10 =	vor.u32 v2, v8  }
0x79: {  	s28 =	simm.s32 $0x5;
	v5 =	vand.u32 $0x3C, v5;
	v11 =	vld.idx.msk [tilespmem:v7+s12+$0x0], $0xffff  }
0x7a: {  	v16 =	vor.u32 v2, v9;
	v8 =	vbroadcast v5, $0x0;
	v14 =	vld.idx.msk [tilespmem:v7+s13+$0x0], $0xffff;
	v7 =	vmov s28  }
0x7b: {  	s29 =	simm.s32 $0x6;
	v7 =	vand.u32 $0x3D, v7;
	v5 =	vld.idx.msk [tilespmem:v6+s12+$0x0], $0xffff  }
0x7c: {  	s21 =	simm.s32 $0x7;
	s20 =	simm.s32 $0x8;
	v12 =	vmov s29;
	v8 =	vor.u32 v2, v8;
	v9 =	vld.idx.msk [tilespmem:v6+s13+$0x0], $0xffff;
	v7 =	vbroadcast v7, $0x0  }
0x7d: {  	v17 =	vmov s20;
	v12 =	vand.u32 $0x3E, v12;
	v13 =	vmov s21;
	v6 =	vld.idx.msk [tilespmem:v10+s12+$0x0], $0xffff  }
0x7e: {  	s30 =	simm.s32 $0x9;
	v18 =	vbroadcast v12, $0x0;
	v19 =	vand.u32 $0x3F, v13;
	v13 =	vld.idx.msk [tilespmem:v10+s13+$0x0], $0xffff;
	v12 =	vor.u32 v2, v7  }
0x7f: {  	v22 =	vmov s30;
	v15 =	vimm.f32 $0.0e+00;
	v21 =	vand.u32 $0x3C, v17;
	v7 =	vld.idx.msk [tilespmem:v16+s12+$0x0], $0xffff  }
0x80: {  	s31 =	simm.s32 $0xA;
	v17 =	vbroadcast v19, $0x0;
	v10 =	vor.u32 v2, v18;
	v20 =	vmul.f32 v14, v11;
	v14 =	vld.idx.msk [tilespmem:v16+s13+$0x0], $0xffff  }
0x81: {  	s21 =	simm.s32 $0xC;
	v19 =	vand.u32 $0x3D, v22;
	v18 =	vmov s31;
	v16 =	vbroadcast v21, $0x0;
	v11 =	vld.idx.msk [tilespmem:v8+s12+$0x0], $0xffff  }
.LBB2_7:
0x82: {  	p0 =	sne.s32 s21, $0x3C;
	s22 =	sadd.s32 $0x3, s20;
	v21 =	vld.idx.msk [tilespmem:v8+s13+$0x0], $0xffff;
	v22 =	vor.u32 v2, v17;
	v15 =	vadd.f32 v20, v15;
	v17 =	vmul.f32 v9, v5;
	s20 =	smov.u32 s21  }
0x83: {  	v19 =	vbroadcast v19, $0x0;
	v18 =	vand.u32 $0x3E, v18;
	v20 =	vmov s22;
	v5 =	vld.idx.msk [tilespmem:v12+s12+$0x0], $0xffff  }
0x84: {  	v8 =	vor.u32 v2, v16;
	v16 =	vmul.f32 v13, v6;
	v9 =	vld.idx.msk [tilespmem:v12+s13+$0x0], $0xffff;
	v15 =	vadd.f32 v17, v15  }
.Ltmp2:
0x85: {  	v18 =	vbroadcast v18, $0x0;
	v17 =	vmov s21;
	v20 =	vand.u32 $0x3F, v20;
	v6 =	vld.idx.msk [tilespmem:v10+s12+$0x0], $0xffff;
	(pc) =	sbr.rel @p0 .LBB2_7-.Ltmp2, $4  }
0x86: {  	s22 =	sadd.s32 $0x1, s21;
	v12 =	vor.u32 v2, v19;
	v13 =	vld.idx.msk [tilespmem:v10+s13+$0x0], $0xffff;
	v15 =	vadd.f32 v16, v15;
	v16 =	vmul.f32 v14, v7  }
0x87: {  	v23 =	vmov s22;
	v19 =	vand.u32 $0x3C, v17;
	v17 =	vbroadcast v20, $0x0;
	v7 =	vld.idx.msk [tilespmem:v22+s12+$0x0], $0xffff  }
0x88: {  	s22 =	sadd.s32 $0x2, s21;
	v10 =	vor.u32 v2, v18;
	v20 =	vmul.f32 v21, v11;
	v14 =	vld.idx.msk [tilespmem:v22+s13+$0x0], $0xffff;
	v15 =	vadd.f32 v16, v15  }
0x89: {  	s21 =	sadd.s32 $0x4, s21;
	v18 =	vmov s22;
	v16 =	vbroadcast v19, $0x0;
	v19 =	vand.u32 $0x3D, v23;
	v11 =	vld.idx.msk [tilespmem:v8+s12+$0x0], $0xffff  }
0x8a: {  	_ =	sdelay $0x2  }
0x8b: {  	v15 =	vadd.f32 v20, v15;
	v5 =	vmul.f32 v9, v5  }
0x8c: {  	v8 =	vld.idx.msk [tilespmem:v8+s13+$0x0], $0xffff;
	v9 =	vor.u32 v2, v17  }
0x8d: {  	v17 =	vld.idx.msk [tilespmem:v12+s12+$0x0], $0xffff;
	v6 =	vmul.f32 v13, v6;
	v5 =	vadd.f32 v5, v15  }
0x8e: {  	v12 =	vld.idx.msk [tilespmem:v12+s13+$0x0], $0xffff;
	v13 =	vbroadcast v19, $0x0;
	v15 =	vor.u32 v2, v16  }
0x8f: {  	s20 =	sadd.s32 $0x3, s20;
	v16 =	vand.u32 $0x3E, v18;
	v18 =	vld.idx.msk [tilespmem:v10+s12+$0x0], $0xffff;
	v5 =	vadd.f32 v6, v5;
	v6 =	vmul.f32 v14, v7  }
0x90: {  	v10 =	vld.idx.msk [tilespmem:v10+s13+$0x0], $0xffff;
	v13 =	vor.u32 v2, v13;
	v7 =	vmov s20;
	v14 =	vbroadcast v16, $0x0  }
0x91: {  	v7 =	vand.u32 $0x3F, v7;
	v16 =	vld.idx.msk [tilespmem:v9+s12+$0x0], $0xffff;
	v8 =	vmul.f32 v8, v11;
	v5 =	vadd.f32 v6, v5  }
0x92: {  	v9 =	vld.idx.msk [tilespmem:v9+s13+$0x0], $0xffff;
	v6 =	vbroadcast v7, $0x0;
	v7 =	vor.u32 v2, v14  }
0x93: {  	v11 =	vld.idx.msk [tilespmem:v15+s12+$0x0], $0xffff;
	v5 =	vadd.f32 v8, v5;
	v8 =	vmul.f32 v12, v17  }
0x94: {  	v12 =	vld.idx.msk [tilespmem:v15+s13+$0x0], $0xffff;
	v6 =	vor.u32 v2, v6  }
0x95: {  	v14 =	vld.idx.msk [tilespmem:v13+s12+$0x0], $0xffff;
	v5 =	vadd.f32 v8, v5;
	v8 =	vmul.f32 v10, v18  }
0x96: {  	v10 =	vld.idx.msk [tilespmem:v13+s13+$0x0], $0xffff  }
0x97: {  	v13 =	vld.idx.msk [tilespmem:v7+s12+$0x0], $0xffff;
	v5 =	vadd.f32 v8, v5;
	v8 =	vmul.f32 v9, v16  }
0x98: {  	v7 =	vld.idx.msk [tilespmem:v7+s13+$0x0], $0xffff  }
0x99: {  	v9 =	vld.idx.msk [tilespmem:v6+s12+$0x0], $0xffff;
	v11 =	vmul.f32 v12, v11;
	v5 =	vadd.f32 v8, v5  }
0x9a: {  	v6 =	vld.idx.msk [tilespmem:v6+s13+$0x0], $0xffff  }
0x9b: {  	v8 =	vmul.f32 v10, v14;
	v5 =	vadd.f32 v11, v5;
	_ =	sdelay $0x1  }
0x9c: {  	s22 =	simm.s32 $0x0;
	v7 =	vmul.f32 v7, v13;
	v5 =	vadd.f32 v8, v5  }
0x9d: {  	v8 =	vmov s22  }
0x9e: {  	s23 =	simm.s32 $0x1;
	v6 =	vmul.f32 v6, v9;
	v5 =	vadd.f32 v7, v5;
	v7 =	vand.u32 $0x3C, v8  }
0x9f: {  	v8 =	vmov s23;
	v7 =	vbroadcast v7, $0x0  }
0xa0: {  	s24 =	simm.s32 $0x2;
	v5 =	vadd.f32 v6, v5;
	v6 =	vand.u32 $0x3D, v8  }
0xa1: {  	s25 =	simm.s32 $0x3;
	v8 =	vmov s24;
	v6 =	vbroadcast v6, $0x0;
	v7 =	vor.u32 v3, v7  }
0xa2: {  	v9 =	vmov s25;
	v8 =	vand.u32 $0x3E, v8  }
0xa3: {  	v5 =	vmul.f32 $1.250000000e-01, v5;
	v8 =	vbroadcast v8, $0x0;
	v6 =	vor.u32 v3, v6  }
0xa4: {  	s26 =	simm.s32 $0x4;
	v9 =	vand.u32 $0x3F, v9  }
0xa5: {  	v9 =	vbroadcast v9, $0x0;
	[tilespmem:s19+$0x7640] =	vst v5;
	v5 =	vmov s26;
	v10 =	vor.u32 v3, v8  }
0xa6: {  	s28 =	simm.s32 $0x5;
	v5 =	vand.u32 $0x3C, v5;
	v11 =	vld.idx.msk [tilespmem:v7+s12+$0x0], $0xffff  }
0xa7: {  	v16 =	vor.u32 v3, v9;
	v8 =	vbroadcast v5, $0x0;
	v14 =	vld.idx.msk [tilespmem:v7+s13+$0x0], $0xffff;
	v7 =	vmov s28  }
0xa8: {  	s29 =	simm.s32 $0x6;
	v7 =	vand.u32 $0x3D, v7;
	v5 =	vld.idx.msk [tilespmem:v6+s12+$0x0], $0xffff  }
0xa9: {  	s21 =	simm.s32 $0x7;
	s20 =	simm.s32 $0x8;
	v12 =	vmov s29;
	v8 =	vor.u32 v3, v8;
	v9 =	vld.idx.msk [tilespmem:v6+s13+$0x0], $0xffff;
	v7 =	vbroadcast v7, $0x0  }
0xaa: {  	v17 =	vmov s20;
	v12 =	vand.u32 $0x3E, v12;
	v13 =	vmov s21;
	v6 =	vld.idx.msk [tilespmem:v10+s12+$0x0], $0xffff  }
0xab: {  	s30 =	simm.s32 $0x9;
	v18 =	vbroadcast v12, $0x0;
	v19 =	vand.u32 $0x3F, v13;
	v13 =	vld.idx.msk [tilespmem:v10+s13+$0x0], $0xffff;
	v12 =	vor.u32 v3, v7  }
0xac: {  	v22 =	vmov s30;
	v15 =	vimm.f32 $0.0e+00;
	v21 =	vand.u32 $0x3C, v17;
	v7 =	vld.idx.msk [tilespmem:v16+s12+$0x0], $0xffff  }
0xad: {  	s31 =	simm.s32 $0xA;
	v17 =	vbroadcast v19, $0x0;
	v10 =	vor.u32 v3, v18;
	v20 =	vmul.f32 v14, v11;
	v14 =	vld.idx.msk [tilespmem:v16+s13+$0x0], $0xffff  }
0xae: {  	s21 =	simm.s32 $0xC;
	v19 =	vand.u32 $0x3D, v22;
	v18 =	vmov s31;
	v16 =	vbroadcast v21, $0x0;
	v11 =	vld.idx.msk [tilespmem:v8+s12+$0x0], $0xffff  }
.LBB2_9:
0xaf: {  	p0 =	sne.s32 s21, $0x3C;
	s22 =	sadd.s32 $0x3, s20;
	v21 =	vld.idx.msk [tilespmem:v8+s13+$0x0], $0xffff;
	v22 =	vor.u32 v3, v17;
	v15 =	vadd.f32 v20, v15;
	v17 =	vmul.f32 v9, v5;
	s20 =	smov.u32 s21  }
0xb0: {  	v19 =	vbroadcast v19, $0x0;
	v18 =	vand.u32 $0x3E, v18;
	v20 =	vmov s22;
	v5 =	vld.idx.msk [tilespmem:v12+s12+$0x0], $0xffff  }
0xb1: {  	v8 =	vor.u32 v3, v16;
	v16 =	vmul.f32 v13, v6;
	v9 =	vld.idx.msk [tilespmem:v12+s13+$0x0], $0xffff;
	v15 =	vadd.f32 v17, v15  }
.Ltmp3:
0xb2: {  	v18 =	vbroadcast v18, $0x0;
	v17 =	vmov s21;
	v20 =	vand.u32 $0x3F, v20;
	v6 =	vld.idx.msk [tilespmem:v10+s12+$0x0], $0xffff;
	(pc) =	sbr.rel @p0 .LBB2_9-.Ltmp3, $4  }
0xb3: {  	s22 =	sadd.s32 $0x1, s21;
	v12 =	vor.u32 v3, v19;
	v13 =	vld.idx.msk [tilespmem:v10+s13+$0x0], $0xffff;
	v15 =	vadd.f32 v16, v15;
	v16 =	vmul.f32 v14, v7  }
0xb4: {  	v23 =	vmov s22;
	v19 =	vand.u32 $0x3C, v17;
	v17 =	vbroadcast v20, $0x0;
	v7 =	vld.idx.msk [tilespmem:v22+s12+$0x0], $0xffff  }
0xb5: {  	s22 =	sadd.s32 $0x2, s21;
	v10 =	vor.u32 v3, v18;
	v20 =	vmul.f32 v21, v11;
	v14 =	vld.idx.msk [tilespmem:v22+s13+$0x0], $0xffff;
	v15 =	vadd.f32 v16, v15  }
0xb6: {  	s21 =	sadd.s32 $0x4, s21;
	v18 =	vmov s22;
	v16 =	vbroadcast v19, $0x0;
	v19 =	vand.u32 $0x3D, v23;
	v11 =	vld.idx.msk [tilespmem:v8+s12+$0x0], $0xffff  }
0xb7: {  	_ =	sdelay $0x2  }
0xb8: {  	v15 =	vadd.f32 v20, v15;
	v5 =	vmul.f32 v9, v5  }
0xb9: {  	v8 =	vld.idx.msk [tilespmem:v8+s13+$0x0], $0xffff;
	v9 =	vor.u32 v3, v17  }
0xba: {  	v17 =	vld.idx.msk [tilespmem:v12+s12+$0x0], $0xffff;
	v6 =	vmul.f32 v13, v6;
	v5 =	vadd.f32 v5, v15  }
0xbb: {  	v12 =	vld.idx.msk [tilespmem:v12+s13+$0x0], $0xffff;
	v13 =	vbroadcast v19, $0x0;
	v15 =	vor.u32 v3, v16  }
0xbc: {  	s20 =	sadd.s32 $0x3, s20;
	v16 =	vand.u32 $0x3E, v18;
	v18 =	vld.idx.msk [tilespmem:v10+s12+$0x0], $0xffff;
	v5 =	vadd.f32 v6, v5;
	v6 =	vmul.f32 v14, v7  }
0xbd: {  	v10 =	vld.idx.msk [tilespmem:v10+s13+$0x0], $0xffff;
	v13 =	vor.u32 v3, v13;
	v7 =	vmov s20;
	v14 =	vbroadcast v16, $0x0  }
0xbe: {  	v7 =	vand.u32 $0x3F, v7;
	v16 =	vld.idx.msk [tilespmem:v9+s12+$0x0], $0xffff;
	v8 =	vmul.f32 v8, v11;
	v5 =	vadd.f32 v6, v5  }
0xbf: {  	v9 =	vld.idx.msk [tilespmem:v9+s13+$0x0], $0xffff;
	v6 =	vbroadcast v7, $0x0;
	v7 =	vor.u32 v3, v14  }
0xc0: {  	v11 =	vld.idx.msk [tilespmem:v15+s12+$0x0], $0xffff;
	v5 =	vadd.f32 v8, v5;
	v8 =	vmul.f32 v12, v17  }
0xc1: {  	v12 =	vld.idx.msk [tilespmem:v15+s13+$0x0], $0xffff;
	v6 =	vor.u32 v3, v6  }
0xc2: {  	v14 =	vld.idx.msk [tilespmem:v13+s12+$0x0], $0xffff;
	v5 =	vadd.f32 v8, v5;
	v8 =	vmul.f32 v10, v18  }
0xc3: {  	v10 =	vld.idx.msk [tilespmem:v13+s13+$0x0], $0xffff  }
0xc4: {  	v13 =	vld.idx.msk [tilespmem:v7+s12+$0x0], $0xffff;
	v5 =	vadd.f32 v8, v5;
	v8 =	vmul.f32 v9, v16  }
0xc5: {  	v7 =	vld.idx.msk [tilespmem:v7+s13+$0x0], $0xffff  }
0xc6: {  	v9 =	vld.idx.msk [tilespmem:v6+s12+$0x0], $0xffff;
	v11 =	vmul.f32 v12, v11;
	v5 =	vadd.f32 v8, v5  }
0xc7: {  	v6 =	vld.idx.msk [tilespmem:v6+s13+$0x0], $0xffff  }
0xc8: {  	v8 =	vmul.f32 v10, v14;
	v5 =	vadd.f32 v11, v5;
	_ =	sdelay $0x1  }
0xc9: {  	s22 =	simm.s32 $0x0;
	v7 =	vmul.f32 v7, v13;
	v5 =	vadd.f32 v8, v5  }
0xca: {  	v8 =	vmov s22  }
0xcb: {  	s23 =	simm.s32 $0x1;
	v6 =	vmul.f32 v6, v9;
	v5 =	vadd.f32 v7, v5;
	v7 =	vand.u32 $0x3C, v8  }
0xcc: {  	v8 =	vmov s23;
	v7 =	vbroadcast v7, $0x0  }
0xcd: {  	s24 =	simm.s32 $0x2;
	v5 =	vadd.f32 v6, v5;
	v6 =	vand.u32 $0x3D, v8  }
0xce: {  	s25 =	simm.s32 $0x3;
	v8 =	vmov s24;
	v6 =	vbroadcast v6, $0x0;
	v7 =	vor.u32 v4, v7  }
0xcf: {  	v9 =	vmov s25;
	v8 =	vand.u32 $0x3E, v8  }
0xd0: {  	v5 =	vmul.f32 $1.250000000e-01, v5;
	v8 =	vbroadcast v8, $0x0;
	v6 =	vor.u32 v4, v6  }
0xd1: {  	s26 =	simm.s32 $0x4;
	v9 =	vand.u32 $0x3F, v9  }
0xd2: {  	v9 =	vbroadcast v9, $0x0;
	[tilespmem:s19+$0x7650] =	vst v5;
	v5 =	vmov s26;
	v10 =	vor.u32 v4, v8  }
0xd3: {  	s28 =	simm.s32 $0x5;
	v5 =	vand.u32 $0x3C, v5;
	v11 =	vld.idx.msk [tilespmem:v7+s12+$0x0], $0xffff  }
0xd4: {  	v16 =	vor.u32 v4, v9;
	v8 =	vbroadcast v5, $0x0;
	v14 =	vld.idx.msk [tilespmem:v7+s13+$0x0], $0xffff;
	v7 =	vmov s28  }
0xd5: {  	s29 =	simm.s32 $0x6;
	v7 =	vand.u32 $0x3D, v7;
	v5 =	vld.idx.msk [tilespmem:v6+s12+$0x0], $0xffff  }
0xd6: {  	s21 =	simm.s32 $0x7;
	s20 =	simm.s32 $0x8;
	v12 =	vmov s29;
	v8 =	vor.u32 v4, v8;
	v9 =	vld.idx.msk [tilespmem:v6+s13+$0x0], $0xffff;
	v7 =	vbroadcast v7, $0x0  }
0xd7: {  	v17 =	vmov s20;
	v12 =	vand.u32 $0x3E, v12;
	v13 =	vmov s21;
	v6 =	vld.idx.msk [tilespmem:v10+s12+$0x0], $0xffff  }
0xd8: {  	s30 =	simm.s32 $0x9;
	v18 =	vbroadcast v12, $0x0;
	v19 =	vand.u32 $0x3F, v13;
	v13 =	vld.idx.msk [tilespmem:v10+s13+$0x0], $0xffff;
	v12 =	vor.u32 v4, v7  }
0xd9: {  	v22 =	vmov s30;
	v15 =	vimm.f32 $0.0e+00;
	v21 =	vand.u32 $0x3C, v17;
	v7 =	vld.idx.msk [tilespmem:v16+s12+$0x0], $0xffff  }
0xda: {  	s31 =	simm.s32 $0xA;
	v17 =	vbroadcast v19, $0x0;
	v10 =	vor.u32 v4, v18;
	v20 =	vmul.f32 v14, v11;
	v14 =	vld.idx.msk [tilespmem:v16+s13+$0x0], $0xffff  }
0xdb: {  	s21 =	simm.s32 $0xC;
	v19 =	vand.u32 $0x3D, v22;
	v18 =	vmov s31;
	v16 =	vbroadcast v21, $0x0;
	v11 =	vld.idx.msk [tilespmem:v8+s12+$0x0], $0xffff  }
.LBB2_11:
0xdc: {  	p0 =	sne.s32 s21, $0x3C;
	s22 =	sadd.s32 $0x3, s20;
	v21 =	vld.idx.msk [tilespmem:v8+s13+$0x0], $0xffff;
	v22 =	vor.u32 v4, v17;
	v15 =	vadd.f32 v20, v15;
	v17 =	vmul.f32 v9, v5;
	s20 =	smov.u32 s21  }
0xdd: {  	v19 =	vbroadcast v19, $0x0;
	v18 =	vand.u32 $0x3E, v18;
	v20 =	vmov s22;
	v5 =	vld.idx.msk [tilespmem:v12+s12+$0x0], $0xffff  }
0xde: {  	v8 =	vor.u32 v4, v16;
	v16 =	vmul.f32 v13, v6;
	v9 =	vld.idx.msk [tilespmem:v12+s13+$0x0], $0xffff;
	v15 =	vadd.f32 v17, v15  }
.Ltmp4:
0xdf: {  	v18 =	vbroadcast v18, $0x0;
	v17 =	vmov s21;
	v20 =	vand.u32 $0x3F, v20;
	v6 =	vld.idx.msk [tilespmem:v10+s12+$0x0], $0xffff;
	(pc) =	sbr.rel @p0 .LBB2_11-.Ltmp4, $4  }
0xe0: {  	s22 =	sadd.s32 $0x1, s21;
	v12 =	vor.u32 v4, v19;
	v13 =	vld.idx.msk [tilespmem:v10+s13+$0x0], $0xffff;
	v15 =	vadd.f32 v16, v15;
	v16 =	vmul.f32 v14, v7  }
0xe1: {  	v23 =	vmov s22;
	v19 =	vand.u32 $0x3C, v17;
	v17 =	vbroadcast v20, $0x0;
	v7 =	vld.idx.msk [tilespmem:v22+s12+$0x0], $0xffff  }
0xe2: {  	s22 =	sadd.s32 $0x2, s21;
	v10 =	vor.u32 v4, v18;
	v20 =	vmul.f32 v21, v11;
	v14 =	vld.idx.msk [tilespmem:v22+s13+$0x0], $0xffff;
	v15 =	vadd.f32 v16, v15  }
0xe3: {  	s21 =	sadd.s32 $0x4, s21;
	v18 =	vmov s22;
	v16 =	vbroadcast v19, $0x0;
	v19 =	vand.u32 $0x3D, v23;
	v11 =	vld.idx.msk [tilespmem:v8+s12+$0x0], $0xffff  }
0xe4: {  	_ =	sdelay $0x2  }
0xe5: {  	v15 =	vadd.f32 v20, v15;
	v5 =	vmul.f32 v9, v5  }
0xe6: {  	v8 =	vld.idx.msk [tilespmem:v8+s13+$0x0], $0xffff;
	v44 =	vor.u32 v4, v17  }
0xe7: {  	v45 =	vld.idx.msk [tilespmem:v12+s12+$0x0], $0xffff;
	v6 =	vmul.f32 v13, v6;
	v5 =	vadd.f32 v5, v15  }
0xe8: {  	v46 =	vbroadcast v19, $0x0;
	v48 =	vld.idx.msk [tilespmem:v12+s13+$0x0], $0xffff;
	v47 =	vor.u32 v4, v16  }
0xe9: {  	s20 =	sadd.s32 $0x3, s20;
	v49 =	vand.u32 $0x3E, v18;
	v50 =	vld.idx.msk [tilespmem:v10+s12+$0x0], $0xffff;
	v5 =	vadd.f32 v6, v5;
	v6 =	vmul.f32 v14, v7  }
0xea: {  	v52 =	vld.idx.msk [tilespmem:v10+s13+$0x0], $0xffff;
	v51 =	vbroadcast v49, $0x0;
	v13 =	vor.u32 v4, v46;
	v7 =	vmov s20  }
0xeb: {  	v7 =	vand.u32 $0x3F, v7;
	v53 =	vld.idx.msk [tilespmem:v44+s12+$0x0], $0xffff;
	v8 =	vmul.f32 v8, v11;
	v5 =	vadd.f32 v6, v5  }
0xec: {  	v9 =	vld.idx.msk [tilespmem:v44+s13+$0x0], $0xffff;
	v6 =	vbroadcast v7, $0x0;
	v7 =	vor.u32 v4, v51  }
0xed: {  	v55 =	vmul.f32 v48, v45;
	v54 =	vld.idx.msk [tilespmem:v47+s12+$0x0], $0xffff;
	v5 =	vadd.f32 v8, v5  }
0xee: {  	v56 =	vld.idx.msk [tilespmem:v47+s13+$0x0], $0xffff;
	v6 =	vor.u32 v4, v6  }
0xef: {  	v58 =	vmul.f32 v52, v50;
	v57 =	vld.idx.msk [tilespmem:v13+s12+$0x0], $0xffff;
	v5 =	vadd.f32 v55, v5  }
0xf0: {  	v59 =	vld.idx.msk [tilespmem:v13+s13+$0x0], $0xffff  }
0xf1: {  	v61 =	vmul.f32 v9, v53;
	v60 =	vld.idx.msk [tilespmem:v7+s12+$0x0], $0xffff;
	v5 =	vadd.f32 v58, v5  }
0xf2: {  	v7 =	vld.idx.msk [tilespmem:v7+s13+$0x0], $0xffff  }
0xf3: {  	v11 =	vmul.f32 v56, v54;
	v62 =	vld.idx.msk [tilespmem:v6+s12+$0x0], $0xffff;
	v5 =	vadd.f32 v61, v5  }
0xf4: {  	v6 =	vld.idx.msk [tilespmem:v6+s13+$0x0], $0xffff  }
0xf5: {  	v63 =	vmul.f32 v59, v57;
	v5 =	vadd.f32 v11, v5;
	_ =	sdelay $0x1  }
0xf6: {  	v7 =	vmul.f32 v7, v60;
	v5 =	vadd.f32 v63, v5;
	_ =	sdelay $0x1  }
0xf7: {  	s18 =	sadd.s32 $0x1, s18;
	v6 =	vmul.f32 v6, v62;
	v5 =	vadd.f32 v7, v5  }
0xf8: {  	p0 =	sne.s32 s18, $0x7D  }
.Ltmp5:
0xf9: {  	v5 =	vadd.f32 v6, v5;
	(pc) =	sbr.rel @p0 .LBB2_2-.Ltmp5, $3  }
0xfa: {  	_ = 	snop  }
0xfb: {  	v5 =	vmul.f32 $1.250000000e-01, v5;
	_ =	sdelay $0x1  }
0xfc: {  	[tilespmem:s19+$0x7660] =	vst v5  }
0xfd: {  	s17 =	sadd.s32 $0x1, s17  }
0xfe: {  	p0 =	sne.s32 s17, s8  }
.Ltmp6:
0xff: {  	_ = 	snop;
	(pc) =	sbr.rel @p0 .LBB2_1-.Ltmp6, $4  }
0x100: {  	[hbm4b:s7+s3] =	stream.linear.scatter [tilespmem:s16], [sflag:$0x3], $0x2710, $0x38;
	[tilespmem:$0x9D30] =	vst v63  }
0x101: {  	_ =	swait.ge [sflag:s9], $0x2710  }
0x102: {  	[sflag:s9] =	ssyncset.done $0x0  }
0x103: {  	[sflag:s9] =	ssyncadd.s32 $0xFFFFD8F0  }
0x104: {  	_ =	sfence.sel $0x180000  }
0x105: {  	[bflag:$0x0] =	sbarrier.arrive $0xFFFF  }
0x106: {  	p0 =	sne.s32 s0, $0x0;
	_ =	strace $0x9000004D  }
0x107: {  	s0 =	sadd.s32 @!p0 $0x100000, s1;
	[bflag:$0x2] =	sbarrier.arrive $0xFFFF  }
0x108: {  	[sflag:s0] =	ssyncadd.tile.s32 @!p0 $0x1;
	_ =	shalt  }
.Lfunc_end2:
_tile_overlayer_lowered:
.L_overlay_start_2:
0x109: {  	(tag) =	ssettag $0x2  }
0x10a: {  	s0 =	rddreg [dreg:$0x0];
	s2 =	stileid.u32  }
0x10b: {  	s1 =	rddreg [dreg:$0x1];
	p0 =	sne.s32 s2, $0x0  }
0x10c: {  	s3 =	rddreg [dreg:$0x2];
	[bflag:$0x3] =	sbarrier.arrive $0xFFFF;
	s2 =	simm.s32 @!p0 $0x1C03  }
0x10d: {  	[timem:s3], [sflag:s2] =	dma.local @!p0 [hbm:s0], s1  }
0x10e: {  	s0 =	simm.s32 @!p0 $0x3  }
0x10f: {  	_ =	swait.ge @!p0 [sflag:s0], s1  }
0x110: {  	s1 =	ssub.s32 @!p0 $0x0, s1;
	[sflag:s0] =	ssyncset.done @!p0 $0x0  }
0x111: {  	[sflag:s0] =	ssyncadd.s32 @!p0 s1  }
0x112: {  	[bflag:$0x3] =	sbarrier.arrive $0xFFFF  }
0x113: {  	_ =	shalt  }

// kernel: kernel.21.cloned.1.call-start
scs
__scs_entry_jumppad:
0x0: {  	(pc) =	sbr.rel $0x88, $3  }
0x1: {  	(tag) =	ssettag $0x0;
	lr =	simm.s32 $0x1  }
0x2: {  	[smem:$0x3F93] =	sst lr;
	_ =	strace $0xD0000000  }
0x3: {  	_ = 	snop  }
0x4: {  	_ = 	snop  }
0x5: {  	_ = 	snop  }
0x6: {  	_ = 	snop  }
0x7: {  	_ = 	snop  }
__scs_overlays_trampoline_lowered:
0x8: {  	[smem:$0x3FA2] =	sst s0  }
0x9: {  	[smem:$0x3FA3] =	sst s1  }
0xa: {  	[smem:$0x3FA4] =	sst s2  }
0xb: {  	[smem:$0x3FA5] =	sst s3  }
0xc: {  	[smem:$0x3FA6] =	sst s4  }
0xd: {  	[smem:$0x3FA7] =	sst s5  }
0xe: {  	[smem:$0x3FA8] =	sst s6  }
0xf: {  	[smem:$0x3FA9] =	sst s7  }
0x10: {  	[smem:$0x3FAA] =	sst s8  }
0x11: {  	[smem:$0x3FAB] =	sst s9;
	s0 =	simm.s32 @!p0 $0x0  }
0x12: {  	s1 =	sld [smem:$0x3F91];
	s0 =	simm.s32 @p0 $0x1  }
0x13: {  	[smem:$0x3FAC] =	sst s0;
	s0 =	simm.s32 @!p1 $0x0  }
0x14: {  	s2 =	sld [smem:$0x3F90];
	s0 =	simm.s32 @p1 $0x1  }
0x15: {  	[smem:$0x3FAD] =	sst s0;
	s0 =	simm.s32 @!p2 $0x0  }
0x16: {  	s3 =	sld [smem:$0x3FDB];
	s0 =	simm.s32 @p2 $0x1  }
0x17: {  	s4 =	simm.s32 $0x1BF5;
	[smem:$0x3FAF] =	sst s0  }
0x18: {  	s0 =	sld [smem:$0x3F92];
	_ =	swait.ge [sflag:s4], $0x0  }
0x19: {  	s7 =	sld [smem:$0x3F93]  }
0x1a: {  	s8 =	sadd.s32 $0xFFFFE003, lr  }
0x1b: {  	s9 =	sadd.s32 $0xFFFFFEF7, lr;
	s5 =	simm.s32 $0xFFFFFFFF;
	p2 =	slt.u32 s8, $0xFFFFF086  }
0x1c: {  	p1 =	slt.u32 s9, $0xF7A;
	s5 =	simm.s32 @!p2 $0x0  }
0x1d: {  	s5 =	simm.s32 @p1 $0x1;
	p0 =	seq.s32 s7, s2  }
0x1e: {  	s7 =	smul.u32 @!p0 $0xF7A, s2;
	p2 =	seq.s32 @!p0 s5, $0x0  }
0x1f: {  	s9 =	smul.u32 $0xF7A, s1;
	s8 =	simm.s32 @!p0 $0x1BF5;
	p2 =	por !p2, p0  }
0x20: {  	[sflag:s8] =	ssyncset.s32 @!p0 $0xFFFFF086;
	s6 =	sadd.s32 @!p0 s3, s7;
	s7 =	simm.s32 @!p0 $0x108  }
0x21: {  	s3 =	sadd.s32 s3, s9;
	s6 =	sadd.s32 @!p0 $0x88, s6;
	s7 =	simm.s32 @p2 $0x1082  }
0x22: {  	[simem:s7], [sflag:s8] =	dma.local @!p0 [hbm:s6], $0xF7A  }
0x23: {  	s9 =	sor.u32 $0xD0000000, s2;
	s6 =	simm.s32 $0x108;
	_ =	swait.ge @!p0 [sflag:s8], $0x0  }
0x24: {  	s3 =	sadd.s32 $0x88, s3;
	s6 =	simm.s32 @!p1 $0x1082;
	[sflag:s4] =	ssyncset.s32 $0xFFFFF086  }
0x25: {  	[simem:s6], [sflag:s4] =	dma.local [hbm:s3], $0xF7A  }
0x26: {  	[smem:$0x3F93] =	sst s1;
	(tag) =	ssettag s2;
	_ =	strace s9  }
0x27: {  	s1 =	sld [smem:$0x3FA3]  }
0x28: {  	s2 =	sld [smem:$0x3FA4]  }
0x29: {  	s4 =	sld [smem:$0x3FA6]  }
0x2a: {  	p0 =	seq.s32 s5, $0x0;
	s5 =	sld [smem:$0x3FA7]  }
0x2b: {  	s6 =	sld [smem:$0x3FA8]  }
0x2c: {  	s7 =	sld [smem:$0x3FA9]  }
0x2d: {  	s3 =	simm.s32 $0x108;
	s8 =	sld [smem:$0x3FAA]  }
0x2e: {  	s3 =	simm.s32 @!p0 $0x1082;
	s9 =	sld [smem:$0x3FAB]  }
0x2f: {  	lr =	sadd.s32 s0, s3;
	s0 =	sld [smem:$0x3FA2]  }
0x30: {  	s3 =	sld [smem:$0x3FA5]  }
0x31: {  	[smem:$0x3FAE] =	sst s10  }
0x32: {  	s10 =	sld [smem:$0x3FAC];
	_ =	sdelay $0x3  }
0x33: {  	p0 =	seq.s32 s10, $0x1;
	s10 =	sld [smem:$0x3FAE];
	_ =	sdelay $0x3  }
0x34: {  	[smem:$0x3FAE] =	sst s10  }
0x35: {  	s10 =	sld [smem:$0x3FAD];
	_ =	sdelay $0x3  }
0x36: {  	p1 =	seq.s32 s10, $0x1;
	s10 =	sld [smem:$0x3FAE];
	_ =	sdelay $0x3  }
0x37: {  	[smem:$0x3FAE] =	sst s10  }
0x38: {  	s10 =	sld [smem:$0x3FAF]  }
0x39: {  	_ = 	snop;
	(pc) =	sbr.ind lr, $3  }
0x3a: {  	_ = 	snop  }
0x3b: {  	_ = 	snop  }
0x3c: {  	p2 =	seq.s32 s10, $0x1;
	s10 =	sld [smem:$0x3FAE]  }
0x3d: {  	_ =	shalt  }
0x3e: {  	_ =	shalt  }
0x3f: {  	_ =	shalt  }
0x40: {  	_ =	shalt  }
0x41: {  	_ =	shalt  }
0x42: {  	_ =	shalt  }
0x43: {  	_ =	shalt  }
0x44: {  	_ =	shalt  }
0x45: {  	_ =	shalt  }
0x46: {  	_ =	shalt  }
0x47: {  	_ =	shalt  }
0x48: {  	_ =	shalt  }
0x49: {  	_ =	shalt  }
0x4a: {  	_ =	shalt  }
0x4b: {  	_ =	shalt  }
0x4c: {  	_ =	shalt  }
0x4d: {  	_ =	shalt  }
0x4e: {  	_ =	shalt  }
0x4f: {  	_ =	shalt  }
0x50: {  	_ =	shalt  }
0x51: {  	_ =	shalt  }
0x52: {  	_ =	shalt  }
0x53: {  	_ =	shalt  }
0x54: {  	_ =	shalt  }
0x55: {  	_ =	shalt  }
0x56: {  	_ =	shalt  }
0x57: {  	_ =	shalt  }
0x58: {  	_ =	shalt  }
0x59: {  	_ =	shalt  }
0x5a: {  	_ =	shalt  }
0x5b: {  	_ =	shalt  }
0x5c: {  	_ =	shalt  }
0x5d: {  	_ =	shalt  }
0x5e: {  	_ =	shalt  }
0x5f: {  	_ =	shalt  }
0x60: {  	_ =	shalt  }
0x61: {  	_ =	shalt  }
0x62: {  	_ =	shalt  }
0x63: {  	_ =	shalt  }
0x64: {  	_ =	shalt  }
0x65: {  	_ =	shalt  }
0x66: {  	_ =	shalt  }
0x67: {  	_ =	shalt  }
0x68: {  	_ =	shalt  }
0x69: {  	_ =	shalt  }
0x6a: {  	_ =	shalt  }
0x6b: {  	_ =	shalt  }
0x6c: {  	_ =	shalt  }
0x6d: {  	_ =	shalt  }
0x6e: {  	_ =	shalt  }
0x6f: {  	_ =	shalt  }
0x70: {  	_ =	shalt  }
0x71: {  	_ =	shalt  }
0x72: {  	_ =	shalt  }
0x73: {  	_ =	shalt  }
0x74: {  	_ =	shalt  }
0x75: {  	_ =	shalt  }
0x76: {  	_ =	shalt  }
0x77: {  	_ =	shalt  }
0x78: {  	_ =	shalt  }
0x79: {  	_ =	shalt  }
0x7a: {  	_ =	shalt  }
0x7b: {  	_ =	shalt  }
0x7c: {  	_ =	shalt  }
0x7d: {  	_ =	shalt  }
0x7e: {  	_ =	shalt  }
0x7f: {  	_ =	shalt  }
0x80: {  	_ =	shalt  }
0x81: {  	_ =	shalt  }
0x82: {  	_ =	shalt  }
0x83: {  	_ =	shalt  }
0x84: {  	_ =	shalt  }
0x85: {  	_ =	shalt  }
0x86: {  	_ =	shalt  }
0x87: {  	_ =	shalt  }
.Lfunc_end0:
.L_simem_size_0:
called_computation.3_lowered:
.L_overlay_start_0:
0x88: {  	s2 =	sld [smem:$0x3FD9]  }
0x89: {  	s3 =	sld [smem:$0x3FFE];
	_ =	sdelay $0x1  }
0x8a: {  	s1 =	srdreg.scid  }
0x8b: {  	s0 =	sand.u32 $0x1, s1  }
0x8c: {  	s17 =	sshll.u32 s0, $0xA;
	s2 =	sadd.s32 s3, s2  }
0x8d: {  	s2 =	sadd.s32 s2, s17  }
0x8e: {  	[smem:$0x3FBA] =	sst s2  }
0x8f: {  	_ = 	snop  }
0x90: {  	s2 =	sld [smem:$0x3FD0];
	(tm) =	ssettm $0x1  }
0x91: {  	s18 =	sld [smem:$0x3FFB];
	_ =	sdelay $0x3  }
0x92: {  	_ =	strace s18  }
0x93: {  	s3 =	sld [smem:$0x3FFC];
	_ =	sdelay $0x3  }
0x94: {  	_ =	strace s3  }
0x95: {  	s3 =	sld [smem:$0x3FFD];
	_ =	sdelay $0x3  }
0x96: {  	_ =	strace s3  }
0x97: {  	_ =	strace $0x8FFFFFFF  }
0x98: {  	s19 =	sld [smem:$0x3FDB];
	_ =	sdelay $0x1  }
0x99: {  	s4 =	simm.s32 $_scs_section_size  }
0x9a: {  	s5 =	simm.s32 $_size__tile_overlayer_lowered;
	s6 =	simm.s32 $_tile_overlayer_lowered  }
0x9b: {  	s22 =	simm.s32 $0x1BFF;
	s21 =	sshll.u32 s6, $0x1;
	s3 =	sadd.s32 s4, s19  }
0x9c: {  	s7 =	simm.s32 $0x0;
	s20 =	sshll.u32 s5, $0x1;
	s5 =	sadd.s32 s21, s3  }
0x9d: {  	[timem:s7], [sflag:s22] =	dma.local [hbm:s5], s20  }
0x9e: {  	_ =	swait.ge [sflag:s22], s20  }
0x9f: {  	s4 =	ssub.s32 $0x0, s20;
	[sflag:s22] =	ssyncset.done $0x0  }
0xa0: {  	[sflag:s22] =	ssyncadd.s32 s4;
	_ =	sdelay $0x1  }
0xa1: {  	s23 =	simm.s32 $0x1B8B  }
0xa2: {  	_ =	swait.ge [sflag:s23], $0x1  }
0xa3: {  	[sflag:s23] =	ssyncset.done $0x0  }
0xa4: {  	s25 =	simm.s32 $0x1B8E;
	s24 =	sld [smem:$0x3FFE];
	[sflag:s23] =	ssyncadd.s32 $0xFFFFFFFF  }
0xa5: {  	s26 =	simm.s32 $execute0_lowered;
	[smem:$0x3FD2] =	sst s25  }
0xa6: {  	s5 =	sshll.u32 s26, $0x1;
	_ =	strace $0x8000004F;
	[dreg:$0x1] =	wrdreg $0xFFFFFFFF  }
0xa7: {  	s28 =	simm.s32 $_size_execute0_lowered;
	s3 =	sadd.s32 s3, s5;
	[dreg:$0x0] =	wrdreg $0x0  }
0xa8: {  	s5 =	sshll.u32 s28, $0x1;
	[dreg:$0x2] =	wrdreg s3  }
0xa9: {  	[dreg:$0x3] =	wrdreg s5  }
0xaa: {  	[dreg:$0x4] =	wrdreg $0xC0  }
0xab: {  	_ =	task [dreg:s7], $0x5FFFF  }
0xac: {  	[dreg:$0x1] =	wrdreg $0xFFFFFFFF  }
0xad: {  	[dreg:$0x0] =	wrdreg $0x60  }
0xae: {  	[dreg:$0x2] =	wrdreg s24  }
0xaf: {  	[dreg:$0x3] =	wrdreg s2  }
0xb0: {  	[dreg:$0x4] =	wrdreg $0xB0500  }
0xb1: {  	[dreg:$0x5] =	wrdreg $0x14C900  }
0xb2: {  	[dreg:$0x6] =	wrdreg $0x9  }
0xb3: {  	_ =	task.clear_ibuf [dreg:s7], $0x7FFFF;
	_ =	strace $0x9000004F  }
0xb4: {  	s29 =	simm.s32 $0x9;
	_ =	strace $0x80000051  }
0xb5: {  	_ =	swait.ge [sflag:s29], $0x1  }
0xb6: {  	[sflag:s29] =	ssyncadd.s32 $0xFFFFFFFF  }
0xb7: {  	_ =	strace $0x90000051  }
0xb8: {  	_ =	sfence  }
0xb9: {  	s30 =	sld [smem:$0x0];
	_ =	sdelay $0x2  }
0xba: {  	s31 =	sshll.u32 s1, $0xD;
	s1 =	sshrl.u32 s1, $0x2  }
0xbb: {  	s3 =	sand.u32 $0x4000, s31;
	s1 =	sadd.s32 s1, s30  }
0xbc: {  	s0 =	sor.u32 s3, s0;
	s1 =	sshll.u32 s1, $0x11  }
0xbd: {  	s0 =	sor.u32 s1, s0  }
0xbe: {  	s0 =	sadd.s32 $0x8F2B, s0  }
0xbf: {  	[sflag:s0] =	ssyncadd.remote.s32 $0x1  }
0xc0: {  	_ =	sfence.sel $0xFFFF  }
0xc1: {  	[dreg:$0x0] =	wrdreg $0xFFFFFFFF;
	(pc) =	sbr.abs _section_cstart, $3  }
0xc2: {  	[dreg:$0x1] =	wrdreg $0xFFFFFFFF  }
0xc3: {  	_ =	task.clear_ibuf [dreg:s7], $0x2FFFF;
	_ =	strace $0x9FFFFFFF  }
0xc4: {  	(tm) =	ssettm $0x7FFFFFFF  }
0xc5: {  	_ =	shalt  }
tec
execute0_lowered:
.L_overlay_start_1:
0x0: {  	(tag) =	ssettag $0x1  }
0x1: {  	s1 =	rddreg [dreg:$0x0]  }
0x2: {  	s6 =	rddreg [dreg:$0x1]  }
0x3: {  	s2 =	rddreg [dreg:$0x2];
	s4 =	srdreg.scid  }
0x4: {  	s0 =	stileid.u32;
	s3 =	rddreg [dreg:$0x3];
	s19 =	simm.s32 $0x2  }
0x5: {  	s26 =	simm.s32 $0x50;
	s28 =	simm.s32 $0x9C40;
	s29 =	simm.s32 $0x1  }
0x6: {  	s30 =	simm.s32 $0x0;
	s12 =	sand.u32 $0x1, s4;
	s5 =	sshll.u32 s0, $0x1  }
0x7: {  	s4 =	simm.s32 $0x0;
	s13 =	smul.u32 $0x9C00, s0;
	s31 =	sadd.s32 $0x3FE00, s1  }
0x8: {  	s8 =	sadd.s32 $0x18600, s1;
	p0 =	sne.s32 s0, $0xF;
	p3 =	seq.s32 s0, $0xF  }
0x9: {  	s5 =	sor.u32 s12, s5;
	[smem:$0x7FF] =	sst s4;
	s9 =	smul.u32 $0x4E2, s12  }
0xa: {  	s10 =	ssub.s32 $0x2, s12;
	s16 =	smul.u32 $0x13880, s12;
	p2 =	sne.s32 @p0 s0, $0x0  }
0xb: {  	s7 =	smul.u32 $0x4E2, s5;
	_ =	strace $0x80000050;
	[dreg:$0x5] =	wrdreg s31  }
0xc: {  	s5 =	sadd.s32 $0x71000, s1;
	[dreg:$0x6] =	wrdreg s8;
	s15 =	sshrl.u32 s10, $0x1  }
0xd: {  	s12 =	sadd.s32 s13, s2;
	p1 =	por p2, !p0;
	p2 =	por !p2, !p0  }
0xe: {  	s17 =	sadd.s32 s9, s1;
	s18 =	ssub.s32 s10, s15;
	s15 =	sadd.s32 $0x65C80, s1  }
0xf: {  	s16 =	sadd.s32 s6, s16;
	s24 =	sshrl.u32 @p0 s12, $0x3;
	s25 =	sshrl.u32 @!p1 s3, $0x3  }
0x10: {  	s11 =	sadd.s32 s7, s1;
	s7 =	sshrl.u32 s13, $0x3;
	s17 =	sadd.s32 $0x40000, s17  }
0x11: {  	s18 =	smax.u32 s18, $0x1;
	s14 =	sadd.s32 s7, s1;
	s9 =	sadd.s32 $0x4A00, s11  }
0x12: {  	s10 =	sadd.s32 $0xE800, s11;
	s11 =	sadd.s32 $0x67200, s11;
	s1 =	sshll.u32 @p0 s0, $0x6  }
0x13: {  	s13 =	sadd.s32 $0x53800, s14;
	s14 =	sadd.s32 $0x92400, s2;
	s23 =	sor.u32 @p0 $0x1C02, s1  }
.LBB2_1:
0x14: {  	[tilespmem:s4], [sflag:$0x2] =	stream.linear.gather [hbm4b:s9+s4], $0x2710, $0x38;
	[tilespmem:$0x14F08] =	vst v63  }
0x15: {  	_ =	swait.ge [sflag:s19], $0x2710  }
0x16: {  	[sflag:s19] =	ssyncset.done $0x0  }
0x17: {  	s1 =	simm.s32 $0x2710;
	[sflag:s19] =	ssyncadd.s32 $0xFFFFD8F0  }
0x18: {  	[tilespmem:s1], [sflag:$0x2] =	stream.linear.gather [hbm4b:s10+s4], $0x2710, $0x38;
	[tilespmem:$0x14F08] =	vst v63  }
0x19: {  	_ =	swait.ge [sflag:s19], $0x2710  }
0x1a: {  	[sflag:s19] =	ssyncset.done $0x0  }
0x1b: {  	s22 =	simm.s32 $0x4E20;
	[sflag:s19] =	ssyncadd.s32 $0xFFFFD8F0  }
0x1c: {  	[tilespmem:s22], [sflag:$0x2] =	stream.linear.gather [hbm4b:s11+s4], $0x2710, $0x38;
	[tilespmem:$0x14F08] =	vst v63  }
0x1d: {  	_ =	swait.ge [sflag:s19], $0x2710  }
0x1e: {  	[sflag:s19] =	ssyncset.done $0x0  }
0x1f: {  	s6 =	simm.s32 $0xB040;
	s31 =	rddreg [dreg:$0x5];
	[sflag:s19] =	ssyncadd.s32 $0xFFFFD8F0  }
0x20: {  	[tilespmem:s6], [sflag:$0x2] =	stream.linear.gather [hbm4b:s31+s4], $0x10, $0x38;
	[tilespmem:$0x14F08] =	vst v63  }
0x21: {  	_ =	swait.ge [sflag:s19], $0x10  }
0x22: {  	[sflag:s19] =	ssyncset.done $0x0  }
0x23: {  	s1 =	simm.s32 @p0 $0x2;
	[sflag:s19] =	ssyncadd.s32 $0xFFFFFFF0  }
0x24: {  	[spmem:s24], [sflag:s23] =	dma.local @p0 [hbm:s13], $0x1380  }
0x25: {  	_ =	swait.ge @p0 [sflag:s1], $0x1380  }
0x26: {  	[sflag:s1] =	ssyncset.done @p0 $0x0  }
0x27: {  	s6 =	rddreg [dreg:$0x6];
	[sflag:s1] =	ssyncadd.s32 @p0 $0xFFFFEC80;
	s1 =	simm.s32 @!p1 $0x1C02  }
0x28: {  	[spmem:s25], [sflag:s1] =	dma.local @!p1 [hbm:s6], $0x4E2  }
0x29: {  	s1 =	simm.s32 @!p1 $0x2  }
0x2a: {  	_ =	swait.ge @!p1 [sflag:s1], $0x4E2  }
0x2b: {  	[sflag:s1] =	ssyncset.done @!p1 $0x0  }
0x2c: {  	s6 =	simm.s32 @!p0 $0x1FC2;
	[sflag:s1] =	ssyncadd.s32 @!p1 $0xFFFFFB1E;
	s1 =	sshrl.u32 @!p0 s14, $0x3  }
0x2d: {  	[spmem:s1], [sflag:s6] =	dma.local @!p0 [hbm:s15], $0x1400  }
0x2e: {  	s1 =	simm.s32 @!p0 $0x2  }
0x2f: {  	_ =	swait.ge @!p0 [sflag:s1], $0x1400  }
0x30: {  	[sflag:s1] =	ssyncset.done @!p0 $0x0  }
0x31: {  	[sflag:s1] =	ssyncadd.s32 @!p0 $0xFFFFEC00  }
0x32: {  	[bflag:$0x0] =	sbarrier.arrive $0xFFFF  }
0x33: {  	s21 =	simm.s32 $0x0;
	v0 =	vld [tilespmem:$0xB040]  }
0x34: {  	v1 =	vld [tilespmem:s21+$0x4E60];
	_ =	sdelay $0x1  }
0x35: {  	v2 =	vld [tilespmem:s21+$0x4E20];
	_ =	sdelay $0x1  }
0x36: {  	v3 =	vld [tilespmem:s21+$0x4E30]  }
0x37: {  	v1 =	vsub.f32 v1, v0  }
0x38: {  	v4 =	vld [tilespmem:s21+$0x4E40]  }
0x39: {  	s1 =	simm.s32 $0x50;
	v5 =	vld [tilespmem:s21+$0x4E50];
	v2 =	vsub.f32 v2, v0;
	v1 =	vmul.f32 $1.442695020e+00, v1  }
0x3a: {  	v6 =	vld [tilespmem:s1+$0x4E60]  }
0x3b: {  	v7 =	vld [tilespmem:s1+$0x4E20];
	v3 =	vsub.f32 v3, v0;
	v2 =	vmul.f32 $1.442695020e+00, v2;
	(erf) = vpow2.f32 v1  }
0x3c: {  	v9 =	vld [tilespmem:s1+$0x4E40]  }
0x3d: {  	v8 =	vld [tilespmem:s1+$0x4E30];
	v3 =	vmul.f32 $1.442695020e+00, v3;
	v1 =	vsub.f32 v4, v0;
	(erf) = vpow2.f32 v2;
	_ =	sdelay $0x1  }
0x3e: {  	s20 =	simm.s32 $0xA0;
	v4 =	vld [tilespmem:s1+$0x4E50];
	v2 =	vsub.f32 v5, v0;
	v1 =	vmul.f32 $1.442695020e+00, v1;
	(erf) = vpow2.f32 v3  }
0x3f: {  	v6 =	vsub.f32 v6, v0;
	v7 =	vsub.f32 v7, v0;
	v5 =	vld [tilespmem:s20+$0x4E60]  }
0x40: {  	v9 =	vsub.f32 v9, v0;
	v3 =	vld [tilespmem:s20+$0x4E20];
	v2 =	vmul.f32 $1.442695020e+00, v2;
	(erf) = vpow2.f32 v1  }
0x41: {  	v8 =	vsub.f32 v8, v0;
	v6 =	vmul.f32 $1.442695020e+00, v6;
	v7 =	vmul.f32 $1.442695020e+00, v7  }
0x42: {  	v10 =	vld [tilespmem:s20+$0x4E30];
	v9 =	vmul.f32 $1.442695020e+00, v9;
	(erf) = vpow2.f32 v2  }
0x43: {  	v11 =	vld [tilespmem:s20+$0x4E40];
	v13 =	vpop (erf);
	(erf) = vpow2.f32 v6;
	v6 =	vmul.f32 $1.442695020e+00, v8;
	v8 =	vsub.f32 v4, v0  }
0x44: {  	s6 =	simm.s32 $0xF0;
	v12 =	vld [tilespmem:s20+$0x4E50];
	v5 =	vsub.f32 v5, v0;
	(erf) = vpow2.f32 v7  }
0x45: {  	v1 =	vld [tilespmem:s6+$0x4E60];
	v7 =	vpop (erf);
	(erf) = vpow2.f32 v6;
	v6 =	vmul.f32 $1.442695020e+00, v8;
	v8 =	vsub.f32 v3, v0  }
0x46: {  	v2 =	vld [tilespmem:s6+$0x4E20];
	v5 =	vmul.f32 $1.442695020e+00, v5;
	[tilespmem:s21+$0x7570] =	vst v13;
	(erf) = vpow2.f32 v9  }
0x47: {  	v4 =	vld [tilespmem:s6+$0x4E30];
	[tilespmem:s21+$0x7530] =	vst v7;
	v7 =	vsub.f32 v10, v0;
	v9 =	vpop (erf);
	(erf) = vpow2.f32 v6;
	v10 =	vmul.f32 $1.442695020e+00, v8  }
0x48: {  	(erf) = vpow2.f32 v5  }
0x49: {  	v3 =	vld [tilespmem:s6+$0x4E40];
	[tilespmem:s21+$0x7540] =	vst v9;
	v9 =	vpop (erf);
	(erf) = vpow2.f32 v10  }
0x4a: {  	p5 =	por @p0 $0x0, $0x0;
	p4 =	por @!p1 $0x1, $0x1;
	v11 =	vsub.f32 v11, v0  }
0x4b: {  	p4 =	por @!p2 p5, p5;
	p5 =	por @!p0 $0x0, $0x0;
	v6 =	vmul.f32 $1.442695020e+00, v7;
	v8 =	vsub.f32 v12, v0  }
0x4c: {  	p4 =	por @!p0 p5, p5;
	s22 =	simm.s32 $0x500;
	v7 =	vmul.f32 $1.442695020e+00, v11;
	v5 =	vld [tilespmem:s6+$0x4E50];
	[tilespmem:s21+$0x7550] =	vst v9;
	v9 =	vpop (erf)  }
.LBB2_2:
0x4d: {  	s31 =	sshra.s32 s22, $0x2;
	p5 =	sne.s32 s22, $0x9B00;
	s22 =	sadd.s32 $0x140, s22;
	v10 =	vsub.f32 v1, v0;
	v8 =	vmul.f32 $1.442695020e+00, v8;
	(erf) = vpow2.f32 v6;
	[tilespmem:s21+$0x7560] =	vst v9  }
.Ltmp0:
0x4e: {  	s21 =	smov.u32 s1;
	s1 =	smov.u32 s20;
	v1 =	vld [tilespmem:s31+$0x4E60];
	v6 =	vsub.f32 v2, v0;
	(erf) = vpow2.f32 v7;
	v7 =	vpop (erf);
	(pc) =	sbr.rel @p5 .LBB2_2-.Ltmp0, $4  }
0x4f: {  	s20 =	smov.u32 s6;
	s6 =	smov.u32 s31;
	v2 =	vld [tilespmem:s31+$0x4E20];
	v13 =	vsub.f32 v4, v0;
	v10 =	vmul.f32 $1.442695020e+00, v10;
	(erf) = vpow2.f32 v8;
	[tilespmem:s21+$0x7570] =	vst v7;
	v7 =	vpop (erf)  }
0x50: {  	v4 =	vld [tilespmem:s6+$0x4E30];
	v11 =	vmul.f32 $1.442695020e+00, v6;
	v12 =	vsub.f32 v3, v0;
	[tilespmem:s21+$0x7530] =	vst v7;
	v7 =	vpop (erf)  }
0x51: {  	v3 =	vld [tilespmem:s6+$0x4E40];
	v6 =	vmul.f32 $1.442695020e+00, v13;
	v8 =	vsub.f32 v5, v0;
	(erf) = vpow2.f32 v10;
	[tilespmem:s21+$0x7540] =	vst v7;
	v9 =	vpop (erf)  }
0x52: {  	v5 =	vld [tilespmem:s6+$0x4E50];
	v7 =	vmul.f32 $1.442695020e+00, v12;
	(erf) = vpow2.f32 v11;
	[tilespmem:s21+$0x7550] =	vst v9;
	v9 =	vpop (erf)  }
0x53: {  	v1 =	vsub.f32 v1, v0  }
0x54: {  	v8 =	vmul.f32 $1.442695020e+00, v8;
	(erf) = vpow2.f32 v6;
	v2 =	vsub.f32 v2, v0  }
0x55: {  	(erf) = vpow2.f32 v7;
	v4 =	vsub.f32 v4, v0;
	v1 =	vmul.f32 $1.442695020e+00, v1  }
0x56: {  	[tilespmem:s21+$0x7560] =	vst v9;
	v48 =	vpop (erf);
	(erf) = vpow2.f32 v8;
	v2 =	vmul.f32 $1.442695020e+00, v2;
	v3 =	vsub.f32 v3, v0  }
0x57: {  	[tilespmem:s1+$0x7570] =	vst v48;
	v49 =	vpop (erf);
	v4 =	vmul.f32 $1.442695020e+00, v4;
	v50 =	vsub.f32 v5, v0;
	(erf) = vpow2.f32 v1  }
0x58: {  	[tilespmem:s1+$0x7530] =	vst v49;
	v51 =	vpop (erf);
	v3 =	vmul.f32 $1.442695020e+00, v3;
	(erf) = vpow2.f32 v2  }
0x59: {  	[tilespmem:s1+$0x7540] =	vst v51;
	v52 =	vpop (erf);
	v0 =	vmul.f32 $1.442695020e+00, v50;
	(erf) = vpow2.f32 v4  }
0x5a: {  	[tilespmem:s1+$0x7550] =	vst v52;
	v53 =	vpop (erf);
	(erf) = vpow2.f32 v3  }
0x5b: {  	[tilespmem:s1+$0x7560] =	vst v53;
	v54 =	vpop (erf);
	(erf) = vpow2.f32 v0  }
0x5c: {  	[tilespmem:s20+$0x7570] =	vst v54;
	v55 =	vpop (erf)  }
0x5d: {  	[tilespmem:s20+$0x7530] =	vst v55;
	v56 =	vpop (erf)  }
0x5e: {  	[tilespmem:s20+$0x7540] =	vst v56;
	v57 =	vpop (erf)  }
0x5f: {  	[tilespmem:s20+$0x7550] =	vst v57;
	v58 =	vpop (erf)  }
0x60: {  	[tilespmem:s20+$0x7560] =	vst v58;
	v59 =	vpop (erf)  }
0x61: {  	[tilespmem:s6+$0x7570] =	vst v59;
	v60 =	vpop (erf)  }
0x62: {  	[tilespmem:s6+$0x7530] =	vst v60;
	v61 =	vpop (erf)  }
0x63: {  	[tilespmem:s6+$0x7540] =	vst v61;
	v62 =	vpop (erf)  }
0x64: {  	[tilespmem:s6+$0x7550] =	vst v62;
	v63 =	vpop (erf)  }
0x65: {  	s31 =	simm.s32 $0x0;
	s1 =	simm.s32 $0x7530;
	[tilespmem:s6+$0x7560] =	vst v63  }
.LBB2_4:
0x66: {  	s20 =	smul.u32 $0x50, s31;
	_ =	sdelay $0x1  }
0x67: {  	v0 =	vmov s1;
	[tilespmem:s28], [sflag:$0x1] =	stream.indirect.gather [hbm4b:s5+s26], $0x40, s20, s26, $0xb8;
	[tilespmem:$0x14F08] =	vst v63  }
0x68: {  	_ =	swait.ge [sflag:s29], $0x1400  }
0x69: {  	s22 =	simm.s32 $0x9E40;
	[sflag:s29] =	ssyncset.done $0x0  }
0x6a: {  	s6 =	simm.s32 $0x0;
	s21 =	sadd.s32 $0x7530, s20;
	[sflag:s29] =	ssyncadd.s32 $0xFFFFEC00  }
.LBB2_5:
0x6b: {  	s8 =	sshra.s32 s6, $0x2  }
0x6c: {  	v1 =	vld.idx.msk [tilespmem:v0+s8+$0x0 ss:$0x1], $0xffff;
	_ =	sdelay $0x1  }
0x6d: {  	v2 =	vld [tilespmem:s22+$0xFFFFFE00];
	_ =	sdelay $0x2  }
0x6e: {  	v3 =	vbroadcast v1, $0x0;
	_ =	sdelay $0x1  }
0x6f: {  	v2 =	vmul.f32 v3, v2;
	_ =	sdelay $0x1  }
0x70: {  	[tilespmem:s22+$0xFFFFFE00] =	vst v2;
	v2 =	vld [tilespmem:s22+$0xFFFFFE10];
	_ =	sdelay $0x4  }
0x71: {  	v2 =	vmul.f32 v2, v3;
	_ =	sdelay $0x1  }
0x72: {  	[tilespmem:s22+$0xFFFFFE10] =	vst v2;
	v2 =	vld [tilespmem:s22+$0xFFFFFE20];
	_ =	sdelay $0x4  }
0x73: {  	v2 =	vmul.f32 v2, v3;
	_ =	sdelay $0x1  }
0x74: {  	[tilespmem:s22+$0xFFFFFE20] =	vst v2;
	v2 =	vld [tilespmem:s22+$0xFFFFFE30];
	_ =	sdelay $0x4  }
0x75: {  	v2 =	vmul.f32 v2, v3;
	_ =	sdelay $0x1  }
0x76: {  	[tilespmem:s22+$0xFFFFFE30] =	vst v2;
	v2 =	vld [tilespmem:s22+$0xFFFFFE40];
	_ =	sdelay $0x2  }
0x77: {  	v3 =	vbroadcast v1, $0x1;
	_ =	sdelay $0x1  }
0x78: {  	v2 =	vmul.f32 v2, v3;
	_ =	sdelay $0x1  }
0x79: {  	[tilespmem:s22+$0xFFFFFE40] =	vst v2;
	v2 =	vld [tilespmem:s22+$0xFFFFFE50];
	_ =	sdelay $0x4  }
0x7a: {  	v2 =	vmul.f32 v2, v3;
	_ =	sdelay $0x1  }
0x7b: {  	[tilespmem:s22+$0xFFFFFE50] =	vst v2;
	v2 =	vld [tilespmem:s22+$0xFFFFFE60];
	_ =	sdelay $0x4  }
0x7c: {  	v2 =	vmul.f32 v2, v3;
	_ =	sdelay $0x1  }
0x7d: {  	[tilespmem:s22+$0xFFFFFE60] =	vst v2;
	v2 =	vld [tilespmem:s22+$0xFFFFFE70];
	_ =	sdelay $0x4  }
0x7e: {  	v2 =	vmul.f32 v2, v3;
	_ =	sdelay $0x1  }
0x7f: {  	[tilespmem:s22+$0xFFFFFE70] =	vst v2;
	v2 =	vld [tilespmem:s22+$0xFFFFFE80];
	_ =	sdelay $0x2  }
0x80: {  	v3 =	vbroadcast v1, $0x2;
	_ =	sdelay $0x1  }
0x81: {  	v2 =	vmul.f32 v2, v3;
	_ =	sdelay $0x1  }
0x82: {  	[tilespmem:s22+$0xFFFFFE80] =	vst v2;
	v2 =	vld [tilespmem:s22+$0xFFFFFE90];
	_ =	sdelay $0x4  }
0x83: {  	v2 =	vmul.f32 v2, v3;
	_ =	sdelay $0x1  }
0x84: {  	[tilespmem:s22+$0xFFFFFE90] =	vst v2;
	v2 =	vld [tilespmem:s22+$0xFFFFFEA0];
	_ =	sdelay $0x4  }
0x85: {  	v2 =	vmul.f32 v2, v3;
	_ =	sdelay $0x1  }
0x86: {  	[tilespmem:s22+$0xFFFFFEA0] =	vst v2;
	v2 =	vld [tilespmem:s22+$0xFFFFFEB0];
	_ =	sdelay $0x4  }
0x87: {  	v2 =	vmul.f32 v2, v3;
	_ =	sdelay $0x1  }
0x88: {  	[tilespmem:s22+$0xFFFFFEB0] =	vst v2;
	v2 =	vld [tilespmem:s22+$0xFFFFFEC0];
	_ =	sdelay $0x2  }
0x89: {  	v3 =	vbroadcast v1, $0x3;
	_ =	sdelay $0x1  }
0x8a: {  	v2 =	vmul.f32 v2, v3;
	_ =	sdelay $0x1  }
0x8b: {  	[tilespmem:s22+$0xFFFFFEC0] =	vst v2;
	v2 =	vld [tilespmem:s22+$0xFFFFFED0];
	_ =	sdelay $0x4  }
0x8c: {  	v2 =	vmul.f32 v2, v3;
	_ =	sdelay $0x1  }
0x8d: {  	[tilespmem:s22+$0xFFFFFED0] =	vst v2;
	v2 =	vld [tilespmem:s22+$0xFFFFFEE0];
	_ =	sdelay $0x4  }
0x8e: {  	v2 =	vmul.f32 v2, v3;
	_ =	sdelay $0x1  }
0x8f: {  	[tilespmem:s22+$0xFFFFFEE0] =	vst v2;
	v2 =	vld [tilespmem:s22+$0xFFFFFEF0];
	_ =	sdelay $0x4  }
0x90: {  	v2 =	vmul.f32 v2, v3;
	_ =	sdelay $0x1  }
0x91: {  	[tilespmem:s22+$0xFFFFFEF0] =	vst v2;
	v2 =	vld [tilespmem:s22+$0xFFFFFF00];
	_ =	sdelay $0x2  }
0x92: {  	v3 =	vbroadcast v1, $0x4;
	_ =	sdelay $0x1  }
0x93: {  	v2 =	vmul.f32 v2, v3;
	_ =	sdelay $0x1  }
0x94: {  	[tilespmem:s22+$0xFFFFFF00] =	vst v2;
	v2 =	vld [tilespmem:s22+$0xFFFFFF10];
	_ =	sdelay $0x4  }
0x95: {  	v2 =	vmul.f32 v2, v3;
	_ =	sdelay $0x1  }
0x96: {  	[tilespmem:s22+$0xFFFFFF10] =	vst v2;
	v2 =	vld [tilespmem:s22+$0xFFFFFF20];
	_ =	sdelay $0x4  }
0x97: {  	v2 =	vmul.f32 v2, v3;
	_ =	sdelay $0x1  }
0x98: {  	[tilespmem:s22+$0xFFFFFF20] =	vst v2;
	v2 =	vld [tilespmem:s22+$0xFFFFFF30];
	_ =	sdelay $0x4  }
0x99: {  	v2 =	vmul.f32 v2, v3;
	_ =	sdelay $0x1  }
0x9a: {  	[tilespmem:s22+$0xFFFFFF30] =	vst v2;
	v2 =	vld [tilespmem:s22+$0xFFFFFF40];
	_ =	sdelay $0x2  }
0x9b: {  	v3 =	vbroadcast v1, $0x5;
	_ =	sdelay $0x1  }
0x9c: {  	v2 =	vmul.f32 v2, v3;
	_ =	sdelay $0x1  }
0x9d: {  	[tilespmem:s22+$0xFFFFFF40] =	vst v2;
	v2 =	vld [tilespmem:s22+$0xFFFFFF50];
	_ =	sdelay $0x4  }
0x9e: {  	v2 =	vmul.f32 v2, v3;
	_ =	sdelay $0x1  }
0x9f: {  	[tilespmem:s22+$0xFFFFFF50] =	vst v2;
	v2 =	vld [tilespmem:s22+$0xFFFFFF60];
	_ =	sdelay $0x4  }
0xa0: {  	v2 =	vmul.f32 v2, v3;
	_ =	sdelay $0x1  }
0xa1: {  	[tilespmem:s22+$0xFFFFFF60] =	vst v2;
	v2 =	vld [tilespmem:s22+$0xFFFFFF70];
	_ =	sdelay $0x4  }
0xa2: {  	v2 =	vmul.f32 v2, v3;
	_ =	sdelay $0x1  }
0xa3: {  	[tilespmem:s22+$0xFFFFFF70] =	vst v2;
	v2 =	vld [tilespmem:s22+$0xFFFFFF80];
	_ =	sdelay $0x2  }
0xa4: {  	v3 =	vbroadcast v1, $0x6;
	_ =	sdelay $0x1  }
0xa5: {  	v2 =	vmul.f32 v2, v3;
	_ =	sdelay $0x1  }
0xa6: {  	[tilespmem:s22+$0xFFFFFF80] =	vst v2;
	v2 =	vld [tilespmem:s22+$0xFFFFFF90];
	_ =	sdelay $0x4  }
0xa7: {  	v2 =	vmul.f32 v2, v3;
	_ =	sdelay $0x1  }
0xa8: {  	[tilespmem:s22+$0xFFFFFF90] =	vst v2;
	v2 =	vld [tilespmem:s22+$0xFFFFFFA0];
	_ =	sdelay $0x4  }
0xa9: {  	v2 =	vmul.f32 v2, v3;
	_ =	sdelay $0x1  }
0xaa: {  	[tilespmem:s22+$0xFFFFFFA0] =	vst v2;
	v2 =	vld [tilespmem:s22+$0xFFFFFFB0];
	_ =	sdelay $0x4  }
0xab: {  	v2 =	vmul.f32 v2, v3;
	_ =	sdelay $0x1  }
0xac: {  	[tilespmem:s22+$0xFFFFFFB0] =	vst v2;
	v2 =	vld [tilespmem:s22+$0xFFFFFFC0];
	_ =	sdelay $0x2  }
0xad: {  	v3 =	vbroadcast v1, $0x7;
	_ =	sdelay $0x1  }
0xae: {  	v2 =	vmul.f32 v2, v3;
	_ =	sdelay $0x1  }
0xaf: {  	[tilespmem:s22+$0xFFFFFFC0] =	vst v2;
	v2 =	vld [tilespmem:s22+$0xFFFFFFD0];
	_ =	sdelay $0x4  }
0xb0: {  	v2 =	vmul.f32 v2, v3;
	_ =	sdelay $0x1  }
0xb1: {  	[tilespmem:s22+$0xFFFFFFD0] =	vst v2;
	v2 =	vld [tilespmem:s22+$0xFFFFFFE0];
	_ =	sdelay $0x4  }
0xb2: {  	v2 =	vmul.f32 v2, v3;
	_ =	sdelay $0x1  }
0xb3: {  	[tilespmem:s22+$0xFFFFFFE0] =	vst v2;
	v2 =	vld [tilespmem:s22+$0xFFFFFFF0];
	_ =	sdelay $0x4  }
0xb4: {  	v2 =	vmul.f32 v2, v3;
	_ =	sdelay $0x1  }
0xb5: {  	[tilespmem:s22+$0xFFFFFFF0] =	vst v2;
	v2 =	vld [tilespmem:s22+$0x0];
	_ =	sdelay $0x2  }
0xb6: {  	v3 =	vbroadcast v1, $0x8;
	_ =	sdelay $0x1  }
0xb7: {  	v2 =	vmul.f32 v2, v3;
	_ =	sdelay $0x1  }
0xb8: {  	[tilespmem:s22+$0x0] =	vst v2;
	v2 =	vld [tilespmem:s22+$0x10];
	_ =	sdelay $0x4  }
0xb9: {  	v2 =	vmul.f32 v2, v3;
	_ =	sdelay $0x1  }
0xba: {  	[tilespmem:s22+$0x10] =	vst v2;
	v2 =	vld [tilespmem:s22+$0x20];
	_ =	sdelay $0x4  }
0xbb: {  	v2 =	vmul.f32 v2, v3;
	_ =	sdelay $0x1  }
0xbc: {  	[tilespmem:s22+$0x20] =	vst v2;
	v2 =	vld [tilespmem:s22+$0x30];
	_ =	sdelay $0x4  }
0xbd: {  	v2 =	vmul.f32 v2, v3;
	_ =	sdelay $0x1  }
0xbe: {  	[tilespmem:s22+$0x30] =	vst v2;
	v2 =	vld [tilespmem:s22+$0x40];
	_ =	sdelay $0x2  }
0xbf: {  	v3 =	vbroadcast v1, $0x9;
	_ =	sdelay $0x1  }
0xc0: {  	v2 =	vmul.f32 v2, v3;
	_ =	sdelay $0x1  }
0xc1: {  	[tilespmem:s22+$0x40] =	vst v2;
	v2 =	vld [tilespmem:s22+$0x50];
	_ =	sdelay $0x4  }
0xc2: {  	v2 =	vmul.f32 v2, v3;
	_ =	sdelay $0x1  }
0xc3: {  	[tilespmem:s22+$0x50] =	vst v2;
	v2 =	vld [tilespmem:s22+$0x60];
	_ =	sdelay $0x4  }
0xc4: {  	v2 =	vmul.f32 v2, v3;
	_ =	sdelay $0x1  }
0xc5: {  	[tilespmem:s22+$0x60] =	vst v2;
	v2 =	vld [tilespmem:s22+$0x70];
	_ =	sdelay $0x4  }
0xc6: {  	v2 =	vmul.f32 v2, v3;
	_ =	sdelay $0x1  }
0xc7: {  	[tilespmem:s22+$0x70] =	vst v2;
	v2 =	vld [tilespmem:s22+$0x80];
	_ =	sdelay $0x2  }
0xc8: {  	v3 =	vbroadcast v1, $0xA;
	_ =	sdelay $0x1  }
0xc9: {  	v2 =	vmul.f32 v2, v3;
	_ =	sdelay $0x1  }
0xca: {  	[tilespmem:s22+$0x80] =	vst v2;
	v2 =	vld [tilespmem:s22+$0x90];
	_ =	sdelay $0x4  }
0xcb: {  	v2 =	vmul.f32 v2, v3;
	_ =	sdelay $0x1  }
0xcc: {  	[tilespmem:s22+$0x90] =	vst v2;
	v2 =	vld [tilespmem:s22+$0xA0];
	_ =	sdelay $0x4  }
0xcd: {  	v2 =	vmul.f32 v2, v3;
	_ =	sdelay $0x1  }
0xce: {  	[tilespmem:s22+$0xA0] =	vst v2;
	v2 =	vld [tilespmem:s22+$0xB0];
	_ =	sdelay $0x4  }
0xcf: {  	v2 =	vmul.f32 v2, v3;
	_ =	sdelay $0x1  }
0xd0: {  	[tilespmem:s22+$0xB0] =	vst v2;
	v2 =	vld [tilespmem:s22+$0xC0];
	_ =	sdelay $0x2  }
0xd1: {  	v3 =	vbroadcast v1, $0xB;
	_ =	sdelay $0x1  }
0xd2: {  	v2 =	vmul.f32 v2, v3;
	_ =	sdelay $0x1  }
0xd3: {  	[tilespmem:s22+$0xC0] =	vst v2;
	v2 =	vld [tilespmem:s22+$0xD0];
	_ =	sdelay $0x4  }
0xd4: {  	v2 =	vmul.f32 v2, v3;
	_ =	sdelay $0x1  }
0xd5: {  	[tilespmem:s22+$0xD0] =	vst v2;
	v2 =	vld [tilespmem:s22+$0xE0];
	_ =	sdelay $0x4  }
0xd6: {  	v2 =	vmul.f32 v2, v3;
	_ =	sdelay $0x1  }
0xd7: {  	[tilespmem:s22+$0xE0] =	vst v2;
	v2 =	vld [tilespmem:s22+$0xF0];
	_ =	sdelay $0x4  }
0xd8: {  	v2 =	vmul.f32 v2, v3;
	_ =	sdelay $0x1  }
0xd9: {  	[tilespmem:s22+$0xF0] =	vst v2;
	v2 =	vld [tilespmem:s22+$0x100];
	_ =	sdelay $0x2  }
0xda: {  	v3 =	vbroadcast v1, $0xC;
	_ =	sdelay $0x1  }
0xdb: {  	v2 =	vmul.f32 v2, v3;
	_ =	sdelay $0x1  }
0xdc: {  	[tilespmem:s22+$0x100] =	vst v2;
	v2 =	vld [tilespmem:s22+$0x110];
	_ =	sdelay $0x4  }
0xdd: {  	v2 =	vmul.f32 v2, v3;
	_ =	sdelay $0x1  }
0xde: {  	[tilespmem:s22+$0x110] =	vst v2;
	v2 =	vld [tilespmem:s22+$0x120];
	_ =	sdelay $0x4  }
0xdf: {  	v2 =	vmul.f32 v2, v3;
	_ =	sdelay $0x1  }
0xe0: {  	[tilespmem:s22+$0x120] =	vst v2;
	v2 =	vld [tilespmem:s22+$0x130];
	_ =	sdelay $0x4  }
0xe1: {  	v2 =	vmul.f32 v2, v3;
	_ =	sdelay $0x1  }
0xe2: {  	[tilespmem:s22+$0x130] =	vst v2;
	v2 =	vld [tilespmem:s22+$0x140];
	_ =	sdelay $0x2  }
0xe3: {  	v3 =	vbroadcast v1, $0xD;
	_ =	sdelay $0x1  }
0xe4: {  	v2 =	vmul.f32 v2, v3;
	_ =	sdelay $0x1  }
0xe5: {  	[tilespmem:s22+$0x140] =	vst v2;
	v2 =	vld [tilespmem:s22+$0x150];
	_ =	sdelay $0x4  }
0xe6: {  	v2 =	vmul.f32 v2, v3;
	_ =	sdelay $0x1  }
0xe7: {  	[tilespmem:s22+$0x150] =	vst v2;
	v2 =	vld [tilespmem:s22+$0x160];
	_ =	sdelay $0x4  }
0xe8: {  	v2 =	vmul.f32 v2, v3;
	_ =	sdelay $0x1  }
0xe9: {  	[tilespmem:s22+$0x160] =	vst v2;
	v2 =	vld [tilespmem:s22+$0x170];
	_ =	sdelay $0x4  }
0xea: {  	v2 =	vmul.f32 v2, v3;
	_ =	sdelay $0x1  }
0xeb: {  	[tilespmem:s22+$0x170] =	vst v2;
	v2 =	vld [tilespmem:s22+$0x180];
	_ =	sdelay $0x2  }
0xec: {  	v3 =	vbroadcast v1, $0xE;
	_ =	sdelay $0x1  }
0xed: {  	v2 =	vmul.f32 v2, v3;
	_ =	sdelay $0x1  }
0xee: {  	[tilespmem:s22+$0x180] =	vst v2;
	v2 =	vld [tilespmem:s22+$0x190];
	_ =	sdelay $0x4  }
0xef: {  	v2 =	vmul.f32 v2, v3;
	_ =	sdelay $0x1  }
0xf0: {  	[tilespmem:s22+$0x190] =	vst v2;
	v2 =	vld [tilespmem:s22+$0x1A0];
	_ =	sdelay $0x4  }
0xf1: {  	v2 =	vmul.f32 v2, v3;
	_ =	sdelay $0x1  }
0xf2: {  	[tilespmem:s22+$0x1A0] =	vst v2;
	v2 =	vld [tilespmem:s22+$0x1B0];
	_ =	sdelay $0x4  }
0xf3: {  	v2 =	vmul.f32 v2, v3;
	_ =	sdelay $0x1  }
0xf4: {  	[tilespmem:s22+$0x1B0] =	vst v2;
	v2 =	vld [tilespmem:s22+$0x1C0];
	_ =	sdelay $0x2  }
0xf5: {  	v1 =	vbroadcast v1, $0xF;
	_ =	sdelay $0x1  }
0xf6: {  	v2 =	vmul.f32 v2, v1;
	_ =	sdelay $0x1  }
0xf7: {  	[tilespmem:s22+$0x1C0] =	vst v2;
	v2 =	vld [tilespmem:s22+$0x1D0];
	_ =	sdelay $0x4  }
0xf8: {  	v2 =	vmul.f32 v2, v1;
	_ =	sdelay $0x1  }
0xf9: {  	[tilespmem:s22+$0x1D0] =	vst v2;
	v2 =	vld [tilespmem:s22+$0x1E0];
	_ =	sdelay $0x4  }
0xfa: {  	v2 =	vmul.f32 v2, v1;
	_ =	sdelay $0x1  }
0xfb: {  	[tilespmem:s22+$0x1E0] =	vst v2;
	v2 =	vld [tilespmem:s22+$0x1F0];
	_ =	sdelay $0x1  }
0xfc: {  	p5 =	sne.s32 s6, $0x100  }
.Ltmp1:
0xfd: {  	_ = 	snop;
	(pc) =	sbr.rel @p5 .LBB2_5-.Ltmp1, $3  }
0xfe: {  	_ = 	snop  }
0xff: {  	v1 =	vmul.f32 v2, v1;
	_ =	sdelay $0x1  }
0x100: {  	s6 =	sadd.s32 $0x40, s6;
	[tilespmem:s22+$0x1F0] =	vst v1;
	s22 =	sadd.s32 $0x400, s22  }
0x101: {  	s6 =	sadd.s32 $0x2710, s20  }
0x102: {  	[spmem:s2] =	stream.indirect.scatter.add.f32 [tilespmem:s28], [sflag:$0x2], $0x40, s6, s26, $0xb8;
	[tilespmem:$0x14F08] =	vst v63  }
0x103: {  	s31 =	sadd.s32 $0x1, s31;
	_ =	swait.ge [sflag:s19], $0x1400  }
0x104: {  	p5 =	sne.s32 s31, $0x7D;
	[sflag:s19] =	ssyncset.done $0x0  }
.Ltmp2:
0x105: {  	[sflag:s19] =	ssyncadd.s32 $0xFFFFEC00;
	(pc) =	sbr.rel @p5 .LBB2_4-.Ltmp2, $4  }
0x106: {  	[spmem:s3] =	stream.indirect.scatter.add.f32 [tilespmem:s21], [sflag:$0x2], $0x1, s6, s26, $0xb8;
	[tilespmem:$0x14F08] =	vst v63  }
0x107: {  	_ =	swait.ge [sflag:s19], $0x50  }
0x108: {  	[sflag:s19] =	ssyncset.done $0x0  }
0x109: {  	s1 =	sadd.s32 $0x50, s1;
	[sflag:s19] =	ssyncadd.s32 $0xFFFFFFB0  }
0x10a: {  	[bflag:$0x0] =	sbarrier.arrive $0xFFFF  }
0x10b: {  	s1 =	sadd.s32 @p3 $0x12480, s16;
	s6 =	sshrl.u32 @p3 s14, $0x3;
	s8 =	simm.s32 @p3 $0x1FC2  }
0x10c: {  	[hbm:s1], [sflag:s8] =	dma.local @p3 [spmem:s6], $0x1400  }
0x10d: {  	s1 =	simm.s32 @p3 $0x2  }
0x10e: {  	_ =	swait.ge @p3 [sflag:s1], $0x1400  }
0x10f: {  	[sflag:s1] =	ssyncset.done @p3 $0x0  }
0x110: {  	[sflag:s1] =	ssyncadd.s32 @p3 $0xFFFFEC00;
	s1 =	sshll.u32 @!p3 s0, $0x6  }
0x111: {  	s6 =	sadd.s32 @!p3 s7, s16;
	s8 =	sshrl.u32 @!p3 s12, $0x3;
	s1 =	sor.u32 @!p3 $0x1C02, s1  }
0x112: {  	[hbm:s6], [sflag:s1] =	dma.local @!p3 [spmem:s8], $0x1380  }
0x113: {  	s1 =	simm.s32 @!p3 $0x2  }
0x114: {  	s30 =	sadd.s32 $0x1, s30;
	_ =	swait.ge @!p3 [sflag:s1], $0x1380  }
0x115: {  	p5 =	sne.s32 s30, s18;
	s6 =	sshll.u32 @p4 s0, $0x6;
	[sflag:s1] =	ssyncset.done @!p3 $0x0  }
0x116: {  	[sflag:s1] =	ssyncadd.s32 @!p3 $0xFFFFEC80;
	s1 =	sor.u32 @p4 $0x1C02, s6;
	s6 =	sshrl.u32 @p4 s3, $0x3  }
0x117: {  	[hbm:s17], [sflag:s1] =	dma.local @p4 [spmem:s6], $0x4E2  }
.Ltmp3:
0x118: {  	_ = 	snop;
	(pc) =	sbr.rel @p5 .LBB2_1-.Ltmp3, $4  }
0x119: {  	s1 =	simm.s32 @p4 $0x2  }
0x11a: {  	_ =	swait.ge @p4 [sflag:s1], $0x4E2  }
0x11b: {  	[sflag:s1] =	ssyncset.done @p4 $0x0  }
0x11c: {  	[sflag:s1] =	ssyncadd.s32 @p4 $0xFFFFFB1E  }
0x11d: {  	_ =	sfence.sel $0x180000  }
0x11e: {  	[bflag:$0x0] =	sbarrier.arrive $0xFFFF  }
0x11f: {  	_ =	strace $0x90000050  }
0x120: {  	[bflag:$0x2] =	sbarrier.arrive $0xFFFF  }
0x121: {  	p0 =	sne.s32 s0, $0x0;
	s0 =	rddreg [dreg:$0x4]  }
0x122: {  	s0 =	sadd.s32 @!p0 $0x100000, s0  }
0x123: {  	[sflag:s0] =	ssyncadd.tile.s32 @!p0 $0x1;
	_ =	shalt  }
.Lfunc_end2:
_tile_overlayer_lowered:
.L_overlay_start_2:
0x124: {  	(tag) =	ssettag $0x2  }
0x125: {  	s0 =	rddreg [dreg:$0x0];
	s2 =	stileid.u32  }
0x126: {  	s1 =	rddreg [dreg:$0x1];
	p0 =	sne.s32 s2, $0x0  }
0x127: {  	s3 =	rddreg [dreg:$0x2];
	[bflag:$0x3] =	sbarrier.arrive $0xFFFF;
	s2 =	simm.s32 @!p0 $0x1C02  }
0x128: {  	[timem:s3], [sflag:s2] =	dma.local @!p0 [hbm:s0], s1  }
0x129: {  	s0 =	simm.s32 @!p0 $0x2  }
0x12a: {  	_ =	swait.ge @!p0 [sflag:s0], s1  }
0x12b: {  	s1 =	ssub.s32 @!p0 $0x0, s1;
	[sflag:s0] =	ssyncset.done @!p0 $0x0  }
0x12c: {  	[sflag:s0] =	ssyncadd.s32 @!p0 s1  }
0x12d: {  	[bflag:$0x3] =	sbarrier.arrive $0xFFFF  }
0x12e: {  	_ =	shalt  }

// kernel: kernel.24.cloned.1.call-start
scs
__scs_entry_jumppad:
0x0: {  	(pc) =	sbr.rel $0x88, $3  }
0x1: {  	(tag) =	ssettag $0x0;
	lr =	simm.s32 $0x1  }
0x2: {  	[smem:$0x3F93] =	sst lr;
	_ =	strace $0xD0000000  }
0x3: {  	_ = 	snop  }
0x4: {  	_ = 	snop  }
0x5: {  	_ = 	snop  }
0x6: {  	_ = 	snop  }
0x7: {  	_ = 	snop  }
__scs_overlays_trampoline_lowered:
0x8: {  	[smem:$0x3FA2] =	sst s0  }
0x9: {  	[smem:$0x3FA3] =	sst s1  }
0xa: {  	[smem:$0x3FA4] =	sst s2  }
0xb: {  	[smem:$0x3FA5] =	sst s3  }
0xc: {  	[smem:$0x3FA6] =	sst s4  }
0xd: {  	[smem:$0x3FA7] =	sst s5  }
0xe: {  	[smem:$0x3FA8] =	sst s6  }
0xf: {  	[smem:$0x3FA9] =	sst s7  }
0x10: {  	[smem:$0x3FAA] =	sst s8  }
0x11: {  	[smem:$0x3FAB] =	sst s9;
	s0 =	simm.s32 @!p0 $0x0  }
0x12: {  	s1 =	sld [smem:$0x3F91];
	s0 =	simm.s32 @p0 $0x1  }
0x13: {  	[smem:$0x3FAC] =	sst s0;
	s0 =	simm.s32 @!p1 $0x0  }
0x14: {  	s2 =	sld [smem:$0x3F90];
	s0 =	simm.s32 @p1 $0x1  }
0x15: {  	[smem:$0x3FAD] =	sst s0;
	s0 =	simm.s32 @!p2 $0x0  }
0x16: {  	s3 =	sld [smem:$0x3FDB];
	s0 =	simm.s32 @p2 $0x1  }
0x17: {  	s4 =	simm.s32 $0x1BF5;
	[smem:$0x3FAF] =	sst s0  }
0x18: {  	s0 =	sld [smem:$0x3F92];
	_ =	swait.ge [sflag:s4], $0x0  }
0x19: {  	s7 =	sld [smem:$0x3F93]  }
0x1a: {  	s8 =	sadd.s32 $0xFFFFE003, lr  }
0x1b: {  	s9 =	sadd.s32 $0xFFFFFEF7, lr;
	s5 =	simm.s32 $0xFFFFFFFF;
	p2 =	slt.u32 s8, $0xFFFFF086  }
0x1c: {  	p1 =	slt.u32 s9, $0xF7A;
	s5 =	simm.s32 @!p2 $0x0  }
0x1d: {  	s5 =	simm.s32 @p1 $0x1;
	p0 =	seq.s32 s7, s2  }
0x1e: {  	s7 =	smul.u32 @!p0 $0xF7A, s2;
	p2 =	seq.s32 @!p0 s5, $0x0  }
0x1f: {  	s9 =	smul.u32 $0xF7A, s1;
	s8 =	simm.s32 @!p0 $0x1BF5;
	p2 =	por !p2, p0  }
0x20: {  	[sflag:s8] =	ssyncset.s32 @!p0 $0xFFFFF086;
	s6 =	sadd.s32 @!p0 s3, s7;
	s7 =	simm.s32 @!p0 $0x108  }
0x21: {  	s3 =	sadd.s32 s3, s9;
	s6 =	sadd.s32 @!p0 $0x88, s6;
	s7 =	simm.s32 @p2 $0x1082  }
0x22: {  	[simem:s7], [sflag:s8] =	dma.local @!p0 [hbm:s6], $0xF7A  }
0x23: {  	s9 =	sor.u32 $0xD0000000, s2;
	s6 =	simm.s32 $0x108;
	_ =	swait.ge @!p0 [sflag:s8], $0x0  }
0x24: {  	s3 =	sadd.s32 $0x88, s3;
	s6 =	simm.s32 @!p1 $0x1082;
	[sflag:s4] =	ssyncset.s32 $0xFFFFF086  }
0x25: {  	[simem:s6], [sflag:s4] =	dma.local [hbm:s3], $0xF7A  }
0x26: {  	[smem:$0x3F93] =	sst s1;
	(tag) =	ssettag s2;
	_ =	strace s9  }
0x27: {  	s1 =	sld [smem:$0x3FA3]  }
0x28: {  	s2 =	sld [smem:$0x3FA4]  }
0x29: {  	s4 =	sld [smem:$0x3FA6]  }
0x2a: {  	p0 =	seq.s32 s5, $0x0;
	s5 =	sld [smem:$0x3FA7]  }
0x2b: {  	s6 =	sld [smem:$0x3FA8]  }
0x2c: {  	s7 =	sld [smem:$0x3FA9]  }
0x2d: {  	s3 =	simm.s32 $0x108;
	s8 =	sld [smem:$0x3FAA]  }
0x2e: {  	s3 =	simm.s32 @!p0 $0x1082;
	s9 =	sld [smem:$0x3FAB]  }
0x2f: {  	lr =	sadd.s32 s0, s3;
	s0 =	sld [smem:$0x3FA2]  }
0x30: {  	s3 =	sld [smem:$0x3FA5]  }
0x31: {  	[smem:$0x3FAE] =	sst s10  }
0x32: {  	s10 =	sld [smem:$0x3FAC];
	_ =	sdelay $0x3  }
0x33: {  	p0 =	seq.s32 s10, $0x1;
	s10 =	sld [smem:$0x3FAE];
	_ =	sdelay $0x3  }
0x34: {  	[smem:$0x3FAE] =	sst s10  }
0x35: {  	s10 =	sld [smem:$0x3FAD];
	_ =	sdelay $0x3  }
0x36: {  	p1 =	seq.s32 s10, $0x1;
	s10 =	sld [smem:$0x3FAE];
	_ =	sdelay $0x3  }
0x37: {  	[smem:$0x3FAE] =	sst s10  }
0x38: {  	s10 =	sld [smem:$0x3FAF]  }
0x39: {  	_ = 	snop;
	(pc) =	sbr.ind lr, $3  }
0x3a: {  	_ = 	snop  }
0x3b: {  	_ = 	snop  }
0x3c: {  	p2 =	seq.s32 s10, $0x1;
	s10 =	sld [smem:$0x3FAE]  }
0x3d: {  	_ =	shalt  }
0x3e: {  	_ =	shalt  }
0x3f: {  	_ =	shalt  }
0x40: {  	_ =	shalt  }
0x41: {  	_ =	shalt  }
0x42: {  	_ =	shalt  }
0x43: {  	_ =	shalt  }
0x44: {  	_ =	shalt  }
0x45: {  	_ =	shalt  }
0x46: {  	_ =	shalt  }
0x47: {  	_ =	shalt  }
0x48: {  	_ =	shalt  }
0x49: {  	_ =	shalt  }
0x4a: {  	_ =	shalt  }
0x4b: {  	_ =	shalt  }
0x4c: {  	_ =	shalt  }
0x4d: {  	_ =	shalt  }
0x4e: {  	_ =	shalt  }
0x4f: {  	_ =	shalt  }
0x50: {  	_ =	shalt  }
0x51: {  	_ =	shalt  }
0x52: {  	_ =	shalt  }
0x53: {  	_ =	shalt  }
0x54: {  	_ =	shalt  }
0x55: {  	_ =	shalt  }
0x56: {  	_ =	shalt  }
0x57: {  	_ =	shalt  }
0x58: {  	_ =	shalt  }
0x59: {  	_ =	shalt  }
0x5a: {  	_ =	shalt  }
0x5b: {  	_ =	shalt  }
0x5c: {  	_ =	shalt  }
0x5d: {  	_ =	shalt  }
0x5e: {  	_ =	shalt  }
0x5f: {  	_ =	shalt  }
0x60: {  	_ =	shalt  }
0x61: {  	_ =	shalt  }
0x62: {  	_ =	shalt  }
0x63: {  	_ =	shalt  }
0x64: {  	_ =	shalt  }
0x65: {  	_ =	shalt  }
0x66: {  	_ =	shalt  }
0x67: {  	_ =	shalt  }
0x68: {  	_ =	shalt  }
0x69: {  	_ =	shalt  }
0x6a: {  	_ =	shalt  }
0x6b: {  	_ =	shalt  }
0x6c: {  	_ =	shalt  }
0x6d: {  	_ =	shalt  }
0x6e: {  	_ =	shalt  }
0x6f: {  	_ =	shalt  }
0x70: {  	_ =	shalt  }
0x71: {  	_ =	shalt  }
0x72: {  	_ =	shalt  }
0x73: {  	_ =	shalt  }
0x74: {  	_ =	shalt  }
0x75: {  	_ =	shalt  }
0x76: {  	_ =	shalt  }
0x77: {  	_ =	shalt  }
0x78: {  	_ =	shalt  }
0x79: {  	_ =	shalt  }
0x7a: {  	_ =	shalt  }
0x7b: {  	_ =	shalt  }
0x7c: {  	_ =	shalt  }
0x7d: {  	_ =	shalt  }
0x7e: {  	_ =	shalt  }
0x7f: {  	_ =	shalt  }
0x80: {  	_ =	shalt  }
0x81: {  	_ =	shalt  }
0x82: {  	_ =	shalt  }
0x83: {  	_ =	shalt  }
0x84: {  	_ =	shalt  }
0x85: {  	_ =	shalt  }
0x86: {  	_ =	shalt  }
0x87: {  	_ =	shalt  }
.Lfunc_end0:
.L_simem_size_0:
called_computation.4_lowered:
.L_overlay_start_0:
0x88: {  	s2 =	sld [smem:$0x3FD9]  }
0x89: {  	s3 =	sld [smem:$0x3FFE];
	_ =	sdelay $0x1  }
0x8a: {  	s1 =	srdreg.scid  }
0x8b: {  	s0 =	sand.u32 $0x1, s1  }
0x8c: {  	s17 =	sshll.u32 s0, $0xA;
	s2 =	sadd.s32 s3, s2  }
0x8d: {  	s2 =	sadd.s32 s2, s17  }
0x8e: {  	[smem:$0x3FBA] =	sst s2  }
0x8f: {  	_ = 	snop  }
0x90: {  	s2 =	sld [smem:$0x3FD0];
	(tm) =	ssettm $0x1  }
0x91: {  	s18 =	sld [smem:$0x3FFB];
	_ =	sdelay $0x3  }
0x92: {  	_ =	strace s18  }
0x93: {  	s3 =	sld [smem:$0x3FFC];
	_ =	sdelay $0x3  }
0x94: {  	_ =	strace s3  }
0x95: {  	s3 =	sld [smem:$0x3FFD];
	_ =	sdelay $0x3  }
0x96: {  	_ =	strace s3  }
0x97: {  	_ =	strace $0x8FFFFFFF  }
0x98: {  	s19 =	sld [smem:$0x3FDB];
	_ =	sdelay $0x1  }
0x99: {  	s4 =	simm.s32 $_scs_section_size  }
0x9a: {  	s5 =	simm.s32 $_size__tile_overlayer_lowered;
	s6 =	simm.s32 $_tile_overlayer_lowered  }
0x9b: {  	s22 =	simm.s32 $0x1BFF;
	s21 =	sshll.u32 s6, $0x1;
	s3 =	sadd.s32 s4, s19  }
0x9c: {  	s7 =	simm.s32 $0x0;
	s20 =	sshll.u32 s5, $0x1;
	s5 =	sadd.s32 s21, s3  }
0x9d: {  	[timem:s7], [sflag:s22] =	dma.local [hbm:s5], s20  }
0x9e: {  	_ =	swait.ge [sflag:s22], s20  }
0x9f: {  	s4 =	ssub.s32 $0x0, s20;
	[sflag:s22] =	ssyncset.done $0x0  }
0xa0: {  	[sflag:s22] =	ssyncadd.s32 s4;
	_ =	sdelay $0x1  }
0xa1: {  	s23 =	simm.s32 $0x1B8B  }
0xa2: {  	_ =	swait.ge [sflag:s23], $0x1  }
0xa3: {  	[sflag:s23] =	ssyncset.done $0x0  }
0xa4: {  	s25 =	simm.s32 $0x1B8E;
	s24 =	sld [smem:$0x3FFE];
	[sflag:s23] =	ssyncadd.s32 $0xFFFFFFFF  }
0xa5: {  	s26 =	simm.s32 $execute0_lowered;
	[smem:$0x3FD2] =	sst s25  }
0xa6: {  	s5 =	sshll.u32 s26, $0x1;
	_ =	strace $0x80000052;
	[dreg:$0x1] =	wrdreg $0xFFFFFFFF  }
0xa7: {  	s28 =	simm.s32 $_size_execute0_lowered;
	s3 =	sadd.s32 s3, s5;
	[dreg:$0x0] =	wrdreg $0x0  }
0xa8: {  	s5 =	sshll.u32 s28, $0x1;
	[dreg:$0x2] =	wrdreg s3  }
0xa9: {  	[dreg:$0x3] =	wrdreg s5  }
0xaa: {  	[dreg:$0x4] =	wrdreg $0xC0  }
0xab: {  	_ =	task [dreg:s7], $0x5FFFF  }
0xac: {  	[dreg:$0x1] =	wrdreg $0xFFFFFFFF  }
0xad: {  	[dreg:$0x0] =	wrdreg $0x60  }
0xae: {  	[dreg:$0x2] =	wrdreg s2  }
0xaf: {  	[dreg:$0x3] =	wrdreg s24  }
0xb0: {  	[dreg:$0x4] =	wrdreg $0x9E200  }
0xb1: {  	[dreg:$0x5] =	wrdreg $0x9  }
0xb2: {  	_ =	task.clear_ibuf [dreg:s7], $0x6FFFF;
	_ =	strace $0x90000052  }
0xb3: {  	s29 =	simm.s32 $0x9;
	_ =	strace $0x80000054  }
0xb4: {  	_ =	swait.ge [sflag:s29], $0x1  }
0xb5: {  	[sflag:s29] =	ssyncadd.s32 $0xFFFFFFFF  }
0xb6: {  	_ =	strace $0x90000054  }
0xb7: {  	_ =	sfence  }
0xb8: {  	s30 =	sld [smem:$0x0];
	_ =	sdelay $0x2  }
0xb9: {  	s31 =	sshll.u32 s1, $0xD;
	s1 =	sshrl.u32 s1, $0x2  }
0xba: {  	s3 =	sand.u32 $0x4000, s31;
	s1 =	sadd.s32 s1, s30  }
0xbb: {  	s0 =	sor.u32 s3, s0;
	s1 =	sshll.u32 s1, $0x11  }
0xbc: {  	s0 =	sor.u32 s1, s0  }
0xbd: {  	s0 =	sadd.s32 $0x8F2B, s0  }
0xbe: {  	[sflag:s0] =	ssyncadd.remote.s32 $0x1  }
0xbf: {  	_ =	sfence.sel $0xFFFF  }
0xc0: {  	[dreg:$0x0] =	wrdreg $0xFFFFFFFF;
	(pc) =	sbr.abs _section_cstart, $3  }
0xc1: {  	[dreg:$0x1] =	wrdreg $0xFFFFFFFF  }
0xc2: {  	_ =	task.clear_ibuf [dreg:s7], $0x2FFFF;
	_ =	strace $0x9FFFFFFF  }
0xc3: {  	(tm) =	ssettm $0x7FFFFFFF  }
tec
execute0_lowered:
.L_overlay_start_1:
0x0: {  	(tag) =	ssettag $0x1  }
0x1: {  	s1 =	rddreg [dreg:$0x0]  }
0x2: {  	s2 =	srdreg.scid;
	s9 =	rddreg [dreg:$0x1]  }
0x3: {  	s0 =	stileid.u32;
	s3 =	rddreg [dreg:$0x2];
	s4 =	simm.s32 $0x0  }
0x4: {  	s17 =	simm.s32 $0x50;
	s18 =	simm.s32 $0x4E20;
	s19 =	simm.s32 $0x7620  }
0x5: {  	s20 =	simm.s32 $0x1;
	s21 =	simm.s32 $0x2;
	s22 =	simm.s32 $0x4DD0  }
0x6: {  	s24 =	simm.s32 $0x0;
	s6 =	sand.u32 $0x1, s2;
	s2 =	rddreg [dreg:$0x3]  }
0x7: {  	s30 =	sshll.u32 s0, $0x1;
	[smem:$0x7FF] =	sst s4;
	s8 =	smul.u32 $0x13800, s0  }
0x8: {  	s14 =	sadd.s32 $0x124800, s3;
	p0 =	seq.s32 s0, $0xF;
	s5 =	sor.u32 s6, s30  }
0x9: {  	_ =	strace $0x80000053;
	s7 =	smul.u32 $0x27100, s6;
	s6 =	ssub.s32 $0x2, s6  }
0xa: {  	s15 =	sshll.u32 @!p0 s0, $0x6;
	s14 =	sshrl.u32 @p0 s14, $0x3;
	s5 =	smul.u32 $0x4E2, s5  }
0xb: {  	s31 =	sshrl.u32 s6, $0x1;
	s16 =	sadd.s32 s8, s3;
	s15 =	sor.u32 @!p0 $0x1C03, s15  }
0xc: {  	s12 =	sadd.s32 s7, s9;
	s10 =	sadd.s32 s5, s9;
	s5 =	sshrl.u32 s8, $0x3  }
0xd: {  	s13 =	ssub.s32 s6, s31;
	s16 =	sshrl.u32 @!p0 s16, $0x3;
	s11 =	sadd.s32 s5, s9  }
0xe: {  	s6 =	sadd.s32 $0x4A00, s10;
	s7 =	sadd.s32 $0xE800, s10;
	s9 =	sadd.s32 $0x3CF00, s9  }
0xf: {  	s10 =	sadd.s32 $0x3F800, s12;
	s12 =	simm.s32 $0x3;
	s8 =	sadd.s32 $0x18600, s11  }
0x10: {  	s11 =	smax.u32 s13, $0x1;
	s13 =	simm.s32 $0x2710;
	s23 =	sadd.s32 @p0 $0x24900, s10  }
.LBB2_1:
0x11: {  	[tilespmem:s4], [sflag:$0x3] =	stream.linear.gather [hbm4b:s6+s4], $0x2710, $0x38;
	[tilespmem:$0x1D6A0] =	vst v63  }
0x12: {  	_ =	swait.ge [sflag:s12], $0x2710  }
0x13: {  	[sflag:s12] =	ssyncset.done $0x0  }
0x14: {  	[sflag:s12] =	ssyncadd.s32 $0xFFFFD8F0  }
0x15: {  	[tilespmem:s13], [sflag:$0x3] =	stream.linear.gather [hbm4b:s7+s4], $0x2710, $0x38;
	[tilespmem:$0x1D6A0] =	vst v63  }
0x16: {  	_ =	swait.ge [sflag:s12], $0x2710  }
0x17: {  	[sflag:s12] =	ssyncset.done $0x0  }
0x18: {  	s25 =	simm.s32 @p0 $0x1FC3;
	[sflag:s12] =	ssyncadd.s32 $0xFFFFD8F0  }
0x19: {  	[spmem:s14], [sflag:s25] =	dma.local @p0 [hbm:s9], $0x2800  }
0x1a: {  	s25 =	simm.s32 @p0 $0x3  }
0x1b: {  	_ =	swait.ge @p0 [sflag:s25], $0x2800  }
0x1c: {  	[sflag:s25] =	ssyncset.done @p0 $0x0  }
0x1d: {  	[sflag:s25] =	ssyncadd.s32 @p0 $0xFFFFD800;
	s25 =	simm.s32 @!p0 $0x3  }
0x1e: {  	[spmem:s16], [sflag:s15] =	dma.local @!p0 [hbm:s8], $0x2700  }
0x1f: {  	_ =	swait.ge @!p0 [sflag:s25], $0x2700  }
0x20: {  	[sflag:s25] =	ssyncset.done @!p0 $0x0  }
0x21: {  	[sflag:s25] =	ssyncadd.s32 @!p0 $0xFFFFD900  }
0x22: {  	[bflag:$0x0] =	sbarrier.arrive $0xFFFF  }
0x23: {  	[tilespmem:s18], [sflag:$0x1] =	stream.indirect.gather [hbm4b:s1+s17], $0x80, s4, s17, $0xb8;
	[tilespmem:$0x1D6A0] =	vst v63  }
0x24: {  	s28 =	simm.s32 $0x50  }
0x25: {  	[tilespmem:s19], [sflag:$0x2] =	stream.indirect.gather [hbm4b:s1+s17], $0x80, s28, s17, $0xb8;
	[tilespmem:$0x1D6A0] =	vst v63  }
0x26: {  	_ =	swait.ge [sflag:s20], $0x2800  }
0x27: {  	[sflag:s20] =	ssyncset.done $0x0  }
0x28: {  	s29 =	simm.s32 $0x2710;
	[sflag:s20] =	ssyncadd.s32 $0xFFFFD800  }
0x29: {  	[spmem:s3] =	stream.indirect.scatter.add.f32 [tilespmem:s18], [sflag:$0x3], $0x80, s29, s17, $0xb8;
	[tilespmem:$0x1D6A0] =	vst v63  }
0x2a: {  	_ =	swait.ge [sflag:s12], $0x2800  }
0x2b: {  	[sflag:s12] =	ssyncset.done $0x0  }
0x2c: {  	s30 =	simm.s32 $0xA0;
	[sflag:s12] =	ssyncadd.s32 $0xFFFFD800  }
0x2d: {  	[tilespmem:s18], [sflag:$0x1] =	stream.indirect.gather [hbm4b:s1+s17], $0x80, s30, s17, $0xb8;
	[tilespmem:$0x1D6A0] =	vst v63  }
0x2e: {  	_ =	swait.ge [sflag:s21], $0x2800  }
0x2f: {  	[sflag:s21] =	ssyncset.done $0x0  }
0x30: {  	s31 =	simm.s32 $0x2760;
	[sflag:s21] =	ssyncadd.s32 $0xFFFFD800  }
0x31: {  	[spmem:s3] =	stream.indirect.scatter.add.f32 [tilespmem:s19], [sflag:$0x3], $0x80, s31, s17, $0xb8;
	[tilespmem:$0x1D6A0] =	vst v63  }
0x32: {  	_ =	swait.ge [sflag:s12], $0x2800  }
0x33: {  	s26 =	simm.s32 $0x500;
	s25 =	simm.s32 $0xA0;
	[sflag:s12] =	ssyncset.done $0x0  }
.LBB2_2:
0x34: {  	s28 =	sadd.s32 $0x50, s25  }
0x35: {  	[sflag:s12] =	ssyncadd.s32 $0xFFFFD800;
	s29 =	smov.u32 s26;
	s30 =	sadd.s32 $0x280, s26  }
0x36: {  	[tilespmem:s19], [sflag:$0x2] =	stream.indirect.gather [hbm4b:s1+s17], $0x80, s28, s17, $0xb8;
	[tilespmem:$0x1D6A0] =	vst v63  }
0x37: {  	p1 =	sne.s32 s26, $0x9880;
	_ =	swait.ge [sflag:s20], $0x2800  }
0x38: {  	[sflag:s20] =	ssyncset.done $0x0  }
0x39: {  	s26 =	sadd.s32 $0x2710, s25;
	[sflag:s20] =	ssyncadd.s32 $0xFFFFD800  }
0x3a: {  	[spmem:s3] =	stream.indirect.scatter.add.f32 [tilespmem:s18], [sflag:$0x3], $0x80, s26, s17, $0xb8;
	[tilespmem:$0x1D6A0] =	vst v63  }
0x3b: {  	_ =	swait.ge [sflag:s12], $0x2800  }
0x3c: {  	[sflag:s12] =	ssyncset.done $0x0  }
0x3d: {  	s26 =	sadd.s32 $0xA0, s25;
	[sflag:s12] =	ssyncadd.s32 $0xFFFFD800  }
0x3e: {  	[tilespmem:s18], [sflag:$0x1] =	stream.indirect.gather [hbm4b:s1+s17], $0x80, s26, s17, $0xb8;
	[tilespmem:$0x1D6A0] =	vst v63  }
0x3f: {  	_ =	swait.ge [sflag:s21], $0x2800  }
.Ltmp0:
0x40: {  	[sflag:s21] =	ssyncset.done $0x0;
	(pc) =	sbr.rel @p1 .LBB2_2-.Ltmp0, $4  }
0x41: {  	s25 =	sadd.s32 $0x2760, s25;
	[sflag:s21] =	ssyncadd.s32 $0xFFFFD800  }
0x42: {  	[spmem:s3] =	stream.indirect.scatter.add.f32 [tilespmem:s19], [sflag:$0x3], $0x80, s25, s17, $0xb8;
	[tilespmem:$0x1D6A0] =	vst v63  }
0x43: {  	_ =	swait.ge [sflag:s12], $0x2800  }
0x44: {  	s26 =	smov.u32 s30;
	s25 =	sshra.s32 s29, $0x2;
	[sflag:s12] =	ssyncset.done $0x0  }
0x45: {  	s26 =	sadd.s32 $0x50, s25;
	[sflag:s12] =	ssyncadd.s32 $0xFFFFD800  }
0x46: {  	[tilespmem:s19], [sflag:$0x2] =	stream.indirect.gather [hbm4b:s1+s17], $0x80, s26, s17, $0xb8;
	[tilespmem:$0x1D6A0] =	vst v63  }
0x47: {  	_ =	swait.ge [sflag:s20], $0x2800  }
0x48: {  	[sflag:s20] =	ssyncset.done $0x0  }
0x49: {  	s29 =	sadd.s32 $0x2710, s25;
	[sflag:s20] =	ssyncadd.s32 $0xFFFFD800  }
0x4a: {  	[spmem:s3] =	stream.indirect.scatter.add.f32 [tilespmem:s18], [sflag:$0x3], $0x80, s29, s17, $0xb8;
	[tilespmem:$0x1D6A0] =	vst v63  }
0x4b: {  	_ =	swait.ge [sflag:s12], $0x2800  }
0x4c: {  	[sflag:s12] =	ssyncset.done $0x0  }
0x4d: {  	s30 =	sadd.s32 $0xA0, s25;
	[sflag:s12] =	ssyncadd.s32 $0xFFFFD800  }
0x4e: {  	[tilespmem:s18], [sflag:$0x1] =	stream.indirect.gather [hbm4b:s1+s17], $0x80, s30, s17, $0xb8;
	[tilespmem:$0x1D6A0] =	vst v63  }
0x4f: {  	_ =	swait.ge [sflag:s21], $0x2800  }
0x50: {  	[sflag:s21] =	ssyncset.done $0x0  }
0x51: {  	s31 =	sadd.s32 $0x2760, s25;
	[sflag:s21] =	ssyncadd.s32 $0xFFFFD800  }
0x52: {  	[spmem:s3] =	stream.indirect.scatter.add.f32 [tilespmem:s19], [sflag:$0x3], $0x80, s31, s17, $0xb8;
	[tilespmem:$0x1D6A0] =	vst v63  }
0x53: {  	_ =	swait.ge [sflag:s12], $0x2800  }
0x54: {  	[sflag:s12] =	ssyncset.done $0x0  }
0x55: {  	[sflag:s12] =	ssyncadd.s32 $0xFFFFD800  }
0x56: {  	_ =	swait.ge [sflag:s20], $0x2800  }
0x57: {  	[sflag:s20] =	ssyncset.done $0x0  }
0x58: {  	[sflag:s20] =	ssyncadd.s32 $0xFFFFD800  }
0x59: {  	[spmem:s3] =	stream.indirect.scatter.add.f32 [tilespmem:s18], [sflag:$0x3], $0x80, s22, s17, $0xb8;
	[tilespmem:$0x1D6A0] =	vst v63  }
0x5a: {  	_ =	swait.ge [sflag:s12], $0x2800  }
0x5b: {  	[sflag:s12] =	ssyncset.done $0x0  }
0x5c: {  	[sflag:s12] =	ssyncadd.s32 $0xFFFFD800  }
0x5d: {  	s25 =	simm.s32 @p0 $0x1FC3;
	[bflag:$0x0] =	sbarrier.arrive $0xFFFF  }
0x5e: {  	[hbm:s23], [sflag:s25] =	dma.local @p0 [spmem:s14], $0x2800  }
0x5f: {  	s25 =	simm.s32 @p0 $0x3  }
0x60: {  	_ =	swait.ge @p0 [sflag:s25], $0x2800  }
0x61: {  	s24 =	sadd.s32 $0x1, s24;
	[sflag:s25] =	ssyncset.done @p0 $0x0  }
0x62: {  	p1 =	sne.s32 s24, s11;
	[sflag:s25] =	ssyncadd.s32 @p0 $0xFFFFD800;
	s25 =	sadd.s32 @!p0 s5, s10  }
0x63: {  	[hbm:s25], [sflag:s15] =	dma.local @!p0 [spmem:s16], $0x2700  }
.Ltmp1:
0x64: {  	_ = 	snop;
	(pc) =	sbr.rel @p1 .LBB2_1-.Ltmp1, $4  }
0x65: {  	s25 =	simm.s32 @!p0 $0x3  }
0x66: {  	_ =	swait.ge @!p0 [sflag:s25], $0x2700  }
0x67: {  	[sflag:s25] =	ssyncset.done @!p0 $0x0  }
0x68: {  	[sflag:s25] =	ssyncadd.s32 @!p0 $0xFFFFD900  }
0x69: {  	_ =	sfence.sel $0x180000  }
0x6a: {  	[bflag:$0x0] =	sbarrier.arrive $0xFFFF  }
0x6b: {  	p0 =	sne.s32 s0, $0x0;
	_ =	strace $0x90000053  }
0x6c: {  	s0 =	sadd.s32 @!p0 $0x100000, s2;
	[bflag:$0x2] =	sbarrier.arrive $0xFFFF  }
0x6d: {  	[sflag:s0] =	ssyncadd.tile.s32 @!p0 $0x1;
	_ =	shalt  }
.Lfunc_end2:
_tile_overlayer_lowered:
.L_overlay_start_2:
0x6e: {  	(tag) =	ssettag $0x2  }
0x6f: {  	s0 =	rddreg [dreg:$0x0];
	s2 =	stileid.u32  }
0x70: {  	s1 =	rddreg [dreg:$0x1];
	p0 =	sne.s32 s2, $0x0  }
0x71: {  	s3 =	rddreg [dreg:$0x2];
	[bflag:$0x3] =	sbarrier.arrive $0xFFFF;
	s2 =	simm.s32 @!p0 $0x1C03  }
0x72: {  	[timem:s3], [sflag:s2] =	dma.local @!p0 [hbm:s0], s1  }
0x73: {  	s0 =	simm.s32 @!p0 $0x3  }
0x74: {  	_ =	swait.ge @!p0 [sflag:s0], s1  }
0x75: {  	s1 =	ssub.s32 @!p0 $0x0, s1;
	[sflag:s0] =	ssyncset.done @!p0 $0x0  }
0x76: {  	[sflag:s0] =	ssyncadd.s32 @!p0 s1  }
0x77: {  	[bflag:$0x3] =	sbarrier.arrive $0xFFFF  }
0x78: {  	_ =	shalt  }

</sc_bundles>
